<compile_context>
chip_gen: v7x
topology: tpu7x:2x2x1
jax: 0.10.2.dev20260603
libtpu: 0.0.44.dev20260713+nightly
codegen_flags: <defaults>
</compile_context>

<pallas_src>
import functools

import jax
import jax.numpy as jnp
from jax import lax
from jax.experimental import pallas as pl
from jax.experimental.pallas import tpu as pltpu
from jax.experimental.pallas import tpu_sc as plsc

N = 10000
E = 320000
FEA = 128
HID = 128
TGT = 16
G = 64

NC = 2
NS = 16
NW = NC * NS
EPW = E // NW
CH = 80
NCHUNK = EPW // CH
CPB = 24
NBLKI = 6
NPAD = 10240
RPW = NPAD // NS
ZR = 8


def _zero_issue(sid, zero_v, agg_sh, sem):
    z16 = jnp.zeros((16,), jnp.float32)

    def zrow(i, carry):
        for j in range(FEA // 16):
            zero_v[i, pl.ds(j * 16, 16)] = z16
        return carry

    lax.fori_loop(0, ZR, zrow, 0)

    def zcopy(i, carry):
        pltpu.async_copy(zero_v, agg_sh.at[pl.ds(sid * RPW + i * ZR, ZR)],
                         sem)
        return carry

    lax.fori_loop(0, RPW // ZR, zcopy, 0)


def _zero_drain(sid, zero_v, agg_sh, sem):
    def zdrain(i, carry):
        pltpu.make_async_copy(
            zero_v, agg_sh.at[pl.ds(sid * RPW + i * ZR, ZR)], sem).wait()
        return carry

    lax.fori_loop(0, RPW // ZR, zdrain, 0)


def _writeout(cid, sid, agg_sh, out_hbm):
    @pl.when(sid < NS - 1)
    def _():
        pltpu.sync_copy(agg_sh.at[pl.ds(sid * RPW, RPW)],
                        out_hbm.at[pl.ds(cid * N + sid * RPW, RPW)])

    @pl.when(sid == NS - 1)
    def _():
        pltpu.sync_copy(agg_sh.at[pl.ds((NS - 1) * RPW, N - (NS - 1) * RPW)],
                        out_hbm.at[pl.ds(cid * N + (NS - 1) * RPW,
                                         N - (NS - 1) * RPW)])


def _stage_and_prime(h_hbm, e_hbm, row, b, src_v, dst_v, bufs, semg):
    pltpu.sync_copy(e_hbm.at[0, row, pl.ds(b * CPB, CPB)], src_v)
    pltpu.sync_copy(e_hbm.at[1, row, pl.ds(b * CPB, CPB)], dst_v)
    pltpu.async_copy(h_hbm.at[src_v.at[0]], bufs[0], semg[0])
    pltpu.async_copy(h_hbm.at[src_v.at[1]], bufs[1], semg[1])


def _edge_pipeline(h_hbm, e_hbm, row, nchunk, nblki,
                   src_v, dst_v, bufs, semg, sems, agg_sh, primed):
    def block(b, carry):
        base_c = b * CPB

        if primed:
            @pl.when(b > 0)
            def _():
                _stage_and_prime(h_hbm, e_hbm, row, b, src_v, dst_v,
                                 bufs, semg)
        else:
            _stage_and_prime(h_hbm, e_hbm, row, b, src_v, dst_v,
                             bufs, semg)

        def group(g, carry2):
            for j in range(3):
                c = 3 * g + j
                cp = c + 2
                jp = (j + 2) % 3

                @pl.when((cp < CPB) & (cp >= 3)
                         & (base_c + cp - 3 < nchunk))
                def _():
                    pltpu.make_async_copy(
                        bufs[jp], agg_sh.at[dst_v.at[cp - 3]],
                        sems[jp]).wait()

                @pl.when((cp < CPB) & (base_c + cp < nchunk))
                def _():
                    pltpu.async_copy(h_hbm.at[src_v.at[cp]], bufs[jp],
                                     semg[jp])

                @pl.when(base_c + c < nchunk)
                def _():
                    pltpu.make_async_copy(h_hbm.at[src_v.at[c]], bufs[j],
                                          semg[j]).wait()
                    pltpu.async_copy(bufs[j], agg_sh.at[dst_v.at[c]],
                                     sems[j], add=True)

            return carry2

        lax.fori_loop(0, CPB // 3, group, 0)

        for t in range(CPB - 3, CPB):
            @pl.when(base_c + t < nchunk)
            def _():
                pltpu.make_async_copy(bufs[t % 3],
                                      agg_sh.at[dst_v.at[t]],
                                      sems[t % 3]).wait()

        return carry

    lax.fori_loop(0, nblki, block, 0)


def _sc_agg_body(h_hbm, e_hbm, out_hbm,
                 src_v, dst_v, buf0_v, buf1_v, buf2_v, zero_v, agg_sh,
                 semg0, semg1, semg2, sems0, sems1, sems2):
    cid = lax.axis_index("c")
    sid = lax.axis_index("s")
    wid = cid * NS + sid
    bufs = (buf0_v, buf1_v, buf2_v)
    semg = (semg0, semg1, semg2)
    _zero_issue(sid, zero_v, agg_sh, sems0)
    _stage_and_prime(h_hbm, e_hbm, wid, 0, src_v, dst_v, bufs, semg)
    _zero_drain(sid, zero_v, agg_sh, sems0)
    plsc.subcore_barrier()
    _edge_pipeline(h_hbm, e_hbm, wid, NCHUNK, NBLKI,
                   src_v, dst_v, bufs, semg, (sems0, sems1, sems2), agg_sh,
                   primed=True)
    plsc.subcore_barrier()
    _writeout(cid, sid, agg_sh, out_hbm)


def _sc_agg2_body(hd_hbm, ha_hbm, e_hbm, out_hbm,
                  src_v, dst_v, buf0_v, buf1_v, buf2_v, zero_v, agg_sh,
                  semg0, semg1, semg2, sems0, sems1, sems2):
    cid = lax.axis_index("c")
    sid = lax.axis_index("s")
    bufs = (buf0_v, buf1_v, buf2_v)
    semg = (semg0, semg1, semg2)
    sems = (sems0, sems1, sems2)
    _zero_issue(sid, zero_v, agg_sh, sems0)

    @pl.when(cid == 0)
    def _():
        _stage_and_prime(hd_hbm, e_hbm, 2 * sid, 0, src_v, dst_v,
                         bufs, semg)

    @pl.when(cid == 1)
    def _():
        _stage_and_prime(ha_hbm, e_hbm, 2 * sid, 0, src_v, dst_v,
                         bufs, semg)

    _zero_drain(sid, zero_v, agg_sh, sems0)
    plsc.subcore_barrier()

    @pl.when(cid == 0)
    def _():
        _edge_pipeline(hd_hbm, e_hbm, 2 * sid, NCHUNK, NBLKI, src_v, dst_v,
                       bufs, semg, sems, agg_sh, primed=True)
        _edge_pipeline(hd_hbm, e_hbm, 2 * sid + 1, NCHUNK, NBLKI, src_v,
                       dst_v, bufs, semg, sems, agg_sh, primed=False)

    @pl.when(cid == 1)
    def _():
        _edge_pipeline(ha_hbm, e_hbm, 2 * sid, NCHUNK, NBLKI, src_v, dst_v,
                       bufs, semg, sems, agg_sh, primed=True)
        _edge_pipeline(ha_hbm, e_hbm, 2 * sid + 1, NCHUNK, NBLKI, src_v,
                       dst_v, bufs, semg, sems, agg_sh, primed=False)

    plsc.subcore_barrier()
    _writeout(cid, sid, agg_sh, out_hbm)


_SC_SCRATCH = [
    pltpu.VMEM((CPB, CH), jnp.int32),
    pltpu.VMEM((CPB, CH), jnp.int32),
    pltpu.VMEM((CH, FEA), jnp.float32),
    pltpu.VMEM((CH, FEA), jnp.float32),
    pltpu.VMEM((CH, FEA), jnp.float32),
    pltpu.VMEM((ZR, FEA), jnp.float32),
    pltpu.VMEM_SHARED((NPAD, FEA), jnp.float32),
    pltpu.SemaphoreType.DMA,
    pltpu.SemaphoreType.DMA,
    pltpu.SemaphoreType.DMA,
    pltpu.SemaphoreType.DMA,
    pltpu.SemaphoreType.DMA,
    pltpu.SemaphoreType.DMA,
]


@functools.cache
def _get_sc_agg():
    return pl.kernel(
        _sc_agg_body,
        mesh=plsc.VectorSubcoreMesh(core_axis_name="c", subcore_axis_name="s"),
        out_type=jax.ShapeDtypeStruct((NC * N, FEA), jnp.float32),
        scratch_types=list(_SC_SCRATCH),
    )


@functools.cache
def _get_sc_agg2():
    return pl.kernel(
        _sc_agg2_body,
        mesh=plsc.VectorSubcoreMesh(core_axis_name="c", subcore_axis_name="s"),
        out_type=jax.ShapeDtypeStruct((NC * N, FEA), jnp.float32),
        scratch_types=list(_SC_SCRATCH),
    )

BLK = 2000
NBLK = N // BLK
_PREC = jax.lax.Precision.DEFAULT


def _mm(a, b):
    return jnp.dot(a, b, precision=_PREC, preferred_element_type=jnp.float32)


def _l0_body(x_ref, p0_ref, p1_ref,
             w1d_ref, b1d_ref, w2d_ref, b2d_ref,
             w1a_ref, b1a_ref, w2a_ref, b2a_ref,
             hd_ref, ha_ref):
    m = x_ref[...] + p0_ref[...] + p1_ref[...]
    md = m[:, FEA - 1:FEA]
    td = jnp.maximum(md * w1d_ref[...] + b1d_ref[...], 0.0)
    hd_ref[...] = jnp.maximum(_mm(td, w2d_ref[...]) + b2d_ref[...], 0.0)
    ta = jnp.maximum(_mm(m[:, :FEA - 1], w1a_ref[...]) + b1a_ref[...], 0.0)
    ha_ref[...] = jnp.maximum(_mm(ta, w2a_ref[...]) + b2a_ref[...], 0.0)


def _full(shape):
    return pl.BlockSpec(shape, lambda i: (0, 0))


def _rows(shape):
    return pl.BlockSpec(shape, lambda i: (i, 0))


_l0 = pl.pallas_call(
    _l0_body,
    grid=(NBLK,),
    in_specs=[
        _rows((BLK, FEA)),
        _rows((BLK, FEA)),
        pl.BlockSpec((BLK, FEA), lambda i: (i + NBLK, 0)),
        _full((1, HID)), _full((1, HID)), _full((HID, HID)), _full((1, HID)),
        _full((FEA - 1, HID)), _full((1, HID)), _full((HID, HID)),
        _full((1, HID)),
    ],
    out_specs=[_rows((BLK, HID)), _rows((BLK, HID))],
    out_shape=[jax.ShapeDtypeStruct((N, HID), jnp.float32),
               jax.ShapeDtypeStruct((N, HID), jnp.float32)],
)


def _log_softmax(o):
    mx = jnp.max(o, axis=-1, keepdims=True)
    return o - (jnp.log(jnp.sum(jnp.exp(o - mx), axis=-1, keepdims=True)) + mx)


def _l1_body(hd_ref, pd_ref, ha_ref, pa_ref, b3_ref,
             w1d_ref, b1d_ref, w2d_ref, b2d_ref,
             w1a_ref, b1a_ref, w2a_ref, b2a_ref,
             wod_ref, bod_ref, woa_ref, boa_ref, al_ref,
             out_ref, poold_ref, poola_ref):
    i = pl.program_id(0)
    md = hd_ref[...] + pd_ref[...]
    td = jnp.maximum(_mm(md, w1d_ref[...]) + b1d_ref[...], 0.0)
    h2d = jnp.maximum(_mm(td, w2d_ref[...]) + b2d_ref[...], 0.0)
    ma = ha_ref[...] + pa_ref[...]
    ta = jnp.maximum(_mm(ma, w1a_ref[...]) + b1a_ref[...], 0.0)
    h2a = jnp.maximum(_mm(ta, w2a_ref[...]) + b2a_ref[...], 0.0)

    bvec = b3_ref[0]
    oh = (lax.broadcasted_iota(jnp.int32, (G, BLK), 0)
          == jnp.broadcast_to(bvec, (G, BLK))).astype(jnp.float32)

    @pl.when(i == 0)
    def _():
        poold_ref[...] = jnp.zeros_like(poold_ref)
        poola_ref[...] = jnp.zeros_like(poola_ref)

    poold_ref[...] += _mm(oh, h2d)
    poola_ref[...] += _mm(oh, h2a)

    @pl.when(i == NBLK - 1)
    def _():
        o1 = _mm(poold_ref[...], wod_ref[...]) + bod_ref[...]
        o2 = _mm(poola_ref[...], woa_ref[...]) + boa_ref[...]
        a = 1.0 / (1.0 + jnp.exp(-al_ref[0]))
        out_ref[...] = a * _log_softmax(o1) + (1.0 - a) * _log_softmax(o2)


_l1 = pl.pallas_call(
    _l1_body,
    grid=(NBLK,),
    in_specs=[
        _rows((BLK, HID)),
        _rows((BLK, HID)),
        _rows((BLK, HID)),
        pl.BlockSpec((BLK, HID), lambda i: (i + NBLK, 0)),
        pl.BlockSpec((1, 1, BLK), lambda i: (i, 0, 0)),
        _full((HID, HID)), _full((1, HID)), _full((HID, HID)), _full((1, HID)),
        _full((HID, HID)), _full((1, HID)), _full((HID, HID)), _full((1, HID)),
        _full((HID, TGT)), _full((1, TGT)), _full((HID, TGT)),
        _full((1, TGT)),
        pl.BlockSpec(memory_space=pltpu.SMEM),
    ],
    out_specs=pl.BlockSpec((G, TGT), lambda i: (0, 0)),
    out_shape=jax.ShapeDtypeStruct((G, TGT), jnp.float32),
    scratch_shapes=[pltpu.VMEM((G, HID), jnp.float32),
                    pltpu.VMEM((G, HID), jnp.float32)],
)


def kernel(x, edge_index, batch, params):
    p = params
    e3 = jnp.pad(edge_index.reshape(2, NW, NCHUNK, CH),
                 ((0, 0), (0, 0), (0, NBLKI * CPB - NCHUNK), (0, 0)))

    parts_x = _get_sc_agg()(x, e3)

    def r2(v):
        return v.reshape(1, -1)

    hd, ha = _l0(
        x, parts_x, parts_x,
        p['gd_W1_0'], r2(p['gd_b1_0']), p['gd_W2_0'], r2(p['gd_b2_0']),
        p['ga_W1_0'], r2(p['ga_b1_0']), p['ga_W2_0'], r2(p['ga_b2_0']),
    )

    parts2 = _get_sc_agg2()(hd, ha, e3)

    batch3 = batch.reshape(NBLK, 1, BLK)
    alpha = p['alpha'].reshape(1)
    out = _l1(
        hd, parts2, ha, parts2, batch3,
        p['gd_W1_1'], r2(p['gd_b1_1']), p['gd_W2_1'], r2(p['gd_b2_1']),
        p['ga_W1_1'], r2(p['ga_b1_1']), p['ga_W2_1'], r2(p['ga_b2_1']),
        p['gd_Wo'], r2(p['gd_bo']), p['ga_Wo'], r2(p['ga_bo']),
        alpha,
    )
    return out

# --- scband reference (transcript-rebuilt; emitter-appended) ---
"""Pipeline reference for scband-model-mix-22574348108089 (READ-ONLY COPY).

The authoritative reference and input builder live on the scoring server;
editing this copy changes nothing except your own understanding.
"""

import jax, jax.numpy as jnp
import numpy as np

N = 10000
E = 320000
FEA_DIM = 128
HID = 128
TGT = 16
NUM_GRAPHS = 64


def _make_gin_params(key, in_dim):
    ks = jax.random.split(key, 10)

    def lin(k, fi, fo):
        s = 1.0 / np.sqrt(fi)
        kw, kb = jax.random.split(k)
        W = jax.random.uniform(kw, (fi, fo), minval=-s, maxval=s, dtype=jnp.float32)
        b = jax.random.uniform(kb, (fo,), minval=-s, maxval=s, dtype=jnp.float32)
        return W, b

    p = {}
    dims = [in_dim, HID, HID]
    for l in range(2):
        W1, b1 = lin(ks[2 * l], dims[l], HID)
        W2, b2 = lin(ks[2 * l + 1], HID, HID)
        p['W1_%d' % l] = W1
        p['b1_%d' % l] = b1
        p['W2_%d' % l] = W2
        p['b2_%d' % l] = b2
    Wo, bo = lin(ks[9], HID, TGT)
    p['Wo'] = Wo
    p['bo'] = bo
    return p


def setup_inputs(seed: int = 0):
    key = jax.random.key(seed)
    k1, k2, k3, k4, k5 = jax.random.split(key, 5)
    x = jax.random.normal(k1, (N, FEA_DIM), dtype=jnp.float32)
    edge_index = jax.random.randint(k2, (2, E), 0, N, dtype=jnp.int32)
    batch = jnp.sort(jax.random.randint(k3, (N,), 0, NUM_GRAPHS, dtype=jnp.int32))
    params = {}
    pd = _make_gin_params(k4, 1)
    pa = _make_gin_params(k5, FEA_DIM - 1)
    for k, v in pd.items():
        params['gd_' + k] = v
    for k, v in pa.items():
        params['ga_' + k] = v
    params['alpha'] = jnp.asarray(0.01, dtype=jnp.float32)
    return {'x': x, 'edge_index': edge_index, 'batch': batch, 'params': params}


def _gin_forward(x, edge_index, batch, params, prefix):
    src = edge_index[0]
    dst = edge_index[1]
    h = x
    for l in range(2):
        # GINConv (eps=0): h_i <- MLP(h_i + sum_{j in N(i)} h_j), scatter-add aggregation
        agg = jnp.zeros((h.shape[0], h.shape[1]), dtype=h.dtype).at[dst].add(h[src])
        m = h + agg
        m = jax.nn.relu(m @ params[prefix + 'W1_%d' % l] + params[prefix + 'b1_%d' % l])
        h = jax.nn.relu(m @ params[prefix + 'W2_%d' % l] + params[prefix + 'b2_%d' % l])
    pooled = jax.ops.segment_sum(h, batch, num_segments=NUM_GRAPHS)
    return pooled @ params[prefix + 'Wo'] + params[prefix + 'bo']


def _forward(x, params, edge_index, batch):
    out1 = _gin_forward(x[..., -1:], edge_index, batch, params, 'gd_')
    out2 = _gin_forward(x[..., :-1], edge_index, batch, params, 'ga_')
    alpha = jax.nn.sigmoid(params['alpha'])
    p1 = jax.nn.log_softmax(out1, axis=-1)
    p2 = jax.nn.log_softmax(out2, axis=-1)
    alpha_2 = jax.lax.stop_gradient(1.0 - alpha)  # torch no_grad + .item()
    return alpha * p1 + alpha_2 * p2


def reference(x, edge_index, batch, params):
    return _forward(x, params, edge_index, batch)

if __name__ == "__main__":
    import jax
    _d = setup_inputs()
    print(jax.jit(kernel)(*tuple(_d.values())))

</pallas_src>

<mosaic_0001>
#map = affine_map<(d0, d1) -> (0, 0)>
#map1 = affine_map<(d0, d1) -> (0, 0, 0, 0)>
module attributes {stable_mosaic.version = 14 : i64} {
  func.func @_sc_agg_body(%arg0: i32, %arg1: i32, %arg2: memref<10000x128xf32, #tpu.memory_space<hbm>>, %arg3: memref<2x32x144x80xi32, #tpu.memory_space<hbm>>, %arg4: memref<20000x128xf32, #tpu.memory_space<hbm>>, %arg5: memref<24x80xi32, #tpu.memory_space<vmem>>, %arg6: memref<24x80xi32, #tpu.memory_space<vmem>>, %arg7: memref<80x128xf32, #tpu.memory_space<vmem>>, %arg8: memref<80x128xf32, #tpu.memory_space<vmem>>, %arg9: memref<80x128xf32, #tpu.memory_space<vmem>>, %arg10: memref<8x128xf32, #tpu.memory_space<vmem>>, %arg11: memref<10240x128xf32, #tpu.memory_space<vmem_shared>>, %arg12: memref<!tpu.dma_semaphore, #tpu.memory_space<semaphore_mem>>, %arg13: memref<!tpu.dma_semaphore, #tpu.memory_space<semaphore_mem>>, %arg14: memref<!tpu.dma_semaphore, #tpu.memory_space<semaphore_mem>>, %arg15: memref<!tpu.dma_semaphore, #tpu.memory_space<semaphore_mem>>, %arg16: memref<!tpu.dma_semaphore, #tpu.memory_space<semaphore_mem>>, %arg17: memref<!tpu.dma_semaphore, #tpu.memory_space<semaphore_mem>>) attributes {dimension_semantics = [#tpu.dimension_semantics<core_parallel>, #tpu.dimension_semantics<subcore_parallel>], iteration_bounds = array<i64: 2, 16>, scalar_prefetch = 0 : i64, scratch_operands = 13 : i64, tpu.core_type = #tpu.core_type<sc_vector_subcore>, window_params = [{transform_indices = #map}, {transform_indices = #map1}, {transform_indices = #map}]} {
    %mul3A = arith.constant 16 : i32
    %mul3A_0 = arith.muli %arg0, %mul3A : i32
    %add3A = arith.addi %mul3A_0, %arg1 : i32
    %broadcast_in_dim3A = arith.constant 0.000000e+00 : f32
    %broadcast_in_dim3A_1 = vector.broadcast %broadcast_in_dim3A : f32 to vector<16xf32>
    %scan3A = arith.constant 0 : i32
    %scan3A_2 = arith.constant 0 : i32
    %scan3A_3 = arith.constant 8 : i32
    %scan3A_4 = arith.addi %scan3A_2, %scan3A_3 : i32
    %scan3A_5 = arith.constant 1 : i32
    scf.for %scan3A_46 = %scan3A_2 to %scan3A_4 step %scan3A_5  : i32 {
      %swap3A = arith.index_cast %scan3A_46 : i32 to index
      %swap3A_47 = arith.constant 0 : index
      %swap3A_48 = tpu.vector_load %arg10[%swap3A, %swap3A_47] {strides = array<i32>} : memref<8x128xf32, #tpu.memory_space<vmem>>, vector<1x16xf32>,
      %swap3A_49 = vector.shape_cast %swap3A_48 : vector<1x16xf32> to vector<16xf32>
      %swap3A_50 = vector.shape_cast %broadcast_in_dim3A_1 : vector<16xf32> to vector<1x16xf32>
      tpu.vector_store %arg10[%swap3A, %swap3A_47], %swap3A_50 {strides = array<i32>} : memref<8x128xf32, #tpu.memory_space<vmem>>, vector<1x16xf32>,
      %swap3A_51 = arith.index_cast %scan3A_46 : i32 to index
      %swap3A_52 = arith.constant 16 : index
      %swap3A_53 = tpu.vector_load %arg10[%swap3A_51, %swap3A_52] {strides = array<i32>} : memref<8x128xf32, #tpu.memory_space<vmem>>, vector<1x16xf32>,
      %swap3A_54 = vector.shape_cast %swap3A_53 : vector<1x16xf32> to vector<16xf32>
      %swap3A_55 = vector.shape_cast %broadcast_in_dim3A_1 : vector<16xf32> to vector<1x16xf32>
      tpu.vector_store %arg10[%swap3A_51, %swap3A_52], %swap3A_55 {strides = array<i32>} : memref<8x128xf32, #tpu.memory_space<vmem>>, vector<1x16xf32>,
      %swap3A_56 = arith.index_cast %scan3A_46 : i32 to index
      %swap3A_57 = arith.constant 32 : index
      %swap3A_58 = tpu.vector_load %arg10[%swap3A_56, %swap3A_57] {strides = array<i32>} : memref<8x128xf32, #tpu.memory_space<vmem>>, vector<1x16xf32>,
      %swap3A_59 = vector.shape_cast %swap3A_58 : vector<1x16xf32> to vector<16xf32>
      %swap3A_60 = vector.shape_cast %broadcast_in_dim3A_1 : vector<16xf32> to vector<1x16xf32>
      tpu.vector_store %arg10[%swap3A_56, %swap3A_57], %swap3A_60 {strides = array<i32>} : memref<8x128xf32, #tpu.memory_space<vmem>>, vector<1x16xf32>,
      %swap3A_61 = arith.index_cast %scan3A_46 : i32 to index
      %swap3A_62 = arith.constant 48 : index
      %swap3A_63 = tpu.vector_load %arg10[%swap3A_61, %swap3A_62] {strides = array<i32>} : memref<8x128xf32, #tpu.memory_space<vmem>>, vector<1x16xf32>,
      %swap3A_64 = vector.shape_cast %swap3A_63 : vector<1x16xf32> to vector<16xf32>
      %swap3A_65 = vector.shape_cast %broadcast_in_dim3A_1 : vector<16xf32> to vector<1x16xf32>
      tpu.vector_store %arg10[%swap3A_61, %swap3A_62], %swap3A_65 {strides = array<i32>} : memref<8x128xf32, #tpu.memory_space<vmem>>, vector<1x16xf32>,
      %swap3A_66 = arith.index_cast %scan3A_46 : i32 to index
      %swap3A_67 = arith.constant 64 : index
      %swap3A_68 = tpu.vector_load %arg10[%swap3A_66, %swap3A_67] {strides = array<i32>} : memref<8x128xf32, #tpu.memory_space<vmem>>, vector<1x16xf32>,
      %swap3A_69 = vector.shape_cast %swap3A_68 : vector<1x16xf32> to vector<16xf32>
      %swap3A_70 = vector.shape_cast %broadcast_in_dim3A_1 : vector<16xf32> to vector<1x16xf32>
      tpu.vector_store %arg10[%swap3A_66, %swap3A_67], %swap3A_70 {strides = array<i32>} : memref<8x128xf32, #tpu.memory_space<vmem>>, vector<1x16xf32>,
      %swap3A_71 = arith.index_cast %scan3A_46 : i32 to index
      %swap3A_72 = arith.constant 80 : index
      %swap3A_73 = tpu.vector_load %arg10[%swap3A_71, %swap3A_72] {strides = array<i32>} : memref<8x128xf32, #tpu.memory_space<vmem>>, vector<1x16xf32>,
      %swap3A_74 = vector.shape_cast %swap3A_73 : vector<1x16xf32> to vector<16xf32>
      %swap3A_75 = vector.shape_cast %broadcast_in_dim3A_1 : vector<16xf32> to vector<1x16xf32>
      tpu.vector_store %arg10[%swap3A_71, %swap3A_72], %swap3A_75 {strides = array<i32>} : memref<8x128xf32, #tpu.memory_space<vmem>>, vector<1x16xf32>,
      %swap3A_76 = arith.index_cast %scan3A_46 : i32 to index
      %swap3A_77 = arith.constant 96 : index
      %swap3A_78 = tpu.vector_load %arg10[%swap3A_76, %swap3A_77] {strides = array<i32>} : memref<8x128xf32, #tpu.memory_space<vmem>>, vector<1x16xf32>,
      %swap3A_79 = vector.shape_cast %swap3A_78 : vector<1x16xf32> to vector<16xf32>
      %swap3A_80 = vector.shape_cast %broadcast_in_dim3A_1 : vector<16xf32> to vector<1x16xf32>
      tpu.vector_store %arg10[%swap3A_76, %swap3A_77], %swap3A_80 {strides = array<i32>} : memref<8x128xf32, #tpu.memory_space<vmem>>, vector<1x16xf32>,
      %swap3A_81 = arith.index_cast %scan3A_46 : i32 to index
      %swap3A_82 = arith.constant 112 : index
      %swap3A_83 = tpu.vector_load %arg10[%swap3A_81, %swap3A_82] {strides = array<i32>} : memref<8x128xf32, #tpu.memory_space<vmem>>, vector<1x16xf32>,
      %swap3A_84 = vector.shape_cast %swap3A_83 : vector<1x16xf32> to vector<16xf32>
      %swap3A_85 = vector.shape_cast %broadcast_in_dim3A_1 : vector<16xf32> to vector<1x16xf32>
      tpu.vector_store %arg10[%swap3A_81, %swap3A_82], %swap3A_85 {strides = array<i32>} : memref<8x128xf32, #tpu.memory_space<vmem>>, vector<1x16xf32>,
    }
    %scan3A_6 = arith.constant 8 : i32
    %scan3A_7 = arith.constant 0 : i32
    %scan3A_8 = arith.constant 0 : i32
    %scan3A_9 = arith.constant 80 : i32
    %scan3A_10 = arith.addi %scan3A_8, %scan3A_9 : i32
    %scan3A_11 = arith.constant 1 : i32
    scf.for %scan3A_46 = %scan3A_8 to %scan3A_10 step %scan3A_11  : i32 {
      %mul3A_47 = arith.constant 640 : i32
      %mul3A_48 = arith.muli %arg1, %mul3A_47 : i32
      %mul3A_49 = arith.constant 8 : i32
      %mul3A_50 = arith.muli %scan3A_46, %mul3A_49 : i32
      %add3A_51 = arith.addi %mul3A_48, %mul3A_50 : i32
      %dma_start3A_52 = arith.constant 0 : i32
      %dma_start3A_53 = tpu.memref_slice %arg11[%add3A_51, %dma_start3A_52] : memref<10240x128xf32, #tpu.memory_space<vmem_shared>> -> memref<8x128xf32, #tpu.memory_space<vmem_shared>>
      %dma_start3A_54 = arith.constant 0 : i32
      %dma_start3A_55 = tpu.memref_slice %arg11[%add3A_51, %dma_start3A_54] : memref<10240x128xf32, #tpu.memory_space<vmem_shared>> -> memref<8x128xf32, #tpu.memory_space<vmem_shared>>
      tpu.enqueue_dma source(%arg10 : memref<8x128xf32, #tpu.memory_space<vmem>>) target(%dma_start3A_55 : memref<8x128xf32, #tpu.memory_space<vmem_shared>>) target_semaphore(%arg15 : memref<!tpu.dma_semaphore, #tpu.memory_space<semaphore_mem>>)
    }
    %scan3A_12 = arith.constant 80 : i32
    %run_scoped3A = arith.constant 0 : i32
    "tpu.region"() ({
      %run_scoped3A_46 = tpu.sem_alloc : memref<!tpu.dma_semaphore, #tpu.memory_space<semaphore_mem>>
      %dma_start3A_47 = arith.constant 0 : i32
      %dma_start3A_48 = arith.constant 0 : i32
      %dma_start3A_49 = tpu.memref_slice %arg3[%run_scoped3A, %add3A, %dma_start3A_47, %dma_start3A_48] : memref<2x32x144x80xi32, #tpu.memory_space<hbm>> -> memref<1x1x24x80xi32, #tpu.memory_space<hbm>>
      %dma_start3A_50 = tpu.memref_squeeze %dma_start3A_49 : memref<1x1x24x80xi32, #tpu.memory_space<hbm>> -> memref<24x80xi32, #tpu.memory_space<hbm>>
      %dma_start3A_51 = arith.constant 0 : i32
      %dma_start3A_52 = arith.constant 0 : i32
      %dma_start3A_53 = tpu.memref_slice %arg3[%run_scoped3A, %add3A, %dma_start3A_51, %dma_start3A_52] : memref<2x32x144x80xi32, #tpu.memory_space<hbm>> -> memref<1x1x24x80xi32, #tpu.memory_space<hbm>>
      %dma_start3A_54 = tpu.memref_squeeze %dma_start3A_53 : memref<1x1x24x80xi32, #tpu.memory_space<hbm>> -> memref<24x80xi32, #tpu.memory_space<hbm>>
      tpu.enqueue_dma source(%dma_start3A_54 : memref<24x80xi32, #tpu.memory_space<hbm>>) target(%arg5 : memref<24x80xi32, #tpu.memory_space<vmem>>) target_semaphore(%run_scoped3A_46 : memref<!tpu.dma_semaphore, #tpu.memory_space<semaphore_mem>>)
      %dma_wait3A = arith.constant 0 : i32
      %dma_wait3A_55 = arith.constant 0 : i32
      %dma_wait3A_56 = tpu.memref_slice %arg3[%run_scoped3A, %add3A, %dma_wait3A, %dma_wait3A_55] : memref<2x32x144x80xi32, #tpu.memory_space<hbm>> -> memref<1x1x24x80xi32, #tpu.memory_space<hbm>>
      %dma_wait3A_57 = tpu.memref_squeeze %dma_wait3A_56 : memref<1x1x24x80xi32, #tpu.memory_space<hbm>> -> memref<24x80xi32, #tpu.memory_space<hbm>>
      %dma_wait3A_58 = arith.constant 0 : i32
      %dma_wait3A_59 = arith.constant 0 : i32
      %dma_wait3A_60 = tpu.memref_slice %arg3[%run_scoped3A, %add3A, %dma_wait3A_58, %dma_wait3A_59] : memref<2x32x144x80xi32, #tpu.memory_space<hbm>> -> memref<1x1x24x80xi32, #tpu.memory_space<hbm>>
      %dma_wait3A_61 = tpu.memref_squeeze %dma_wait3A_60 : memref<1x1x24x80xi32, #tpu.memory_space<hbm>> -> memref<24x80xi32, #tpu.memory_space<hbm>>
      tpu.wait_dma2 semaphore(%run_scoped3A_46 : memref<!tpu.dma_semaphore, #tpu.memory_space<semaphore_mem>>) src(%dma_wait3A_61 : memref<24x80xi32, #tpu.memory_space<hbm>>) dst(%arg5 : memref<24x80xi32, #tpu.memory_space<vmem>>)
      tpu.yield
    }) : () -> ()
    %run_scoped3A_13 = arith.constant 1 : i32
    "tpu.region"() ({
      %run_scoped3A_46 = tpu.sem_alloc : memref<!tpu.dma_semaphore, #tpu.memory_space<semaphore_mem>>
      %dma_start3A_47 = arith.constant 0 : i32
      %dma_start3A_48 = arith.constant 0 : i32
      %dma_start3A_49 = tpu.memref_slice %arg3[%run_scoped3A_13, %add3A, %dma_start3A_47, %dma_start3A_48] : memref<2x32x144x80xi32, #tpu.memory_space<hbm>> -> memref<1x1x24x80xi32, #tpu.memory_space<hbm>>
      %dma_start3A_50 = tpu.memref_squeeze %dma_start3A_49 : memref<1x1x24x80xi32, #tpu.memory_space<hbm>> -> memref<24x80xi32, #tpu.memory_space<hbm>>
      %dma_start3A_51 = arith.constant 0 : i32
      %dma_start3A_52 = arith.constant 0 : i32
      %dma_start3A_53 = tpu.memref_slice %arg3[%run_scoped3A_13, %add3A, %dma_start3A_51, %dma_start3A_52] : memref<2x32x144x80xi32, #tpu.memory_space<hbm>> -> memref<1x1x24x80xi32, #tpu.memory_space<hbm>>
      %dma_start3A_54 = tpu.memref_squeeze %dma_start3A_53 : memref<1x1x24x80xi32, #tpu.memory_space<hbm>> -> memref<24x80xi32, #tpu.memory_space<hbm>>
      tpu.enqueue_dma source(%dma_start3A_54 : memref<24x80xi32, #tpu.memory_space<hbm>>) target(%arg6 : memref<24x80xi32, #tpu.memory_space<vmem>>) target_semaphore(%run_scoped3A_46 : memref<!tpu.dma_semaphore, #tpu.memory_space<semaphore_mem>>)
      %dma_wait3A = arith.constant 0 : i32
      %dma_wait3A_55 = arith.constant 0 : i32
      %dma_wait3A_56 = tpu.memref_slice %arg3[%run_scoped3A_13, %add3A, %dma_wait3A, %dma_wait3A_55] : memref<2x32x144x80xi32, #tpu.memory_space<hbm>> -> memref<1x1x24x80xi32, #tpu.memory_space<hbm>>
      %dma_wait3A_57 = tpu.memref_squeeze %dma_wait3A_56 : memref<1x1x24x80xi32, #tpu.memory_space<hbm>> -> memref<24x80xi32, #tpu.memory_space<hbm>>
      %dma_wait3A_58 = arith.constant 0 : i32
      %dma_wait3A_59 = arith.constant 0 : i32
      %dma_wait3A_60 = tpu.memref_slice %arg3[%run_scoped3A_13, %add3A, %dma_wait3A_58, %dma_wait3A_59] : memref<2x32x144x80xi32, #tpu.memory_space<hbm>> -> memref<1x1x24x80xi32, #tpu.memory_space<hbm>>
      %dma_wait3A_61 = tpu.memref_squeeze %dma_wait3A_60 : memref<1x1x24x80xi32, #tpu.memory_space<hbm>> -> memref<24x80xi32, #tpu.memory_space<hbm>>
      tpu.wait_dma2 semaphore(%run_scoped3A_46 : memref<!tpu.dma_semaphore, #tpu.memory_space<semaphore_mem>>) src(%dma_wait3A_61 : memref<24x80xi32, #tpu.memory_space<hbm>>) dst(%arg6 : memref<24x80xi32, #tpu.memory_space<vmem>>)
      tpu.yield
    }) : () -> ()
    %dma_start3A = arith.constant 0 : i32
    %dma_start3A_14 = arith.constant 0 : i32
    %dma_start3A_15 = tpu.memref_slice %arg5[%dma_start3A, %dma_start3A_14] : memref<24x80xi32, #tpu.memory_space<vmem>> -> memref<1x80xi32, #tpu.memory_space<vmem>>
    %dma_start3A_16 = tpu.memref_squeeze %dma_start3A_15 : memref<1x80xi32, #tpu.memory_space<vmem>> -> memref<80xi32, #tpu.memory_space<vmem>>
    %dma_start3A_17 = arith.constant 0 : i32
    %dma_start3A_18 = arith.constant 0 : i32
    %dma_start3A_19 = tpu.memref_slice %arg2[%dma_start3A_17, %dma_start3A_18] : memref<10000x128xf32, #tpu.memory_space<hbm>> -> memref<10000x128xf32, #tpu.memory_space<hbm>>
    tpu.enqueue_indirect_dma source(%dma_start3A_19 : memref<10000x128xf32, #tpu.memory_space<hbm>>) target(%arg7 : memref<80x128xf32, #tpu.memory_space<vmem>>) offsets(%dma_start3A_16 : memref<80xi32, #tpu.memory_space<vmem>>) semaphore(%arg12 : memref<!tpu.dma_semaphore, #tpu.memory_space<semaphore_mem>>)
    %dma_start3A_20 = arith.constant 1 : i32
    %dma_start3A_21 = arith.constant 0 : i32
    %dma_start3A_22 = tpu.memref_slice %arg5[%dma_start3A_20, %dma_start3A_21] : memref<24x80xi32, #tpu.memory_space<vmem>> -> memref<1x80xi32, #tpu.memory_space<vmem>>
    %dma_start3A_23 = tpu.memref_squeeze %dma_start3A_22 : memref<1x80xi32, #tpu.memory_space<vmem>> -> memref<80xi32, #tpu.memory_space<vmem>>
    %dma_start3A_24 = arith.constant 0 : i32
    %dma_start3A_25 = arith.constant 0 : i32
    %dma_start3A_26 = tpu.memref_slice %arg2[%dma_start3A_24, %dma_start3A_25] : memref<10000x128xf32, #tpu.memory_space<hbm>> -> memref<10000x128xf32, #tpu.memory_space<hbm>>
    tpu.enqueue_indirect_dma source(%dma_start3A_26 : memref<10000x128xf32, #tpu.memory_space<hbm>>) target(%arg8 : memref<80x128xf32, #tpu.memory_space<vmem>>) offsets(%dma_start3A_23 : memref<80xi32, #tpu.memory_space<vmem>>) semaphore(%arg13 : memref<!tpu.dma_semaphore, #tpu.memory_space<semaphore_mem>>)
    %scan3A_27 = arith.constant 0 : i32
    %scan3A_28 = arith.constant 0 : i32
    %scan3A_29 = arith.constant 80 : i32
    %scan3A_30 = arith.addi %scan3A_28, %scan3A_29 : i32
    %scan3A_31 = arith.constant 1 : i32
    scf.for %scan3A_46 = %scan3A_28 to %scan3A_30 step %scan3A_31  : i32 {
      %mul3A_47 = arith.constant 640 : i32
      %mul3A_48 = arith.muli %arg1, %mul3A_47 : i32
      %mul3A_49 = arith.constant 8 : i32
      %mul3A_50 = arith.muli %scan3A_46, %mul3A_49 : i32
      %add3A_51 = arith.addi %mul3A_48, %mul3A_50 : i32
      %dma_wait3A = arith.constant 0 : i32
      %dma_wait3A_52 = tpu.memref_slice %arg11[%add3A_51, %dma_wait3A] : memref<10240x128xf32, #tpu.memory_space<vmem_shared>> -> memref<8x128xf32, #tpu.memory_space<vmem_shared>>
      %dma_wait3A_53 = arith.constant 0 : i32
      %dma_wait3A_54 = tpu.memref_slice %arg11[%add3A_51, %dma_wait3A_53] : memref<10240x128xf32, #tpu.memory_space<vmem_shared>> -> memref<8x128xf32, #tpu.memory_space<vmem_shared>>
      tpu.wait_dma2 semaphore(%arg15 : memref<!tpu.dma_semaphore, #tpu.memory_space<semaphore_mem>>) src(%arg10 : memref<8x128xf32, #tpu.memory_space<vmem>>) dst(%dma_wait3A_54 : memref<8x128xf32, #tpu.memory_space<vmem_shared>>)
    }
    %scan3A_32 = arith.constant 80 : i32
    %barrier3A = arith.constant 0 : index
    tpu.barrier barrier_id(%barrier3A)
    %scan3A_33 = arith.constant 0 : i32
    %scan3A_34 = arith.constant 0 : i32
    %scan3A_35 = arith.constant 6 : i32
    %scan3A_36 = arith.addi %scan3A_34, %scan3A_35 : i32
    %scan3A_37 = arith.constant 1 : i32
    scf.for %scan3A_46 = %scan3A_34 to %scan3A_36 step %scan3A_37  : i32 {
      %mul3A_47 = arith.constant 24 : i32
      %mul3A_48 = arith.muli %scan3A_46, %mul3A_47 : i32
      %gt3A = arith.constant 0 : i32
      %gt3A_49 = arith.cmpi sgt, %scan3A_46, %gt3A : i32
      %convert_element_type3A_50 = arith.extui %gt3A_49 : i1 to i32
      %cond3A_51 = arith.constant 0 : i32
      %cond3A_52 = arith.cmpi ne, %convert_element_type3A_50, %cond3A_51 : i32
      scf.if %cond3A_52 {
        %mul3A_80 = arith.constant 24 : i32
        %mul3A_81 = arith.muli %scan3A_46, %mul3A_80 : i32
        %run_scoped3A_82 = arith.constant 0 : i32
        "tpu.region"() ({
          %run_scoped3A_100 = tpu.sem_alloc : memref<!tpu.dma_semaphore, #tpu.memory_space<semaphore_mem>>
          %dma_start3A_101 = arith.constant 0 : i32
          %dma_start3A_102 = tpu.memref_slice %arg3[%run_scoped3A_82, %add3A, %mul3A_81, %dma_start3A_101] : memref<2x32x144x80xi32, #tpu.memory_space<hbm>> -> memref<1x1x24x80xi32, #tpu.memory_space<hbm>>
          %dma_start3A_103 = tpu.memref_squeeze %dma_start3A_102 : memref<1x1x24x80xi32, #tpu.memory_space<hbm>> -> memref<24x80xi32, #tpu.memory_space<hbm>>
          %dma_start3A_104 = arith.constant 0 : i32
          %dma_start3A_105 = tpu.memref_slice %arg3[%run_scoped3A_82, %add3A, %mul3A_81, %dma_start3A_104] : memref<2x32x144x80xi32, #tpu.memory_space<hbm>> -> memref<1x1x24x80xi32, #tpu.memory_space<hbm>>
          %dma_start3A_106 = tpu.memref_squeeze %dma_start3A_105 : memref<1x1x24x80xi32, #tpu.memory_space<hbm>> -> memref<24x80xi32, #tpu.memory_space<hbm>>
          tpu.enqueue_dma source(%dma_start3A_106 : memref<24x80xi32, #tpu.memory_space<hbm>>) target(%arg5 : memref<24x80xi32, #tpu.memory_space<vmem>>) target_semaphore(%run_scoped3A_100 : memref<!tpu.dma_semaphore, #tpu.memory_space<semaphore_mem>>)
          %dma_wait3A = arith.constant 0 : i32
          %dma_wait3A_107 = tpu.memref_slice %arg3[%run_scoped3A_82, %add3A, %mul3A_81, %dma_wait3A] : memref<2x32x144x80xi32, #tpu.memory_space<hbm>> -> memref<1x1x24x80xi32, #tpu.memory_space<hbm>>
          %dma_wait3A_108 = tpu.memref_squeeze %dma_wait3A_107 : memref<1x1x24x80xi32, #tpu.memory_space<hbm>> -> memref<24x80xi32, #tpu.memory_space<hbm>>
          %dma_wait3A_109 = arith.constant 0 : i32
          %dma_wait3A_110 = tpu.memref_slice %arg3[%run_scoped3A_82, %add3A, %mul3A_81, %dma_wait3A_109] : memref<2x32x144x80xi32, #tpu.memory_space<hbm>> -> memref<1x1x24x80xi32, #tpu.memory_space<hbm>>
          %dma_wait3A_111 = tpu.memref_squeeze %dma_wait3A_110 : memref<1x1x24x80xi32, #tpu.memory_space<hbm>> -> memref<24x80xi32, #tpu.memory_space<hbm>>
          tpu.wait_dma2 semaphore(%run_scoped3A_100 : memref<!tpu.dma_semaphore, #tpu.memory_space<semaphore_mem>>) src(%dma_wait3A_111 : memref<24x80xi32, #tpu.memory_space<hbm>>) dst(%arg5 : memref<24x80xi32, #tpu.memory_space<vmem>>)
          tpu.yield
        }) : () -> ()
        %mul3A_83 = arith.constant 24 : i32
        %mul3A_84 = arith.muli %scan3A_46, %mul3A_83 : i32
        %run_scoped3A_85 = arith.constant 1 : i32
        "tpu.region"() ({
          %run_scoped3A_100 = tpu.sem_alloc : memref<!tpu.dma_semaphore, #tpu.memory_space<semaphore_mem>>
          %dma_start3A_101 = arith.constant 0 : i32
          %dma_start3A_102 = tpu.memref_slice %arg3[%run_scoped3A_85, %add3A, %mul3A_84, %dma_start3A_101] : memref<2x32x144x80xi32, #tpu.memory_space<hbm>> -> memref<1x1x24x80xi32, #tpu.memory_space<hbm>>
          %dma_start3A_103 = tpu.memref_squeeze %dma_start3A_102 : memref<1x1x24x80xi32, #tpu.memory_space<hbm>> -> memref<24x80xi32, #tpu.memory_space<hbm>>
          %dma_start3A_104 = arith.constant 0 : i32
          %dma_start3A_105 = tpu.memref_slice %arg3[%run_scoped3A_85, %add3A, %mul3A_84, %dma_start3A_104] : memref<2x32x144x80xi32, #tpu.memory_space<hbm>> -> memref<1x1x24x80xi32, #tpu.memory_space<hbm>>
          %dma_start3A_106 = tpu.memref_squeeze %dma_start3A_105 : memref<1x1x24x80xi32, #tpu.memory_space<hbm>> -> memref<24x80xi32, #tpu.memory_space<hbm>>
          tpu.enqueue_dma source(%dma_start3A_106 : memref<24x80xi32, #tpu.memory_space<hbm>>) target(%arg6 : memref<24x80xi32, #tpu.memory_space<vmem>>) target_semaphore(%run_scoped3A_100 : memref<!tpu.dma_semaphore, #tpu.memory_space<semaphore_mem>>)
          %dma_wait3A = arith.constant 0 : i32
          %dma_wait3A_107 = tpu.memref_slice %arg3[%run_scoped3A_85, %add3A, %mul3A_84, %dma_wait3A] : memref<2x32x144x80xi32, #tpu.memory_space<hbm>> -> memref<1x1x24x80xi32, #tpu.memory_space<hbm>>
          %dma_wait3A_108 = tpu.memref_squeeze %dma_wait3A_107 : memref<1x1x24x80xi32, #tpu.memory_space<hbm>> -> memref<24x80xi32, #tpu.memory_space<hbm>>
          %dma_wait3A_109 = arith.constant 0 : i32
          %dma_wait3A_110 = tpu.memref_slice %arg3[%run_scoped3A_85, %add3A, %mul3A_84, %dma_wait3A_109] : memref<2x32x144x80xi32, #tpu.memory_space<hbm>> -> memref<1x1x24x80xi32, #tpu.memory_space<hbm>>
          %dma_wait3A_111 = tpu.memref_squeeze %dma_wait3A_110 : memref<1x1x24x80xi32, #tpu.memory_space<hbm>> -> memref<24x80xi32, #tpu.memory_space<hbm>>
          tpu.wait_dma2 semaphore(%run_scoped3A_100 : memref<!tpu.dma_semaphore, #tpu.memory_space<semaphore_mem>>) src(%dma_wait3A_111 : memref<24x80xi32, #tpu.memory_space<hbm>>) dst(%arg6 : memref<24x80xi32, #tpu.memory_space<vmem>>)
          tpu.yield
        }) : () -> ()
        %dma_start3A_86 = arith.constant 0 : i32
        %dma_start3A_87 = arith.constant 0 : i32
        %dma_start3A_88 = tpu.memref_slice %arg5[%dma_start3A_86, %dma_start3A_87] : memref<24x80xi32, #tpu.memory_space<vmem>> -> memref<1x80xi32, #tpu.memory_space<vmem>>
        %dma_start3A_89 = tpu.memref_squeeze %dma_start3A_88 : memref<1x80xi32, #tpu.memory_space<vmem>> -> memref<80xi32, #tpu.memory_space<vmem>>
        %dma_start3A_90 = arith.constant 0 : i32
        %dma_start3A_91 = arith.constant 0 : i32
        %dma_start3A_92 = tpu.memref_slice %arg2[%dma_start3A_90, %dma_start3A_91] : memref<10000x128xf32, #tpu.memory_space<hbm>> -> memref<10000x128xf32, #tpu.memory_space<hbm>>
        tpu.enqueue_indirect_dma source(%dma_start3A_92 : memref<10000x128xf32, #tpu.memory_space<hbm>>) target(%arg7 : memref<80x128xf32, #tpu.memory_space<vmem>>) offsets(%dma_start3A_89 : memref<80xi32, #tpu.memory_space<vmem>>) semaphore(%arg12 : memref<!tpu.dma_semaphore, #tpu.memory_space<semaphore_mem>>)
        %dma_start3A_93 = arith.constant 1 : i32
        %dma_start3A_94 = arith.constant 0 : i32
        %dma_start3A_95 = tpu.memref_slice %arg5[%dma_start3A_93, %dma_start3A_94] : memref<24x80xi32, #tpu.memory_space<vmem>> -> memref<1x80xi32, #tpu.memory_space<vmem>>
        %dma_start3A_96 = tpu.memref_squeeze %dma_start3A_95 : memref<1x80xi32, #tpu.memory_space<vmem>> -> memref<80xi32, #tpu.memory_space<vmem>>
        %dma_start3A_97 = arith.constant 0 : i32
        %dma_start3A_98 = arith.constant 0 : i32
        %dma_start3A_99 = tpu.memref_slice %arg2[%dma_start3A_97, %dma_start3A_98] : memref<10000x128xf32, #tpu.memory_space<hbm>> -> memref<10000x128xf32, #tpu.memory_space<hbm>>
        tpu.enqueue_indirect_dma source(%dma_start3A_99 : memref<10000x128xf32, #tpu.memory_space<hbm>>) target(%arg8 : memref<80x128xf32, #tpu.memory_space<vmem>>) offsets(%dma_start3A_96 : memref<80xi32, #tpu.memory_space<vmem>>) semaphore(%arg13 : memref<!tpu.dma_semaphore, #tpu.memory_space<semaphore_mem>>)
      } else {
      }
      %scan3A_53 = arith.constant 0 : i32
      %scan3A_54 = arith.constant 0 : i32
      %scan3A_55 = arith.constant 8 : i32
      %scan3A_56 = arith.addi %scan3A_54, %scan3A_55 : i32
      %scan3A_57 = arith.constant 1 : i32
      scf.for %scan3A_80 = %scan3A_54 to %scan3A_56 step %scan3A_57  : i32 {
        %mul3A_81 = arith.constant 3 : i32
        %mul3A_82 = arith.muli %mul3A_81, %scan3A_80 : i32
        %add3A_83 = arith.constant 0 : i32
        %add3A_84 = arith.addi %mul3A_82, %add3A_83 : i32
        %add3A_85 = arith.constant 2 : i32
        %add3A_86 = arith.addi %add3A_84, %add3A_85 : i32
        %lt3A_87 = arith.constant 24 : i32
        %lt3A_88 = arith.cmpi slt, %add3A_86, %lt3A_87 : i32
        %ge3A = arith.constant 3 : i32
        %ge3A_89 = arith.cmpi sge, %add3A_86, %ge3A : i32
        %and3A = arith.andi %lt3A_88, %ge3A_89 : i1
        %add3A_90 = arith.addi %mul3A_48, %add3A_86 : i32
        %sub3A = arith.constant 3 : i32
        %sub3A_91 = arith.subi %add3A_90, %sub3A : i32
        %lt3A_92 = arith.constant 125 : i32
        %lt3A_93 = arith.cmpi slt, %sub3A_91, %lt3A_92 : i32
        %and3A_94 = arith.andi %and3A, %lt3A_93 : i1
        %convert_element_type3A_95 = arith.extui %and3A_94 : i1 to i32
        %cond3A_96 = arith.constant 0 : i32
        %cond3A_97 = arith.cmpi ne, %convert_element_type3A_95, %cond3A_96 : i32
        scf.if %cond3A_97 {
          %sub3A_183 = arith.constant 3 : i32
          %sub3A_184 = arith.subi %add3A_86, %sub3A_183 : i32
          %dma_wait3A = arith.constant 0 : i32
          %dma_wait3A_185 = tpu.memref_slice %arg6[%sub3A_184, %dma_wait3A] : memref<24x80xi32, #tpu.memory_space<vmem>> -> memref<1x80xi32, #tpu.memory_space<vmem>>
          %dma_wait3A_186 = tpu.memref_squeeze %dma_wait3A_185 : memref<1x80xi32, #tpu.memory_space<vmem>> -> memref<80xi32, #tpu.memory_space<vmem>>
          %dma_wait3A_187 = arith.constant 0 : i32
          %dma_wait3A_188 = arith.constant 0 : i32
          %dma_wait3A_189 = tpu.memref_slice %arg11[%dma_wait3A_187, %dma_wait3A_188] : memref<10240x128xf32, #tpu.memory_space<vmem_shared>> -> memref<10240x128xf32, #tpu.memory_space<vmem_shared>>
          tpu.wait_indirect_dma semaphore(%arg17 : memref<!tpu.dma_semaphore, #tpu.memory_space<semaphore_mem>>) src(%arg9 : memref<80x128xf32, #tpu.memory_space<vmem>>) dst(%dma_wait3A_189 : memref<10240x128xf32, #tpu.memory_space<vmem_shared>>)
        } else {
        }
        %lt3A_98 = arith.constant 24 : i32
        %lt3A_99 = arith.cmpi slt, %add3A_86, %lt3A_98 : i32
        %add3A_100 = arith.addi %mul3A_48, %add3A_86 : i32
        %lt3A_101 = arith.constant 125 : i32
        %lt3A_102 = arith.cmpi slt, %add3A_100, %lt3A_101 : i32
        %and3A_103 = arith.andi %lt3A_99, %lt3A_102 : i1
        %convert_element_type3A_104 = arith.extui %and3A_103 : i1 to i32
        %cond3A_105 = arith.constant 0 : i32
        %cond3A_106 = arith.cmpi ne, %convert_element_type3A_104, %cond3A_105 : i32
        scf.if %cond3A_106 {
          %dma_start3A_183 = arith.constant 0 : i32
          %dma_start3A_184 = tpu.memref_slice %arg5[%add3A_86, %dma_start3A_183] : memref<24x80xi32, #tpu.memory_space<vmem>> -> memref<1x80xi32, #tpu.memory_space<vmem>>
          %dma_start3A_185 = tpu.memref_squeeze %dma_start3A_184 : memref<1x80xi32, #tpu.memory_space<vmem>> -> memref<80xi32, #tpu.memory_space<vmem>>
          %dma_start3A_186 = arith.constant 0 : i32
          %dma_start3A_187 = arith.constant 0 : i32
          %dma_start3A_188 = tpu.memref_slice %arg2[%dma_start3A_186, %dma_start3A_187] : memref<10000x128xf32, #tpu.memory_space<hbm>> -> memref<10000x128xf32, #tpu.memory_space<hbm>>
          tpu.enqueue_indirect_dma source(%dma_start3A_188 : memref<10000x128xf32, #tpu.memory_space<hbm>>) target(%arg9 : memref<80x128xf32, #tpu.memory_space<vmem>>) offsets(%dma_start3A_185 : memref<80xi32, #tpu.memory_space<vmem>>) semaphore(%arg14 : memref<!tpu.dma_semaphore, #tpu.memory_space<semaphore_mem>>)
        } else {
        }
        %add3A_107 = arith.addi %mul3A_48, %add3A_84 : i32
        %lt3A_108 = arith.constant 125 : i32
        %lt3A_109 = arith.cmpi slt, %add3A_107, %lt3A_108 : i32
        %convert_element_type3A_110 = arith.extui %lt3A_109 : i1 to i32
        %cond3A_111 = arith.constant 0 : i32
        %cond3A_112 = arith.cmpi ne, %convert_element_type3A_110, %cond3A_111 : i32
        scf.if %cond3A_112 {
          %dma_wait3A = arith.constant 0 : i32
          %dma_wait3A_183 = tpu.memref_slice %arg5[%add3A_84, %dma_wait3A] : memref<24x80xi32, #tpu.memory_space<vmem>> -> memref<1x80xi32, #tpu.memory_space<vmem>>
          %dma_wait3A_184 = tpu.memref_squeeze %dma_wait3A_183 : memref<1x80xi32, #tpu.memory_space<vmem>> -> memref<80xi32, #tpu.memory_space<vmem>>
          %dma_wait3A_185 = arith.constant 0 : i32
          %dma_wait3A_186 = arith.constant 0 : i32
          %dma_wait3A_187 = tpu.memref_slice %arg2[%dma_wait3A_185, %dma_wait3A_186] : memref<10000x128xf32, #tpu.memory_space<hbm>> -> memref<10000x128xf32, #tpu.memory_space<hbm>>
          tpu.wait_indirect_dma semaphore(%arg12 : memref<!tpu.dma_semaphore, #tpu.memory_space<semaphore_mem>>) src(%dma_wait3A_187 : memref<10000x128xf32, #tpu.memory_space<hbm>>) dst(%arg7 : memref<80x128xf32, #tpu.memory_space<vmem>>)
          %dma_start3A_188 = arith.constant 0 : i32
          %dma_start3A_189 = tpu.memref_slice %arg6[%add3A_84, %dma_start3A_188] : memref<24x80xi32, #tpu.memory_space<vmem>> -> memref<1x80xi32, #tpu.memory_space<vmem>>
          %dma_start3A_190 = tpu.memref_squeeze %dma_start3A_189 : memref<1x80xi32, #tpu.memory_space<vmem>> -> memref<80xi32, #tpu.memory_space<vmem>>
          %dma_start3A_191 = arith.constant 0 : i32
          %dma_start3A_192 = arith.constant 0 : i32
          %dma_start3A_193 = tpu.memref_slice %arg11[%dma_start3A_191, %dma_start3A_192] : memref<10240x128xf32, #tpu.memory_space<vmem_shared>> -> memref<10240x128xf32, #tpu.memory_space<vmem_shared>>
          tpu.enqueue_indirect_dma source(%arg7 : memref<80x128xf32, #tpu.memory_space<vmem>>) target(%dma_start3A_193 : memref<10240x128xf32, #tpu.memory_space<vmem_shared>>) offsets(%dma_start3A_190 : memref<80xi32, #tpu.memory_space<vmem>>) semaphore(%arg15 : memref<!tpu.dma_semaphore, #tpu.memory_space<semaphore_mem>>) {add = true}
        } else {
        }
        %mul3A_113 = arith.constant 3 : i32
        %mul3A_114 = arith.muli %mul3A_113, %scan3A_80 : i32
        %add3A_115 = arith.constant 1 : i32
        %add3A_116 = arith.addi %mul3A_114, %add3A_115 : i32
        %add3A_117 = arith.constant 2 : i32
        %add3A_118 = arith.addi %add3A_116, %add3A_117 : i32
        %lt3A_119 = arith.constant 24 : i32
        %lt3A_120 = arith.cmpi slt, %add3A_118, %lt3A_119 : i32
        %ge3A_121 = arith.constant 3 : i32
        %ge3A_122 = arith.cmpi sge, %add3A_118, %ge3A_121 : i32
        %and3A_123 = arith.andi %lt3A_120, %ge3A_122 : i1
        %add3A_124 = arith.addi %mul3A_48, %add3A_118 : i32
        %sub3A_125 = arith.constant 3 : i32
        %sub3A_126 = arith.subi %add3A_124, %sub3A_125 : i32
        %lt3A_127 = arith.constant 125 : i32
        %lt3A_128 = arith.cmpi slt, %sub3A_126, %lt3A_127 : i32
        %and3A_129 = arith.andi %and3A_123, %lt3A_128 : i1
        %convert_element_type3A_130 = arith.extui %and3A_129 : i1 to i32
        %cond3A_131 = arith.constant 0 : i32
        %cond3A_132 = arith.cmpi ne, %convert_element_type3A_130, %cond3A_131 : i32
        scf.if %cond3A_132 {
          %sub3A_183 = arith.constant 3 : i32
          %sub3A_184 = arith.subi %add3A_118, %sub3A_183 : i32
          %dma_wait3A = arith.constant 0 : i32
          %dma_wait3A_185 = tpu.memref_slice %arg6[%sub3A_184, %dma_wait3A] : memref<24x80xi32, #tpu.memory_space<vmem>> -> memref<1x80xi32, #tpu.memory_space<vmem>>
          %dma_wait3A_186 = tpu.memref_squeeze %dma_wait3A_185 : memref<1x80xi32, #tpu.memory_space<vmem>> -> memref<80xi32, #tpu.memory_space<vmem>>
          %dma_wait3A_187 = arith.constant 0 : i32
          %dma_wait3A_188 = arith.constant 0 : i32
          %dma_wait3A_189 = tpu.memref_slice %arg11[%dma_wait3A_187, %dma_wait3A_188] : memref<10240x128xf32, #tpu.memory_space<vmem_shared>> -> memref<10240x128xf32, #tpu.memory_space<vmem_shared>>
          tpu.wait_indirect_dma semaphore(%arg15 : memref<!tpu.dma_semaphore, #tpu.memory_space<semaphore_mem>>) src(%arg7 : memref<80x128xf32, #tpu.memory_space<vmem>>) dst(%dma_wait3A_189 : memref<10240x128xf32, #tpu.memory_space<vmem_shared>>)
        } else {
        }
        %lt3A_133 = arith.constant 24 : i32
        %lt3A_134 = arith.cmpi slt, %add3A_118, %lt3A_133 : i32
        %add3A_135 = arith.addi %mul3A_48, %add3A_118 : i32
        %lt3A_136 = arith.constant 125 : i32
        %lt3A_137 = arith.cmpi slt, %add3A_135, %lt3A_136 : i32
        %and3A_138 = arith.andi %lt3A_134, %lt3A_137 : i1
        %convert_element_type3A_139 = arith.extui %and3A_138 : i1 to i32
        %cond3A_140 = arith.constant 0 : i32
        %cond3A_141 = arith.cmpi ne, %convert_element_type3A_139, %cond3A_140 : i32
        scf.if %cond3A_141 {
          %dma_start3A_183 = arith.constant 0 : i32
          %dma_start3A_184 = tpu.memref_slice %arg5[%add3A_118, %dma_start3A_183] : memref<24x80xi32, #tpu.memory_space<vmem>> -> memref<1x80xi32, #tpu.memory_space<vmem>>
          %dma_start3A_185 = tpu.memref_squeeze %dma_start3A_184 : memref<1x80xi32, #tpu.memory_space<vmem>> -> memref<80xi32, #tpu.memory_space<vmem>>
          %dma_start3A_186 = arith.constant 0 : i32
          %dma_start3A_187 = arith.constant 0 : i32
          %dma_start3A_188 = tpu.memref_slice %arg2[%dma_start3A_186, %dma_start3A_187] : memref<10000x128xf32, #tpu.memory_space<hbm>> -> memref<10000x128xf32, #tpu.memory_space<hbm>>
          tpu.enqueue_indirect_dma source(%dma_start3A_188 : memref<10000x128xf32, #tpu.memory_space<hbm>>) target(%arg7 : memref<80x128xf32, #tpu.memory_space<vmem>>) offsets(%dma_start3A_185 : memref<80xi32, #tpu.memory_space<vmem>>) semaphore(%arg12 : memref<!tpu.dma_semaphore, #tpu.memory_space<semaphore_mem>>)
        } else {
        }
        %add3A_142 = arith.addi %mul3A_48, %add3A_116 : i32
        %lt3A_143 = arith.constant 125 : i32
        %lt3A_144 = arith.cmpi slt, %add3A_142, %lt3A_143 : i32
        %convert_element_type3A_145 = arith.extui %lt3A_144 : i1 to i32
        %cond3A_146 = arith.constant 0 : i32
        %cond3A_147 = arith.cmpi ne, %convert_element_type3A_145, %cond3A_146 : i32
        scf.if %cond3A_147 {
          %dma_wait3A = arith.constant 0 : i32
          %dma_wait3A_183 = tpu.memref_slice %arg5[%add3A_116, %dma_wait3A] : memref<24x80xi32, #tpu.memory_space<vmem>> -> memref<1x80xi32, #tpu.memory_space<vmem>>
          %dma_wait3A_184 = tpu.memref_squeeze %dma_wait3A_183 : memref<1x80xi32, #tpu.memory_space<vmem>> -> memref<80xi32, #tpu.memory_space<vmem>>
          %dma_wait3A_185 = arith.constant 0 : i32
          %dma_wait3A_186 = arith.constant 0 : i32
          %dma_wait3A_187 = tpu.memref_slice %arg2[%dma_wait3A_185, %dma_wait3A_186] : memref<10000x128xf32, #tpu.memory_space<hbm>> -> memref<10000x128xf32, #tpu.memory_space<hbm>>
          tpu.wait_indirect_dma semaphore(%arg13 : memref<!tpu.dma_semaphore, #tpu.memory_space<semaphore_mem>>) src(%dma_wait3A_187 : memref<10000x128xf32, #tpu.memory_space<hbm>>) dst(%arg8 : memref<80x128xf32, #tpu.memory_space<vmem>>)
          %dma_start3A_188 = arith.constant 0 : i32
          %dma_start3A_189 = tpu.memref_slice %arg6[%add3A_116, %dma_start3A_188] : memref<24x80xi32, #tpu.memory_space<vmem>> -> memref<1x80xi32, #tpu.memory_space<vmem>>
          %dma_start3A_190 = tpu.memref_squeeze %dma_start3A_189 : memref<1x80xi32, #tpu.memory_space<vmem>> -> memref<80xi32, #tpu.memory_space<vmem>>
          %dma_start3A_191 = arith.constant 0 : i32
          %dma_start3A_192 = arith.constant 0 : i32
          %dma_start3A_193 = tpu.memref_slice %arg11[%dma_start3A_191, %dma_start3A_192] : memref<10240x128xf32, #tpu.memory_space<vmem_shared>> -> memref<10240x128xf32, #tpu.memory_space<vmem_shared>>
          tpu.enqueue_indirect_dma source(%arg8 : memref<80x128xf32, #tpu.memory_space<vmem>>) target(%dma_start3A_193 : memref<10240x128xf32, #tpu.memory_space<vmem_shared>>) offsets(%dma_start3A_190 : memref<80xi32, #tpu.memory_space<vmem>>) semaphore(%arg16 : memref<!tpu.dma_semaphore, #tpu.memory_space<semaphore_mem>>) {add = true}
        } else {
        }
        %mul3A_148 = arith.constant 3 : i32
        %mul3A_149 = arith.muli %mul3A_148, %scan3A_80 : i32
        %add3A_150 = arith.constant 2 : i32
        %add3A_151 = arith.addi %mul3A_149, %add3A_150 : i32
        %add3A_152 = arith.constant 2 : i32
        %add3A_153 = arith.addi %add3A_151, %add3A_152 : i32
        %lt3A_154 = arith.constant 24 : i32
        %lt3A_155 = arith.cmpi slt, %add3A_153, %lt3A_154 : i32
        %ge3A_156 = arith.constant 3 : i32
        %ge3A_157 = arith.cmpi sge, %add3A_153, %ge3A_156 : i32
        %and3A_158 = arith.andi %lt3A_155, %ge3A_157 : i1
        %add3A_159 = arith.addi %mul3A_48, %add3A_153 : i32
        %sub3A_160 = arith.constant 3 : i32
        %sub3A_161 = arith.subi %add3A_159, %sub3A_160 : i32
        %lt3A_162 = arith.constant 125 : i32
        %lt3A_163 = arith.cmpi slt, %sub3A_161, %lt3A_162 : i32
        %and3A_164 = arith.andi %and3A_158, %lt3A_163 : i1
        %convert_element_type3A_165 = arith.extui %and3A_164 : i1 to i32
        %cond3A_166 = arith.constant 0 : i32
        %cond3A_167 = arith.cmpi ne, %convert_element_type3A_165, %cond3A_166 : i32
        scf.if %cond3A_167 {
          %sub3A_183 = arith.constant 3 : i32
          %sub3A_184 = arith.subi %add3A_153, %sub3A_183 : i32
          %dma_wait3A = arith.constant 0 : i32
          %dma_wait3A_185 = tpu.memref_slice %arg6[%sub3A_184, %dma_wait3A] : memref<24x80xi32, #tpu.memory_space<vmem>> -> memref<1x80xi32, #tpu.memory_space<vmem>>
          %dma_wait3A_186 = tpu.memref_squeeze %dma_wait3A_185 : memref<1x80xi32, #tpu.memory_space<vmem>> -> memref<80xi32, #tpu.memory_space<vmem>>
          %dma_wait3A_187 = arith.constant 0 : i32
          %dma_wait3A_188 = arith.constant 0 : i32
          %dma_wait3A_189 = tpu.memref_slice %arg11[%dma_wait3A_187, %dma_wait3A_188] : memref<10240x128xf32, #tpu.memory_space<vmem_shared>> -> memref<10240x128xf32, #tpu.memory_space<vmem_shared>>
          tpu.wait_indirect_dma semaphore(%arg16 : memref<!tpu.dma_semaphore, #tpu.memory_space<semaphore_mem>>) src(%arg8 : memref<80x128xf32, #tpu.memory_space<vmem>>) dst(%dma_wait3A_189 : memref<10240x128xf32, #tpu.memory_space<vmem_shared>>)
        } else {
        }
        %lt3A_168 = arith.constant 24 : i32
        %lt3A_169 = arith.cmpi slt, %add3A_153, %lt3A_168 : i32
        %add3A_170 = arith.addi %mul3A_48, %add3A_153 : i32
        %lt3A_171 = arith.constant 125 : i32
        %lt3A_172 = arith.cmpi slt, %add3A_170, %lt3A_171 : i32
        %and3A_173 = arith.andi %lt3A_169, %lt3A_172 : i1
        %convert_element_type3A_174 = arith.extui %and3A_173 : i1 to i32
        %cond3A_175 = arith.constant 0 : i32
        %cond3A_176 = arith.cmpi ne, %convert_element_type3A_174, %cond3A_175 : i32
        scf.if %cond3A_176 {
          %dma_start3A_183 = arith.constant 0 : i32
          %dma_start3A_184 = tpu.memref_slice %arg5[%add3A_153, %dma_start3A_183] : memref<24x80xi32, #tpu.memory_space<vmem>> -> memref<1x80xi32, #tpu.memory_space<vmem>>
          %dma_start3A_185 = tpu.memref_squeeze %dma_start3A_184 : memref<1x80xi32, #tpu.memory_space<vmem>> -> memref<80xi32, #tpu.memory_space<vmem>>
          %dma_start3A_186 = arith.constant 0 : i32
          %dma_start3A_187 = arith.constant 0 : i32
          %dma_start3A_188 = tpu.memref_slice %arg2[%dma_start3A_186, %dma_start3A_187] : memref<10000x128xf32, #tpu.memory_space<hbm>> -> memref<10000x128xf32, #tpu.memory_space<hbm>>
          tpu.enqueue_indirect_dma source(%dma_start3A_188 : memref<10000x128xf32, #tpu.memory_space<hbm>>) target(%arg8 : memref<80x128xf32, #tpu.memory_space<vmem>>) offsets(%dma_start3A_185 : memref<80xi32, #tpu.memory_space<vmem>>) semaphore(%arg13 : memref<!tpu.dma_semaphore, #tpu.memory_space<semaphore_mem>>)
        } else {
        }
        %add3A_177 = arith.addi %mul3A_48, %add3A_151 : i32
        %lt3A_178 = arith.constant 125 : i32
        %lt3A_179 = arith.cmpi slt, %add3A_177, %lt3A_178 : i32
        %convert_element_type3A_180 = arith.extui %lt3A_179 : i1 to i32
        %cond3A_181 = arith.constant 0 : i32
        %cond3A_182 = arith.cmpi ne, %convert_element_type3A_180, %cond3A_181 : i32
        scf.if %cond3A_182 {
          %dma_wait3A = arith.constant 0 : i32
          %dma_wait3A_183 = tpu.memref_slice %arg5[%add3A_151, %dma_wait3A] : memref<24x80xi32, #tpu.memory_space<vmem>> -> memref<1x80xi32, #tpu.memory_space<vmem>>
          %dma_wait3A_184 = tpu.memref_squeeze %dma_wait3A_183 : memref<1x80xi32, #tpu.memory_space<vmem>> -> memref<80xi32, #tpu.memory_space<vmem>>
          %dma_wait3A_185 = arith.constant 0 : i32
          %dma_wait3A_186 = arith.constant 0 : i32
          %dma_wait3A_187 = tpu.memref_slice %arg2[%dma_wait3A_185, %dma_wait3A_186] : memref<10000x128xf32, #tpu.memory_space<hbm>> -> memref<10000x128xf32, #tpu.memory_space<hbm>>
          tpu.wait_indirect_dma semaphore(%arg14 : memref<!tpu.dma_semaphore, #tpu.memory_space<semaphore_mem>>) src(%dma_wait3A_187 : memref<10000x128xf32, #tpu.memory_space<hbm>>) dst(%arg9 : memref<80x128xf32, #tpu.memory_space<vmem>>)
          %dma_start3A_188 = arith.constant 0 : i32
          %dma_start3A_189 = tpu.memref_slice %arg6[%add3A_151, %dma_start3A_188] : memref<24x80xi32, #tpu.memory_space<vmem>> -> memref<1x80xi32, #tpu.memory_space<vmem>>
          %dma_start3A_190 = tpu.memref_squeeze %dma_start3A_189 : memref<1x80xi32, #tpu.memory_space<vmem>> -> memref<80xi32, #tpu.memory_space<vmem>>
          %dma_start3A_191 = arith.constant 0 : i32
          %dma_start3A_192 = arith.constant 0 : i32
          %dma_start3A_193 = tpu.memref_slice %arg11[%dma_start3A_191, %dma_start3A_192] : memref<10240x128xf32, #tpu.memory_space<vmem_shared>> -> memref<10240x128xf32, #tpu.memory_space<vmem_shared>>
          tpu.enqueue_indirect_dma source(%arg9 : memref<80x128xf32, #tpu.memory_space<vmem>>) target(%dma_start3A_193 : memref<10240x128xf32, #tpu.memory_space<vmem_shared>>) offsets(%dma_start3A_190 : memref<80xi32, #tpu.memory_space<vmem>>) semaphore(%arg17 : memref<!tpu.dma_semaphore, #tpu.memory_space<semaphore_mem>>) {add = true}
        } else {
        }
      }
      %scan3A_58 = arith.constant 8 : i32
      %add3A_59 = arith.constant 21 : i32
      %add3A_60 = arith.addi %mul3A_48, %add3A_59 : i32
      %lt3A_61 = arith.constant 125 : i32
      %lt3A_62 = arith.cmpi slt, %add3A_60, %lt3A_61 : i32
      %convert_element_type3A_63 = arith.extui %lt3A_62 : i1 to i32
      %cond3A_64 = arith.constant 0 : i32
      %cond3A_65 = arith.cmpi ne, %convert_element_type3A_63, %cond3A_64 : i32
      scf.if %cond3A_65 {
        %dma_wait3A = arith.constant 21 : i32
        %dma_wait3A_80 = arith.constant 0 : i32
        %dma_wait3A_81 = tpu.memref_slice %arg6[%dma_wait3A, %dma_wait3A_80] : memref<24x80xi32, #tpu.memory_space<vmem>> -> memref<1x80xi32, #tpu.memory_space<vmem>>
        %dma_wait3A_82 = tpu.memref_squeeze %dma_wait3A_81 : memref<1x80xi32, #tpu.memory_space<vmem>> -> memref<80xi32, #tpu.memory_space<vmem>>
        %dma_wait3A_83 = arith.constant 0 : i32
        %dma_wait3A_84 = arith.constant 0 : i32
        %dma_wait3A_85 = tpu.memref_slice %arg11[%dma_wait3A_83, %dma_wait3A_84] : memref<10240x128xf32, #tpu.memory_space<vmem_shared>> -> memref<10240x128xf32, #tpu.memory_space<vmem_shared>>
        tpu.wait_indirect_dma semaphore(%arg15 : memref<!tpu.dma_semaphore, #tpu.memory_space<semaphore_mem>>) src(%arg7 : memref<80x128xf32, #tpu.memory_space<vmem>>) dst(%dma_wait3A_85 : memref<10240x128xf32, #tpu.memory_space<vmem_shared>>)
      } else {
      }
      %add3A_66 = arith.constant 22 : i32
      %add3A_67 = arith.addi %mul3A_48, %add3A_66 : i32
      %lt3A_68 = arith.constant 125 : i32
      %lt3A_69 = arith.cmpi slt, %add3A_67, %lt3A_68 : i32
      %convert_element_type3A_70 = arith.extui %lt3A_69 : i1 to i32
      %cond3A_71 = arith.constant 0 : i32
      %cond3A_72 = arith.cmpi ne, %convert_element_type3A_70, %cond3A_71 : i32
      scf.if %cond3A_72 {
        %dma_wait3A = arith.constant 22 : i32
        %dma_wait3A_80 = arith.constant 0 : i32
        %dma_wait3A_81 = tpu.memref_slice %arg6[%dma_wait3A, %dma_wait3A_80] : memref<24x80xi32, #tpu.memory_space<vmem>> -> memref<1x80xi32, #tpu.memory_space<vmem>>
        %dma_wait3A_82 = tpu.memref_squeeze %dma_wait3A_81 : memref<1x80xi32, #tpu.memory_space<vmem>> -> memref<80xi32, #tpu.memory_space<vmem>>
        %dma_wait3A_83 = arith.constant 0 : i32
        %dma_wait3A_84 = arith.constant 0 : i32
        %dma_wait3A_85 = tpu.memref_slice %arg11[%dma_wait3A_83, %dma_wait3A_84] : memref<10240x128xf32, #tpu.memory_space<vmem_shared>> -> memref<10240x128xf32, #tpu.memory_space<vmem_shared>>
        tpu.wait_indirect_dma semaphore(%arg16 : memref<!tpu.dma_semaphore, #tpu.memory_space<semaphore_mem>>) src(%arg8 : memref<80x128xf32, #tpu.memory_space<vmem>>) dst(%dma_wait3A_85 : memref<10240x128xf32, #tpu.memory_space<vmem_shared>>)
      } else {
      }
      %add3A_73 = arith.constant 23 : i32
      %add3A_74 = arith.addi %mul3A_48, %add3A_73 : i32
      %lt3A_75 = arith.constant 125 : i32
      %lt3A_76 = arith.cmpi slt, %add3A_74, %lt3A_75 : i32
      %convert_element_type3A_77 = arith.extui %lt3A_76 : i1 to i32
      %cond3A_78 = arith.constant 0 : i32
      %cond3A_79 = arith.cmpi ne, %convert_element_type3A_77, %cond3A_78 : i32
      scf.if %cond3A_79 {
        %dma_wait3A = arith.constant 23 : i32
        %dma_wait3A_80 = arith.constant 0 : i32
        %dma_wait3A_81 = tpu.memref_slice %arg6[%dma_wait3A, %dma_wait3A_80] : memref<24x80xi32, #tpu.memory_space<vmem>> -> memref<1x80xi32, #tpu.memory_space<vmem>>
        %dma_wait3A_82 = tpu.memref_squeeze %dma_wait3A_81 : memref<1x80xi32, #tpu.memory_space<vmem>> -> memref<80xi32, #tpu.memory_space<vmem>>
        %dma_wait3A_83 = arith.constant 0 : i32
        %dma_wait3A_84 = arith.constant 0 : i32
        %dma_wait3A_85 = tpu.memref_slice %arg11[%dma_wait3A_83, %dma_wait3A_84] : memref<10240x128xf32, #tpu.memory_space<vmem_shared>> -> memref<10240x128xf32, #tpu.memory_space<vmem_shared>>
        tpu.wait_indirect_dma semaphore(%arg17 : memref<!tpu.dma_semaphore, #tpu.memory_space<semaphore_mem>>) src(%arg9 : memref<80x128xf32, #tpu.memory_space<vmem>>) dst(%dma_wait3A_85 : memref<10240x128xf32, #tpu.memory_space<vmem_shared>>)
      } else {
      }
    }
    %scan3A_38 = arith.constant 6 : i32
    %barrier3A_39 = arith.constant 0 : index
    tpu.barrier barrier_id(%barrier3A_39)
    %lt3A = arith.constant 15 : i32
    %lt3A_40 = arith.cmpi slt, %arg1, %lt3A : i32
    %convert_element_type3A = arith.extui %lt3A_40 : i1 to i32
    %cond3A = arith.constant 0 : i32
    %cond3A_41 = arith.cmpi ne, %convert_element_type3A, %cond3A : i32
    scf.if %cond3A_41 {
      %mul3A_46 = arith.constant 640 : i32
      %mul3A_47 = arith.muli %arg1, %mul3A_46 : i32
      %mul3A_48 = arith.constant 10000 : i32
      %mul3A_49 = arith.muli %arg0, %mul3A_48 : i32
      %mul3A_50 = arith.constant 640 : i32
      %mul3A_51 = arith.muli %arg1, %mul3A_50 : i32
      %add3A_52 = arith.addi %mul3A_49, %mul3A_51 : i32
      "tpu.region"() ({
        %run_scoped3A_53 = tpu.sem_alloc : memref<!tpu.dma_semaphore, #tpu.memory_space<semaphore_mem>>
        %dma_start3A_54 = arith.constant 0 : i32
        %dma_start3A_55 = tpu.memref_slice %arg4[%add3A_52, %dma_start3A_54] : memref<20000x128xf32, #tpu.memory_space<hbm>> -> memref<640x128xf32, #tpu.memory_space<hbm>>
        %dma_start3A_56 = arith.constant 0 : i32
        %dma_start3A_57 = tpu.memref_slice %arg11[%mul3A_47, %dma_start3A_56] : memref<10240x128xf32, #tpu.memory_space<vmem_shared>> -> memref<640x128xf32, #tpu.memory_space<vmem_shared>>
        tpu.enqueue_dma source(%dma_start3A_57 : memref<640x128xf32, #tpu.memory_space<vmem_shared>>) target(%dma_start3A_55 : memref<640x128xf32, #tpu.memory_space<hbm>>) target_semaphore(%run_scoped3A_53 : memref<!tpu.dma_semaphore, #tpu.memory_space<semaphore_mem>>)
        %dma_wait3A = arith.constant 0 : i32
        %dma_wait3A_58 = tpu.memref_slice %arg4[%add3A_52, %dma_wait3A] : memref<20000x128xf32, #tpu.memory_space<hbm>> -> memref<640x128xf32, #tpu.memory_space<hbm>>
        %dma_wait3A_59 = arith.constant 0 : i32
        %dma_wait3A_60 = tpu.memref_slice %arg11[%mul3A_47, %dma_wait3A_59] : memref<10240x128xf32, #tpu.memory_space<vmem_shared>> -> memref<640x128xf32, #tpu.memory_space<vmem_shared>>
        tpu.wait_dma2 semaphore(%run_scoped3A_53 : memref<!tpu.dma_semaphore, #tpu.memory_space<semaphore_mem>>) src(%dma_wait3A_60 : memref<640x128xf32, #tpu.memory_space<vmem_shared>>) dst(%dma_wait3A_58 : memref<640x128xf32, #tpu.memory_space<hbm>>)
        tpu.yield
      }) : () -> ()
    } else {
    }
    %eq3A = arith.constant 15 : i32
    %eq3A_42 = arith.cmpi eq, %arg1, %eq3A : i32
    %convert_element_type3A_43 = arith.extui %eq3A_42 : i1 to i32
    %cond3A_44 = arith.constant 0 : i32
    %cond3A_45 = arith.cmpi ne, %convert_element_type3A_43, %cond3A_44 : i32
    scf.if %cond3A_45 {
      %mul3A_46 = arith.constant 10000 : i32
      %mul3A_47 = arith.muli %arg0, %mul3A_46 : i32
      %add3A_48 = arith.constant 9600 : i32
      %add3A_49 = arith.addi %mul3A_47, %add3A_48 : i32
      "tpu.region"() ({
        %run_scoped3A_50 = tpu.sem_alloc : memref<!tpu.dma_semaphore, #tpu.memory_space<semaphore_mem>>
        %dma_start3A_51 = arith.constant 0 : i32
        %dma_start3A_52 = tpu.memref_slice %arg4[%add3A_49, %dma_start3A_51] : memref<20000x128xf32, #tpu.memory_space<hbm>> -> memref<400x128xf32, #tpu.memory_space<hbm>>
        %dma_start3A_53 = arith.constant 9600 : i32
        %dma_start3A_54 = arith.constant 0 : i32
        %dma_start3A_55 = tpu.memref_slice %arg11[%dma_start3A_53, %dma_start3A_54] : memref<10240x128xf32, #tpu.memory_space<vmem_shared>> -> memref<400x128xf32, #tpu.memory_space<vmem_shared>>
        tpu.enqueue_dma source(%dma_start3A_55 : memref<400x128xf32, #tpu.memory_space<vmem_shared>>) target(%dma_start3A_52 : memref<400x128xf32, #tpu.memory_space<hbm>>) target_semaphore(%run_scoped3A_50 : memref<!tpu.dma_semaphore, #tpu.memory_space<semaphore_mem>>)
        %dma_wait3A = arith.constant 0 : i32
        %dma_wait3A_56 = tpu.memref_slice %arg4[%add3A_49, %dma_wait3A] : memref<20000x128xf32, #tpu.memory_space<hbm>> -> memref<400x128xf32, #tpu.memory_space<hbm>>
        %dma_wait3A_57 = arith.constant 9600 : i32
        %dma_wait3A_58 = arith.constant 0 : i32
        %dma_wait3A_59 = tpu.memref_slice %arg11[%dma_wait3A_57, %dma_wait3A_58] : memref<10240x128xf32, #tpu.memory_space<vmem_shared>> -> memref<400x128xf32, #tpu.memory_space<vmem_shared>>
        tpu.wait_dma2 semaphore(%run_scoped3A_50 : memref<!tpu.dma_semaphore, #tpu.memory_space<semaphore_mem>>) src(%dma_wait3A_59 : memref<400x128xf32, #tpu.memory_space<vmem_shared>>) dst(%dma_wait3A_56 : memref<400x128xf32, #tpu.memory_space<hbm>>)
        tpu.yield
      }) : () -> ()
    } else {
    }
    return
  }
}

#map = affine_map<(d0, d1) -> (0, 0)>
#map1 = affine_map<(d0, d1) -> (0, 0, 0, 0)>
module attributes {stable_mosaic.version = 14 : i64} {
  func.func @_sc_agg2_body(%arg0: i32, %arg1: i32, %arg2: memref<10000x128xf32, #tpu.memory_space<hbm>>, %arg3: memref<10000x128xf32, #tpu.memory_space<hbm>>, %arg4: memref<2x32x144x80xi32, #tpu.memory_space<hbm>>, %arg5: memref<20000x128xf32, #tpu.memory_space<hbm>>, %arg6: memref<24x80xi32, #tpu.memory_space<vmem>>, %arg7: memref<24x80xi32, #tpu.memory_space<vmem>>, %arg8: memref<80x128xf32, #tpu.memory_space<vmem>>, %arg9: memref<80x128xf32, #tpu.memory_space<vmem>>, %arg10: memref<80x128xf32, #tpu.memory_space<vmem>>, %arg11: memref<8x128xf32, #tpu.memory_space<vmem>>, %arg12: memref<10240x128xf32, #tpu.memory_space<vmem_shared>>, %arg13: memref<!tpu.dma_semaphore, #tpu.memory_space<semaphore_mem>>, %arg14: memref<!tpu.dma_semaphore, #tpu.memory_space<semaphore_mem>>, %arg15: memref<!tpu.dma_semaphore, #tpu.memory_space<semaphore_mem>>, %arg16: memref<!tpu.dma_semaphore, #tpu.memory_space<semaphore_mem>>, %arg17: memref<!tpu.dma_semaphore, #tpu.memory_space<semaphore_mem>>, %arg18: memref<!tpu.dma_semaphore, #tpu.memory_space<semaphore_mem>>) attributes {dimension_semantics = [#tpu.dimension_semantics<core_parallel>, #tpu.dimension_semantics<subcore_parallel>], iteration_bounds = array<i64: 2, 16>, scalar_prefetch = 0 : i64, scratch_operands = 13 : i64, tpu.core_type = #tpu.core_type<sc_vector_subcore>, window_params = [{transform_indices = #map}, {transform_indices = #map}, {transform_indices = #map1}, {transform_indices = #map}]} {
    %broadcast_in_dim3A = arith.constant 0.000000e+00 : f32
    %broadcast_in_dim3A_0 = vector.broadcast %broadcast_in_dim3A : f32 to vector<16xf32>
    %scan3A = arith.constant 0 : i32
    %scan3A_1 = arith.constant 0 : i32
    %scan3A_2 = arith.constant 8 : i32
    %scan3A_3 = arith.addi %scan3A_1, %scan3A_2 : i32
    %scan3A_4 = arith.constant 1 : i32
    scf.for %scan3A_45 = %scan3A_1 to %scan3A_3 step %scan3A_4  : i32 {
      %swap3A = arith.index_cast %scan3A_45 : i32 to index
      %swap3A_46 = arith.constant 0 : index
      %swap3A_47 = tpu.vector_load %arg11[%swap3A, %swap3A_46] {strides = array<i32>} : memref<8x128xf32, #tpu.memory_space<vmem>>, vector<1x16xf32>,
      %swap3A_48 = vector.shape_cast %swap3A_47 : vector<1x16xf32> to vector<16xf32>
      %swap3A_49 = vector.shape_cast %broadcast_in_dim3A_0 : vector<16xf32> to vector<1x16xf32>
      tpu.vector_store %arg11[%swap3A, %swap3A_46], %swap3A_49 {strides = array<i32>} : memref<8x128xf32, #tpu.memory_space<vmem>>, vector<1x16xf32>,
      %swap3A_50 = arith.index_cast %scan3A_45 : i32 to index
      %swap3A_51 = arith.constant 16 : index
      %swap3A_52 = tpu.vector_load %arg11[%swap3A_50, %swap3A_51] {strides = array<i32>} : memref<8x128xf32, #tpu.memory_space<vmem>>, vector<1x16xf32>,
      %swap3A_53 = vector.shape_cast %swap3A_52 : vector<1x16xf32> to vector<16xf32>
      %swap3A_54 = vector.shape_cast %broadcast_in_dim3A_0 : vector<16xf32> to vector<1x16xf32>
      tpu.vector_store %arg11[%swap3A_50, %swap3A_51], %swap3A_54 {strides = array<i32>} : memref<8x128xf32, #tpu.memory_space<vmem>>, vector<1x16xf32>,
      %swap3A_55 = arith.index_cast %scan3A_45 : i32 to index
      %swap3A_56 = arith.constant 32 : index
      %swap3A_57 = tpu.vector_load %arg11[%swap3A_55, %swap3A_56] {strides = array<i32>} : memref<8x128xf32, #tpu.memory_space<vmem>>, vector<1x16xf32>,
      %swap3A_58 = vector.shape_cast %swap3A_57 : vector<1x16xf32> to vector<16xf32>
      %swap3A_59 = vector.shape_cast %broadcast_in_dim3A_0 : vector<16xf32> to vector<1x16xf32>
      tpu.vector_store %arg11[%swap3A_55, %swap3A_56], %swap3A_59 {strides = array<i32>} : memref<8x128xf32, #tpu.memory_space<vmem>>, vector<1x16xf32>,
      %swap3A_60 = arith.index_cast %scan3A_45 : i32 to index
      %swap3A_61 = arith.constant 48 : index
      %swap3A_62 = tpu.vector_load %arg11[%swap3A_60, %swap3A_61] {strides = array<i32>} : memref<8x128xf32, #tpu.memory_space<vmem>>, vector<1x16xf32>,
      %swap3A_63 = vector.shape_cast %swap3A_62 : vector<1x16xf32> to vector<16xf32>
      %swap3A_64 = vector.shape_cast %broadcast_in_dim3A_0 : vector<16xf32> to vector<1x16xf32>
      tpu.vector_store %arg11[%swap3A_60, %swap3A_61], %swap3A_64 {strides = array<i32>} : memref<8x128xf32, #tpu.memory_space<vmem>>, vector<1x16xf32>,
      %swap3A_65 = arith.index_cast %scan3A_45 : i32 to index
      %swap3A_66 = arith.constant 64 : index
      %swap3A_67 = tpu.vector_load %arg11[%swap3A_65, %swap3A_66] {strides = array<i32>} : memref<8x128xf32, #tpu.memory_space<vmem>>, vector<1x16xf32>,
      %swap3A_68 = vector.shape_cast %swap3A_67 : vector<1x16xf32> to vector<16xf32>
      %swap3A_69 = vector.shape_cast %broadcast_in_dim3A_0 : vector<16xf32> to vector<1x16xf32>
      tpu.vector_store %arg11[%swap3A_65, %swap3A_66], %swap3A_69 {strides = array<i32>} : memref<8x128xf32, #tpu.memory_space<vmem>>, vector<1x16xf32>,
      %swap3A_70 = arith.index_cast %scan3A_45 : i32 to index
      %swap3A_71 = arith.constant 80 : index
      %swap3A_72 = tpu.vector_load %arg11[%swap3A_70, %swap3A_71] {strides = array<i32>} : memref<8x128xf32, #tpu.memory_space<vmem>>, vector<1x16xf32>,
      %swap3A_73 = vector.shape_cast %swap3A_72 : vector<1x16xf32> to vector<16xf32>
      %swap3A_74 = vector.shape_cast %broadcast_in_dim3A_0 : vector<16xf32> to vector<1x16xf32>
      tpu.vector_store %arg11[%swap3A_70, %swap3A_71], %swap3A_74 {strides = array<i32>} : memref<8x128xf32, #tpu.memory_space<vmem>>, vector<1x16xf32>,
      %swap3A_75 = arith.index_cast %scan3A_45 : i32 to index
      %swap3A_76 = arith.constant 96 : index
      %swap3A_77 = tpu.vector_load %arg11[%swap3A_75, %swap3A_76] {strides = array<i32>} : memref<8x128xf32, #tpu.memory_space<vmem>>, vector<1x16xf32>,
      %swap3A_78 = vector.shape_cast %swap3A_77 : vector<1x16xf32> to vector<16xf32>
      %swap3A_79 = vector.shape_cast %broadcast_in_dim3A_0 : vector<16xf32> to vector<1x16xf32>
      tpu.vector_store %arg11[%swap3A_75, %swap3A_76], %swap3A_79 {strides = array<i32>} : memref<8x128xf32, #tpu.memory_space<vmem>>, vector<1x16xf32>,
      %swap3A_80 = arith.index_cast %scan3A_45 : i32 to index
      %swap3A_81 = arith.constant 112 : index
      %swap3A_82 = tpu.vector_load %arg11[%swap3A_80, %swap3A_81] {strides = array<i32>} : memref<8x128xf32, #tpu.memory_space<vmem>>, vector<1x16xf32>,
      %swap3A_83 = vector.shape_cast %swap3A_82 : vector<1x16xf32> to vector<16xf32>
      %swap3A_84 = vector.shape_cast %broadcast_in_dim3A_0 : vector<16xf32> to vector<1x16xf32>
      tpu.vector_store %arg11[%swap3A_80, %swap3A_81], %swap3A_84 {strides = array<i32>} : memref<8x128xf32, #tpu.memory_space<vmem>>, vector<1x16xf32>,
    }
    %scan3A_5 = arith.constant 8 : i32
    %scan3A_6 = arith.constant 0 : i32
    %scan3A_7 = arith.constant 0 : i32
    %scan3A_8 = arith.constant 80 : i32
    %scan3A_9 = arith.addi %scan3A_7, %scan3A_8 : i32
    %scan3A_10 = arith.constant 1 : i32
    scf.for %scan3A_45 = %scan3A_7 to %scan3A_9 step %scan3A_10  : i32 {
      %mul3A = arith.constant 640 : i32
      %mul3A_46 = arith.muli %arg1, %mul3A : i32
      %mul3A_47 = arith.constant 8 : i32
      %mul3A_48 = arith.muli %scan3A_45, %mul3A_47 : i32
      %add3A = arith.addi %mul3A_46, %mul3A_48 : i32
      %dma_start3A = arith.constant 0 : i32
      %dma_start3A_49 = tpu.memref_slice %arg12[%add3A, %dma_start3A] : memref<10240x128xf32, #tpu.memory_space<vmem_shared>> -> memref<8x128xf32, #tpu.memory_space<vmem_shared>>
      %dma_start3A_50 = arith.constant 0 : i32
      %dma_start3A_51 = tpu.memref_slice %arg12[%add3A, %dma_start3A_50] : memref<10240x128xf32, #tpu.memory_space<vmem_shared>> -> memref<8x128xf32, #tpu.memory_space<vmem_shared>>
      tpu.enqueue_dma source(%arg11 : memref<8x128xf32, #tpu.memory_space<vmem>>) target(%dma_start3A_51 : memref<8x128xf32, #tpu.memory_space<vmem_shared>>) target_semaphore(%arg16 : memref<!tpu.dma_semaphore, #tpu.memory_space<semaphore_mem>>)
    }
    %scan3A_11 = arith.constant 80 : i32
    %eq3A = arith.constant 0 : i32
    %eq3A_12 = arith.cmpi eq, %arg0, %eq3A : i32
    %convert_element_type3A = arith.extui %eq3A_12 : i1 to i32
    %cond3A = arith.constant 0 : i32
    %cond3A_13 = arith.cmpi ne, %convert_element_type3A, %cond3A : i32
    scf.if %cond3A_13 {
      %mul3A = arith.constant 2 : i32
      %mul3A_45 = arith.muli %mul3A, %arg1 : i32
      %run_scoped3A = arith.constant 0 : i32
      "tpu.region"() ({
        %run_scoped3A_60 = tpu.sem_alloc : memref<!tpu.dma_semaphore, #tpu.memory_space<semaphore_mem>>
        %dma_start3A_61 = arith.constant 0 : i32
        %dma_start3A_62 = arith.constant 0 : i32
        %dma_start3A_63 = tpu.memref_slice %arg4[%run_scoped3A, %mul3A_45, %dma_start3A_61, %dma_start3A_62] : memref<2x32x144x80xi32, #tpu.memory_space<hbm>> -> memref<1x1x24x80xi32, #tpu.memory_space<hbm>>
        %dma_start3A_64 = tpu.memref_squeeze %dma_start3A_63 : memref<1x1x24x80xi32, #tpu.memory_space<hbm>> -> memref<24x80xi32, #tpu.memory_space<hbm>>
        %dma_start3A_65 = arith.constant 0 : i32
        %dma_start3A_66 = arith.constant 0 : i32
        %dma_start3A_67 = tpu.memref_slice %arg4[%run_scoped3A, %mul3A_45, %dma_start3A_65, %dma_start3A_66] : memref<2x32x144x80xi32, #tpu.memory_space<hbm>> -> memref<1x1x24x80xi32, #tpu.memory_space<hbm>>
        %dma_start3A_68 = tpu.memref_squeeze %dma_start3A_67 : memref<1x1x24x80xi32, #tpu.memory_space<hbm>> -> memref<24x80xi32, #tpu.memory_space<hbm>>
        tpu.enqueue_dma source(%dma_start3A_68 : memref<24x80xi32, #tpu.memory_space<hbm>>) target(%arg6 : memref<24x80xi32, #tpu.memory_space<vmem>>) target_semaphore(%run_scoped3A_60 : memref<!tpu.dma_semaphore, #tpu.memory_space<semaphore_mem>>)
        %dma_wait3A = arith.constant 0 : i32
        %dma_wait3A_69 = arith.constant 0 : i32
        %dma_wait3A_70 = tpu.memref_slice %arg4[%run_scoped3A, %mul3A_45, %dma_wait3A, %dma_wait3A_69] : memref<2x32x144x80xi32, #tpu.memory_space<hbm>> -> memref<1x1x24x80xi32, #tpu.memory_space<hbm>>
        %dma_wait3A_71 = tpu.memref_squeeze %dma_wait3A_70 : memref<1x1x24x80xi32, #tpu.memory_space<hbm>> -> memref<24x80xi32, #tpu.memory_space<hbm>>
        %dma_wait3A_72 = arith.constant 0 : i32
        %dma_wait3A_73 = arith.constant 0 : i32
        %dma_wait3A_74 = tpu.memref_slice %arg4[%run_scoped3A, %mul3A_45, %dma_wait3A_72, %dma_wait3A_73] : memref<2x32x144x80xi32, #tpu.memory_space<hbm>> -> memref<1x1x24x80xi32, #tpu.memory_space<hbm>>
        %dma_wait3A_75 = tpu.memref_squeeze %dma_wait3A_74 : memref<1x1x24x80xi32, #tpu.memory_space<hbm>> -> memref<24x80xi32, #tpu.memory_space<hbm>>
        tpu.wait_dma2 semaphore(%run_scoped3A_60 : memref<!tpu.dma_semaphore, #tpu.memory_space<semaphore_mem>>) src(%dma_wait3A_75 : memref<24x80xi32, #tpu.memory_space<hbm>>) dst(%arg6 : memref<24x80xi32, #tpu.memory_space<vmem>>)
        tpu.yield
      }) : () -> ()
      %run_scoped3A_46 = arith.constant 1 : i32
      "tpu.region"() ({
        %run_scoped3A_60 = tpu.sem_alloc : memref<!tpu.dma_semaphore, #tpu.memory_space<semaphore_mem>>
        %dma_start3A_61 = arith.constant 0 : i32
        %dma_start3A_62 = arith.constant 0 : i32
        %dma_start3A_63 = tpu.memref_slice %arg4[%run_scoped3A_46, %mul3A_45, %dma_start3A_61, %dma_start3A_62] : memref<2x32x144x80xi32, #tpu.memory_space<hbm>> -> memref<1x1x24x80xi32, #tpu.memory_space<hbm>>
        %dma_start3A_64 = tpu.memref_squeeze %dma_start3A_63 : memref<1x1x24x80xi32, #tpu.memory_space<hbm>> -> memref<24x80xi32, #tpu.memory_space<hbm>>
        %dma_start3A_65 = arith.constant 0 : i32
        %dma_start3A_66 = arith.constant 0 : i32
        %dma_start3A_67 = tpu.memref_slice %arg4[%run_scoped3A_46, %mul3A_45, %dma_start3A_65, %dma_start3A_66] : memref<2x32x144x80xi32, #tpu.memory_space<hbm>> -> memref<1x1x24x80xi32, #tpu.memory_space<hbm>>
        %dma_start3A_68 = tpu.memref_squeeze %dma_start3A_67 : memref<1x1x24x80xi32, #tpu.memory_space<hbm>> -> memref<24x80xi32, #tpu.memory_space<hbm>>
        tpu.enqueue_dma source(%dma_start3A_68 : memref<24x80xi32, #tpu.memory_space<hbm>>) target(%arg7 : memref<24x80xi32, #tpu.memory_space<vmem>>) target_semaphore(%run_scoped3A_60 : memref<!tpu.dma_semaphore, #tpu.memory_space<semaphore_mem>>)
        %dma_wait3A = arith.constant 0 : i32
        %dma_wait3A_69 = arith.constant 0 : i32
        %dma_wait3A_70 = tpu.memref_slice %arg4[%run_scoped3A_46, %mul3A_45, %dma_wait3A, %dma_wait3A_69] : memref<2x32x144x80xi32, #tpu.memory_space<hbm>> -> memref<1x1x24x80xi32, #tpu.memory_space<hbm>>
        %dma_wait3A_71 = tpu.memref_squeeze %dma_wait3A_70 : memref<1x1x24x80xi32, #tpu.memory_space<hbm>> -> memref<24x80xi32, #tpu.memory_space<hbm>>
        %dma_wait3A_72 = arith.constant 0 : i32
        %dma_wait3A_73 = arith.constant 0 : i32
        %dma_wait3A_74 = tpu.memref_slice %arg4[%run_scoped3A_46, %mul3A_45, %dma_wait3A_72, %dma_wait3A_73] : memref<2x32x144x80xi32, #tpu.memory_space<hbm>> -> memref<1x1x24x80xi32, #tpu.memory_space<hbm>>
        %dma_wait3A_75 = tpu.memref_squeeze %dma_wait3A_74 : memref<1x1x24x80xi32, #tpu.memory_space<hbm>> -> memref<24x80xi32, #tpu.memory_space<hbm>>
        tpu.wait_dma2 semaphore(%run_scoped3A_60 : memref<!tpu.dma_semaphore, #tpu.memory_space<semaphore_mem>>) src(%dma_wait3A_75 : memref<24x80xi32, #tpu.memory_space<hbm>>) dst(%arg7 : memref<24x80xi32, #tpu.memory_space<vmem>>)
        tpu.yield
      }) : () -> ()
      %dma_start3A = arith.constant 0 : i32
      %dma_start3A_47 = arith.constant 0 : i32
      %dma_start3A_48 = tpu.memref_slice %arg6[%dma_start3A, %dma_start3A_47] : memref<24x80xi32, #tpu.memory_space<vmem>> -> memref<1x80xi32, #tpu.memory_space<vmem>>
      %dma_start3A_49 = tpu.memref_squeeze %dma_start3A_48 : memref<1x80xi32, #tpu.memory_space<vmem>> -> memref<80xi32, #tpu.memory_space<vmem>>
      %dma_start3A_50 = arith.constant 0 : i32
      %dma_start3A_51 = arith.constant 0 : i32
      %dma_start3A_52 = tpu.memref_slice %arg2[%dma_start3A_50, %dma_start3A_51] : memref<10000x128xf32, #tpu.memory_space<hbm>> -> memref<10000x128xf32, #tpu.memory_space<hbm>>
      tpu.enqueue_indirect_dma source(%dma_start3A_52 : memref<10000x128xf32, #tpu.memory_space<hbm>>) target(%arg8 : memref<80x128xf32, #tpu.memory_space<vmem>>) offsets(%dma_start3A_49 : memref<80xi32, #tpu.memory_space<vmem>>) semaphore(%arg13 : memref<!tpu.dma_semaphore, #tpu.memory_space<semaphore_mem>>)
      %dma_start3A_53 = arith.constant 1 : i32
      %dma_start3A_54 = arith.constant 0 : i32
      %dma_start3A_55 = tpu.memref_slice %arg6[%dma_start3A_53, %dma_start3A_54] : memref<24x80xi32, #tpu.memory_space<vmem>> -> memref<1x80xi32, #tpu.memory_space<vmem>>
      %dma_start3A_56 = tpu.memref_squeeze %dma_start3A_55 : memref<1x80xi32, #tpu.memory_space<vmem>> -> memref<80xi32, #tpu.memory_space<vmem>>
      %dma_start3A_57 = arith.constant 0 : i32
      %dma_start3A_58 = arith.constant 0 : i32
      %dma_start3A_59 = tpu.memref_slice %arg2[%dma_start3A_57, %dma_start3A_58] : memref<10000x128xf32, #tpu.memory_space<hbm>> -> memref<10000x128xf32, #tpu.memory_space<hbm>>
      tpu.enqueue_indirect_dma source(%dma_start3A_59 : memref<10000x128xf32, #tpu.memory_space<hbm>>) target(%arg9 : memref<80x128xf32, #tpu.memory_space<vmem>>) offsets(%dma_start3A_56 : memref<80xi32, #tpu.memory_space<vmem>>) semaphore(%arg14 : memref<!tpu.dma_semaphore, #tpu.memory_space<semaphore_mem>>)
    } else {
    }
    %eq3A_14 = arith.constant 1 : i32
    %eq3A_15 = arith.cmpi eq, %arg0, %eq3A_14 : i32
    %convert_element_type3A_16 = arith.extui %eq3A_15 : i1 to i32
    %cond3A_17 = arith.constant 0 : i32
    %cond3A_18 = arith.cmpi ne, %convert_element_type3A_16, %cond3A_17 : i32
    scf.if %cond3A_18 {
      %mul3A = arith.constant 2 : i32
      %mul3A_45 = arith.muli %mul3A, %arg1 : i32
      %run_scoped3A = arith.constant 0 : i32
      "tpu.region"() ({
        %run_scoped3A_60 = tpu.sem_alloc : memref<!tpu.dma_semaphore, #tpu.memory_space<semaphore_mem>>
        %dma_start3A_61 = arith.constant 0 : i32
        %dma_start3A_62 = arith.constant 0 : i32
        %dma_start3A_63 = tpu.memref_slice %arg4[%run_scoped3A, %mul3A_45, %dma_start3A_61, %dma_start3A_62] : memref<2x32x144x80xi32, #tpu.memory_space<hbm>> -> memref<1x1x24x80xi32, #tpu.memory_space<hbm>>
        %dma_start3A_64 = tpu.memref_squeeze %dma_start3A_63 : memref<1x1x24x80xi32, #tpu.memory_space<hbm>> -> memref<24x80xi32, #tpu.memory_space<hbm>>
        %dma_start3A_65 = arith.constant 0 : i32
        %dma_start3A_66 = arith.constant 0 : i32
        %dma_start3A_67 = tpu.memref_slice %arg4[%run_scoped3A, %mul3A_45, %dma_start3A_65, %dma_start3A_66] : memref<2x32x144x80xi32, #tpu.memory_space<hbm>> -> memref<1x1x24x80xi32, #tpu.memory_space<hbm>>
        %dma_start3A_68 = tpu.memref_squeeze %dma_start3A_67 : memref<1x1x24x80xi32, #tpu.memory_space<hbm>> -> memref<24x80xi32, #tpu.memory_space<hbm>>
        tpu.enqueue_dma source(%dma_start3A_68 : memref<24x80xi32, #tpu.memory_space<hbm>>) target(%arg6 : memref<24x80xi32, #tpu.memory_space<vmem>>) target_semaphore(%run_scoped3A_60 : memref<!tpu.dma_semaphore, #tpu.memory_space<semaphore_mem>>)
        %dma_wait3A = arith.constant 0 : i32
        %dma_wait3A_69 = arith.constant 0 : i32
        %dma_wait3A_70 = tpu.memref_slice %arg4[%run_scoped3A, %mul3A_45, %dma_wait3A, %dma_wait3A_69] : memref<2x32x144x80xi32, #tpu.memory_space<hbm>> -> memref<1x1x24x80xi32, #tpu.memory_space<hbm>>
        %dma_wait3A_71 = tpu.memref_squeeze %dma_wait3A_70 : memref<1x1x24x80xi32, #tpu.memory_space<hbm>> -> memref<24x80xi32, #tpu.memory_space<hbm>>
        %dma_wait3A_72 = arith.constant 0 : i32
        %dma_wait3A_73 = arith.constant 0 : i32
        %dma_wait3A_74 = tpu.memref_slice %arg4[%run_scoped3A, %mul3A_45, %dma_wait3A_72, %dma_wait3A_73] : memref<2x32x144x80xi32, #tpu.memory_space<hbm>> -> memref<1x1x24x80xi32, #tpu.memory_space<hbm>>
        %dma_wait3A_75 = tpu.memref_squeeze %dma_wait3A_74 : memref<1x1x24x80xi32, #tpu.memory_space<hbm>> -> memref<24x80xi32, #tpu.memory_space<hbm>>
        tpu.wait_dma2 semaphore(%run_scoped3A_60 : memref<!tpu.dma_semaphore, #tpu.memory_space<semaphore_mem>>) src(%dma_wait3A_75 : memref<24x80xi32, #tpu.memory_space<hbm>>) dst(%arg6 : memref<24x80xi32, #tpu.memory_space<vmem>>)
        tpu.yield
      }) : () -> ()
      %run_scoped3A_46 = arith.constant 1 : i32
      "tpu.region"() ({
        %run_scoped3A_60 = tpu.sem_alloc : memref<!tpu.dma_semaphore, #tpu.memory_space<semaphore_mem>>
        %dma_start3A_61 = arith.constant 0 : i32
        %dma_start3A_62 = arith.constant 0 : i32
        %dma_start3A_63 = tpu.memref_slice %arg4[%run_scoped3A_46, %mul3A_45, %dma_start3A_61, %dma_start3A_62] : memref<2x32x144x80xi32, #tpu.memory_space<hbm>> -> memref<1x1x24x80xi32, #tpu.memory_space<hbm>>
        %dma_start3A_64 = tpu.memref_squeeze %dma_start3A_63 : memref<1x1x24x80xi32, #tpu.memory_space<hbm>> -> memref<24x80xi32, #tpu.memory_space<hbm>>
        %dma_start3A_65 = arith.constant 0 : i32
        %dma_start3A_66 = arith.constant 0 : i32
        %dma_start3A_67 = tpu.memref_slice %arg4[%run_scoped3A_46, %mul3A_45, %dma_start3A_65, %dma_start3A_66] : memref<2x32x144x80xi32, #tpu.memory_space<hbm>> -> memref<1x1x24x80xi32, #tpu.memory_space<hbm>>
        %dma_start3A_68 = tpu.memref_squeeze %dma_start3A_67 : memref<1x1x24x80xi32, #tpu.memory_space<hbm>> -> memref<24x80xi32, #tpu.memory_space<hbm>>
        tpu.enqueue_dma source(%dma_start3A_68 : memref<24x80xi32, #tpu.memory_space<hbm>>) target(%arg7 : memref<24x80xi32, #tpu.memory_space<vmem>>) target_semaphore(%run_scoped3A_60 : memref<!tpu.dma_semaphore, #tpu.memory_space<semaphore_mem>>)
        %dma_wait3A = arith.constant 0 : i32
        %dma_wait3A_69 = arith.constant 0 : i32
        %dma_wait3A_70 = tpu.memref_slice %arg4[%run_scoped3A_46, %mul3A_45, %dma_wait3A, %dma_wait3A_69] : memref<2x32x144x80xi32, #tpu.memory_space<hbm>> -> memref<1x1x24x80xi32, #tpu.memory_space<hbm>>
        %dma_wait3A_71 = tpu.memref_squeeze %dma_wait3A_70 : memref<1x1x24x80xi32, #tpu.memory_space<hbm>> -> memref<24x80xi32, #tpu.memory_space<hbm>>
        %dma_wait3A_72 = arith.constant 0 : i32
        %dma_wait3A_73 = arith.constant 0 : i32
        %dma_wait3A_74 = tpu.memref_slice %arg4[%run_scoped3A_46, %mul3A_45, %dma_wait3A_72, %dma_wait3A_73] : memref<2x32x144x80xi32, #tpu.memory_space<hbm>> -> memref<1x1x24x80xi32, #tpu.memory_space<hbm>>
        %dma_wait3A_75 = tpu.memref_squeeze %dma_wait3A_74 : memref<1x1x24x80xi32, #tpu.memory_space<hbm>> -> memref<24x80xi32, #tpu.memory_space<hbm>>
        tpu.wait_dma2 semaphore(%run_scoped3A_60 : memref<!tpu.dma_semaphore, #tpu.memory_space<semaphore_mem>>) src(%dma_wait3A_75 : memref<24x80xi32, #tpu.memory_space<hbm>>) dst(%arg7 : memref<24x80xi32, #tpu.memory_space<vmem>>)
        tpu.yield
      }) : () -> ()
      %dma_start3A = arith.constant 0 : i32
      %dma_start3A_47 = arith.constant 0 : i32
      %dma_start3A_48 = tpu.memref_slice %arg6[%dma_start3A, %dma_start3A_47] : memref<24x80xi32, #tpu.memory_space<vmem>> -> memref<1x80xi32, #tpu.memory_space<vmem>>
      %dma_start3A_49 = tpu.memref_squeeze %dma_start3A_48 : memref<1x80xi32, #tpu.memory_space<vmem>> -> memref<80xi32, #tpu.memory_space<vmem>>
      %dma_start3A_50 = arith.constant 0 : i32
      %dma_start3A_51 = arith.constant 0 : i32
      %dma_start3A_52 = tpu.memref_slice %arg3[%dma_start3A_50, %dma_start3A_51] : memref<10000x128xf32, #tpu.memory_space<hbm>> -> memref<10000x128xf32, #tpu.memory_space<hbm>>
      tpu.enqueue_indirect_dma source(%dma_start3A_52 : memref<10000x128xf32, #tpu.memory_space<hbm>>) target(%arg8 : memref<80x128xf32, #tpu.memory_space<vmem>>) offsets(%dma_start3A_49 : memref<80xi32, #tpu.memory_space<vmem>>) semaphore(%arg13 : memref<!tpu.dma_semaphore, #tpu.memory_space<semaphore_mem>>)
      %dma_start3A_53 = arith.constant 1 : i32
      %dma_start3A_54 = arith.constant 0 : i32
      %dma_start3A_55 = tpu.memref_slice %arg6[%dma_start3A_53, %dma_start3A_54] : memref<24x80xi32, #tpu.memory_space<vmem>> -> memref<1x80xi32, #tpu.memory_space<vmem>>
      %dma_start3A_56 = tpu.memref_squeeze %dma_start3A_55 : memref<1x80xi32, #tpu.memory_space<vmem>> -> memref<80xi32, #tpu.memory_space<vmem>>
      %dma_start3A_57 = arith.constant 0 : i32
      %dma_start3A_58 = arith.constant 0 : i32
      %dma_start3A_59 = tpu.memref_slice %arg3[%dma_start3A_57, %dma_start3A_58] : memref<10000x128xf32, #tpu.memory_space<hbm>> -> memref<10000x128xf32, #tpu.memory_space<hbm>>
      tpu.enqueue_indirect_dma source(%dma_start3A_59 : memref<10000x128xf32, #tpu.memory_space<hbm>>) target(%arg9 : memref<80x128xf32, #tpu.memory_space<vmem>>) offsets(%dma_start3A_56 : memref<80xi32, #tpu.memory_space<vmem>>) semaphore(%arg14 : memref<!tpu.dma_semaphore, #tpu.memory_space<semaphore_mem>>)
    } else {
    }
    %scan3A_19 = arith.constant 0 : i32
    %scan3A_20 = arith.constant 0 : i32
    %scan3A_21 = arith.constant 80 : i32
    %scan3A_22 = arith.addi %scan3A_20, %scan3A_21 : i32
    %scan3A_23 = arith.constant 1 : i32
    scf.for %scan3A_45 = %scan3A_20 to %scan3A_22 step %scan3A_23  : i32 {
      %mul3A = arith.constant 640 : i32
      %mul3A_46 = arith.muli %arg1, %mul3A : i32
      %mul3A_47 = arith.constant 8 : i32
      %mul3A_48 = arith.muli %scan3A_45, %mul3A_47 : i32
      %add3A = arith.addi %mul3A_46, %mul3A_48 : i32
      %dma_wait3A = arith.constant 0 : i32
      %dma_wait3A_49 = tpu.memref_slice %arg12[%add3A, %dma_wait3A] : memref<10240x128xf32, #tpu.memory_space<vmem_shared>> -> memref<8x128xf32, #tpu.memory_space<vmem_shared>>
      %dma_wait3A_50 = arith.constant 0 : i32
      %dma_wait3A_51 = tpu.memref_slice %arg12[%add3A, %dma_wait3A_50] : memref<10240x128xf32, #tpu.memory_space<vmem_shared>> -> memref<8x128xf32, #tpu.memory_space<vmem_shared>>
      tpu.wait_dma2 semaphore(%arg16 : memref<!tpu.dma_semaphore, #tpu.memory_space<semaphore_mem>>) src(%arg11 : memref<8x128xf32, #tpu.memory_space<vmem>>) dst(%dma_wait3A_51 : memref<8x128xf32, #tpu.memory_space<vmem_shared>>)
    }
    %scan3A_24 = arith.constant 80 : i32
    %barrier3A = arith.constant 0 : index
    tpu.barrier barrier_id(%barrier3A)
    %eq3A_25 = arith.constant 0 : i32
    %eq3A_26 = arith.cmpi eq, %arg0, %eq3A_25 : i32
    %convert_element_type3A_27 = arith.extui %eq3A_26 : i1 to i32
    %cond3A_28 = arith.constant 0 : i32
    %cond3A_29 = arith.cmpi ne, %convert_element_type3A_27, %cond3A_28 : i32
    scf.if %cond3A_29 {
      %mul3A = arith.constant 2 : i32
      %mul3A_45 = arith.muli %mul3A, %arg1 : i32
      %scan3A_46 = arith.constant 0 : i32
      %scan3A_47 = arith.constant 0 : i32
      %scan3A_48 = arith.constant 6 : i32
      %scan3A_49 = arith.addi %scan3A_47, %scan3A_48 : i32
      %scan3A_50 = arith.constant 1 : i32
      scf.for %scan3A_61 = %scan3A_47 to %scan3A_49 step %scan3A_50  : i32 {
        %mul3A_62 = arith.constant 24 : i32
        %mul3A_63 = arith.muli %scan3A_61, %mul3A_62 : i32
        %gt3A = arith.constant 0 : i32
        %gt3A_64 = arith.cmpi sgt, %scan3A_61, %gt3A : i32
        %convert_element_type3A_65 = arith.extui %gt3A_64 : i1 to i32
        %cond3A_66 = arith.constant 0 : i32
        %cond3A_67 = arith.cmpi ne, %convert_element_type3A_65, %cond3A_66 : i32
        scf.if %cond3A_67 {
          %mul3A_95 = arith.constant 24 : i32
          %mul3A_96 = arith.muli %scan3A_61, %mul3A_95 : i32
          %run_scoped3A = arith.constant 0 : i32
          "tpu.region"() ({
            %run_scoped3A_113 = tpu.sem_alloc : memref<!tpu.dma_semaphore, #tpu.memory_space<semaphore_mem>>
            %dma_start3A_114 = arith.constant 0 : i32
            %dma_start3A_115 = tpu.memref_slice %arg4[%run_scoped3A, %mul3A_45, %mul3A_96, %dma_start3A_114] : memref<2x32x144x80xi32, #tpu.memory_space<hbm>> -> memref<1x1x24x80xi32, #tpu.memory_space<hbm>>
            %dma_start3A_116 = tpu.memref_squeeze %dma_start3A_115 : memref<1x1x24x80xi32, #tpu.memory_space<hbm>> -> memref<24x80xi32, #tpu.memory_space<hbm>>
            %dma_start3A_117 = arith.constant 0 : i32
            %dma_start3A_118 = tpu.memref_slice %arg4[%run_scoped3A, %mul3A_45, %mul3A_96, %dma_start3A_117] : memref<2x32x144x80xi32, #tpu.memory_space<hbm>> -> memref<1x1x24x80xi32, #tpu.memory_space<hbm>>
            %dma_start3A_119 = tpu.memref_squeeze %dma_start3A_118 : memref<1x1x24x80xi32, #tpu.memory_space<hbm>> -> memref<24x80xi32, #tpu.memory_space<hbm>>
            tpu.enqueue_dma source(%dma_start3A_119 : memref<24x80xi32, #tpu.memory_space<hbm>>) target(%arg6 : memref<24x80xi32, #tpu.memory_space<vmem>>) target_semaphore(%run_scoped3A_113 : memref<!tpu.dma_semaphore, #tpu.memory_space<semaphore_mem>>)
            %dma_wait3A = arith.constant 0 : i32
            %dma_wait3A_120 = tpu.memref_slice %arg4[%run_scoped3A, %mul3A_45, %mul3A_96, %dma_wait3A] : memref<2x32x144x80xi32, #tpu.memory_space<hbm>> -> memref<1x1x24x80xi32, #tpu.memory_space<hbm>>
            %dma_wait3A_121 = tpu.memref_squeeze %dma_wait3A_120 : memref<1x1x24x80xi32, #tpu.memory_space<hbm>> -> memref<24x80xi32, #tpu.memory_space<hbm>>
            %dma_wait3A_122 = arith.constant 0 : i32
            %dma_wait3A_123 = tpu.memref_slice %arg4[%run_scoped3A, %mul3A_45, %mul3A_96, %dma_wait3A_122] : memref<2x32x144x80xi32, #tpu.memory_space<hbm>> -> memref<1x1x24x80xi32, #tpu.memory_space<hbm>>
            %dma_wait3A_124 = tpu.memref_squeeze %dma_wait3A_123 : memref<1x1x24x80xi32, #tpu.memory_space<hbm>> -> memref<24x80xi32, #tpu.memory_space<hbm>>
            tpu.wait_dma2 semaphore(%run_scoped3A_113 : memref<!tpu.dma_semaphore, #tpu.memory_space<semaphore_mem>>) src(%dma_wait3A_124 : memref<24x80xi32, #tpu.memory_space<hbm>>) dst(%arg6 : memref<24x80xi32, #tpu.memory_space<vmem>>)
            tpu.yield
          }) : () -> ()
          %mul3A_97 = arith.constant 24 : i32
          %mul3A_98 = arith.muli %scan3A_61, %mul3A_97 : i32
          %run_scoped3A_99 = arith.constant 1 : i32
          "tpu.region"() ({
            %run_scoped3A_113 = tpu.sem_alloc : memref<!tpu.dma_semaphore, #tpu.memory_space<semaphore_mem>>
            %dma_start3A_114 = arith.constant 0 : i32
            %dma_start3A_115 = tpu.memref_slice %arg4[%run_scoped3A_99, %mul3A_45, %mul3A_98, %dma_start3A_114] : memref<2x32x144x80xi32, #tpu.memory_space<hbm>> -> memref<1x1x24x80xi32, #tpu.memory_space<hbm>>
            %dma_start3A_116 = tpu.memref_squeeze %dma_start3A_115 : memref<1x1x24x80xi32, #tpu.memory_space<hbm>> -> memref<24x80xi32, #tpu.memory_space<hbm>>
            %dma_start3A_117 = arith.constant 0 : i32
            %dma_start3A_118 = tpu.memref_slice %arg4[%run_scoped3A_99, %mul3A_45, %mul3A_98, %dma_start3A_117] : memref<2x32x144x80xi32, #tpu.memory_space<hbm>> -> memref<1x1x24x80xi32, #tpu.memory_space<hbm>>
            %dma_start3A_119 = tpu.memref_squeeze %dma_start3A_118 : memref<1x1x24x80xi32, #tpu.memory_space<hbm>> -> memref<24x80xi32, #tpu.memory_space<hbm>>
            tpu.enqueue_dma source(%dma_start3A_119 : memref<24x80xi32, #tpu.memory_space<hbm>>) target(%arg7 : memref<24x80xi32, #tpu.memory_space<vmem>>) target_semaphore(%run_scoped3A_113 : memref<!tpu.dma_semaphore, #tpu.memory_space<semaphore_mem>>)
            %dma_wait3A = arith.constant 0 : i32
            %dma_wait3A_120 = tpu.memref_slice %arg4[%run_scoped3A_99, %mul3A_45, %mul3A_98, %dma_wait3A] : memref<2x32x144x80xi32, #tpu.memory_space<hbm>> -> memref<1x1x24x80xi32, #tpu.memory_space<hbm>>
            %dma_wait3A_121 = tpu.memref_squeeze %dma_wait3A_120 : memref<1x1x24x80xi32, #tpu.memory_space<hbm>> -> memref<24x80xi32, #tpu.memory_space<hbm>>
            %dma_wait3A_122 = arith.constant 0 : i32
            %dma_wait3A_123 = tpu.memref_slice %arg4[%run_scoped3A_99, %mul3A_45, %mul3A_98, %dma_wait3A_122] : memref<2x32x144x80xi32, #tpu.memory_space<hbm>> -> memref<1x1x24x80xi32, #tpu.memory_space<hbm>>
            %dma_wait3A_124 = tpu.memref_squeeze %dma_wait3A_123 : memref<1x1x24x80xi32, #tpu.memory_space<hbm>> -> memref<24x80xi32, #tpu.memory_space<hbm>>
            tpu.wait_dma2 semaphore(%run_scoped3A_113 : memref<!tpu.dma_semaphore, #tpu.memory_space<semaphore_mem>>) src(%dma_wait3A_124 : memref<24x80xi32, #tpu.memory_space<hbm>>) dst(%arg7 : memref<24x80xi32, #tpu.memory_space<vmem>>)
            tpu.yield
          }) : () -> ()
          %dma_start3A = arith.constant 0 : i32
          %dma_start3A_100 = arith.constant 0 : i32
          %dma_start3A_101 = tpu.memref_slice %arg6[%dma_start3A, %dma_start3A_100] : memref<24x80xi32, #tpu.memory_space<vmem>> -> memref<1x80xi32, #tpu.memory_space<vmem>>
          %dma_start3A_102 = tpu.memref_squeeze %dma_start3A_101 : memref<1x80xi32, #tpu.memory_space<vmem>> -> memref<80xi32, #tpu.memory_space<vmem>>
          %dma_start3A_103 = arith.constant 0 : i32
          %dma_start3A_104 = arith.constant 0 : i32
          %dma_start3A_105 = tpu.memref_slice %arg2[%dma_start3A_103, %dma_start3A_104] : memref<10000x128xf32, #tpu.memory_space<hbm>> -> memref<10000x128xf32, #tpu.memory_space<hbm>>
          tpu.enqueue_indirect_dma source(%dma_start3A_105 : memref<10000x128xf32, #tpu.memory_space<hbm>>) target(%arg8 : memref<80x128xf32, #tpu.memory_space<vmem>>) offsets(%dma_start3A_102 : memref<80xi32, #tpu.memory_space<vmem>>) semaphore(%arg13 : memref<!tpu.dma_semaphore, #tpu.memory_space<semaphore_mem>>)
          %dma_start3A_106 = arith.constant 1 : i32
          %dma_start3A_107 = arith.constant 0 : i32
          %dma_start3A_108 = tpu.memref_slice %arg6[%dma_start3A_106, %dma_start3A_107] : memref<24x80xi32, #tpu.memory_space<vmem>> -> memref<1x80xi32, #tpu.memory_space<vmem>>
          %dma_start3A_109 = tpu.memref_squeeze %dma_start3A_108 : memref<1x80xi32, #tpu.memory_space<vmem>> -> memref<80xi32, #tpu.memory_space<vmem>>
          %dma_start3A_110 = arith.constant 0 : i32
          %dma_start3A_111 = arith.constant 0 : i32
          %dma_start3A_112 = tpu.memref_slice %arg2[%dma_start3A_110, %dma_start3A_111] : memref<10000x128xf32, #tpu.memory_space<hbm>> -> memref<10000x128xf32, #tpu.memory_space<hbm>>
          tpu.enqueue_indirect_dma source(%dma_start3A_112 : memref<10000x128xf32, #tpu.memory_space<hbm>>) target(%arg9 : memref<80x128xf32, #tpu.memory_space<vmem>>) offsets(%dma_start3A_109 : memref<80xi32, #tpu.memory_space<vmem>>) semaphore(%arg14 : memref<!tpu.dma_semaphore, #tpu.memory_space<semaphore_mem>>)
        } else {
        }
        %scan3A_68 = arith.constant 0 : i32
        %scan3A_69 = arith.constant 0 : i32
        %scan3A_70 = arith.constant 8 : i32
        %scan3A_71 = arith.addi %scan3A_69, %scan3A_70 : i32
        %scan3A_72 = arith.constant 1 : i32
        scf.for %scan3A_95 = %scan3A_69 to %scan3A_71 step %scan3A_72  : i32 {
          %mul3A_96 = arith.constant 3 : i32
          %mul3A_97 = arith.muli %mul3A_96, %scan3A_95 : i32
          %add3A_98 = arith.constant 0 : i32
          %add3A_99 = arith.addi %mul3A_97, %add3A_98 : i32
          %add3A_100 = arith.constant 2 : i32
          %add3A_101 = arith.addi %add3A_99, %add3A_100 : i32
          %lt3A_102 = arith.constant 24 : i32
          %lt3A_103 = arith.cmpi slt, %add3A_101, %lt3A_102 : i32
          %ge3A = arith.constant 3 : i32
          %ge3A_104 = arith.cmpi sge, %add3A_101, %ge3A : i32
          %and3A = arith.andi %lt3A_103, %ge3A_104 : i1
          %add3A_105 = arith.addi %mul3A_63, %add3A_101 : i32
          %sub3A = arith.constant 3 : i32
          %sub3A_106 = arith.subi %add3A_105, %sub3A : i32
          %lt3A_107 = arith.constant 125 : i32
          %lt3A_108 = arith.cmpi slt, %sub3A_106, %lt3A_107 : i32
          %and3A_109 = arith.andi %and3A, %lt3A_108 : i1
          %convert_element_type3A_110 = arith.extui %and3A_109 : i1 to i32
          %cond3A_111 = arith.constant 0 : i32
          %cond3A_112 = arith.cmpi ne, %convert_element_type3A_110, %cond3A_111 : i32
          scf.if %cond3A_112 {
            %sub3A_198 = arith.constant 3 : i32
            %sub3A_199 = arith.subi %add3A_101, %sub3A_198 : i32
            %dma_wait3A = arith.constant 0 : i32
            %dma_wait3A_200 = tpu.memref_slice %arg7[%sub3A_199, %dma_wait3A] : memref<24x80xi32, #tpu.memory_space<vmem>> -> memref<1x80xi32, #tpu.memory_space<vmem>>
            %dma_wait3A_201 = tpu.memref_squeeze %dma_wait3A_200 : memref<1x80xi32, #tpu.memory_space<vmem>> -> memref<80xi32, #tpu.memory_space<vmem>>
            %dma_wait3A_202 = arith.constant 0 : i32
            %dma_wait3A_203 = arith.constant 0 : i32
            %dma_wait3A_204 = tpu.memref_slice %arg12[%dma_wait3A_202, %dma_wait3A_203] : memref<10240x128xf32, #tpu.memory_space<vmem_shared>> -> memref<10240x128xf32, #tpu.memory_space<vmem_shared>>
            tpu.wait_indirect_dma semaphore(%arg18 : memref<!tpu.dma_semaphore, #tpu.memory_space<semaphore_mem>>) src(%arg10 : memref<80x128xf32, #tpu.memory_space<vmem>>) dst(%dma_wait3A_204 : memref<10240x128xf32, #tpu.memory_space<vmem_shared>>)
          } else {
          }
          %lt3A_113 = arith.constant 24 : i32
          %lt3A_114 = arith.cmpi slt, %add3A_101, %lt3A_113 : i32
          %add3A_115 = arith.addi %mul3A_63, %add3A_101 : i32
          %lt3A_116 = arith.constant 125 : i32
          %lt3A_117 = arith.cmpi slt, %add3A_115, %lt3A_116 : i32
          %and3A_118 = arith.andi %lt3A_114, %lt3A_117 : i1
          %convert_element_type3A_119 = arith.extui %and3A_118 : i1 to i32
          %cond3A_120 = arith.constant 0 : i32
          %cond3A_121 = arith.cmpi ne, %convert_element_type3A_119, %cond3A_120 : i32
          scf.if %cond3A_121 {
            %dma_start3A = arith.constant 0 : i32
            %dma_start3A_198 = tpu.memref_slice %arg6[%add3A_101, %dma_start3A] : memref<24x80xi32, #tpu.memory_space<vmem>> -> memref<1x80xi32, #tpu.memory_space<vmem>>
            %dma_start3A_199 = tpu.memref_squeeze %dma_start3A_198 : memref<1x80xi32, #tpu.memory_space<vmem>> -> memref<80xi32, #tpu.memory_space<vmem>>
            %dma_start3A_200 = arith.constant 0 : i32
            %dma_start3A_201 = arith.constant 0 : i32
            %dma_start3A_202 = tpu.memref_slice %arg2[%dma_start3A_200, %dma_start3A_201] : memref<10000x128xf32, #tpu.memory_space<hbm>> -> memref<10000x128xf32, #tpu.memory_space<hbm>>
            tpu.enqueue_indirect_dma source(%dma_start3A_202 : memref<10000x128xf32, #tpu.memory_space<hbm>>) target(%arg10 : memref<80x128xf32, #tpu.memory_space<vmem>>) offsets(%dma_start3A_199 : memref<80xi32, #tpu.memory_space<vmem>>) semaphore(%arg15 : memref<!tpu.dma_semaphore, #tpu.memory_space<semaphore_mem>>)
          } else {
          }
          %add3A_122 = arith.addi %mul3A_63, %add3A_99 : i32
          %lt3A_123 = arith.constant 125 : i32
          %lt3A_124 = arith.cmpi slt, %add3A_122, %lt3A_123 : i32
          %convert_element_type3A_125 = arith.extui %lt3A_124 : i1 to i32
          %cond3A_126 = arith.constant 0 : i32
          %cond3A_127 = arith.cmpi ne, %convert_element_type3A_125, %cond3A_126 : i32
          scf.if %cond3A_127 {
            %dma_wait3A = arith.constant 0 : i32
            %dma_wait3A_198 = tpu.memref_slice %arg6[%add3A_99, %dma_wait3A] : memref<24x80xi32, #tpu.memory_space<vmem>> -> memref<1x80xi32, #tpu.memory_space<vmem>>
            %dma_wait3A_199 = tpu.memref_squeeze %dma_wait3A_198 : memref<1x80xi32, #tpu.memory_space<vmem>> -> memref<80xi32, #tpu.memory_space<vmem>>
            %dma_wait3A_200 = arith.constant 0 : i32
            %dma_wait3A_201 = arith.constant 0 : i32
            %dma_wait3A_202 = tpu.memref_slice %arg2[%dma_wait3A_200, %dma_wait3A_201] : memref<10000x128xf32, #tpu.memory_space<hbm>> -> memref<10000x128xf32, #tpu.memory_space<hbm>>
            tpu.wait_indirect_dma semaphore(%arg13 : memref<!tpu.dma_semaphore, #tpu.memory_space<semaphore_mem>>) src(%dma_wait3A_202 : memref<10000x128xf32, #tpu.memory_space<hbm>>) dst(%arg8 : memref<80x128xf32, #tpu.memory_space<vmem>>)
            %dma_start3A = arith.constant 0 : i32
            %dma_start3A_203 = tpu.memref_slice %arg7[%add3A_99, %dma_start3A] : memref<24x80xi32, #tpu.memory_space<vmem>> -> memref<1x80xi32, #tpu.memory_space<vmem>>
            %dma_start3A_204 = tpu.memref_squeeze %dma_start3A_203 : memref<1x80xi32, #tpu.memory_space<vmem>> -> memref<80xi32, #tpu.memory_space<vmem>>
            %dma_start3A_205 = arith.constant 0 : i32
            %dma_start3A_206 = arith.constant 0 : i32
            %dma_start3A_207 = tpu.memref_slice %arg12[%dma_start3A_205, %dma_start3A_206] : memref<10240x128xf32, #tpu.memory_space<vmem_shared>> -> memref<10240x128xf32, #tpu.memory_space<vmem_shared>>
            tpu.enqueue_indirect_dma source(%arg8 : memref<80x128xf32, #tpu.memory_space<vmem>>) target(%dma_start3A_207 : memref<10240x128xf32, #tpu.memory_space<vmem_shared>>) offsets(%dma_start3A_204 : memref<80xi32, #tpu.memory_space<vmem>>) semaphore(%arg16 : memref<!tpu.dma_semaphore, #tpu.memory_space<semaphore_mem>>) {add = true}
          } else {
          }
          %mul3A_128 = arith.constant 3 : i32
          %mul3A_129 = arith.muli %mul3A_128, %scan3A_95 : i32
          %add3A_130 = arith.constant 1 : i32
          %add3A_131 = arith.addi %mul3A_129, %add3A_130 : i32
          %add3A_132 = arith.constant 2 : i32
          %add3A_133 = arith.addi %add3A_131, %add3A_132 : i32
          %lt3A_134 = arith.constant 24 : i32
          %lt3A_135 = arith.cmpi slt, %add3A_133, %lt3A_134 : i32
          %ge3A_136 = arith.constant 3 : i32
          %ge3A_137 = arith.cmpi sge, %add3A_133, %ge3A_136 : i32
          %and3A_138 = arith.andi %lt3A_135, %ge3A_137 : i1
          %add3A_139 = arith.addi %mul3A_63, %add3A_133 : i32
          %sub3A_140 = arith.constant 3 : i32
          %sub3A_141 = arith.subi %add3A_139, %sub3A_140 : i32
          %lt3A_142 = arith.constant 125 : i32
          %lt3A_143 = arith.cmpi slt, %sub3A_141, %lt3A_142 : i32
          %and3A_144 = arith.andi %and3A_138, %lt3A_143 : i1
          %convert_element_type3A_145 = arith.extui %and3A_144 : i1 to i32
          %cond3A_146 = arith.constant 0 : i32
          %cond3A_147 = arith.cmpi ne, %convert_element_type3A_145, %cond3A_146 : i32
          scf.if %cond3A_147 {
            %sub3A_198 = arith.constant 3 : i32
            %sub3A_199 = arith.subi %add3A_133, %sub3A_198 : i32
            %dma_wait3A = arith.constant 0 : i32
            %dma_wait3A_200 = tpu.memref_slice %arg7[%sub3A_199, %dma_wait3A] : memref<24x80xi32, #tpu.memory_space<vmem>> -> memref<1x80xi32, #tpu.memory_space<vmem>>
            %dma_wait3A_201 = tpu.memref_squeeze %dma_wait3A_200 : memref<1x80xi32, #tpu.memory_space<vmem>> -> memref<80xi32, #tpu.memory_space<vmem>>
            %dma_wait3A_202 = arith.constant 0 : i32
            %dma_wait3A_203 = arith.constant 0 : i32
            %dma_wait3A_204 = tpu.memref_slice %arg12[%dma_wait3A_202, %dma_wait3A_203] : memref<10240x128xf32, #tpu.memory_space<vmem_shared>> -> memref<10240x128xf32, #tpu.memory_space<vmem_shared>>
            tpu.wait_indirect_dma semaphore(%arg16 : memref<!tpu.dma_semaphore, #tpu.memory_space<semaphore_mem>>) src(%arg8 : memref<80x128xf32, #tpu.memory_space<vmem>>) dst(%dma_wait3A_204 : memref<10240x128xf32, #tpu.memory_space<vmem_shared>>)
          } else {
          }
          %lt3A_148 = arith.constant 24 : i32
          %lt3A_149 = arith.cmpi slt, %add3A_133, %lt3A_148 : i32
          %add3A_150 = arith.addi %mul3A_63, %add3A_133 : i32
          %lt3A_151 = arith.constant 125 : i32
          %lt3A_152 = arith.cmpi slt, %add3A_150, %lt3A_151 : i32
          %and3A_153 = arith.andi %lt3A_149, %lt3A_152 : i1
          %convert_element_type3A_154 = arith.extui %and3A_153 : i1 to i32
          %cond3A_155 = arith.constant 0 : i32
          %cond3A_156 = arith.cmpi ne, %convert_element_type3A_154, %cond3A_155 : i32
          scf.if %cond3A_156 {
            %dma_start3A = arith.constant 0 : i32
            %dma_start3A_198 = tpu.memref_slice %arg6[%add3A_133, %dma_start3A] : memref<24x80xi32, #tpu.memory_space<vmem>> -> memref<1x80xi32, #tpu.memory_space<vmem>>
            %dma_start3A_199 = tpu.memref_squeeze %dma_start3A_198 : memref<1x80xi32, #tpu.memory_space<vmem>> -> memref<80xi32, #tpu.memory_space<vmem>>
            %dma_start3A_200 = arith.constant 0 : i32
            %dma_start3A_201 = arith.constant 0 : i32
            %dma_start3A_202 = tpu.memref_slice %arg2[%dma_start3A_200, %dma_start3A_201] : memref<10000x128xf32, #tpu.memory_space<hbm>> -> memref<10000x128xf32, #tpu.memory_space<hbm>>
            tpu.enqueue_indirect_dma source(%dma_start3A_202 : memref<10000x128xf32, #tpu.memory_space<hbm>>) target(%arg8 : memref<80x128xf32, #tpu.memory_space<vmem>>) offsets(%dma_start3A_199 : memref<80xi32, #tpu.memory_space<vmem>>) semaphore(%arg13 : memref<!tpu.dma_semaphore, #tpu.memory_space<semaphore_mem>>)
          } else {
          }
          %add3A_157 = arith.addi %mul3A_63, %add3A_131 : i32
          %lt3A_158 = arith.constant 125 : i32
          %lt3A_159 = arith.cmpi slt, %add3A_157, %lt3A_158 : i32
          %convert_element_type3A_160 = arith.extui %lt3A_159 : i1 to i32
          %cond3A_161 = arith.constant 0 : i32
          %cond3A_162 = arith.cmpi ne, %convert_element_type3A_160, %cond3A_161 : i32
          scf.if %cond3A_162 {
            %dma_wait3A = arith.constant 0 : i32
            %dma_wait3A_198 = tpu.memref_slice %arg6[%add3A_131, %dma_wait3A] : memref<24x80xi32, #tpu.memory_space<vmem>> -> memref<1x80xi32, #tpu.memory_space<vmem>>
            %dma_wait3A_199 = tpu.memref_squeeze %dma_wait3A_198 : memref<1x80xi32, #tpu.memory_space<vmem>> -> memref<80xi32, #tpu.memory_space<vmem>>
            %dma_wait3A_200 = arith.constant 0 : i32
            %dma_wait3A_201 = arith.constant 0 : i32
            %dma_wait3A_202 = tpu.memref_slice %arg2[%dma_wait3A_200, %dma_wait3A_201] : memref<10000x128xf32, #tpu.memory_space<hbm>> -> memref<10000x128xf32, #tpu.memory_space<hbm>>
            tpu.wait_indirect_dma semaphore(%arg14 : memref<!tpu.dma_semaphore, #tpu.memory_space<semaphore_mem>>) src(%dma_wait3A_202 : memref<10000x128xf32, #tpu.memory_space<hbm>>) dst(%arg9 : memref<80x128xf32, #tpu.memory_space<vmem>>)
            %dma_start3A = arith.constant 0 : i32
            %dma_start3A_203 = tpu.memref_slice %arg7[%add3A_131, %dma_start3A] : memref<24x80xi32, #tpu.memory_space<vmem>> -> memref<1x80xi32, #tpu.memory_space<vmem>>
            %dma_start3A_204 = tpu.memref_squeeze %dma_start3A_203 : memref<1x80xi32, #tpu.memory_space<vmem>> -> memref<80xi32, #tpu.memory_space<vmem>>
            %dma_start3A_205 = arith.constant 0 : i32
            %dma_start3A_206 = arith.constant 0 : i32
            %dma_start3A_207 = tpu.memref_slice %arg12[%dma_start3A_205, %dma_start3A_206] : memref<10240x128xf32, #tpu.memory_space<vmem_shared>> -> memref<10240x128xf32, #tpu.memory_space<vmem_shared>>
            tpu.enqueue_indirect_dma source(%arg9 : memref<80x128xf32, #tpu.memory_space<vmem>>) target(%dma_start3A_207 : memref<10240x128xf32, #tpu.memory_space<vmem_shared>>) offsets(%dma_start3A_204 : memref<80xi32, #tpu.memory_space<vmem>>) semaphore(%arg17 : memref<!tpu.dma_semaphore, #tpu.memory_space<semaphore_mem>>) {add = true}
          } else {
          }
          %mul3A_163 = arith.constant 3 : i32
          %mul3A_164 = arith.muli %mul3A_163, %scan3A_95 : i32
          %add3A_165 = arith.constant 2 : i32
          %add3A_166 = arith.addi %mul3A_164, %add3A_165 : i32
          %add3A_167 = arith.constant 2 : i32
          %add3A_168 = arith.addi %add3A_166, %add3A_167 : i32
          %lt3A_169 = arith.constant 24 : i32
          %lt3A_170 = arith.cmpi slt, %add3A_168, %lt3A_169 : i32
          %ge3A_171 = arith.constant 3 : i32
          %ge3A_172 = arith.cmpi sge, %add3A_168, %ge3A_171 : i32
          %and3A_173 = arith.andi %lt3A_170, %ge3A_172 : i1
          %add3A_174 = arith.addi %mul3A_63, %add3A_168 : i32
          %sub3A_175 = arith.constant 3 : i32
          %sub3A_176 = arith.subi %add3A_174, %sub3A_175 : i32
          %lt3A_177 = arith.constant 125 : i32
          %lt3A_178 = arith.cmpi slt, %sub3A_176, %lt3A_177 : i32
          %and3A_179 = arith.andi %and3A_173, %lt3A_178 : i1
          %convert_element_type3A_180 = arith.extui %and3A_179 : i1 to i32
          %cond3A_181 = arith.constant 0 : i32
          %cond3A_182 = arith.cmpi ne, %convert_element_type3A_180, %cond3A_181 : i32
          scf.if %cond3A_182 {
            %sub3A_198 = arith.constant 3 : i32
            %sub3A_199 = arith.subi %add3A_168, %sub3A_198 : i32
            %dma_wait3A = arith.constant 0 : i32
            %dma_wait3A_200 = tpu.memref_slice %arg7[%sub3A_199, %dma_wait3A] : memref<24x80xi32, #tpu.memory_space<vmem>> -> memref<1x80xi32, #tpu.memory_space<vmem>>
            %dma_wait3A_201 = tpu.memref_squeeze %dma_wait3A_200 : memref<1x80xi32, #tpu.memory_space<vmem>> -> memref<80xi32, #tpu.memory_space<vmem>>
            %dma_wait3A_202 = arith.constant 0 : i32
            %dma_wait3A_203 = arith.constant 0 : i32
            %dma_wait3A_204 = tpu.memref_slice %arg12[%dma_wait3A_202, %dma_wait3A_203] : memref<10240x128xf32, #tpu.memory_space<vmem_shared>> -> memref<10240x128xf32, #tpu.memory_space<vmem_shared>>
            tpu.wait_indirect_dma semaphore(%arg17 : memref<!tpu.dma_semaphore, #tpu.memory_space<semaphore_mem>>) src(%arg9 : memref<80x128xf32, #tpu.memory_space<vmem>>) dst(%dma_wait3A_204 : memref<10240x128xf32, #tpu.memory_space<vmem_shared>>)
          } else {
          }
          %lt3A_183 = arith.constant 24 : i32
          %lt3A_184 = arith.cmpi slt, %add3A_168, %lt3A_183 : i32
          %add3A_185 = arith.addi %mul3A_63, %add3A_168 : i32
          %lt3A_186 = arith.constant 125 : i32
          %lt3A_187 = arith.cmpi slt, %add3A_185, %lt3A_186 : i32
          %and3A_188 = arith.andi %lt3A_184, %lt3A_187 : i1
          %convert_element_type3A_189 = arith.extui %and3A_188 : i1 to i32
          %cond3A_190 = arith.constant 0 : i32
          %cond3A_191 = arith.cmpi ne, %convert_element_type3A_189, %cond3A_190 : i32
          scf.if %cond3A_191 {
            %dma_start3A = arith.constant 0 : i32
            %dma_start3A_198 = tpu.memref_slice %arg6[%add3A_168, %dma_start3A] : memref<24x80xi32, #tpu.memory_space<vmem>> -> memref<1x80xi32, #tpu.memory_space<vmem>>
            %dma_start3A_199 = tpu.memref_squeeze %dma_start3A_198 : memref<1x80xi32, #tpu.memory_space<vmem>> -> memref<80xi32, #tpu.memory_space<vmem>>
            %dma_start3A_200 = arith.constant 0 : i32
            %dma_start3A_201 = arith.constant 0 : i32
            %dma_start3A_202 = tpu.memref_slice %arg2[%dma_start3A_200, %dma_start3A_201] : memref<10000x128xf32, #tpu.memory_space<hbm>> -> memref<10000x128xf32, #tpu.memory_space<hbm>>
            tpu.enqueue_indirect_dma source(%dma_start3A_202 : memref<10000x128xf32, #tpu.memory_space<hbm>>) target(%arg9 : memref<80x128xf32, #tpu.memory_space<vmem>>) offsets(%dma_start3A_199 : memref<80xi32, #tpu.memory_space<vmem>>) semaphore(%arg14 : memref<!tpu.dma_semaphore, #tpu.memory_space<semaphore_mem>>)
          } else {
          }
          %add3A_192 = arith.addi %mul3A_63, %add3A_166 : i32
          %lt3A_193 = arith.constant 125 : i32
          %lt3A_194 = arith.cmpi slt, %add3A_192, %lt3A_193 : i32
          %convert_element_type3A_195 = arith.extui %lt3A_194 : i1 to i32
          %cond3A_196 = arith.constant 0 : i32
          %cond3A_197 = arith.cmpi ne, %convert_element_type3A_195, %cond3A_196 : i32
          scf.if %cond3A_197 {
            %dma_wait3A = arith.constant 0 : i32
            %dma_wait3A_198 = tpu.memref_slice %arg6[%add3A_166, %dma_wait3A] : memref<24x80xi32, #tpu.memory_space<vmem>> -> memref<1x80xi32, #tpu.memory_space<vmem>>
            %dma_wait3A_199 = tpu.memref_squeeze %dma_wait3A_198 : memref<1x80xi32, #tpu.memory_space<vmem>> -> memref<80xi32, #tpu.memory_space<vmem>>
            %dma_wait3A_200 = arith.constant 0 : i32
            %dma_wait3A_201 = arith.constant 0 : i32
            %dma_wait3A_202 = tpu.memref_slice %arg2[%dma_wait3A_200, %dma_wait3A_201] : memref<10000x128xf32, #tpu.memory_space<hbm>> -> memref<10000x128xf32, #tpu.memory_space<hbm>>
            tpu.wait_indirect_dma semaphore(%arg15 : memref<!tpu.dma_semaphore, #tpu.memory_space<semaphore_mem>>) src(%dma_wait3A_202 : memref<10000x128xf32, #tpu.memory_space<hbm>>) dst(%arg10 : memref<80x128xf32, #tpu.memory_space<vmem>>)
            %dma_start3A = arith.constant 0 : i32
            %dma_start3A_203 = tpu.memref_slice %arg7[%add3A_166, %dma_start3A] : memref<24x80xi32, #tpu.memory_space<vmem>> -> memref<1x80xi32, #tpu.memory_space<vmem>>
            %dma_start3A_204 = tpu.memref_squeeze %dma_start3A_203 : memref<1x80xi32, #tpu.memory_space<vmem>> -> memref<80xi32, #tpu.memory_space<vmem>>
            %dma_start3A_205 = arith.constant 0 : i32
            %dma_start3A_206 = arith.constant 0 : i32
            %dma_start3A_207 = tpu.memref_slice %arg12[%dma_start3A_205, %dma_start3A_206] : memref<10240x128xf32, #tpu.memory_space<vmem_shared>> -> memref<10240x128xf32, #tpu.memory_space<vmem_shared>>
            tpu.enqueue_indirect_dma source(%arg10 : memref<80x128xf32, #tpu.memory_space<vmem>>) target(%dma_start3A_207 : memref<10240x128xf32, #tpu.memory_space<vmem_shared>>) offsets(%dma_start3A_204 : memref<80xi32, #tpu.memory_space<vmem>>) semaphore(%arg18 : memref<!tpu.dma_semaphore, #tpu.memory_space<semaphore_mem>>) {add = true}
          } else {
          }
        }
        %scan3A_73 = arith.constant 8 : i32
        %add3A_74 = arith.constant 21 : i32
        %add3A_75 = arith.addi %mul3A_63, %add3A_74 : i32
        %lt3A_76 = arith.constant 125 : i32
        %lt3A_77 = arith.cmpi slt, %add3A_75, %lt3A_76 : i32
        %convert_element_type3A_78 = arith.extui %lt3A_77 : i1 to i32
        %cond3A_79 = arith.constant 0 : i32
        %cond3A_80 = arith.cmpi ne, %convert_element_type3A_78, %cond3A_79 : i32
        scf.if %cond3A_80 {
          %dma_wait3A = arith.constant 21 : i32
          %dma_wait3A_95 = arith.constant 0 : i32
          %dma_wait3A_96 = tpu.memref_slice %arg7[%dma_wait3A, %dma_wait3A_95] : memref<24x80xi32, #tpu.memory_space<vmem>> -> memref<1x80xi32, #tpu.memory_space<vmem>>
          %dma_wait3A_97 = tpu.memref_squeeze %dma_wait3A_96 : memref<1x80xi32, #tpu.memory_space<vmem>> -> memref<80xi32, #tpu.memory_space<vmem>>
          %dma_wait3A_98 = arith.constant 0 : i32
          %dma_wait3A_99 = arith.constant 0 : i32
          %dma_wait3A_100 = tpu.memref_slice %arg12[%dma_wait3A_98, %dma_wait3A_99] : memref<10240x128xf32, #tpu.memory_space<vmem_shared>> -> memref<10240x128xf32, #tpu.memory_space<vmem_shared>>
          tpu.wait_indirect_dma semaphore(%arg16 : memref<!tpu.dma_semaphore, #tpu.memory_space<semaphore_mem>>) src(%arg8 : memref<80x128xf32, #tpu.memory_space<vmem>>) dst(%dma_wait3A_100 : memref<10240x128xf32, #tpu.memory_space<vmem_shared>>)
        } else {
        }
        %add3A_81 = arith.constant 22 : i32
        %add3A_82 = arith.addi %mul3A_63, %add3A_81 : i32
        %lt3A_83 = arith.constant 125 : i32
        %lt3A_84 = arith.cmpi slt, %add3A_82, %lt3A_83 : i32
        %convert_element_type3A_85 = arith.extui %lt3A_84 : i1 to i32
        %cond3A_86 = arith.constant 0 : i32
        %cond3A_87 = arith.cmpi ne, %convert_element_type3A_85, %cond3A_86 : i32
        scf.if %cond3A_87 {
          %dma_wait3A = arith.constant 22 : i32
          %dma_wait3A_95 = arith.constant 0 : i32
          %dma_wait3A_96 = tpu.memref_slice %arg7[%dma_wait3A, %dma_wait3A_95] : memref<24x80xi32, #tpu.memory_space<vmem>> -> memref<1x80xi32, #tpu.memory_space<vmem>>
          %dma_wait3A_97 = tpu.memref_squeeze %dma_wait3A_96 : memref<1x80xi32, #tpu.memory_space<vmem>> -> memref<80xi32, #tpu.memory_space<vmem>>
          %dma_wait3A_98 = arith.constant 0 : i32
          %dma_wait3A_99 = arith.constant 0 : i32
          %dma_wait3A_100 = tpu.memref_slice %arg12[%dma_wait3A_98, %dma_wait3A_99] : memref<10240x128xf32, #tpu.memory_space<vmem_shared>> -> memref<10240x128xf32, #tpu.memory_space<vmem_shared>>
          tpu.wait_indirect_dma semaphore(%arg17 : memref<!tpu.dma_semaphore, #tpu.memory_space<semaphore_mem>>) src(%arg9 : memref<80x128xf32, #tpu.memory_space<vmem>>) dst(%dma_wait3A_100 : memref<10240x128xf32, #tpu.memory_space<vmem_shared>>)
        } else {
        }
        %add3A_88 = arith.constant 23 : i32
        %add3A_89 = arith.addi %mul3A_63, %add3A_88 : i32
        %lt3A_90 = arith.constant 125 : i32
        %lt3A_91 = arith.cmpi slt, %add3A_89, %lt3A_90 : i32
        %convert_element_type3A_92 = arith.extui %lt3A_91 : i1 to i32
        %cond3A_93 = arith.constant 0 : i32
        %cond3A_94 = arith.cmpi ne, %convert_element_type3A_92, %cond3A_93 : i32
        scf.if %cond3A_94 {
          %dma_wait3A = arith.constant 23 : i32
          %dma_wait3A_95 = arith.constant 0 : i32
          %dma_wait3A_96 = tpu.memref_slice %arg7[%dma_wait3A, %dma_wait3A_95] : memref<24x80xi32, #tpu.memory_space<vmem>> -> memref<1x80xi32, #tpu.memory_space<vmem>>
          %dma_wait3A_97 = tpu.memref_squeeze %dma_wait3A_96 : memref<1x80xi32, #tpu.memory_space<vmem>> -> memref<80xi32, #tpu.memory_space<vmem>>
          %dma_wait3A_98 = arith.constant 0 : i32
          %dma_wait3A_99 = arith.constant 0 : i32
          %dma_wait3A_100 = tpu.memref_slice %arg12[%dma_wait3A_98, %dma_wait3A_99] : memref<10240x128xf32, #tpu.memory_space<vmem_shared>> -> memref<10240x128xf32, #tpu.memory_space<vmem_shared>>
          tpu.wait_indirect_dma semaphore(%arg18 : memref<!tpu.dma_semaphore, #tpu.memory_space<semaphore_mem>>) src(%arg10 : memref<80x128xf32, #tpu.memory_space<vmem>>) dst(%dma_wait3A_100 : memref<10240x128xf32, #tpu.memory_space<vmem_shared>>)
        } else {
        }
      }
      %scan3A_51 = arith.constant 6 : i32
      %mul3A_52 = arith.constant 2 : i32
      %mul3A_53 = arith.muli %mul3A_52, %arg1 : i32
      %add3A = arith.constant 1 : i32
      %add3A_54 = arith.addi %mul3A_53, %add3A : i32
      %scan3A_55 = arith.constant 0 : i32
      %scan3A_56 = arith.constant 0 : i32
      %scan3A_57 = arith.constant 6 : i32
      %scan3A_58 = arith.addi %scan3A_56, %scan3A_57 : i32
      %scan3A_59 = arith.constant 1 : i32
      scf.for %scan3A_61 = %scan3A_56 to %scan3A_58 step %scan3A_59  : i32 {
        %mul3A_62 = arith.constant 24 : i32
        %mul3A_63 = arith.muli %scan3A_61, %mul3A_62 : i32
        %mul3A_64 = arith.constant 24 : i32
        %mul3A_65 = arith.muli %scan3A_61, %mul3A_64 : i32
        %run_scoped3A = arith.constant 0 : i32
        "tpu.region"() ({
          %run_scoped3A_109 = tpu.sem_alloc : memref<!tpu.dma_semaphore, #tpu.memory_space<semaphore_mem>>
          %dma_start3A_110 = arith.constant 0 : i32
          %dma_start3A_111 = tpu.memref_slice %arg4[%run_scoped3A, %add3A_54, %mul3A_65, %dma_start3A_110] : memref<2x32x144x80xi32, #tpu.memory_space<hbm>> -> memref<1x1x24x80xi32, #tpu.memory_space<hbm>>
          %dma_start3A_112 = tpu.memref_squeeze %dma_start3A_111 : memref<1x1x24x80xi32, #tpu.memory_space<hbm>> -> memref<24x80xi32, #tpu.memory_space<hbm>>
          %dma_start3A_113 = arith.constant 0 : i32
          %dma_start3A_114 = tpu.memref_slice %arg4[%run_scoped3A, %add3A_54, %mul3A_65, %dma_start3A_113] : memref<2x32x144x80xi32, #tpu.memory_space<hbm>> -> memref<1x1x24x80xi32, #tpu.memory_space<hbm>>
          %dma_start3A_115 = tpu.memref_squeeze %dma_start3A_114 : memref<1x1x24x80xi32, #tpu.memory_space<hbm>> -> memref<24x80xi32, #tpu.memory_space<hbm>>
          tpu.enqueue_dma source(%dma_start3A_115 : memref<24x80xi32, #tpu.memory_space<hbm>>) target(%arg6 : memref<24x80xi32, #tpu.memory_space<vmem>>) target_semaphore(%run_scoped3A_109 : memref<!tpu.dma_semaphore, #tpu.memory_space<semaphore_mem>>)
          %dma_wait3A = arith.constant 0 : i32
          %dma_wait3A_116 = tpu.memref_slice %arg4[%run_scoped3A, %add3A_54, %mul3A_65, %dma_wait3A] : memref<2x32x144x80xi32, #tpu.memory_space<hbm>> -> memref<1x1x24x80xi32, #tpu.memory_space<hbm>>
          %dma_wait3A_117 = tpu.memref_squeeze %dma_wait3A_116 : memref<1x1x24x80xi32, #tpu.memory_space<hbm>> -> memref<24x80xi32, #tpu.memory_space<hbm>>
          %dma_wait3A_118 = arith.constant 0 : i32
          %dma_wait3A_119 = tpu.memref_slice %arg4[%run_scoped3A, %add3A_54, %mul3A_65, %dma_wait3A_118] : memref<2x32x144x80xi32, #tpu.memory_space<hbm>> -> memref<1x1x24x80xi32, #tpu.memory_space<hbm>>
          %dma_wait3A_120 = tpu.memref_squeeze %dma_wait3A_119 : memref<1x1x24x80xi32, #tpu.memory_space<hbm>> -> memref<24x80xi32, #tpu.memory_space<hbm>>
          tpu.wait_dma2 semaphore(%run_scoped3A_109 : memref<!tpu.dma_semaphore, #tpu.memory_space<semaphore_mem>>) src(%dma_wait3A_120 : memref<24x80xi32, #tpu.memory_space<hbm>>) dst(%arg6 : memref<24x80xi32, #tpu.memory_space<vmem>>)
          tpu.yield
        }) : () -> ()
        %mul3A_66 = arith.constant 24 : i32
        %mul3A_67 = arith.muli %scan3A_61, %mul3A_66 : i32
        %run_scoped3A_68 = arith.constant 1 : i32
        "tpu.region"() ({
          %run_scoped3A_109 = tpu.sem_alloc : memref<!tpu.dma_semaphore, #tpu.memory_space<semaphore_mem>>
          %dma_start3A_110 = arith.constant 0 : i32
          %dma_start3A_111 = tpu.memref_slice %arg4[%run_scoped3A_68, %add3A_54, %mul3A_67, %dma_start3A_110] : memref<2x32x144x80xi32, #tpu.memory_space<hbm>> -> memref<1x1x24x80xi32, #tpu.memory_space<hbm>>
          %dma_start3A_112 = tpu.memref_squeeze %dma_start3A_111 : memref<1x1x24x80xi32, #tpu.memory_space<hbm>> -> memref<24x80xi32, #tpu.memory_space<hbm>>
          %dma_start3A_113 = arith.constant 0 : i32
          %dma_start3A_114 = tpu.memref_slice %arg4[%run_scoped3A_68, %add3A_54, %mul3A_67, %dma_start3A_113] : memref<2x32x144x80xi32, #tpu.memory_space<hbm>> -> memref<1x1x24x80xi32, #tpu.memory_space<hbm>>
          %dma_start3A_115 = tpu.memref_squeeze %dma_start3A_114 : memref<1x1x24x80xi32, #tpu.memory_space<hbm>> -> memref<24x80xi32, #tpu.memory_space<hbm>>
          tpu.enqueue_dma source(%dma_start3A_115 : memref<24x80xi32, #tpu.memory_space<hbm>>) target(%arg7 : memref<24x80xi32, #tpu.memory_space<vmem>>) target_semaphore(%run_scoped3A_109 : memref<!tpu.dma_semaphore, #tpu.memory_space<semaphore_mem>>)
          %dma_wait3A = arith.constant 0 : i32
          %dma_wait3A_116 = tpu.memref_slice %arg4[%run_scoped3A_68, %add3A_54, %mul3A_67, %dma_wait3A] : memref<2x32x144x80xi32, #tpu.memory_space<hbm>> -> memref<1x1x24x80xi32, #tpu.memory_space<hbm>>
          %dma_wait3A_117 = tpu.memref_squeeze %dma_wait3A_116 : memref<1x1x24x80xi32, #tpu.memory_space<hbm>> -> memref<24x80xi32, #tpu.memory_space<hbm>>
          %dma_wait3A_118 = arith.constant 0 : i32
          %dma_wait3A_119 = tpu.memref_slice %arg4[%run_scoped3A_68, %add3A_54, %mul3A_67, %dma_wait3A_118] : memref<2x32x144x80xi32, #tpu.memory_space<hbm>> -> memref<1x1x24x80xi32, #tpu.memory_space<hbm>>
          %dma_wait3A_120 = tpu.memref_squeeze %dma_wait3A_119 : memref<1x1x24x80xi32, #tpu.memory_space<hbm>> -> memref<24x80xi32, #tpu.memory_space<hbm>>
          tpu.wait_dma2 semaphore(%run_scoped3A_109 : memref<!tpu.dma_semaphore, #tpu.memory_space<semaphore_mem>>) src(%dma_wait3A_120 : memref<24x80xi32, #tpu.memory_space<hbm>>) dst(%arg7 : memref<24x80xi32, #tpu.memory_space<vmem>>)
          tpu.yield
        }) : () -> ()
        %dma_start3A = arith.constant 0 : i32
        %dma_start3A_69 = arith.constant 0 : i32
        %dma_start3A_70 = tpu.memref_slice %arg6[%dma_start3A, %dma_start3A_69] : memref<24x80xi32, #tpu.memory_space<vmem>> -> memref<1x80xi32, #tpu.memory_space<vmem>>
        %dma_start3A_71 = tpu.memref_squeeze %dma_start3A_70 : memref<1x80xi32, #tpu.memory_space<vmem>> -> memref<80xi32, #tpu.memory_space<vmem>>
        %dma_start3A_72 = arith.constant 0 : i32
        %dma_start3A_73 = arith.constant 0 : i32
        %dma_start3A_74 = tpu.memref_slice %arg2[%dma_start3A_72, %dma_start3A_73] : memref<10000x128xf32, #tpu.memory_space<hbm>> -> memref<10000x128xf32, #tpu.memory_space<hbm>>
        tpu.enqueue_indirect_dma source(%dma_start3A_74 : memref<10000x128xf32, #tpu.memory_space<hbm>>) target(%arg8 : memref<80x128xf32, #tpu.memory_space<vmem>>) offsets(%dma_start3A_71 : memref<80xi32, #tpu.memory_space<vmem>>) semaphore(%arg13 : memref<!tpu.dma_semaphore, #tpu.memory_space<semaphore_mem>>)
        %dma_start3A_75 = arith.constant 1 : i32
        %dma_start3A_76 = arith.constant 0 : i32
        %dma_start3A_77 = tpu.memref_slice %arg6[%dma_start3A_75, %dma_start3A_76] : memref<24x80xi32, #tpu.memory_space<vmem>> -> memref<1x80xi32, #tpu.memory_space<vmem>>
        %dma_start3A_78 = tpu.memref_squeeze %dma_start3A_77 : memref<1x80xi32, #tpu.memory_space<vmem>> -> memref<80xi32, #tpu.memory_space<vmem>>
        %dma_start3A_79 = arith.constant 0 : i32
        %dma_start3A_80 = arith.constant 0 : i32
        %dma_start3A_81 = tpu.memref_slice %arg2[%dma_start3A_79, %dma_start3A_80] : memref<10000x128xf32, #tpu.memory_space<hbm>> -> memref<10000x128xf32, #tpu.memory_space<hbm>>
        tpu.enqueue_indirect_dma source(%dma_start3A_81 : memref<10000x128xf32, #tpu.memory_space<hbm>>) target(%arg9 : memref<80x128xf32, #tpu.memory_space<vmem>>) offsets(%dma_start3A_78 : memref<80xi32, #tpu.memory_space<vmem>>) semaphore(%arg14 : memref<!tpu.dma_semaphore, #tpu.memory_space<semaphore_mem>>)
        %scan3A_82 = arith.constant 0 : i32
        %scan3A_83 = arith.constant 0 : i32
        %scan3A_84 = arith.constant 8 : i32
        %scan3A_85 = arith.addi %scan3A_83, %scan3A_84 : i32
        %scan3A_86 = arith.constant 1 : i32
        scf.for %scan3A_109 = %scan3A_83 to %scan3A_85 step %scan3A_86  : i32 {
          %mul3A_110 = arith.constant 3 : i32
          %mul3A_111 = arith.muli %mul3A_110, %scan3A_109 : i32
          %add3A_112 = arith.constant 0 : i32
          %add3A_113 = arith.addi %mul3A_111, %add3A_112 : i32
          %add3A_114 = arith.constant 2 : i32
          %add3A_115 = arith.addi %add3A_113, %add3A_114 : i32
          %lt3A_116 = arith.constant 24 : i32
          %lt3A_117 = arith.cmpi slt, %add3A_115, %lt3A_116 : i32
          %ge3A = arith.constant 3 : i32
          %ge3A_118 = arith.cmpi sge, %add3A_115, %ge3A : i32
          %and3A = arith.andi %lt3A_117, %ge3A_118 : i1
          %add3A_119 = arith.addi %mul3A_63, %add3A_115 : i32
          %sub3A = arith.constant 3 : i32
          %sub3A_120 = arith.subi %add3A_119, %sub3A : i32
          %lt3A_121 = arith.constant 125 : i32
          %lt3A_122 = arith.cmpi slt, %sub3A_120, %lt3A_121 : i32
          %and3A_123 = arith.andi %and3A, %lt3A_122 : i1
          %convert_element_type3A_124 = arith.extui %and3A_123 : i1 to i32
          %cond3A_125 = arith.constant 0 : i32
          %cond3A_126 = arith.cmpi ne, %convert_element_type3A_124, %cond3A_125 : i32
          scf.if %cond3A_126 {
            %sub3A_212 = arith.constant 3 : i32
            %sub3A_213 = arith.subi %add3A_115, %sub3A_212 : i32
            %dma_wait3A = arith.constant 0 : i32
            %dma_wait3A_214 = tpu.memref_slice %arg7[%sub3A_213, %dma_wait3A] : memref<24x80xi32, #tpu.memory_space<vmem>> -> memref<1x80xi32, #tpu.memory_space<vmem>>
            %dma_wait3A_215 = tpu.memref_squeeze %dma_wait3A_214 : memref<1x80xi32, #tpu.memory_space<vmem>> -> memref<80xi32, #tpu.memory_space<vmem>>
            %dma_wait3A_216 = arith.constant 0 : i32
            %dma_wait3A_217 = arith.constant 0 : i32
            %dma_wait3A_218 = tpu.memref_slice %arg12[%dma_wait3A_216, %dma_wait3A_217] : memref<10240x128xf32, #tpu.memory_space<vmem_shared>> -> memref<10240x128xf32, #tpu.memory_space<vmem_shared>>
            tpu.wait_indirect_dma semaphore(%arg18 : memref<!tpu.dma_semaphore, #tpu.memory_space<semaphore_mem>>) src(%arg10 : memref<80x128xf32, #tpu.memory_space<vmem>>) dst(%dma_wait3A_218 : memref<10240x128xf32, #tpu.memory_space<vmem_shared>>)
          } else {
          }
          %lt3A_127 = arith.constant 24 : i32
          %lt3A_128 = arith.cmpi slt, %add3A_115, %lt3A_127 : i32
          %add3A_129 = arith.addi %mul3A_63, %add3A_115 : i32
          %lt3A_130 = arith.constant 125 : i32
          %lt3A_131 = arith.cmpi slt, %add3A_129, %lt3A_130 : i32
          %and3A_132 = arith.andi %lt3A_128, %lt3A_131 : i1
          %convert_element_type3A_133 = arith.extui %and3A_132 : i1 to i32
          %cond3A_134 = arith.constant 0 : i32
          %cond3A_135 = arith.cmpi ne, %convert_element_type3A_133, %cond3A_134 : i32
          scf.if %cond3A_135 {
            %dma_start3A_212 = arith.constant 0 : i32
            %dma_start3A_213 = tpu.memref_slice %arg6[%add3A_115, %dma_start3A_212] : memref<24x80xi32, #tpu.memory_space<vmem>> -> memref<1x80xi32, #tpu.memory_space<vmem>>
            %dma_start3A_214 = tpu.memref_squeeze %dma_start3A_213 : memref<1x80xi32, #tpu.memory_space<vmem>> -> memref<80xi32, #tpu.memory_space<vmem>>
            %dma_start3A_215 = arith.constant 0 : i32
            %dma_start3A_216 = arith.constant 0 : i32
            %dma_start3A_217 = tpu.memref_slice %arg2[%dma_start3A_215, %dma_start3A_216] : memref<10000x128xf32, #tpu.memory_space<hbm>> -> memref<10000x128xf32, #tpu.memory_space<hbm>>
            tpu.enqueue_indirect_dma source(%dma_start3A_217 : memref<10000x128xf32, #tpu.memory_space<hbm>>) target(%arg10 : memref<80x128xf32, #tpu.memory_space<vmem>>) offsets(%dma_start3A_214 : memref<80xi32, #tpu.memory_space<vmem>>) semaphore(%arg15 : memref<!tpu.dma_semaphore, #tpu.memory_space<semaphore_mem>>)
          } else {
          }
          %add3A_136 = arith.addi %mul3A_63, %add3A_113 : i32
          %lt3A_137 = arith.constant 125 : i32
          %lt3A_138 = arith.cmpi slt, %add3A_136, %lt3A_137 : i32
          %convert_element_type3A_139 = arith.extui %lt3A_138 : i1 to i32
          %cond3A_140 = arith.constant 0 : i32
          %cond3A_141 = arith.cmpi ne, %convert_element_type3A_139, %cond3A_140 : i32
          scf.if %cond3A_141 {
            %dma_wait3A = arith.constant 0 : i32
            %dma_wait3A_212 = tpu.memref_slice %arg6[%add3A_113, %dma_wait3A] : memref<24x80xi32, #tpu.memory_space<vmem>> -> memref<1x80xi32, #tpu.memory_space<vmem>>
            %dma_wait3A_213 = tpu.memref_squeeze %dma_wait3A_212 : memref<1x80xi32, #tpu.memory_space<vmem>> -> memref<80xi32, #tpu.memory_space<vmem>>
            %dma_wait3A_214 = arith.constant 0 : i32
            %dma_wait3A_215 = arith.constant 0 : i32
            %dma_wait3A_216 = tpu.memref_slice %arg2[%dma_wait3A_214, %dma_wait3A_215] : memref<10000x128xf32, #tpu.memory_space<hbm>> -> memref<10000x128xf32, #tpu.memory_space<hbm>>
            tpu.wait_indirect_dma semaphore(%arg13 : memref<!tpu.dma_semaphore, #tpu.memory_space<semaphore_mem>>) src(%dma_wait3A_216 : memref<10000x128xf32, #tpu.memory_space<hbm>>) dst(%arg8 : memref<80x128xf32, #tpu.memory_space<vmem>>)
            %dma_start3A_217 = arith.constant 0 : i32
            %dma_start3A_218 = tpu.memref_slice %arg7[%add3A_113, %dma_start3A_217] : memref<24x80xi32, #tpu.memory_space<vmem>> -> memref<1x80xi32, #tpu.memory_space<vmem>>
            %dma_start3A_219 = tpu.memref_squeeze %dma_start3A_218 : memref<1x80xi32, #tpu.memory_space<vmem>> -> memref<80xi32, #tpu.memory_space<vmem>>
            %dma_start3A_220 = arith.constant 0 : i32
            %dma_start3A_221 = arith.constant 0 : i32
            %dma_start3A_222 = tpu.memref_slice %arg12[%dma_start3A_220, %dma_start3A_221] : memref<10240x128xf32, #tpu.memory_space<vmem_shared>> -> memref<10240x128xf32, #tpu.memory_space<vmem_shared>>
            tpu.enqueue_indirect_dma source(%arg8 : memref<80x128xf32, #tpu.memory_space<vmem>>) target(%dma_start3A_222 : memref<10240x128xf32, #tpu.memory_space<vmem_shared>>) offsets(%dma_start3A_219 : memref<80xi32, #tpu.memory_space<vmem>>) semaphore(%arg16 : memref<!tpu.dma_semaphore, #tpu.memory_space<semaphore_mem>>) {add = true}
          } else {
          }
          %mul3A_142 = arith.constant 3 : i32
          %mul3A_143 = arith.muli %mul3A_142, %scan3A_109 : i32
          %add3A_144 = arith.constant 1 : i32
          %add3A_145 = arith.addi %mul3A_143, %add3A_144 : i32
          %add3A_146 = arith.constant 2 : i32
          %add3A_147 = arith.addi %add3A_145, %add3A_146 : i32
          %lt3A_148 = arith.constant 24 : i32
          %lt3A_149 = arith.cmpi slt, %add3A_147, %lt3A_148 : i32
          %ge3A_150 = arith.constant 3 : i32
          %ge3A_151 = arith.cmpi sge, %add3A_147, %ge3A_150 : i32
          %and3A_152 = arith.andi %lt3A_149, %ge3A_151 : i1
          %add3A_153 = arith.addi %mul3A_63, %add3A_147 : i32
          %sub3A_154 = arith.constant 3 : i32
          %sub3A_155 = arith.subi %add3A_153, %sub3A_154 : i32
          %lt3A_156 = arith.constant 125 : i32
          %lt3A_157 = arith.cmpi slt, %sub3A_155, %lt3A_156 : i32
          %and3A_158 = arith.andi %and3A_152, %lt3A_157 : i1
          %convert_element_type3A_159 = arith.extui %and3A_158 : i1 to i32
          %cond3A_160 = arith.constant 0 : i32
          %cond3A_161 = arith.cmpi ne, %convert_element_type3A_159, %cond3A_160 : i32
          scf.if %cond3A_161 {
            %sub3A_212 = arith.constant 3 : i32
            %sub3A_213 = arith.subi %add3A_147, %sub3A_212 : i32
            %dma_wait3A = arith.constant 0 : i32
            %dma_wait3A_214 = tpu.memref_slice %arg7[%sub3A_213, %dma_wait3A] : memref<24x80xi32, #tpu.memory_space<vmem>> -> memref<1x80xi32, #tpu.memory_space<vmem>>
            %dma_wait3A_215 = tpu.memref_squeeze %dma_wait3A_214 : memref<1x80xi32, #tpu.memory_space<vmem>> -> memref<80xi32, #tpu.memory_space<vmem>>
            %dma_wait3A_216 = arith.constant 0 : i32
            %dma_wait3A_217 = arith.constant 0 : i32
            %dma_wait3A_218 = tpu.memref_slice %arg12[%dma_wait3A_216, %dma_wait3A_217] : memref<10240x128xf32, #tpu.memory_space<vmem_shared>> -> memref<10240x128xf32, #tpu.memory_space<vmem_shared>>
            tpu.wait_indirect_dma semaphore(%arg16 : memref<!tpu.dma_semaphore, #tpu.memory_space<semaphore_mem>>) src(%arg8 : memref<80x128xf32, #tpu.memory_space<vmem>>) dst(%dma_wait3A_218 : memref<10240x128xf32, #tpu.memory_space<vmem_shared>>)
          } else {
          }
          %lt3A_162 = arith.constant 24 : i32
          %lt3A_163 = arith.cmpi slt, %add3A_147, %lt3A_162 : i32
          %add3A_164 = arith.addi %mul3A_63, %add3A_147 : i32
          %lt3A_165 = arith.constant 125 : i32
          %lt3A_166 = arith.cmpi slt, %add3A_164, %lt3A_165 : i32
          %and3A_167 = arith.andi %lt3A_163, %lt3A_166 : i1
          %convert_element_type3A_168 = arith.extui %and3A_167 : i1 to i32
          %cond3A_169 = arith.constant 0 : i32
          %cond3A_170 = arith.cmpi ne, %convert_element_type3A_168, %cond3A_169 : i32
          scf.if %cond3A_170 {
            %dma_start3A_212 = arith.constant 0 : i32
            %dma_start3A_213 = tpu.memref_slice %arg6[%add3A_147, %dma_start3A_212] : memref<24x80xi32, #tpu.memory_space<vmem>> -> memref<1x80xi32, #tpu.memory_space<vmem>>
            %dma_start3A_214 = tpu.memref_squeeze %dma_start3A_213 : memref<1x80xi32, #tpu.memory_space<vmem>> -> memref<80xi32, #tpu.memory_space<vmem>>
            %dma_start3A_215 = arith.constant 0 : i32
            %dma_start3A_216 = arith.constant 0 : i32
            %dma_start3A_217 = tpu.memref_slice %arg2[%dma_start3A_215, %dma_start3A_216] : memref<10000x128xf32, #tpu.memory_space<hbm>> -> memref<10000x128xf32, #tpu.memory_space<hbm>>
            tpu.enqueue_indirect_dma source(%dma_start3A_217 : memref<10000x128xf32, #tpu.memory_space<hbm>>) target(%arg8 : memref<80x128xf32, #tpu.memory_space<vmem>>) offsets(%dma_start3A_214 : memref<80xi32, #tpu.memory_space<vmem>>) semaphore(%arg13 : memref<!tpu.dma_semaphore, #tpu.memory_space<semaphore_mem>>)
          } else {
          }
          %add3A_171 = arith.addi %mul3A_63, %add3A_145 : i32
          %lt3A_172 = arith.constant 125 : i32
          %lt3A_173 = arith.cmpi slt, %add3A_171, %lt3A_172 : i32
          %convert_element_type3A_174 = arith.extui %lt3A_173 : i1 to i32
          %cond3A_175 = arith.constant 0 : i32
          %cond3A_176 = arith.cmpi ne, %convert_element_type3A_174, %cond3A_175 : i32
          scf.if %cond3A_176 {
            %dma_wait3A = arith.constant 0 : i32
            %dma_wait3A_212 = tpu.memref_slice %arg6[%add3A_145, %dma_wait3A] : memref<24x80xi32, #tpu.memory_space<vmem>> -> memref<1x80xi32, #tpu.memory_space<vmem>>
            %dma_wait3A_213 = tpu.memref_squeeze %dma_wait3A_212 : memref<1x80xi32, #tpu.memory_space<vmem>> -> memref<80xi32, #tpu.memory_space<vmem>>
            %dma_wait3A_214 = arith.constant 0 : i32
            %dma_wait3A_215 = arith.constant 0 : i32
            %dma_wait3A_216 = tpu.memref_slice %arg2[%dma_wait3A_214, %dma_wait3A_215] : memref<10000x128xf32, #tpu.memory_space<hbm>> -> memref<10000x128xf32, #tpu.memory_space<hbm>>
            tpu.wait_indirect_dma semaphore(%arg14 : memref<!tpu.dma_semaphore, #tpu.memory_space<semaphore_mem>>) src(%dma_wait3A_216 : memref<10000x128xf32, #tpu.memory_space<hbm>>) dst(%arg9 : memref<80x128xf32, #tpu.memory_space<vmem>>)
            %dma_start3A_217 = arith.constant 0 : i32
            %dma_start3A_218 = tpu.memref_slice %arg7[%add3A_145, %dma_start3A_217] : memref<24x80xi32, #tpu.memory_space<vmem>> -> memref<1x80xi32, #tpu.memory_space<vmem>>
            %dma_start3A_219 = tpu.memref_squeeze %dma_start3A_218 : memref<1x80xi32, #tpu.memory_space<vmem>> -> memref<80xi32, #tpu.memory_space<vmem>>
            %dma_start3A_220 = arith.constant 0 : i32
            %dma_start3A_221 = arith.constant 0 : i32
            %dma_start3A_222 = tpu.memref_slice %arg12[%dma_start3A_220, %dma_start3A_221] : memref<10240x128xf32, #tpu.memory_space<vmem_shared>> -> memref<10240x128xf32, #tpu.memory_space<vmem_shared>>
            tpu.enqueue_indirect_dma source(%arg9 : memref<80x128xf32, #tpu.memory_space<vmem>>) target(%dma_start3A_222 : memref<10240x128xf32, #tpu.memory_space<vmem_shared>>) offsets(%dma_start3A_219 : memref<80xi32, #tpu.memory_space<vmem>>) semaphore(%arg17 : memref<!tpu.dma_semaphore, #tpu.memory_space<semaphore_mem>>) {add = true}
          } else {
          }
          %mul3A_177 = arith.constant 3 : i32
          %mul3A_178 = arith.muli %mul3A_177, %scan3A_109 : i32
          %add3A_179 = arith.constant 2 : i32
          %add3A_180 = arith.addi %mul3A_178, %add3A_179 : i32
          %add3A_181 = arith.constant 2 : i32
          %add3A_182 = arith.addi %add3A_180, %add3A_181 : i32
          %lt3A_183 = arith.constant 24 : i32
          %lt3A_184 = arith.cmpi slt, %add3A_182, %lt3A_183 : i32
          %ge3A_185 = arith.constant 3 : i32
          %ge3A_186 = arith.cmpi sge, %add3A_182, %ge3A_185 : i32
          %and3A_187 = arith.andi %lt3A_184, %ge3A_186 : i1
          %add3A_188 = arith.addi %mul3A_63, %add3A_182 : i32
          %sub3A_189 = arith.constant 3 : i32
          %sub3A_190 = arith.subi %add3A_188, %sub3A_189 : i32
          %lt3A_191 = arith.constant 125 : i32
          %lt3A_192 = arith.cmpi slt, %sub3A_190, %lt3A_191 : i32
          %and3A_193 = arith.andi %and3A_187, %lt3A_192 : i1
          %convert_element_type3A_194 = arith.extui %and3A_193 : i1 to i32
          %cond3A_195 = arith.constant 0 : i32
          %cond3A_196 = arith.cmpi ne, %convert_element_type3A_194, %cond3A_195 : i32
          scf.if %cond3A_196 {
            %sub3A_212 = arith.constant 3 : i32
            %sub3A_213 = arith.subi %add3A_182, %sub3A_212 : i32
            %dma_wait3A = arith.constant 0 : i32
            %dma_wait3A_214 = tpu.memref_slice %arg7[%sub3A_213, %dma_wait3A] : memref<24x80xi32, #tpu.memory_space<vmem>> -> memref<1x80xi32, #tpu.memory_space<vmem>>
            %dma_wait3A_215 = tpu.memref_squeeze %dma_wait3A_214 : memref<1x80xi32, #tpu.memory_space<vmem>> -> memref<80xi32, #tpu.memory_space<vmem>>
            %dma_wait3A_216 = arith.constant 0 : i32
            %dma_wait3A_217 = arith.constant 0 : i32
            %dma_wait3A_218 = tpu.memref_slice %arg12[%dma_wait3A_216, %dma_wait3A_217] : memref<10240x128xf32, #tpu.memory_space<vmem_shared>> -> memref<10240x128xf32, #tpu.memory_space<vmem_shared>>
            tpu.wait_indirect_dma semaphore(%arg17 : memref<!tpu.dma_semaphore, #tpu.memory_space<semaphore_mem>>) src(%arg9 : memref<80x128xf32, #tpu.memory_space<vmem>>) dst(%dma_wait3A_218 : memref<10240x128xf32, #tpu.memory_space<vmem_shared>>)
          } else {
          }
          %lt3A_197 = arith.constant 24 : i32
          %lt3A_198 = arith.cmpi slt, %add3A_182, %lt3A_197 : i32
          %add3A_199 = arith.addi %mul3A_63, %add3A_182 : i32
          %lt3A_200 = arith.constant 125 : i32
          %lt3A_201 = arith.cmpi slt, %add3A_199, %lt3A_200 : i32
          %and3A_202 = arith.andi %lt3A_198, %lt3A_201 : i1
          %convert_element_type3A_203 = arith.extui %and3A_202 : i1 to i32
          %cond3A_204 = arith.constant 0 : i32
          %cond3A_205 = arith.cmpi ne, %convert_element_type3A_203, %cond3A_204 : i32
          scf.if %cond3A_205 {
            %dma_start3A_212 = arith.constant 0 : i32
            %dma_start3A_213 = tpu.memref_slice %arg6[%add3A_182, %dma_start3A_212] : memref<24x80xi32, #tpu.memory_space<vmem>> -> memref<1x80xi32, #tpu.memory_space<vmem>>
            %dma_start3A_214 = tpu.memref_squeeze %dma_start3A_213 : memref<1x80xi32, #tpu.memory_space<vmem>> -> memref<80xi32, #tpu.memory_space<vmem>>
            %dma_start3A_215 = arith.constant 0 : i32
            %dma_start3A_216 = arith.constant 0 : i32
            %dma_start3A_217 = tpu.memref_slice %arg2[%dma_start3A_215, %dma_start3A_216] : memref<10000x128xf32, #tpu.memory_space<hbm>> -> memref<10000x128xf32, #tpu.memory_space<hbm>>
            tpu.enqueue_indirect_dma source(%dma_start3A_217 : memref<10000x128xf32, #tpu.memory_space<hbm>>) target(%arg9 : memref<80x128xf32, #tpu.memory_space<vmem>>) offsets(%dma_start3A_214 : memref<80xi32, #tpu.memory_space<vmem>>) semaphore(%arg14 : memref<!tpu.dma_semaphore, #tpu.memory_space<semaphore_mem>>)
          } else {
          }
          %add3A_206 = arith.addi %mul3A_63, %add3A_180 : i32
          %lt3A_207 = arith.constant 125 : i32
          %lt3A_208 = arith.cmpi slt, %add3A_206, %lt3A_207 : i32
          %convert_element_type3A_209 = arith.extui %lt3A_208 : i1 to i32
          %cond3A_210 = arith.constant 0 : i32
          %cond3A_211 = arith.cmpi ne, %convert_element_type3A_209, %cond3A_210 : i32
          scf.if %cond3A_211 {
            %dma_wait3A = arith.constant 0 : i32
            %dma_wait3A_212 = tpu.memref_slice %arg6[%add3A_180, %dma_wait3A] : memref<24x80xi32, #tpu.memory_space<vmem>> -> memref<1x80xi32, #tpu.memory_space<vmem>>
            %dma_wait3A_213 = tpu.memref_squeeze %dma_wait3A_212 : memref<1x80xi32, #tpu.memory_space<vmem>> -> memref<80xi32, #tpu.memory_space<vmem>>
            %dma_wait3A_214 = arith.constant 0 : i32
            %dma_wait3A_215 = arith.constant 0 : i32
            %dma_wait3A_216 = tpu.memref_slice %arg2[%dma_wait3A_214, %dma_wait3A_215] : memref<10000x128xf32, #tpu.memory_space<hbm>> -> memref<10000x128xf32, #tpu.memory_space<hbm>>
            tpu.wait_indirect_dma semaphore(%arg15 : memref<!tpu.dma_semaphore, #tpu.memory_space<semaphore_mem>>) src(%dma_wait3A_216 : memref<10000x128xf32, #tpu.memory_space<hbm>>) dst(%arg10 : memref<80x128xf32, #tpu.memory_space<vmem>>)
            %dma_start3A_217 = arith.constant 0 : i32
            %dma_start3A_218 = tpu.memref_slice %arg7[%add3A_180, %dma_start3A_217] : memref<24x80xi32, #tpu.memory_space<vmem>> -> memref<1x80xi32, #tpu.memory_space<vmem>>
            %dma_start3A_219 = tpu.memref_squeeze %dma_start3A_218 : memref<1x80xi32, #tpu.memory_space<vmem>> -> memref<80xi32, #tpu.memory_space<vmem>>
            %dma_start3A_220 = arith.constant 0 : i32
            %dma_start3A_221 = arith.constant 0 : i32
            %dma_start3A_222 = tpu.memref_slice %arg12[%dma_start3A_220, %dma_start3A_221] : memref<10240x128xf32, #tpu.memory_space<vmem_shared>> -> memref<10240x128xf32, #tpu.memory_space<vmem_shared>>
            tpu.enqueue_indirect_dma source(%arg10 : memref<80x128xf32, #tpu.memory_space<vmem>>) target(%dma_start3A_222 : memref<10240x128xf32, #tpu.memory_space<vmem_shared>>) offsets(%dma_start3A_219 : memref<80xi32, #tpu.memory_space<vmem>>) semaphore(%arg18 : memref<!tpu.dma_semaphore, #tpu.memory_space<semaphore_mem>>) {add = true}
          } else {
          }
        }
        %scan3A_87 = arith.constant 8 : i32
        %add3A_88 = arith.constant 21 : i32
        %add3A_89 = arith.addi %mul3A_63, %add3A_88 : i32
        %lt3A_90 = arith.constant 125 : i32
        %lt3A_91 = arith.cmpi slt, %add3A_89, %lt3A_90 : i32
        %convert_element_type3A_92 = arith.extui %lt3A_91 : i1 to i32
        %cond3A_93 = arith.constant 0 : i32
        %cond3A_94 = arith.cmpi ne, %convert_element_type3A_92, %cond3A_93 : i32
        scf.if %cond3A_94 {
          %dma_wait3A = arith.constant 21 : i32
          %dma_wait3A_109 = arith.constant 0 : i32
          %dma_wait3A_110 = tpu.memref_slice %arg7[%dma_wait3A, %dma_wait3A_109] : memref<24x80xi32, #tpu.memory_space<vmem>> -> memref<1x80xi32, #tpu.memory_space<vmem>>
          %dma_wait3A_111 = tpu.memref_squeeze %dma_wait3A_110 : memref<1x80xi32, #tpu.memory_space<vmem>> -> memref<80xi32, #tpu.memory_space<vmem>>
          %dma_wait3A_112 = arith.constant 0 : i32
          %dma_wait3A_113 = arith.constant 0 : i32
          %dma_wait3A_114 = tpu.memref_slice %arg12[%dma_wait3A_112, %dma_wait3A_113] : memref<10240x128xf32, #tpu.memory_space<vmem_shared>> -> memref<10240x128xf32, #tpu.memory_space<vmem_shared>>
          tpu.wait_indirect_dma semaphore(%arg16 : memref<!tpu.dma_semaphore, #tpu.memory_space<semaphore_mem>>) src(%arg8 : memref<80x128xf32, #tpu.memory_space<vmem>>) dst(%dma_wait3A_114 : memref<10240x128xf32, #tpu.memory_space<vmem_shared>>)
        } else {
        }
        %add3A_95 = arith.constant 22 : i32
        %add3A_96 = arith.addi %mul3A_63, %add3A_95 : i32
        %lt3A_97 = arith.constant 125 : i32
        %lt3A_98 = arith.cmpi slt, %add3A_96, %lt3A_97 : i32
        %convert_element_type3A_99 = arith.extui %lt3A_98 : i1 to i32
        %cond3A_100 = arith.constant 0 : i32
        %cond3A_101 = arith.cmpi ne, %convert_element_type3A_99, %cond3A_100 : i32
        scf.if %cond3A_101 {
          %dma_wait3A = arith.constant 22 : i32
          %dma_wait3A_109 = arith.constant 0 : i32
          %dma_wait3A_110 = tpu.memref_slice %arg7[%dma_wait3A, %dma_wait3A_109] : memref<24x80xi32, #tpu.memory_space<vmem>> -> memref<1x80xi32, #tpu.memory_space<vmem>>
          %dma_wait3A_111 = tpu.memref_squeeze %dma_wait3A_110 : memref<1x80xi32, #tpu.memory_space<vmem>> -> memref<80xi32, #tpu.memory_space<vmem>>
          %dma_wait3A_112 = arith.constant 0 : i32
          %dma_wait3A_113 = arith.constant 0 : i32
          %dma_wait3A_114 = tpu.memref_slice %arg12[%dma_wait3A_112, %dma_wait3A_113] : memref<10240x128xf32, #tpu.memory_space<vmem_shared>> -> memref<10240x128xf32, #tpu.memory_space<vmem_shared>>
          tpu.wait_indirect_dma semaphore(%arg17 : memref<!tpu.dma_semaphore, #tpu.memory_space<semaphore_mem>>) src(%arg9 : memref<80x128xf32, #tpu.memory_space<vmem>>) dst(%dma_wait3A_114 : memref<10240x128xf32, #tpu.memory_space<vmem_shared>>)
        } else {
        }
        %add3A_102 = arith.constant 23 : i32
        %add3A_103 = arith.addi %mul3A_63, %add3A_102 : i32
        %lt3A_104 = arith.constant 125 : i32
        %lt3A_105 = arith.cmpi slt, %add3A_103, %lt3A_104 : i32
        %convert_element_type3A_106 = arith.extui %lt3A_105 : i1 to i32
        %cond3A_107 = arith.constant 0 : i32
        %cond3A_108 = arith.cmpi ne, %convert_element_type3A_106, %cond3A_107 : i32
        scf.if %cond3A_108 {
          %dma_wait3A = arith.constant 23 : i32
          %dma_wait3A_109 = arith.constant 0 : i32
          %dma_wait3A_110 = tpu.memref_slice %arg7[%dma_wait3A, %dma_wait3A_109] : memref<24x80xi32, #tpu.memory_space<vmem>> -> memref<1x80xi32, #tpu.memory_space<vmem>>
          %dma_wait3A_111 = tpu.memref_squeeze %dma_wait3A_110 : memref<1x80xi32, #tpu.memory_space<vmem>> -> memref<80xi32, #tpu.memory_space<vmem>>
          %dma_wait3A_112 = arith.constant 0 : i32
          %dma_wait3A_113 = arith.constant 0 : i32
          %dma_wait3A_114 = tpu.memref_slice %arg12[%dma_wait3A_112, %dma_wait3A_113] : memref<10240x128xf32, #tpu.memory_space<vmem_shared>> -> memref<10240x128xf32, #tpu.memory_space<vmem_shared>>
          tpu.wait_indirect_dma semaphore(%arg18 : memref<!tpu.dma_semaphore, #tpu.memory_space<semaphore_mem>>) src(%arg10 : memref<80x128xf32, #tpu.memory_space<vmem>>) dst(%dma_wait3A_114 : memref<10240x128xf32, #tpu.memory_space<vmem_shared>>)
        } else {
        }
      }
      %scan3A_60 = arith.constant 6 : i32
    } else {
    }
    %eq3A_30 = arith.constant 1 : i32
    %eq3A_31 = arith.cmpi eq, %arg0, %eq3A_30 : i32
    %convert_element_type3A_32 = arith.extui %eq3A_31 : i1 to i32
    %cond3A_33 = arith.constant 0 : i32
    %cond3A_34 = arith.cmpi ne, %convert_element_type3A_32, %cond3A_33 : i32
    scf.if %cond3A_34 {
      %mul3A = arith.constant 2 : i32
      %mul3A_45 = arith.muli %mul3A, %arg1 : i32
      %scan3A_46 = arith.constant 0 : i32
      %scan3A_47 = arith.constant 0 : i32
      %scan3A_48 = arith.constant 6 : i32
      %scan3A_49 = arith.addi %scan3A_47, %scan3A_48 : i32
      %scan3A_50 = arith.constant 1 : i32
      scf.for %scan3A_61 = %scan3A_47 to %scan3A_49 step %scan3A_50  : i32 {
        %mul3A_62 = arith.constant 24 : i32
        %mul3A_63 = arith.muli %scan3A_61, %mul3A_62 : i32
        %gt3A = arith.constant 0 : i32
        %gt3A_64 = arith.cmpi sgt, %scan3A_61, %gt3A : i32
        %convert_element_type3A_65 = arith.extui %gt3A_64 : i1 to i32
        %cond3A_66 = arith.constant 0 : i32
        %cond3A_67 = arith.cmpi ne, %convert_element_type3A_65, %cond3A_66 : i32
        scf.if %cond3A_67 {
          %mul3A_95 = arith.constant 24 : i32
          %mul3A_96 = arith.muli %scan3A_61, %mul3A_95 : i32
          %run_scoped3A = arith.constant 0 : i32
          "tpu.region"() ({
            %run_scoped3A_113 = tpu.sem_alloc : memref<!tpu.dma_semaphore, #tpu.memory_space<semaphore_mem>>
            %dma_start3A_114 = arith.constant 0 : i32
            %dma_start3A_115 = tpu.memref_slice %arg4[%run_scoped3A, %mul3A_45, %mul3A_96, %dma_start3A_114] : memref<2x32x144x80xi32, #tpu.memory_space<hbm>> -> memref<1x1x24x80xi32, #tpu.memory_space<hbm>>
            %dma_start3A_116 = tpu.memref_squeeze %dma_start3A_115 : memref<1x1x24x80xi32, #tpu.memory_space<hbm>> -> memref<24x80xi32, #tpu.memory_space<hbm>>
            %dma_start3A_117 = arith.constant 0 : i32
            %dma_start3A_118 = tpu.memref_slice %arg4[%run_scoped3A, %mul3A_45, %mul3A_96, %dma_start3A_117] : memref<2x32x144x80xi32, #tpu.memory_space<hbm>> -> memref<1x1x24x80xi32, #tpu.memory_space<hbm>>
            %dma_start3A_119 = tpu.memref_squeeze %dma_start3A_118 : memref<1x1x24x80xi32, #tpu.memory_space<hbm>> -> memref<24x80xi32, #tpu.memory_space<hbm>>
            tpu.enqueue_dma source(%dma_start3A_119 : memref<24x80xi32, #tpu.memory_space<hbm>>) target(%arg6 : memref<24x80xi32, #tpu.memory_space<vmem>>) target_semaphore(%run_scoped3A_113 : memref<!tpu.dma_semaphore, #tpu.memory_space<semaphore_mem>>)
            %dma_wait3A = arith.constant 0 : i32
            %dma_wait3A_120 = tpu.memref_slice %arg4[%run_scoped3A, %mul3A_45, %mul3A_96, %dma_wait3A] : memref<2x32x144x80xi32, #tpu.memory_space<hbm>> -> memref<1x1x24x80xi32, #tpu.memory_space<hbm>>
            %dma_wait3A_121 = tpu.memref_squeeze %dma_wait3A_120 : memref<1x1x24x80xi32, #tpu.memory_space<hbm>> -> memref<24x80xi32, #tpu.memory_space<hbm>>
            %dma_wait3A_122 = arith.constant 0 : i32
            %dma_wait3A_123 = tpu.memref_slice %arg4[%run_scoped3A, %mul3A_45, %mul3A_96, %dma_wait3A_122] : memref<2x32x144x80xi32, #tpu.memory_space<hbm>> -> memref<1x1x24x80xi32, #tpu.memory_space<hbm>>
            %dma_wait3A_124 = tpu.memref_squeeze %dma_wait3A_123 : memref<1x1x24x80xi32, #tpu.memory_space<hbm>> -> memref<24x80xi32, #tpu.memory_space<hbm>>
            tpu.wait_dma2 semaphore(%run_scoped3A_113 : memref<!tpu.dma_semaphore, #tpu.memory_space<semaphore_mem>>) src(%dma_wait3A_124 : memref<24x80xi32, #tpu.memory_space<hbm>>) dst(%arg6 : memref<24x80xi32, #tpu.memory_space<vmem>>)
            tpu.yield
          }) : () -> ()
          %mul3A_97 = arith.constant 24 : i32
          %mul3A_98 = arith.muli %scan3A_61, %mul3A_97 : i32
          %run_scoped3A_99 = arith.constant 1 : i32
          "tpu.region"() ({
            %run_scoped3A_113 = tpu.sem_alloc : memref<!tpu.dma_semaphore, #tpu.memory_space<semaphore_mem>>
            %dma_start3A_114 = arith.constant 0 : i32
            %dma_start3A_115 = tpu.memref_slice %arg4[%run_scoped3A_99, %mul3A_45, %mul3A_98, %dma_start3A_114] : memref<2x32x144x80xi32, #tpu.memory_space<hbm>> -> memref<1x1x24x80xi32, #tpu.memory_space<hbm>>
            %dma_start3A_116 = tpu.memref_squeeze %dma_start3A_115 : memref<1x1x24x80xi32, #tpu.memory_space<hbm>> -> memref<24x80xi32, #tpu.memory_space<hbm>>
            %dma_start3A_117 = arith.constant 0 : i32
            %dma_start3A_118 = tpu.memref_slice %arg4[%run_scoped3A_99, %mul3A_45, %mul3A_98, %dma_start3A_117] : memref<2x32x144x80xi32, #tpu.memory_space<hbm>> -> memref<1x1x24x80xi32, #tpu.memory_space<hbm>>
            %dma_start3A_119 = tpu.memref_squeeze %dma_start3A_118 : memref<1x1x24x80xi32, #tpu.memory_space<hbm>> -> memref<24x80xi32, #tpu.memory_space<hbm>>
            tpu.enqueue_dma source(%dma_start3A_119 : memref<24x80xi32, #tpu.memory_space<hbm>>) target(%arg7 : memref<24x80xi32, #tpu.memory_space<vmem>>) target_semaphore(%run_scoped3A_113 : memref<!tpu.dma_semaphore, #tpu.memory_space<semaphore_mem>>)
            %dma_wait3A = arith.constant 0 : i32
            %dma_wait3A_120 = tpu.memref_slice %arg4[%run_scoped3A_99, %mul3A_45, %mul3A_98, %dma_wait3A] : memref<2x32x144x80xi32, #tpu.memory_space<hbm>> -> memref<1x1x24x80xi32, #tpu.memory_space<hbm>>
            %dma_wait3A_121 = tpu.memref_squeeze %dma_wait3A_120 : memref<1x1x24x80xi32, #tpu.memory_space<hbm>> -> memref<24x80xi32, #tpu.memory_space<hbm>>
            %dma_wait3A_122 = arith.constant 0 : i32
            %dma_wait3A_123 = tpu.memref_slice %arg4[%run_scoped3A_99, %mul3A_45, %mul3A_98, %dma_wait3A_122] : memref<2x32x144x80xi32, #tpu.memory_space<hbm>> -> memref<1x1x24x80xi32, #tpu.memory_space<hbm>>
            %dma_wait3A_124 = tpu.memref_squeeze %dma_wait3A_123 : memref<1x1x24x80xi32, #tpu.memory_space<hbm>> -> memref<24x80xi32, #tpu.memory_space<hbm>>
            tpu.wait_dma2 semaphore(%run_scoped3A_113 : memref<!tpu.dma_semaphore, #tpu.memory_space<semaphore_mem>>) src(%dma_wait3A_124 : memref<24x80xi32, #tpu.memory_space<hbm>>) dst(%arg7 : memref<24x80xi32, #tpu.memory_space<vmem>>)
            tpu.yield
          }) : () -> ()
          %dma_start3A = arith.constant 0 : i32
          %dma_start3A_100 = arith.constant 0 : i32
          %dma_start3A_101 = tpu.memref_slice %arg6[%dma_start3A, %dma_start3A_100] : memref<24x80xi32, #tpu.memory_space<vmem>> -> memref<1x80xi32, #tpu.memory_space<vmem>>
          %dma_start3A_102 = tpu.memref_squeeze %dma_start3A_101 : memref<1x80xi32, #tpu.memory_space<vmem>> -> memref<80xi32, #tpu.memory_space<vmem>>
          %dma_start3A_103 = arith.constant 0 : i32
          %dma_start3A_104 = arith.constant 0 : i32
          %dma_start3A_105 = tpu.memref_slice %arg3[%dma_start3A_103, %dma_start3A_104] : memref<10000x128xf32, #tpu.memory_space<hbm>> -> memref<10000x128xf32, #tpu.memory_space<hbm>>
          tpu.enqueue_indirect_dma source(%dma_start3A_105 : memref<10000x128xf32, #tpu.memory_space<hbm>>) target(%arg8 : memref<80x128xf32, #tpu.memory_space<vmem>>) offsets(%dma_start3A_102 : memref<80xi32, #tpu.memory_space<vmem>>) semaphore(%arg13 : memref<!tpu.dma_semaphore, #tpu.memory_space<semaphore_mem>>)
          %dma_start3A_106 = arith.constant 1 : i32
          %dma_start3A_107 = arith.constant 0 : i32
          %dma_start3A_108 = tpu.memref_slice %arg6[%dma_start3A_106, %dma_start3A_107] : memref<24x80xi32, #tpu.memory_space<vmem>> -> memref<1x80xi32, #tpu.memory_space<vmem>>
          %dma_start3A_109 = tpu.memref_squeeze %dma_start3A_108 : memref<1x80xi32, #tpu.memory_space<vmem>> -> memref<80xi32, #tpu.memory_space<vmem>>
          %dma_start3A_110 = arith.constant 0 : i32
          %dma_start3A_111 = arith.constant 0 : i32
          %dma_start3A_112 = tpu.memref_slice %arg3[%dma_start3A_110, %dma_start3A_111] : memref<10000x128xf32, #tpu.memory_space<hbm>> -> memref<10000x128xf32, #tpu.memory_space<hbm>>
          tpu.enqueue_indirect_dma source(%dma_start3A_112 : memref<10000x128xf32, #tpu.memory_space<hbm>>) target(%arg9 : memref<80x128xf32, #tpu.memory_space<vmem>>) offsets(%dma_start3A_109 : memref<80xi32, #tpu.memory_space<vmem>>) semaphore(%arg14 : memref<!tpu.dma_semaphore, #tpu.memory_space<semaphore_mem>>)
        } else {
        }
        %scan3A_68 = arith.constant 0 : i32
        %scan3A_69 = arith.constant 0 : i32
        %scan3A_70 = arith.constant 8 : i32
        %scan3A_71 = arith.addi %scan3A_69, %scan3A_70 : i32
        %scan3A_72 = arith.constant 1 : i32
        scf.for %scan3A_95 = %scan3A_69 to %scan3A_71 step %scan3A_72  : i32 {
          %mul3A_96 = arith.constant 3 : i32
          %mul3A_97 = arith.muli %mul3A_96, %scan3A_95 : i32
          %add3A_98 = arith.constant 0 : i32
          %add3A_99 = arith.addi %mul3A_97, %add3A_98 : i32
          %add3A_100 = arith.constant 2 : i32
          %add3A_101 = arith.addi %add3A_99, %add3A_100 : i32
          %lt3A_102 = arith.constant 24 : i32
          %lt3A_103 = arith.cmpi slt, %add3A_101, %lt3A_102 : i32
          %ge3A = arith.constant 3 : i32
          %ge3A_104 = arith.cmpi sge, %add3A_101, %ge3A : i32
          %and3A = arith.andi %lt3A_103, %ge3A_104 : i1
          %add3A_105 = arith.addi %mul3A_63, %add3A_101 : i32
          %sub3A = arith.constant 3 : i32
          %sub3A_106 = arith.subi %add3A_105, %sub3A : i32
          %lt3A_107 = arith.constant 125 : i32
          %lt3A_108 = arith.cmpi slt, %sub3A_106, %lt3A_107 : i32
          %and3A_109 = arith.andi %and3A, %lt3A_108 : i1
          %convert_element_type3A_110 = arith.extui %and3A_109 : i1 to i32
          %cond3A_111 = arith.constant 0 : i32
          %cond3A_112 = arith.cmpi ne, %convert_element_type3A_110, %cond3A_111 : i32
          scf.if %cond3A_112 {
            %sub3A_198 = arith.constant 3 : i32
            %sub3A_199 = arith.subi %add3A_101, %sub3A_198 : i32
            %dma_wait3A = arith.constant 0 : i32
            %dma_wait3A_200 = tpu.memref_slice %arg7[%sub3A_199, %dma_wait3A] : memref<24x80xi32, #tpu.memory_space<vmem>> -> memref<1x80xi32, #tpu.memory_space<vmem>>
            %dma_wait3A_201 = tpu.memref_squeeze %dma_wait3A_200 : memref<1x80xi32, #tpu.memory_space<vmem>> -> memref<80xi32, #tpu.memory_space<vmem>>
            %dma_wait3A_202 = arith.constant 0 : i32
            %dma_wait3A_203 = arith.constant 0 : i32
            %dma_wait3A_204 = tpu.memref_slice %arg12[%dma_wait3A_202, %dma_wait3A_203] : memref<10240x128xf32, #tpu.memory_space<vmem_shared>> -> memref<10240x128xf32, #tpu.memory_space<vmem_shared>>
            tpu.wait_indirect_dma semaphore(%arg18 : memref<!tpu.dma_semaphore, #tpu.memory_space<semaphore_mem>>) src(%arg10 : memref<80x128xf32, #tpu.memory_space<vmem>>) dst(%dma_wait3A_204 : memref<10240x128xf32, #tpu.memory_space<vmem_shared>>)
          } else {
          }
          %lt3A_113 = arith.constant 24 : i32
          %lt3A_114 = arith.cmpi slt, %add3A_101, %lt3A_113 : i32
          %add3A_115 = arith.addi %mul3A_63, %add3A_101 : i32
          %lt3A_116 = arith.constant 125 : i32
          %lt3A_117 = arith.cmpi slt, %add3A_115, %lt3A_116 : i32
          %and3A_118 = arith.andi %lt3A_114, %lt3A_117 : i1
          %convert_element_type3A_119 = arith.extui %and3A_118 : i1 to i32
          %cond3A_120 = arith.constant 0 : i32
          %cond3A_121 = arith.cmpi ne, %convert_element_type3A_119, %cond3A_120 : i32
          scf.if %cond3A_121 {
            %dma_start3A = arith.constant 0 : i32
            %dma_start3A_198 = tpu.memref_slice %arg6[%add3A_101, %dma_start3A] : memref<24x80xi32, #tpu.memory_space<vmem>> -> memref<1x80xi32, #tpu.memory_space<vmem>>
            %dma_start3A_199 = tpu.memref_squeeze %dma_start3A_198 : memref<1x80xi32, #tpu.memory_space<vmem>> -> memref<80xi32, #tpu.memory_space<vmem>>
            %dma_start3A_200 = arith.constant 0 : i32
            %dma_start3A_201 = arith.constant 0 : i32
            %dma_start3A_202 = tpu.memref_slice %arg3[%dma_start3A_200, %dma_start3A_201] : memref<10000x128xf32, #tpu.memory_space<hbm>> -> memref<10000x128xf32, #tpu.memory_space<hbm>>
            tpu.enqueue_indirect_dma source(%dma_start3A_202 : memref<10000x128xf32, #tpu.memory_space<hbm>>) target(%arg10 : memref<80x128xf32, #tpu.memory_space<vmem>>) offsets(%dma_start3A_199 : memref<80xi32, #tpu.memory_space<vmem>>) semaphore(%arg15 : memref<!tpu.dma_semaphore, #tpu.memory_space<semaphore_mem>>)
          } else {
          }
          %add3A_122 = arith.addi %mul3A_63, %add3A_99 : i32
          %lt3A_123 = arith.constant 125 : i32
          %lt3A_124 = arith.cmpi slt, %add3A_122, %lt3A_123 : i32
          %convert_element_type3A_125 = arith.extui %lt3A_124 : i1 to i32
          %cond3A_126 = arith.constant 0 : i32
          %cond3A_127 = arith.cmpi ne, %convert_element_type3A_125, %cond3A_126 : i32
          scf.if %cond3A_127 {
            %dma_wait3A = arith.constant 0 : i32
            %dma_wait3A_198 = tpu.memref_slice %arg6[%add3A_99, %dma_wait3A] : memref<24x80xi32, #tpu.memory_space<vmem>> -> memref<1x80xi32, #tpu.memory_space<vmem>>
            %dma_wait3A_199 = tpu.memref_squeeze %dma_wait3A_198 : memref<1x80xi32, #tpu.memory_space<vmem>> -> memref<80xi32, #tpu.memory_space<vmem>>
            %dma_wait3A_200 = arith.constant 0 : i32
            %dma_wait3A_201 = arith.constant 0 : i32
            %dma_wait3A_202 = tpu.memref_slice %arg3[%dma_wait3A_200, %dma_wait3A_201] : memref<10000x128xf32, #tpu.memory_space<hbm>> -> memref<10000x128xf32, #tpu.memory_space<hbm>>
            tpu.wait_indirect_dma semaphore(%arg13 : memref<!tpu.dma_semaphore, #tpu.memory_space<semaphore_mem>>) src(%dma_wait3A_202 : memref<10000x128xf32, #tpu.memory_space<hbm>>) dst(%arg8 : memref<80x128xf32, #tpu.memory_space<vmem>>)
            %dma_start3A = arith.constant 0 : i32
            %dma_start3A_203 = tpu.memref_slice %arg7[%add3A_99, %dma_start3A] : memref<24x80xi32, #tpu.memory_space<vmem>> -> memref<1x80xi32, #tpu.memory_space<vmem>>
            %dma_start3A_204 = tpu.memref_squeeze %dma_start3A_203 : memref<1x80xi32, #tpu.memory_space<vmem>> -> memref<80xi32, #tpu.memory_space<vmem>>
            %dma_start3A_205 = arith.constant 0 : i32
            %dma_start3A_206 = arith.constant 0 : i32
            %dma_start3A_207 = tpu.memref_slice %arg12[%dma_start3A_205, %dma_start3A_206] : memref<10240x128xf32, #tpu.memory_space<vmem_shared>> -> memref<10240x128xf32, #tpu.memory_space<vmem_shared>>
            tpu.enqueue_indirect_dma source(%arg8 : memref<80x128xf32, #tpu.memory_space<vmem>>) target(%dma_start3A_207 : memref<10240x128xf32, #tpu.memory_space<vmem_shared>>) offsets(%dma_start3A_204 : memref<80xi32, #tpu.memory_space<vmem>>) semaphore(%arg16 : memref<!tpu.dma_semaphore, #tpu.memory_space<semaphore_mem>>) {add = true}
          } else {
          }
          %mul3A_128 = arith.constant 3 : i32
          %mul3A_129 = arith.muli %mul3A_128, %scan3A_95 : i32
          %add3A_130 = arith.constant 1 : i32
          %add3A_131 = arith.addi %mul3A_129, %add3A_130 : i32
          %add3A_132 = arith.constant 2 : i32
          %add3A_133 = arith.addi %add3A_131, %add3A_132 : i32
          %lt3A_134 = arith.constant 24 : i32
          %lt3A_135 = arith.cmpi slt, %add3A_133, %lt3A_134 : i32
          %ge3A_136 = arith.constant 3 : i32
          %ge3A_137 = arith.cmpi sge, %add3A_133, %ge3A_136 : i32
          %and3A_138 = arith.andi %lt3A_135, %ge3A_137 : i1
          %add3A_139 = arith.addi %mul3A_63, %add3A_133 : i32
          %sub3A_140 = arith.constant 3 : i32
          %sub3A_141 = arith.subi %add3A_139, %sub3A_140 : i32
          %lt3A_142 = arith.constant 125 : i32
          %lt3A_143 = arith.cmpi slt, %sub3A_141, %lt3A_142 : i32
          %and3A_144 = arith.andi %and3A_138, %lt3A_143 : i1
          %convert_element_type3A_145 = arith.extui %and3A_144 : i1 to i32
          %cond3A_146 = arith.constant 0 : i32
          %cond3A_147 = arith.cmpi ne, %convert_element_type3A_145, %cond3A_146 : i32
          scf.if %cond3A_147 {
            %sub3A_198 = arith.constant 3 : i32
            %sub3A_199 = arith.subi %add3A_133, %sub3A_198 : i32
            %dma_wait3A = arith.constant 0 : i32
            %dma_wait3A_200 = tpu.memref_slice %arg7[%sub3A_199, %dma_wait3A] : memref<24x80xi32, #tpu.memory_space<vmem>> -> memref<1x80xi32, #tpu.memory_space<vmem>>
            %dma_wait3A_201 = tpu.memref_squeeze %dma_wait3A_200 : memref<1x80xi32, #tpu.memory_space<vmem>> -> memref<80xi32, #tpu.memory_space<vmem>>
            %dma_wait3A_202 = arith.constant 0 : i32
            %dma_wait3A_203 = arith.constant 0 : i32
            %dma_wait3A_204 = tpu.memref_slice %arg12[%dma_wait3A_202, %dma_wait3A_203] : memref<10240x128xf32, #tpu.memory_space<vmem_shared>> -> memref<10240x128xf32, #tpu.memory_space<vmem_shared>>
            tpu.wait_indirect_dma semaphore(%arg16 : memref<!tpu.dma_semaphore, #tpu.memory_space<semaphore_mem>>) src(%arg8 : memref<80x128xf32, #tpu.memory_space<vmem>>) dst(%dma_wait3A_204 : memref<10240x128xf32, #tpu.memory_space<vmem_shared>>)
          } else {
          }
          %lt3A_148 = arith.constant 24 : i32
          %lt3A_149 = arith.cmpi slt, %add3A_133, %lt3A_148 : i32
          %add3A_150 = arith.addi %mul3A_63, %add3A_133 : i32
          %lt3A_151 = arith.constant 125 : i32
          %lt3A_152 = arith.cmpi slt, %add3A_150, %lt3A_151 : i32
          %and3A_153 = arith.andi %lt3A_149, %lt3A_152 : i1
          %convert_element_type3A_154 = arith.extui %and3A_153 : i1 to i32
          %cond3A_155 = arith.constant 0 : i32
          %cond3A_156 = arith.cmpi ne, %convert_element_type3A_154, %cond3A_155 : i32
          scf.if %cond3A_156 {
            %dma_start3A = arith.constant 0 : i32
            %dma_start3A_198 = tpu.memref_slice %arg6[%add3A_133, %dma_start3A] : memref<24x80xi32, #tpu.memory_space<vmem>> -> memref<1x80xi32, #tpu.memory_space<vmem>>
            %dma_start3A_199 = tpu.memref_squeeze %dma_start3A_198 : memref<1x80xi32, #tpu.memory_space<vmem>> -> memref<80xi32, #tpu.memory_space<vmem>>
            %dma_start3A_200 = arith.constant 0 : i32
            %dma_start3A_201 = arith.constant 0 : i32
            %dma_start3A_202 = tpu.memref_slice %arg3[%dma_start3A_200, %dma_start3A_201] : memref<10000x128xf32, #tpu.memory_space<hbm>> -> memref<10000x128xf32, #tpu.memory_space<hbm>>
            tpu.enqueue_indirect_dma source(%dma_start3A_202 : memref<10000x128xf32, #tpu.memory_space<hbm>>) target(%arg8 : memref<80x128xf32, #tpu.memory_space<vmem>>) offsets(%dma_start3A_199 : memref<80xi32, #tpu.memory_space<vmem>>) semaphore(%arg13 : memref<!tpu.dma_semaphore, #tpu.memory_space<semaphore_mem>>)
          } else {
          }
          %add3A_157 = arith.addi %mul3A_63, %add3A_131 : i32
          %lt3A_158 = arith.constant 125 : i32
          %lt3A_159 = arith.cmpi slt, %add3A_157, %lt3A_158 : i32
          %convert_element_type3A_160 = arith.extui %lt3A_159 : i1 to i32
          %cond3A_161 = arith.constant 0 : i32
          %cond3A_162 = arith.cmpi ne, %convert_element_type3A_160, %cond3A_161 : i32
          scf.if %cond3A_162 {
            %dma_wait3A = arith.constant 0 : i32
            %dma_wait3A_198 = tpu.memref_slice %arg6[%add3A_131, %dma_wait3A] : memref<24x80xi32, #tpu.memory_space<vmem>> -> memref<1x80xi32, #tpu.memory_space<vmem>>
            %dma_wait3A_199 = tpu.memref_squeeze %dma_wait3A_198 : memref<1x80xi32, #tpu.memory_space<vmem>> -> memref<80xi32, #tpu.memory_space<vmem>>
            %dma_wait3A_200 = arith.constant 0 : i32
            %dma_wait3A_201 = arith.constant 0 : i32
            %dma_wait3A_202 = tpu.memref_slice %arg3[%dma_wait3A_200, %dma_wait3A_201] : memref<10000x128xf32, #tpu.memory_space<hbm>> -> memref<10000x128xf32, #tpu.memory_space<hbm>>
            tpu.wait_indirect_dma semaphore(%arg14 : memref<!tpu.dma_semaphore, #tpu.memory_space<semaphore_mem>>) src(%dma_wait3A_202 : memref<10000x128xf32, #tpu.memory_space<hbm>>) dst(%arg9 : memref<80x128xf32, #tpu.memory_space<vmem>>)
            %dma_start3A = arith.constant 0 : i32
            %dma_start3A_203 = tpu.memref_slice %arg7[%add3A_131, %dma_start3A] : memref<24x80xi32, #tpu.memory_space<vmem>> -> memref<1x80xi32, #tpu.memory_space<vmem>>
            %dma_start3A_204 = tpu.memref_squeeze %dma_start3A_203 : memref<1x80xi32, #tpu.memory_space<vmem>> -> memref<80xi32, #tpu.memory_space<vmem>>
            %dma_start3A_205 = arith.constant 0 : i32
            %dma_start3A_206 = arith.constant 0 : i32
            %dma_start3A_207 = tpu.memref_slice %arg12[%dma_start3A_205, %dma_start3A_206] : memref<10240x128xf32, #tpu.memory_space<vmem_shared>> -> memref<10240x128xf32, #tpu.memory_space<vmem_shared>>
            tpu.enqueue_indirect_dma source(%arg9 : memref<80x128xf32, #tpu.memory_space<vmem>>) target(%dma_start3A_207 : memref<10240x128xf32, #tpu.memory_space<vmem_shared>>) offsets(%dma_start3A_204 : memref<80xi32, #tpu.memory_space<vmem>>) semaphore(%arg17 : memref<!tpu.dma_semaphore, #tpu.memory_space<semaphore_mem>>) {add = true}
          } else {
          }
          %mul3A_163 = arith.constant 3 : i32
          %mul3A_164 = arith.muli %mul3A_163, %scan3A_95 : i32
          %add3A_165 = arith.constant 2 : i32
          %add3A_166 = arith.addi %mul3A_164, %add3A_165 : i32
          %add3A_167 = arith.constant 2 : i32
          %add3A_168 = arith.addi %add3A_166, %add3A_167 : i32
          %lt3A_169 = arith.constant 24 : i32
          %lt3A_170 = arith.cmpi slt, %add3A_168, %lt3A_169 : i32
          %ge3A_171 = arith.constant 3 : i32
          %ge3A_172 = arith.cmpi sge, %add3A_168, %ge3A_171 : i32
          %and3A_173 = arith.andi %lt3A_170, %ge3A_172 : i1
          %add3A_174 = arith.addi %mul3A_63, %add3A_168 : i32
          %sub3A_175 = arith.constant 3 : i32
          %sub3A_176 = arith.subi %add3A_174, %sub3A_175 : i32
          %lt3A_177 = arith.constant 125 : i32
          %lt3A_178 = arith.cmpi slt, %sub3A_176, %lt3A_177 : i32
          %and3A_179 = arith.andi %and3A_173, %lt3A_178 : i1
          %convert_element_type3A_180 = arith.extui %and3A_179 : i1 to i32
          %cond3A_181 = arith.constant 0 : i32
          %cond3A_182 = arith.cmpi ne, %convert_element_type3A_180, %cond3A_181 : i32
          scf.if %cond3A_182 {
            %sub3A_198 = arith.constant 3 : i32
            %sub3A_199 = arith.subi %add3A_168, %sub3A_198 : i32
            %dma_wait3A = arith.constant 0 : i32
            %dma_wait3A_200 = tpu.memref_slice %arg7[%sub3A_199, %dma_wait3A] : memref<24x80xi32, #tpu.memory_space<vmem>> -> memref<1x80xi32, #tpu.memory_space<vmem>>
            %dma_wait3A_201 = tpu.memref_squeeze %dma_wait3A_200 : memref<1x80xi32, #tpu.memory_space<vmem>> -> memref<80xi32, #tpu.memory_space<vmem>>
            %dma_wait3A_202 = arith.constant 0 : i32
            %dma_wait3A_203 = arith.constant 0 : i32
            %dma_wait3A_204 = tpu.memref_slice %arg12[%dma_wait3A_202, %dma_wait3A_203] : memref<10240x128xf32, #tpu.memory_space<vmem_shared>> -> memref<10240x128xf32, #tpu.memory_space<vmem_shared>>
            tpu.wait_indirect_dma semaphore(%arg17 : memref<!tpu.dma_semaphore, #tpu.memory_space<semaphore_mem>>) src(%arg9 : memref<80x128xf32, #tpu.memory_space<vmem>>) dst(%dma_wait3A_204 : memref<10240x128xf32, #tpu.memory_space<vmem_shared>>)
          } else {
          }
          %lt3A_183 = arith.constant 24 : i32
          %lt3A_184 = arith.cmpi slt, %add3A_168, %lt3A_183 : i32
          %add3A_185 = arith.addi %mul3A_63, %add3A_168 : i32
          %lt3A_186 = arith.constant 125 : i32
          %lt3A_187 = arith.cmpi slt, %add3A_185, %lt3A_186 : i32
          %and3A_188 = arith.andi %lt3A_184, %lt3A_187 : i1
          %convert_element_type3A_189 = arith.extui %and3A_188 : i1 to i32
          %cond3A_190 = arith.constant 0 : i32
          %cond3A_191 = arith.cmpi ne, %convert_element_type3A_189, %cond3A_190 : i32
          scf.if %cond3A_191 {
            %dma_start3A = arith.constant 0 : i32
            %dma_start3A_198 = tpu.memref_slice %arg6[%add3A_168, %dma_start3A] : memref<24x80xi32, #tpu.memory_space<vmem>> -> memref<1x80xi32, #tpu.memory_space<vmem>>
            %dma_start3A_199 = tpu.memref_squeeze %dma_start3A_198 : memref<1x80xi32, #tpu.memory_space<vmem>> -> memref<80xi32, #tpu.memory_space<vmem>>
            %dma_start3A_200 = arith.constant 0 : i32
            %dma_start3A_201 = arith.constant 0 : i32
            %dma_start3A_202 = tpu.memref_slice %arg3[%dma_start3A_200, %dma_start3A_201] : memref<10000x128xf32, #tpu.memory_space<hbm>> -> memref<10000x128xf32, #tpu.memory_space<hbm>>
            tpu.enqueue_indirect_dma source(%dma_start3A_202 : memref<10000x128xf32, #tpu.memory_space<hbm>>) target(%arg9 : memref<80x128xf32, #tpu.memory_space<vmem>>) offsets(%dma_start3A_199 : memref<80xi32, #tpu.memory_space<vmem>>) semaphore(%arg14 : memref<!tpu.dma_semaphore, #tpu.memory_space<semaphore_mem>>)
          } else {
          }
          %add3A_192 = arith.addi %mul3A_63, %add3A_166 : i32
          %lt3A_193 = arith.constant 125 : i32
          %lt3A_194 = arith.cmpi slt, %add3A_192, %lt3A_193 : i32
          %convert_element_type3A_195 = arith.extui %lt3A_194 : i1 to i32
          %cond3A_196 = arith.constant 0 : i32
          %cond3A_197 = arith.cmpi ne, %convert_element_type3A_195, %cond3A_196 : i32
          scf.if %cond3A_197 {
            %dma_wait3A = arith.constant 0 : i32
            %dma_wait3A_198 = tpu.memref_slice %arg6[%add3A_166, %dma_wait3A] : memref<24x80xi32, #tpu.memory_space<vmem>> -> memref<1x80xi32, #tpu.memory_space<vmem>>
            %dma_wait3A_199 = tpu.memref_squeeze %dma_wait3A_198 : memref<1x80xi32, #tpu.memory_space<vmem>> -> memref<80xi32, #tpu.memory_space<vmem>>
            %dma_wait3A_200 = arith.constant 0 : i32
            %dma_wait3A_201 = arith.constant 0 : i32
            %dma_wait3A_202 = tpu.memref_slice %arg3[%dma_wait3A_200, %dma_wait3A_201] : memref<10000x128xf32, #tpu.memory_space<hbm>> -> memref<10000x128xf32, #tpu.memory_space<hbm>>
            tpu.wait_indirect_dma semaphore(%arg15 : memref<!tpu.dma_semaphore, #tpu.memory_space<semaphore_mem>>) src(%dma_wait3A_202 : memref<10000x128xf32, #tpu.memory_space<hbm>>) dst(%arg10 : memref<80x128xf32, #tpu.memory_space<vmem>>)
            %dma_start3A = arith.constant 0 : i32
            %dma_start3A_203 = tpu.memref_slice %arg7[%add3A_166, %dma_start3A] : memref<24x80xi32, #tpu.memory_space<vmem>> -> memref<1x80xi32, #tpu.memory_space<vmem>>
            %dma_start3A_204 = tpu.memref_squeeze %dma_start3A_203 : memref<1x80xi32, #tpu.memory_space<vmem>> -> memref<80xi32, #tpu.memory_space<vmem>>
            %dma_start3A_205 = arith.constant 0 : i32
            %dma_start3A_206 = arith.constant 0 : i32
            %dma_start3A_207 = tpu.memref_slice %arg12[%dma_start3A_205, %dma_start3A_206] : memref<10240x128xf32, #tpu.memory_space<vmem_shared>> -> memref<10240x128xf32, #tpu.memory_space<vmem_shared>>
            tpu.enqueue_indirect_dma source(%arg10 : memref<80x128xf32, #tpu.memory_space<vmem>>) target(%dma_start3A_207 : memref<10240x128xf32, #tpu.memory_space<vmem_shared>>) offsets(%dma_start3A_204 : memref<80xi32, #tpu.memory_space<vmem>>) semaphore(%arg18 : memref<!tpu.dma_semaphore, #tpu.memory_space<semaphore_mem>>) {add = true}
          } else {
          }
        }
        %scan3A_73 = arith.constant 8 : i32
        %add3A_74 = arith.constant 21 : i32
        %add3A_75 = arith.addi %mul3A_63, %add3A_74 : i32
        %lt3A_76 = arith.constant 125 : i32
        %lt3A_77 = arith.cmpi slt, %add3A_75, %lt3A_76 : i32
        %convert_element_type3A_78 = arith.extui %lt3A_77 : i1 to i32
        %cond3A_79 = arith.constant 0 : i32
        %cond3A_80 = arith.cmpi ne, %convert_element_type3A_78, %cond3A_79 : i32
        scf.if %cond3A_80 {
          %dma_wait3A = arith.constant 21 : i32
          %dma_wait3A_95 = arith.constant 0 : i32
          %dma_wait3A_96 = tpu.memref_slice %arg7[%dma_wait3A, %dma_wait3A_95] : memref<24x80xi32, #tpu.memory_space<vmem>> -> memref<1x80xi32, #tpu.memory_space<vmem>>
          %dma_wait3A_97 = tpu.memref_squeeze %dma_wait3A_96 : memref<1x80xi32, #tpu.memory_space<vmem>> -> memref<80xi32, #tpu.memory_space<vmem>>
          %dma_wait3A_98 = arith.constant 0 : i32
          %dma_wait3A_99 = arith.constant 0 : i32
          %dma_wait3A_100 = tpu.memref_slice %arg12[%dma_wait3A_98, %dma_wait3A_99] : memref<10240x128xf32, #tpu.memory_space<vmem_shared>> -> memref<10240x128xf32, #tpu.memory_space<vmem_shared>>
          tpu.wait_indirect_dma semaphore(%arg16 : memref<!tpu.dma_semaphore, #tpu.memory_space<semaphore_mem>>) src(%arg8 : memref<80x128xf32, #tpu.memory_space<vmem>>) dst(%dma_wait3A_100 : memref<10240x128xf32, #tpu.memory_space<vmem_shared>>)
        } else {
        }
        %add3A_81 = arith.constant 22 : i32
        %add3A_82 = arith.addi %mul3A_63, %add3A_81 : i32
        %lt3A_83 = arith.constant 125 : i32
        %lt3A_84 = arith.cmpi slt, %add3A_82, %lt3A_83 : i32
        %convert_element_type3A_85 = arith.extui %lt3A_84 : i1 to i32
        %cond3A_86 = arith.constant 0 : i32
        %cond3A_87 = arith.cmpi ne, %convert_element_type3A_85, %cond3A_86 : i32
        scf.if %cond3A_87 {
          %dma_wait3A = arith.constant 22 : i32
          %dma_wait3A_95 = arith.constant 0 : i32
          %dma_wait3A_96 = tpu.memref_slice %arg7[%dma_wait3A, %dma_wait3A_95] : memref<24x80xi32, #tpu.memory_space<vmem>> -> memref<1x80xi32, #tpu.memory_space<vmem>>
          %dma_wait3A_97 = tpu.memref_squeeze %dma_wait3A_96 : memref<1x80xi32, #tpu.memory_space<vmem>> -> memref<80xi32, #tpu.memory_space<vmem>>
          %dma_wait3A_98 = arith.constant 0 : i32
          %dma_wait3A_99 = arith.constant 0 : i32
          %dma_wait3A_100 = tpu.memref_slice %arg12[%dma_wait3A_98, %dma_wait3A_99] : memref<10240x128xf32, #tpu.memory_space<vmem_shared>> -> memref<10240x128xf32, #tpu.memory_space<vmem_shared>>
          tpu.wait_indirect_dma semaphore(%arg17 : memref<!tpu.dma_semaphore, #tpu.memory_space<semaphore_mem>>) src(%arg9 : memref<80x128xf32, #tpu.memory_space<vmem>>) dst(%dma_wait3A_100 : memref<10240x128xf32, #tpu.memory_space<vmem_shared>>)
        } else {
        }
        %add3A_88 = arith.constant 23 : i32
        %add3A_89 = arith.addi %mul3A_63, %add3A_88 : i32
        %lt3A_90 = arith.constant 125 : i32
        %lt3A_91 = arith.cmpi slt, %add3A_89, %lt3A_90 : i32
        %convert_element_type3A_92 = arith.extui %lt3A_91 : i1 to i32
        %cond3A_93 = arith.constant 0 : i32
        %cond3A_94 = arith.cmpi ne, %convert_element_type3A_92, %cond3A_93 : i32
        scf.if %cond3A_94 {
          %dma_wait3A = arith.constant 23 : i32
          %dma_wait3A_95 = arith.constant 0 : i32
          %dma_wait3A_96 = tpu.memref_slice %arg7[%dma_wait3A, %dma_wait3A_95] : memref<24x80xi32, #tpu.memory_space<vmem>> -> memref<1x80xi32, #tpu.memory_space<vmem>>
          %dma_wait3A_97 = tpu.memref_squeeze %dma_wait3A_96 : memref<1x80xi32, #tpu.memory_space<vmem>> -> memref<80xi32, #tpu.memory_space<vmem>>
          %dma_wait3A_98 = arith.constant 0 : i32
          %dma_wait3A_99 = arith.constant 0 : i32
          %dma_wait3A_100 = tpu.memref_slice %arg12[%dma_wait3A_98, %dma_wait3A_99] : memref<10240x128xf32, #tpu.memory_space<vmem_shared>> -> memref<10240x128xf32, #tpu.memory_space<vmem_shared>>
          tpu.wait_indirect_dma semaphore(%arg18 : memref<!tpu.dma_semaphore, #tpu.memory_space<semaphore_mem>>) src(%arg10 : memref<80x128xf32, #tpu.memory_space<vmem>>) dst(%dma_wait3A_100 : memref<10240x128xf32, #tpu.memory_space<vmem_shared>>)
        } else {
        }
      }
      %scan3A_51 = arith.constant 6 : i32
      %mul3A_52 = arith.constant 2 : i32
      %mul3A_53 = arith.muli %mul3A_52, %arg1 : i32
      %add3A = arith.constant 1 : i32
      %add3A_54 = arith.addi %mul3A_53, %add3A : i32
      %scan3A_55 = arith.constant 0 : i32
      %scan3A_56 = arith.constant 0 : i32
      %scan3A_57 = arith.constant 6 : i32
      %scan3A_58 = arith.addi %scan3A_56, %scan3A_57 : i32
      %scan3A_59 = arith.constant 1 : i32
      scf.for %scan3A_61 = %scan3A_56 to %scan3A_58 step %scan3A_59  : i32 {
        %mul3A_62 = arith.constant 24 : i32
        %mul3A_63 = arith.muli %scan3A_61, %mul3A_62 : i32
        %mul3A_64 = arith.constant 24 : i32
        %mul3A_65 = arith.muli %scan3A_61, %mul3A_64 : i32
        %run_scoped3A = arith.constant 0 : i32
        "tpu.region"() ({
          %run_scoped3A_109 = tpu.sem_alloc : memref<!tpu.dma_semaphore, #tpu.memory_space<semaphore_mem>>
          %dma_start3A_110 = arith.constant 0 : i32
          %dma_start3A_111 = tpu.memref_slice %arg4[%run_scoped3A, %add3A_54, %mul3A_65, %dma_start3A_110] : memref<2x32x144x80xi32, #tpu.memory_space<hbm>> -> memref<1x1x24x80xi32, #tpu.memory_space<hbm>>
          %dma_start3A_112 = tpu.memref_squeeze %dma_start3A_111 : memref<1x1x24x80xi32, #tpu.memory_space<hbm>> -> memref<24x80xi32, #tpu.memory_space<hbm>>
          %dma_start3A_113 = arith.constant 0 : i32
          %dma_start3A_114 = tpu.memref_slice %arg4[%run_scoped3A, %add3A_54, %mul3A_65, %dma_start3A_113] : memref<2x32x144x80xi32, #tpu.memory_space<hbm>> -> memref<1x1x24x80xi32, #tpu.memory_space<hbm>>
          %dma_start3A_115 = tpu.memref_squeeze %dma_start3A_114 : memref<1x1x24x80xi32, #tpu.memory_space<hbm>> -> memref<24x80xi32, #tpu.memory_space<hbm>>
          tpu.enqueue_dma source(%dma_start3A_115 : memref<24x80xi32, #tpu.memory_space<hbm>>) target(%arg6 : memref<24x80xi32, #tpu.memory_space<vmem>>) target_semaphore(%run_scoped3A_109 : memref<!tpu.dma_semaphore, #tpu.memory_space<semaphore_mem>>)
          %dma_wait3A = arith.constant 0 : i32
          %dma_wait3A_116 = tpu.memref_slice %arg4[%run_scoped3A, %add3A_54, %mul3A_65, %dma_wait3A] : memref<2x32x144x80xi32, #tpu.memory_space<hbm>> -> memref<1x1x24x80xi32, #tpu.memory_space<hbm>>
          %dma_wait3A_117 = tpu.memref_squeeze %dma_wait3A_116 : memref<1x1x24x80xi32, #tpu.memory_space<hbm>> -> memref<24x80xi32, #tpu.memory_space<hbm>>
          %dma_wait3A_118 = arith.constant 0 : i32
          %dma_wait3A_119 = tpu.memref_slice %arg4[%run_scoped3A, %add3A_54, %mul3A_65, %dma_wait3A_118] : memref<2x32x144x80xi32, #tpu.memory_space<hbm>> -> memref<1x1x24x80xi32, #tpu.memory_space<hbm>>
          %dma_wait3A_120 = tpu.memref_squeeze %dma_wait3A_119 : memref<1x1x24x80xi32, #tpu.memory_space<hbm>> -> memref<24x80xi32, #tpu.memory_space<hbm>>
          tpu.wait_dma2 semaphore(%run_scoped3A_109 : memref<!tpu.dma_semaphore, #tpu.memory_space<semaphore_mem>>) src(%dma_wait3A_120 : memref<24x80xi32, #tpu.memory_space<hbm>>) dst(%arg6 : memref<24x80xi32, #tpu.memory_space<vmem>>)
          tpu.yield
        }) : () -> ()
        %mul3A_66 = arith.constant 24 : i32
        %mul3A_67 = arith.muli %scan3A_61, %mul3A_66 : i32
        %run_scoped3A_68 = arith.constant 1 : i32
        "tpu.region"() ({
          %run_scoped3A_109 = tpu.sem_alloc : memref<!tpu.dma_semaphore, #tpu.memory_space<semaphore_mem>>
          %dma_start3A_110 = arith.constant 0 : i32
          %dma_start3A_111 = tpu.memref_slice %arg4[%run_scoped3A_68, %add3A_54, %mul3A_67, %dma_start3A_110] : memref<2x32x144x80xi32, #tpu.memory_space<hbm>> -> memref<1x1x24x80xi32, #tpu.memory_space<hbm>>
          %dma_start3A_112 = tpu.memref_squeeze %dma_start3A_111 : memref<1x1x24x80xi32, #tpu.memory_space<hbm>> -> memref<24x80xi32, #tpu.memory_space<hbm>>
          %dma_start3A_113 = arith.constant 0 : i32
          %dma_start3A_114 = tpu.memref_slice %arg4[%run_scoped3A_68, %add3A_54, %mul3A_67, %dma_start3A_113] : memref<2x32x144x80xi32, #tpu.memory_space<hbm>> -> memref<1x1x24x80xi32, #tpu.memory_space<hbm>>
          %dma_start3A_115 = tpu.memref_squeeze %dma_start3A_114 : memref<1x1x24x80xi32, #tpu.memory_space<hbm>> -> memref<24x80xi32, #tpu.memory_space<hbm>>
          tpu.enqueue_dma source(%dma_start3A_115 : memref<24x80xi32, #tpu.memory_space<hbm>>) target(%arg7 : memref<24x80xi32, #tpu.memory_space<vmem>>) target_semaphore(%run_scoped3A_109 : memref<!tpu.dma_semaphore, #tpu.memory_space<semaphore_mem>>)
          %dma_wait3A = arith.constant 0 : i32
          %dma_wait3A_116 = tpu.memref_slice %arg4[%run_scoped3A_68, %add3A_54, %mul3A_67, %dma_wait3A] : memref<2x32x144x80xi32, #tpu.memory_space<hbm>> -> memref<1x1x24x80xi32, #tpu.memory_space<hbm>>
          %dma_wait3A_117 = tpu.memref_squeeze %dma_wait3A_116 : memref<1x1x24x80xi32, #tpu.memory_space<hbm>> -> memref<24x80xi32, #tpu.memory_space<hbm>>
          %dma_wait3A_118 = arith.constant 0 : i32
          %dma_wait3A_119 = tpu.memref_slice %arg4[%run_scoped3A_68, %add3A_54, %mul3A_67, %dma_wait3A_118] : memref<2x32x144x80xi32, #tpu.memory_space<hbm>> -> memref<1x1x24x80xi32, #tpu.memory_space<hbm>>
          %dma_wait3A_120 = tpu.memref_squeeze %dma_wait3A_119 : memref<1x1x24x80xi32, #tpu.memory_space<hbm>> -> memref<24x80xi32, #tpu.memory_space<hbm>>
          tpu.wait_dma2 semaphore(%run_scoped3A_109 : memref<!tpu.dma_semaphore, #tpu.memory_space<semaphore_mem>>) src(%dma_wait3A_120 : memref<24x80xi32, #tpu.memory_space<hbm>>) dst(%arg7 : memref<24x80xi32, #tpu.memory_space<vmem>>)
          tpu.yield
        }) : () -> ()
        %dma_start3A = arith.constant 0 : i32
        %dma_start3A_69 = arith.constant 0 : i32
        %dma_start3A_70 = tpu.memref_slice %arg6[%dma_start3A, %dma_start3A_69] : memref<24x80xi32, #tpu.memory_space<vmem>> -> memref<1x80xi32, #tpu.memory_space<vmem>>
        %dma_start3A_71 = tpu.memref_squeeze %dma_start3A_70 : memref<1x80xi32, #tpu.memory_space<vmem>> -> memref<80xi32, #tpu.memory_space<vmem>>
        %dma_start3A_72 = arith.constant 0 : i32
        %dma_start3A_73 = arith.constant 0 : i32
        %dma_start3A_74 = tpu.memref_slice %arg3[%dma_start3A_72, %dma_start3A_73] : memref<10000x128xf32, #tpu.memory_space<hbm>> -> memref<10000x128xf32, #tpu.memory_space<hbm>>
        tpu.enqueue_indirect_dma source(%dma_start3A_74 : memref<10000x128xf32, #tpu.memory_space<hbm>>) target(%arg8 : memref<80x128xf32, #tpu.memory_space<vmem>>) offsets(%dma_start3A_71 : memref<80xi32, #tpu.memory_space<vmem>>) semaphore(%arg13 : memref<!tpu.dma_semaphore, #tpu.memory_space<semaphore_mem>>)
        %dma_start3A_75 = arith.constant 1 : i32
        %dma_start3A_76 = arith.constant 0 : i32
        %dma_start3A_77 = tpu.memref_slice %arg6[%dma_start3A_75, %dma_start3A_76] : memref<24x80xi32, #tpu.memory_space<vmem>> -> memref<1x80xi32, #tpu.memory_space<vmem>>
        %dma_start3A_78 = tpu.memref_squeeze %dma_start3A_77 : memref<1x80xi32, #tpu.memory_space<vmem>> -> memref<80xi32, #tpu.memory_space<vmem>>
        %dma_start3A_79 = arith.constant 0 : i32
        %dma_start3A_80 = arith.constant 0 : i32
        %dma_start3A_81 = tpu.memref_slice %arg3[%dma_start3A_79, %dma_start3A_80] : memref<10000x128xf32, #tpu.memory_space<hbm>> -> memref<10000x128xf32, #tpu.memory_space<hbm>>
        tpu.enqueue_indirect_dma source(%dma_start3A_81 : memref<10000x128xf32, #tpu.memory_space<hbm>>) target(%arg9 : memref<80x128xf32, #tpu.memory_space<vmem>>) offsets(%dma_start3A_78 : memref<80xi32, #tpu.memory_space<vmem>>) semaphore(%arg14 : memref<!tpu.dma_semaphore, #tpu.memory_space<semaphore_mem>>)
        %scan3A_82 = arith.constant 0 : i32
        %scan3A_83 = arith.constant 0 : i32
        %scan3A_84 = arith.constant 8 : i32
        %scan3A_85 = arith.addi %scan3A_83, %scan3A_84 : i32
        %scan3A_86 = arith.constant 1 : i32
        scf.for %scan3A_109 = %scan3A_83 to %scan3A_85 step %scan3A_86  : i32 {
          %mul3A_110 = arith.constant 3 : i32
          %mul3A_111 = arith.muli %mul3A_110, %scan3A_109 : i32
          %add3A_112 = arith.constant 0 : i32
          %add3A_113 = arith.addi %mul3A_111, %add3A_112 : i32
          %add3A_114 = arith.constant 2 : i32
          %add3A_115 = arith.addi %add3A_113, %add3A_114 : i32
          %lt3A_116 = arith.constant 24 : i32
          %lt3A_117 = arith.cmpi slt, %add3A_115, %lt3A_116 : i32
          %ge3A = arith.constant 3 : i32
          %ge3A_118 = arith.cmpi sge, %add3A_115, %ge3A : i32
          %and3A = arith.andi %lt3A_117, %ge3A_118 : i1
          %add3A_119 = arith.addi %mul3A_63, %add3A_115 : i32
          %sub3A = arith.constant 3 : i32
          %sub3A_120 = arith.subi %add3A_119, %sub3A : i32
          %lt3A_121 = arith.constant 125 : i32
          %lt3A_122 = arith.cmpi slt, %sub3A_120, %lt3A_121 : i32
          %and3A_123 = arith.andi %and3A, %lt3A_122 : i1
          %convert_element_type3A_124 = arith.extui %and3A_123 : i1 to i32
          %cond3A_125 = arith.constant 0 : i32
          %cond3A_126 = arith.cmpi ne, %convert_element_type3A_124, %cond3A_125 : i32
          scf.if %cond3A_126 {
            %sub3A_212 = arith.constant 3 : i32
            %sub3A_213 = arith.subi %add3A_115, %sub3A_212 : i32
            %dma_wait3A = arith.constant 0 : i32
            %dma_wait3A_214 = tpu.memref_slice %arg7[%sub3A_213, %dma_wait3A] : memref<24x80xi32, #tpu.memory_space<vmem>> -> memref<1x80xi32, #tpu.memory_space<vmem>>
            %dma_wait3A_215 = tpu.memref_squeeze %dma_wait3A_214 : memref<1x80xi32, #tpu.memory_space<vmem>> -> memref<80xi32, #tpu.memory_space<vmem>>
            %dma_wait3A_216 = arith.constant 0 : i32
            %dma_wait3A_217 = arith.constant 0 : i32
            %dma_wait3A_218 = tpu.memref_slice %arg12[%dma_wait3A_216, %dma_wait3A_217] : memref<10240x128xf32, #tpu.memory_space<vmem_shared>> -> memref<10240x128xf32, #tpu.memory_space<vmem_shared>>
            tpu.wait_indirect_dma semaphore(%arg18 : memref<!tpu.dma_semaphore, #tpu.memory_space<semaphore_mem>>) src(%arg10 : memref<80x128xf32, #tpu.memory_space<vmem>>) dst(%dma_wait3A_218 : memref<10240x128xf32, #tpu.memory_space<vmem_shared>>)
          } else {
          }
          %lt3A_127 = arith.constant 24 : i32
          %lt3A_128 = arith.cmpi slt, %add3A_115, %lt3A_127 : i32
          %add3A_129 = arith.addi %mul3A_63, %add3A_115 : i32
          %lt3A_130 = arith.constant 125 : i32
          %lt3A_131 = arith.cmpi slt, %add3A_129, %lt3A_130 : i32
          %and3A_132 = arith.andi %lt3A_128, %lt3A_131 : i1
          %convert_element_type3A_133 = arith.extui %and3A_132 : i1 to i32
          %cond3A_134 = arith.constant 0 : i32
          %cond3A_135 = arith.cmpi ne, %convert_element_type3A_133, %cond3A_134 : i32
          scf.if %cond3A_135 {
            %dma_start3A_212 = arith.constant 0 : i32
            %dma_start3A_213 = tpu.memref_slice %arg6[%add3A_115, %dma_start3A_212] : memref<24x80xi32, #tpu.memory_space<vmem>> -> memref<1x80xi32, #tpu.memory_space<vmem>>
            %dma_start3A_214 = tpu.memref_squeeze %dma_start3A_213 : memref<1x80xi32, #tpu.memory_space<vmem>> -> memref<80xi32, #tpu.memory_space<vmem>>
            %dma_start3A_215 = arith.constant 0 : i32
            %dma_start3A_216 = arith.constant 0 : i32
            %dma_start3A_217 = tpu.memref_slice %arg3[%dma_start3A_215, %dma_start3A_216] : memref<10000x128xf32, #tpu.memory_space<hbm>> -> memref<10000x128xf32, #tpu.memory_space<hbm>>
            tpu.enqueue_indirect_dma source(%dma_start3A_217 : memref<10000x128xf32, #tpu.memory_space<hbm>>) target(%arg10 : memref<80x128xf32, #tpu.memory_space<vmem>>) offsets(%dma_start3A_214 : memref<80xi32, #tpu.memory_space<vmem>>) semaphore(%arg15 : memref<!tpu.dma_semaphore, #tpu.memory_space<semaphore_mem>>)
          } else {
          }
          %add3A_136 = arith.addi %mul3A_63, %add3A_113 : i32
          %lt3A_137 = arith.constant 125 : i32
          %lt3A_138 = arith.cmpi slt, %add3A_136, %lt3A_137 : i32
          %convert_element_type3A_139 = arith.extui %lt3A_138 : i1 to i32
          %cond3A_140 = arith.constant 0 : i32
          %cond3A_141 = arith.cmpi ne, %convert_element_type3A_139, %cond3A_140 : i32
          scf.if %cond3A_141 {
            %dma_wait3A = arith.constant 0 : i32
            %dma_wait3A_212 = tpu.memref_slice %arg6[%add3A_113, %dma_wait3A] : memref<24x80xi32, #tpu.memory_space<vmem>> -> memref<1x80xi32, #tpu.memory_space<vmem>>
            %dma_wait3A_213 = tpu.memref_squeeze %dma_wait3A_212 : memref<1x80xi32, #tpu.memory_space<vmem>> -> memref<80xi32, #tpu.memory_space<vmem>>
            %dma_wait3A_214 = arith.constant 0 : i32
            %dma_wait3A_215 = arith.constant 0 : i32
            %dma_wait3A_216 = tpu.memref_slice %arg3[%dma_wait3A_214, %dma_wait3A_215] : memref<10000x128xf32, #tpu.memory_space<hbm>> -> memref<10000x128xf32, #tpu.memory_space<hbm>>
            tpu.wait_indirect_dma semaphore(%arg13 : memref<!tpu.dma_semaphore, #tpu.memory_space<semaphore_mem>>) src(%dma_wait3A_216 : memref<10000x128xf32, #tpu.memory_space<hbm>>) dst(%arg8 : memref<80x128xf32, #tpu.memory_space<vmem>>)
            %dma_start3A_217 = arith.constant 0 : i32
            %dma_start3A_218 = tpu.memref_slice %arg7[%add3A_113, %dma_start3A_217] : memref<24x80xi32, #tpu.memory_space<vmem>> -> memref<1x80xi32, #tpu.memory_space<vmem>>
            %dma_start3A_219 = tpu.memref_squeeze %dma_start3A_218 : memref<1x80xi32, #tpu.memory_space<vmem>> -> memref<80xi32, #tpu.memory_space<vmem>>
            %dma_start3A_220 = arith.constant 0 : i32
            %dma_start3A_221 = arith.constant 0 : i32
            %dma_start3A_222 = tpu.memref_slice %arg12[%dma_start3A_220, %dma_start3A_221] : memref<10240x128xf32, #tpu.memory_space<vmem_shared>> -> memref<10240x128xf32, #tpu.memory_space<vmem_shared>>
            tpu.enqueue_indirect_dma source(%arg8 : memref<80x128xf32, #tpu.memory_space<vmem>>) target(%dma_start3A_222 : memref<10240x128xf32, #tpu.memory_space<vmem_shared>>) offsets(%dma_start3A_219 : memref<80xi32, #tpu.memory_space<vmem>>) semaphore(%arg16 : memref<!tpu.dma_semaphore, #tpu.memory_space<semaphore_mem>>) {add = true}
          } else {
          }
          %mul3A_142 = arith.constant 3 : i32
          %mul3A_143 = arith.muli %mul3A_142, %scan3A_109 : i32
          %add3A_144 = arith.constant 1 : i32
          %add3A_145 = arith.addi %mul3A_143, %add3A_144 : i32
          %add3A_146 = arith.constant 2 : i32
          %add3A_147 = arith.addi %add3A_145, %add3A_146 : i32
          %lt3A_148 = arith.constant 24 : i32
          %lt3A_149 = arith.cmpi slt, %add3A_147, %lt3A_148 : i32
          %ge3A_150 = arith.constant 3 : i32
          %ge3A_151 = arith.cmpi sge, %add3A_147, %ge3A_150 : i32
          %and3A_152 = arith.andi %lt3A_149, %ge3A_151 : i1
          %add3A_153 = arith.addi %mul3A_63, %add3A_147 : i32
          %sub3A_154 = arith.constant 3 : i32
          %sub3A_155 = arith.subi %add3A_153, %sub3A_154 : i32
          %lt3A_156 = arith.constant 125 : i32
          %lt3A_157 = arith.cmpi slt, %sub3A_155, %lt3A_156 : i32
          %and3A_158 = arith.andi %and3A_152, %lt3A_157 : i1
          %convert_element_type3A_159 = arith.extui %and3A_158 : i1 to i32
          %cond3A_160 = arith.constant 0 : i32
          %cond3A_161 = arith.cmpi ne, %convert_element_type3A_159, %cond3A_160 : i32
          scf.if %cond3A_161 {
            %sub3A_212 = arith.constant 3 : i32
            %sub3A_213 = arith.subi %add3A_147, %sub3A_212 : i32
            %dma_wait3A = arith.constant 0 : i32
            %dma_wait3A_214 = tpu.memref_slice %arg7[%sub3A_213, %dma_wait3A] : memref<24x80xi32, #tpu.memory_space<vmem>> -> memref<1x80xi32, #tpu.memory_space<vmem>>
            %dma_wait3A_215 = tpu.memref_squeeze %dma_wait3A_214 : memref<1x80xi32, #tpu.memory_space<vmem>> -> memref<80xi32, #tpu.memory_space<vmem>>
            %dma_wait3A_216 = arith.constant 0 : i32
            %dma_wait3A_217 = arith.constant 0 : i32
            %dma_wait3A_218 = tpu.memref_slice %arg12[%dma_wait3A_216, %dma_wait3A_217] : memref<10240x128xf32, #tpu.memory_space<vmem_shared>> -> memref<10240x128xf32, #tpu.memory_space<vmem_shared>>
            tpu.wait_indirect_dma semaphore(%arg16 : memref<!tpu.dma_semaphore, #tpu.memory_space<semaphore_mem>>) src(%arg8 : memref<80x128xf32, #tpu.memory_space<vmem>>) dst(%dma_wait3A_218 : memref<10240x128xf32, #tpu.memory_space<vmem_shared>>)
          } else {
          }
          %lt3A_162 = arith.constant 24 : i32
          %lt3A_163 = arith.cmpi slt, %add3A_147, %lt3A_162 : i32
          %add3A_164 = arith.addi %mul3A_63, %add3A_147 : i32
          %lt3A_165 = arith.constant 125 : i32
          %lt3A_166 = arith.cmpi slt, %add3A_164, %lt3A_165 : i32
          %and3A_167 = arith.andi %lt3A_163, %lt3A_166 : i1
          %convert_element_type3A_168 = arith.extui %and3A_167 : i1 to i32
          %cond3A_169 = arith.constant 0 : i32
          %cond3A_170 = arith.cmpi ne, %convert_element_type3A_168, %cond3A_169 : i32
          scf.if %cond3A_170 {
            %dma_start3A_212 = arith.constant 0 : i32
            %dma_start3A_213 = tpu.memref_slice %arg6[%add3A_147, %dma_start3A_212] : memref<24x80xi32, #tpu.memory_space<vmem>> -> memref<1x80xi32, #tpu.memory_space<vmem>>
            %dma_start3A_214 = tpu.memref_squeeze %dma_start3A_213 : memref<1x80xi32, #tpu.memory_space<vmem>> -> memref<80xi32, #tpu.memory_space<vmem>>
            %dma_start3A_215 = arith.constant 0 : i32
            %dma_start3A_216 = arith.constant 0 : i32
            %dma_start3A_217 = tpu.memref_slice %arg3[%dma_start3A_215, %dma_start3A_216] : memref<10000x128xf32, #tpu.memory_space<hbm>> -> memref<10000x128xf32, #tpu.memory_space<hbm>>
            tpu.enqueue_indirect_dma source(%dma_start3A_217 : memref<10000x128xf32, #tpu.memory_space<hbm>>) target(%arg8 : memref<80x128xf32, #tpu.memory_space<vmem>>) offsets(%dma_start3A_214 : memref<80xi32, #tpu.memory_space<vmem>>) semaphore(%arg13 : memref<!tpu.dma_semaphore, #tpu.memory_space<semaphore_mem>>)
          } else {
          }
          %add3A_171 = arith.addi %mul3A_63, %add3A_145 : i32
          %lt3A_172 = arith.constant 125 : i32
          %lt3A_173 = arith.cmpi slt, %add3A_171, %lt3A_172 : i32
          %convert_element_type3A_174 = arith.extui %lt3A_173 : i1 to i32
          %cond3A_175 = arith.constant 0 : i32
          %cond3A_176 = arith.cmpi ne, %convert_element_type3A_174, %cond3A_175 : i32
          scf.if %cond3A_176 {
            %dma_wait3A = arith.constant 0 : i32
            %dma_wait3A_212 = tpu.memref_slice %arg6[%add3A_145, %dma_wait3A] : memref<24x80xi32, #tpu.memory_space<vmem>> -> memref<1x80xi32, #tpu.memory_space<vmem>>
            %dma_wait3A_213 = tpu.memref_squeeze %dma_wait3A_212 : memref<1x80xi32, #tpu.memory_space<vmem>> -> memref<80xi32, #tpu.memory_space<vmem>>
            %dma_wait3A_214 = arith.constant 0 : i32
            %dma_wait3A_215 = arith.constant 0 : i32
            %dma_wait3A_216 = tpu.memref_slice %arg3[%dma_wait3A_214, %dma_wait3A_215] : memref<10000x128xf32, #tpu.memory_space<hbm>> -> memref<10000x128xf32, #tpu.memory_space<hbm>>
            tpu.wait_indirect_dma semaphore(%arg14 : memref<!tpu.dma_semaphore, #tpu.memory_space<semaphore_mem>>) src(%dma_wait3A_216 : memref<10000x128xf32, #tpu.memory_space<hbm>>) dst(%arg9 : memref<80x128xf32, #tpu.memory_space<vmem>>)
            %dma_start3A_217 = arith.constant 0 : i32
            %dma_start3A_218 = tpu.memref_slice %arg7[%add3A_145, %dma_start3A_217] : memref<24x80xi32, #tpu.memory_space<vmem>> -> memref<1x80xi32, #tpu.memory_space<vmem>>
            %dma_start3A_219 = tpu.memref_squeeze %dma_start3A_218 : memref<1x80xi32, #tpu.memory_space<vmem>> -> memref<80xi32, #tpu.memory_space<vmem>>
            %dma_start3A_220 = arith.constant 0 : i32
            %dma_start3A_221 = arith.constant 0 : i32
            %dma_start3A_222 = tpu.memref_slice %arg12[%dma_start3A_220, %dma_start3A_221] : memref<10240x128xf32, #tpu.memory_space<vmem_shared>> -> memref<10240x128xf32, #tpu.memory_space<vmem_shared>>
            tpu.enqueue_indirect_dma source(%arg9 : memref<80x128xf32, #tpu.memory_space<vmem>>) target(%dma_start3A_222 : memref<10240x128xf32, #tpu.memory_space<vmem_shared>>) offsets(%dma_start3A_219 : memref<80xi32, #tpu.memory_space<vmem>>) semaphore(%arg17 : memref<!tpu.dma_semaphore, #tpu.memory_space<semaphore_mem>>) {add = true}
          } else {
          }
          %mul3A_177 = arith.constant 3 : i32
          %mul3A_178 = arith.muli %mul3A_177, %scan3A_109 : i32
          %add3A_179 = arith.constant 2 : i32
          %add3A_180 = arith.addi %mul3A_178, %add3A_179 : i32
          %add3A_181 = arith.constant 2 : i32
          %add3A_182 = arith.addi %add3A_180, %add3A_181 : i32
          %lt3A_183 = arith.constant 24 : i32
          %lt3A_184 = arith.cmpi slt, %add3A_182, %lt3A_183 : i32
          %ge3A_185 = arith.constant 3 : i32
          %ge3A_186 = arith.cmpi sge, %add3A_182, %ge3A_185 : i32
          %and3A_187 = arith.andi %lt3A_184, %ge3A_186 : i1
          %add3A_188 = arith.addi %mul3A_63, %add3A_182 : i32
          %sub3A_189 = arith.constant 3 : i32
          %sub3A_190 = arith.subi %add3A_188, %sub3A_189 : i32
          %lt3A_191 = arith.constant 125 : i32
          %lt3A_192 = arith.cmpi slt, %sub3A_190, %lt3A_191 : i32
          %and3A_193 = arith.andi %and3A_187, %lt3A_192 : i1
          %convert_element_type3A_194 = arith.extui %and3A_193 : i1 to i32
          %cond3A_195 = arith.constant 0 : i32
          %cond3A_196 = arith.cmpi ne, %convert_element_type3A_194, %cond3A_195 : i32
          scf.if %cond3A_196 {
            %sub3A_212 = arith.constant 3 : i32
            %sub3A_213 = arith.subi %add3A_182, %sub3A_212 : i32
            %dma_wait3A = arith.constant 0 : i32
            %dma_wait3A_214 = tpu.memref_slice %arg7[%sub3A_213, %dma_wait3A] : memref<24x80xi32, #tpu.memory_space<vmem>> -> memref<1x80xi32, #tpu.memory_space<vmem>>
            %dma_wait3A_215 = tpu.memref_squeeze %dma_wait3A_214 : memref<1x80xi32, #tpu.memory_space<vmem>> -> memref<80xi32, #tpu.memory_space<vmem>>
            %dma_wait3A_216 = arith.constant 0 : i32
            %dma_wait3A_217 = arith.constant 0 : i32
            %dma_wait3A_218 = tpu.memref_slice %arg12[%dma_wait3A_216, %dma_wait3A_217] : memref<10240x128xf32, #tpu.memory_space<vmem_shared>> -> memref<10240x128xf32, #tpu.memory_space<vmem_shared>>
            tpu.wait_indirect_dma semaphore(%arg17 : memref<!tpu.dma_semaphore, #tpu.memory_space<semaphore_mem>>) src(%arg9 : memref<80x128xf32, #tpu.memory_space<vmem>>) dst(%dma_wait3A_218 : memref<10240x128xf32, #tpu.memory_space<vmem_shared>>)
          } else {
          }
          %lt3A_197 = arith.constant 24 : i32
          %lt3A_198 = arith.cmpi slt, %add3A_182, %lt3A_197 : i32
          %add3A_199 = arith.addi %mul3A_63, %add3A_182 : i32
          %lt3A_200 = arith.constant 125 : i32
          %lt3A_201 = arith.cmpi slt, %add3A_199, %lt3A_200 : i32
          %and3A_202 = arith.andi %lt3A_198, %lt3A_201 : i1
          %convert_element_type3A_203 = arith.extui %and3A_202 : i1 to i32
          %cond3A_204 = arith.constant 0 : i32
          %cond3A_205 = arith.cmpi ne, %convert_element_type3A_203, %cond3A_204 : i32
          scf.if %cond3A_205 {
            %dma_start3A_212 = arith.constant 0 : i32
            %dma_start3A_213 = tpu.memref_slice %arg6[%add3A_182, %dma_start3A_212] : memref<24x80xi32, #tpu.memory_space<vmem>> -> memref<1x80xi32, #tpu.memory_space<vmem>>
            %dma_start3A_214 = tpu.memref_squeeze %dma_start3A_213 : memref<1x80xi32, #tpu.memory_space<vmem>> -> memref<80xi32, #tpu.memory_space<vmem>>
            %dma_start3A_215 = arith.constant 0 : i32
            %dma_start3A_216 = arith.constant 0 : i32
            %dma_start3A_217 = tpu.memref_slice %arg3[%dma_start3A_215, %dma_start3A_216] : memref<10000x128xf32, #tpu.memory_space<hbm>> -> memref<10000x128xf32, #tpu.memory_space<hbm>>
            tpu.enqueue_indirect_dma source(%dma_start3A_217 : memref<10000x128xf32, #tpu.memory_space<hbm>>) target(%arg9 : memref<80x128xf32, #tpu.memory_space<vmem>>) offsets(%dma_start3A_214 : memref<80xi32, #tpu.memory_space<vmem>>) semaphore(%arg14 : memref<!tpu.dma_semaphore, #tpu.memory_space<semaphore_mem>>)
          } else {
          }
          %add3A_206 = arith.addi %mul3A_63, %add3A_180 : i32
          %lt3A_207 = arith.constant 125 : i32
          %lt3A_208 = arith.cmpi slt, %add3A_206, %lt3A_207 : i32
          %convert_element_type3A_209 = arith.extui %lt3A_208 : i1 to i32
          %cond3A_210 = arith.constant 0 : i32
          %cond3A_211 = arith.cmpi ne, %convert_element_type3A_209, %cond3A_210 : i32
          scf.if %cond3A_211 {
            %dma_wait3A = arith.constant 0 : i32
            %dma_wait3A_212 = tpu.memref_slice %arg6[%add3A_180, %dma_wait3A] : memref<24x80xi32, #tpu.memory_space<vmem>> -> memref<1x80xi32, #tpu.memory_space<vmem>>
            %dma_wait3A_213 = tpu.memref_squeeze %dma_wait3A_212 : memref<1x80xi32, #tpu.memory_space<vmem>> -> memref<80xi32, #tpu.memory_space<vmem>>
            %dma_wait3A_214 = arith.constant 0 : i32
            %dma_wait3A_215 = arith.constant 0 : i32
            %dma_wait3A_216 = tpu.memref_slice %arg3[%dma_wait3A_214, %dma_wait3A_215] : memref<10000x128xf32, #tpu.memory_space<hbm>> -> memref<10000x128xf32, #tpu.memory_space<hbm>>
            tpu.wait_indirect_dma semaphore(%arg15 : memref<!tpu.dma_semaphore, #tpu.memory_space<semaphore_mem>>) src(%dma_wait3A_216 : memref<10000x128xf32, #tpu.memory_space<hbm>>) dst(%arg10 : memref<80x128xf32, #tpu.memory_space<vmem>>)
            %dma_start3A_217 = arith.constant 0 : i32
            %dma_start3A_218 = tpu.memref_slice %arg7[%add3A_180, %dma_start3A_217] : memref<24x80xi32, #tpu.memory_space<vmem>> -> memref<1x80xi32, #tpu.memory_space<vmem>>
            %dma_start3A_219 = tpu.memref_squeeze %dma_start3A_218 : memref<1x80xi32, #tpu.memory_space<vmem>> -> memref<80xi32, #tpu.memory_space<vmem>>
            %dma_start3A_220 = arith.constant 0 : i32
            %dma_start3A_221 = arith.constant 0 : i32
            %dma_start3A_222 = tpu.memref_slice %arg12[%dma_start3A_220, %dma_start3A_221] : memref<10240x128xf32, #tpu.memory_space<vmem_shared>> -> memref<10240x128xf32, #tpu.memory_space<vmem_shared>>
            tpu.enqueue_indirect_dma source(%arg10 : memref<80x128xf32, #tpu.memory_space<vmem>>) target(%dma_start3A_222 : memref<10240x128xf32, #tpu.memory_space<vmem_shared>>) offsets(%dma_start3A_219 : memref<80xi32, #tpu.memory_space<vmem>>) semaphore(%arg18 : memref<!tpu.dma_semaphore, #tpu.memory_space<semaphore_mem>>) {add = true}
          } else {
          }
        }
        %scan3A_87 = arith.constant 8 : i32
        %add3A_88 = arith.constant 21 : i32
        %add3A_89 = arith.addi %mul3A_63, %add3A_88 : i32
        %lt3A_90 = arith.constant 125 : i32
        %lt3A_91 = arith.cmpi slt, %add3A_89, %lt3A_90 : i32
        %convert_element_type3A_92 = arith.extui %lt3A_91 : i1 to i32
        %cond3A_93 = arith.constant 0 : i32
        %cond3A_94 = arith.cmpi ne, %convert_element_type3A_92, %cond3A_93 : i32
        scf.if %cond3A_94 {
          %dma_wait3A = arith.constant 21 : i32
          %dma_wait3A_109 = arith.constant 0 : i32
          %dma_wait3A_110 = tpu.memref_slice %arg7[%dma_wait3A, %dma_wait3A_109] : memref<24x80xi32, #tpu.memory_space<vmem>> -> memref<1x80xi32, #tpu.memory_space<vmem>>
          %dma_wait3A_111 = tpu.memref_squeeze %dma_wait3A_110 : memref<1x80xi32, #tpu.memory_space<vmem>> -> memref<80xi32, #tpu.memory_space<vmem>>
          %dma_wait3A_112 = arith.constant 0 : i32
          %dma_wait3A_113 = arith.constant 0 : i32
          %dma_wait3A_114 = tpu.memref_slice %arg12[%dma_wait3A_112, %dma_wait3A_113] : memref<10240x128xf32, #tpu.memory_space<vmem_shared>> -> memref<10240x128xf32, #tpu.memory_space<vmem_shared>>
          tpu.wait_indirect_dma semaphore(%arg16 : memref<!tpu.dma_semaphore, #tpu.memory_space<semaphore_mem>>) src(%arg8 : memref<80x128xf32, #tpu.memory_space<vmem>>) dst(%dma_wait3A_114 : memref<10240x128xf32, #tpu.memory_space<vmem_shared>>)
        } else {
        }
        %add3A_95 = arith.constant 22 : i32
        %add3A_96 = arith.addi %mul3A_63, %add3A_95 : i32
        %lt3A_97 = arith.constant 125 : i32
        %lt3A_98 = arith.cmpi slt, %add3A_96, %lt3A_97 : i32
        %convert_element_type3A_99 = arith.extui %lt3A_98 : i1 to i32
        %cond3A_100 = arith.constant 0 : i32
        %cond3A_101 = arith.cmpi ne, %convert_element_type3A_99, %cond3A_100 : i32
        scf.if %cond3A_101 {
          %dma_wait3A = arith.constant 22 : i32
          %dma_wait3A_109 = arith.constant 0 : i32
          %dma_wait3A_110 = tpu.memref_slice %arg7[%dma_wait3A, %dma_wait3A_109] : memref<24x80xi32, #tpu.memory_space<vmem>> -> memref<1x80xi32, #tpu.memory_space<vmem>>
          %dma_wait3A_111 = tpu.memref_squeeze %dma_wait3A_110 : memref<1x80xi32, #tpu.memory_space<vmem>> -> memref<80xi32, #tpu.memory_space<vmem>>
          %dma_wait3A_112 = arith.constant 0 : i32
          %dma_wait3A_113 = arith.constant 0 : i32
          %dma_wait3A_114 = tpu.memref_slice %arg12[%dma_wait3A_112, %dma_wait3A_113] : memref<10240x128xf32, #tpu.memory_space<vmem_shared>> -> memref<10240x128xf32, #tpu.memory_space<vmem_shared>>
          tpu.wait_indirect_dma semaphore(%arg17 : memref<!tpu.dma_semaphore, #tpu.memory_space<semaphore_mem>>) src(%arg9 : memref<80x128xf32, #tpu.memory_space<vmem>>) dst(%dma_wait3A_114 : memref<10240x128xf32, #tpu.memory_space<vmem_shared>>)
        } else {
        }
        %add3A_102 = arith.constant 23 : i32
        %add3A_103 = arith.addi %mul3A_63, %add3A_102 : i32
        %lt3A_104 = arith.constant 125 : i32
        %lt3A_105 = arith.cmpi slt, %add3A_103, %lt3A_104 : i32
        %convert_element_type3A_106 = arith.extui %lt3A_105 : i1 to i32
        %cond3A_107 = arith.constant 0 : i32
        %cond3A_108 = arith.cmpi ne, %convert_element_type3A_106, %cond3A_107 : i32
        scf.if %cond3A_108 {
          %dma_wait3A = arith.constant 23 : i32
          %dma_wait3A_109 = arith.constant 0 : i32
          %dma_wait3A_110 = tpu.memref_slice %arg7[%dma_wait3A, %dma_wait3A_109] : memref<24x80xi32, #tpu.memory_space<vmem>> -> memref<1x80xi32, #tpu.memory_space<vmem>>
          %dma_wait3A_111 = tpu.memref_squeeze %dma_wait3A_110 : memref<1x80xi32, #tpu.memory_space<vmem>> -> memref<80xi32, #tpu.memory_space<vmem>>
          %dma_wait3A_112 = arith.constant 0 : i32
          %dma_wait3A_113 = arith.constant 0 : i32
          %dma_wait3A_114 = tpu.memref_slice %arg12[%dma_wait3A_112, %dma_wait3A_113] : memref<10240x128xf32, #tpu.memory_space<vmem_shared>> -> memref<10240x128xf32, #tpu.memory_space<vmem_shared>>
          tpu.wait_indirect_dma semaphore(%arg18 : memref<!tpu.dma_semaphore, #tpu.memory_space<semaphore_mem>>) src(%arg10 : memref<80x128xf32, #tpu.memory_space<vmem>>) dst(%dma_wait3A_114 : memref<10240x128xf32, #tpu.memory_space<vmem_shared>>)
        } else {
        }
      }
      %scan3A_60 = arith.constant 6 : i32
    } else {
    }
    %barrier3A_35 = arith.constant 0 : index
    tpu.barrier barrier_id(%barrier3A_35)
    %lt3A = arith.constant 15 : i32
    %lt3A_36 = arith.cmpi slt, %arg1, %lt3A : i32
    %convert_element_type3A_37 = arith.extui %lt3A_36 : i1 to i32
    %cond3A_38 = arith.constant 0 : i32
    %cond3A_39 = arith.cmpi ne, %convert_element_type3A_37, %cond3A_38 : i32
    scf.if %cond3A_39 {
      %mul3A = arith.constant 640 : i32
      %mul3A_45 = arith.muli %arg1, %mul3A : i32
      %mul3A_46 = arith.constant 10000 : i32
      %mul3A_47 = arith.muli %arg0, %mul3A_46 : i32
      %mul3A_48 = arith.constant 640 : i32
      %mul3A_49 = arith.muli %arg1, %mul3A_48 : i32
      %add3A = arith.addi %mul3A_47, %mul3A_49 : i32
      "tpu.region"() ({
        %run_scoped3A = tpu.sem_alloc : memref<!tpu.dma_semaphore, #tpu.memory_space<semaphore_mem>>
        %dma_start3A = arith.constant 0 : i32
        %dma_start3A_50 = tpu.memref_slice %arg5[%add3A, %dma_start3A] : memref<20000x128xf32, #tpu.memory_space<hbm>> -> memref<640x128xf32, #tpu.memory_space<hbm>>
        %dma_start3A_51 = arith.constant 0 : i32
        %dma_start3A_52 = tpu.memref_slice %arg12[%mul3A_45, %dma_start3A_51] : memref<10240x128xf32, #tpu.memory_space<vmem_shared>> -> memref<640x128xf32, #tpu.memory_space<vmem_shared>>
        tpu.enqueue_dma source(%dma_start3A_52 : memref<640x128xf32, #tpu.memory_space<vmem_shared>>) target(%dma_start3A_50 : memref<640x128xf32, #tpu.memory_space<hbm>>) target_semaphore(%run_scoped3A : memref<!tpu.dma_semaphore, #tpu.memory_space<semaphore_mem>>)
        %dma_wait3A = arith.constant 0 : i32
        %dma_wait3A_53 = tpu.memref_slice %arg5[%add3A, %dma_wait3A] : memref<20000x128xf32, #tpu.memory_space<hbm>> -> memref<640x128xf32, #tpu.memory_space<hbm>>
        %dma_wait3A_54 = arith.constant 0 : i32
        %dma_wait3A_55 = tpu.memref_slice %arg12[%mul3A_45, %dma_wait3A_54] : memref<10240x128xf32, #tpu.memory_space<vmem_shared>> -> memref<640x128xf32, #tpu.memory_space<vmem_shared>>
        tpu.wait_dma2 semaphore(%run_scoped3A : memref<!tpu.dma_semaphore, #tpu.memory_space<semaphore_mem>>) src(%dma_wait3A_55 : memref<640x128xf32, #tpu.memory_space<vmem_shared>>) dst(%dma_wait3A_53 : memref<640x128xf32, #tpu.memory_space<hbm>>)
        tpu.yield
      }) : () -> ()
    } else {
    }
    %eq3A_40 = arith.constant 15 : i32
    %eq3A_41 = arith.cmpi eq, %arg1, %eq3A_40 : i32
    %convert_element_type3A_42 = arith.extui %eq3A_41 : i1 to i32
    %cond3A_43 = arith.constant 0 : i32
    %cond3A_44 = arith.cmpi ne, %convert_element_type3A_42, %cond3A_43 : i32
    scf.if %cond3A_44 {
      %mul3A = arith.constant 10000 : i32
      %mul3A_45 = arith.muli %arg0, %mul3A : i32
      %add3A = arith.constant 9600 : i32
      %add3A_46 = arith.addi %mul3A_45, %add3A : i32
      "tpu.region"() ({
        %run_scoped3A = tpu.sem_alloc : memref<!tpu.dma_semaphore, #tpu.memory_space<semaphore_mem>>
        %dma_start3A = arith.constant 0 : i32
        %dma_start3A_47 = tpu.memref_slice %arg5[%add3A_46, %dma_start3A] : memref<20000x128xf32, #tpu.memory_space<hbm>> -> memref<400x128xf32, #tpu.memory_space<hbm>>
        %dma_start3A_48 = arith.constant 9600 : i32
        %dma_start3A_49 = arith.constant 0 : i32
        %dma_start3A_50 = tpu.memref_slice %arg12[%dma_start3A_48, %dma_start3A_49] : memref<10240x128xf32, #tpu.memory_space<vmem_shared>> -> memref<400x128xf32, #tpu.memory_space<vmem_shared>>
        tpu.enqueue_dma source(%dma_start3A_50 : memref<400x128xf32, #tpu.memory_space<vmem_shared>>) target(%dma_start3A_47 : memref<400x128xf32, #tpu.memory_space<hbm>>) target_semaphore(%run_scoped3A : memref<!tpu.dma_semaphore, #tpu.memory_space<semaphore_mem>>)
        %dma_wait3A = arith.constant 0 : i32
        %dma_wait3A_51 = tpu.memref_slice %arg5[%add3A_46, %dma_wait3A] : memref<20000x128xf32, #tpu.memory_space<hbm>> -> memref<400x128xf32, #tpu.memory_space<hbm>>
        %dma_wait3A_52 = arith.constant 9600 : i32
        %dma_wait3A_53 = arith.constant 0 : i32
        %dma_wait3A_54 = tpu.memref_slice %arg12[%dma_wait3A_52, %dma_wait3A_53] : memref<10240x128xf32, #tpu.memory_space<vmem_shared>> -> memref<400x128xf32, #tpu.memory_space<vmem_shared>>
        tpu.wait_dma2 semaphore(%run_scoped3A : memref<!tpu.dma_semaphore, #tpu.memory_space<semaphore_mem>>) src(%dma_wait3A_54 : memref<400x128xf32, #tpu.memory_space<vmem_shared>>) dst(%dma_wait3A_51 : memref<400x128xf32, #tpu.memory_space<hbm>>)
        tpu.yield
      }) : () -> ()
    } else {
    }
    return
  }
}

module attributes {stable_mosaic.version = 14 : i64} {
  func.func @_l0_body(%arg0: i32, %arg1: memref<2000x128xf32, #tpu.memory_space<vmem>>, %arg2: memref<2000x128xf32, #tpu.memory_space<vmem>>, %arg3: memref<2000x128xf32, #tpu.memory_space<vmem>>, %arg4: memref<1x128xf32, #tpu.memory_space<vmem>>, %arg5: memref<1x128xf32, #tpu.memory_space<vmem>>, %arg6: memref<128x128xf32, #tpu.memory_space<vmem>>, %arg7: memref<1x128xf32, #tpu.memory_space<vmem>>, %arg8: memref<127x128xf32, #tpu.memory_space<vmem>>, %arg9: memref<1x128xf32, #tpu.memory_space<vmem>>, %arg10: memref<128x128xf32, #tpu.memory_space<vmem>>, %arg11: memref<1x128xf32, #tpu.memory_space<vmem>>, %arg12: memref<2000x128xf32, #tpu.memory_space<vmem>>, %arg13: memref<2000x128xf32, #tpu.memory_space<vmem>>) attributes {dimension_semantics = [#tpu.dimension_semantics<arbitrary>], iteration_bounds = array<i64: 5>, scalar_prefetch = 0 : i64, scratch_operands = 0 : i64, tpu.core_type = #tpu.core_type<tc>, window_params = [{transform_indices = @transform_0, window_bounds = array<i64: 2000, 128>}, {transform_indices = @transform_1, window_bounds = array<i64: 2000, 128>}, {transform_indices = @transform_2, window_bounds = array<i64: 2000, 128>}, {pipeline_mode = #tpu.pipeline_mode<synchronous>, transform_indices = @transform_3, window_bounds = array<i64: 1, 128>}, {pipeline_mode = #tpu.pipeline_mode<synchronous>, transform_indices = @transform_4, window_bounds = array<i64: 1, 128>}, {pipeline_mode = #tpu.pipeline_mode<synchronous>, transform_indices = @transform_5, window_bounds = array<i64: 128, 128>}, {pipeline_mode = #tpu.pipeline_mode<synchronous>, transform_indices = @transform_6, window_bounds = array<i64: 1, 128>}, {pipeline_mode = #tpu.pipeline_mode<synchronous>, transform_indices = @transform_7, window_bounds = array<i64: 127, 128>}, {pipeline_mode = #tpu.pipeline_mode<synchronous>, transform_indices = @transform_8, window_bounds = array<i64: 1, 128>}, {pipeline_mode = #tpu.pipeline_mode<synchronous>, transform_indices = @transform_9, window_bounds = array<i64: 128, 128>}, {pipeline_mode = #tpu.pipeline_mode<synchronous>, transform_indices = @transform_10, window_bounds = array<i64: 1, 128>}, {transform_indices = @transform_11, window_bounds = array<i64: 2000, 128>}, {transform_indices = @transform_12, window_bounds = array<i64: 2000, 128>}]} {
    %get3A = arith.constant 0 : index
    %get3A_0 = arith.constant 0 : index
    %get3A_1 = vector.load %arg1[%get3A, %get3A_0] : memref<2000x128xf32, #tpu.memory_space<vmem>>, vector<2000x128xf32>
    %get3A_2 = arith.constant 0 : index
    %get3A_3 = arith.constant 0 : index
    %get3A_4 = vector.load %arg2[%get3A_2, %get3A_3] : memref<2000x128xf32, #tpu.memory_space<vmem>>, vector<2000x128xf32>
    %add3A = arith.addf %get3A_1, %get3A_4 : vector<2000x128xf32>
    %get3A_5 = arith.constant 0 : index
    %get3A_6 = arith.constant 0 : index
    %get3A_7 = vector.load %arg3[%get3A_5, %get3A_6] : memref<2000x128xf32, #tpu.memory_space<vmem>>, vector<2000x128xf32>
    %add3A_8 = arith.addf %add3A, %get3A_7 : vector<2000x128xf32>
    %slice3A = vector.extract_strided_slice %add3A_8 {offsets = [0, 127], sizes = [2000, 1], strides = [1, 1]} : vector<2000x128xf32> to vector<2000x1xf32>
    %get3A_9 = arith.constant 0 : index
    %get3A_10 = arith.constant 0 : index
    %get3A_11 = vector.load %arg4[%get3A_9, %get3A_10] : memref<1x128xf32, #tpu.memory_space<vmem>>, vector<1x128xf32>
    %mul3A = vector.broadcast %slice3A : vector<2000x1xf32> to vector<2000x128xf32>
    %mul3A_12 = vector.broadcast %get3A_11 : vector<1x128xf32> to vector<2000x128xf32>
    %mul3A_13 = arith.mulf %mul3A, %mul3A_12 : vector<2000x128xf32>
    %get3A_14 = arith.constant 0 : index
    %get3A_15 = arith.constant 0 : index
    %get3A_16 = vector.load %arg5[%get3A_14, %get3A_15] : memref<1x128xf32, #tpu.memory_space<vmem>>, vector<1x128xf32>
    %add3A_17 = vector.broadcast %get3A_16 : vector<1x128xf32> to vector<2000x128xf32>
    %add3A_18 = arith.addf %mul3A_13, %add3A_17 : vector<2000x128xf32>
    %max3A = arith.constant 0.000000e+00 : f32
    %max3A_19 = vector.broadcast %max3A : f32 to vector<2000x128xf32>
    %max3A_20 = arith.maximumf %add3A_18, %max3A_19 : vector<2000x128xf32>
    %get3A_21 = arith.constant 0 : index
    %get3A_22 = arith.constant 0 : index
    %get3A_23 = vector.load %arg6[%get3A_21, %get3A_22] : memref<128x128xf32, #tpu.memory_space<vmem>>, vector<128x128xf32>
    %dot_general3A = arith.constant dense<0.000000e+00> : vector<2000x128xf32>
    %dot_general3A_24 = tpu.matmul %max3A_20, %get3A_23, %dot_general3A {dimension_numbers = #tpu.dot_dimension_numbers<[1], [0], [0], [1], [0, 0, 1, 1], [], []>, transpose_lhs_hint = false} : vector<2000x128xf32>, vector<128x128xf32>, vector<2000x128xf32> -> vector<2000x128xf32>
    %get3A_25 = arith.constant 0 : index
    %get3A_26 = arith.constant 0 : index
    %get3A_27 = vector.load %arg7[%get3A_25, %get3A_26] : memref<1x128xf32, #tpu.memory_space<vmem>>, vector<1x128xf32>
    %add3A_28 = vector.broadcast %get3A_27 : vector<1x128xf32> to vector<2000x128xf32>
    %add3A_29 = arith.addf %dot_general3A_24, %add3A_28 : vector<2000x128xf32>
    %max3A_30 = arith.constant 0.000000e+00 : f32
    %max3A_31 = vector.broadcast %max3A_30 : f32 to vector<2000x128xf32>
    %max3A_32 = arith.maximumf %add3A_29, %max3A_31 : vector<2000x128xf32>
    %swap3A = arith.constant 0 : index
    %swap3A_33 = arith.constant 0 : index
    %swap3A_34 = vector.load %arg12[%swap3A, %swap3A_33] : memref<2000x128xf32, #tpu.memory_space<vmem>>, vector<2000x128xf32>
    tpu.vector_store %arg12[%swap3A, %swap3A_33], %max3A_32 {strides = array<i32>} : memref<2000x128xf32, #tpu.memory_space<vmem>>, vector<2000x128xf32>,
    %slice3A_35 = vector.extract_strided_slice %add3A_8 {offsets = [0, 0], sizes = [2000, 127], strides = [1, 1]} : vector<2000x128xf32> to vector<2000x127xf32>
    %get3A_36 = arith.constant 0 : index
    %get3A_37 = arith.constant 0 : index
    %get3A_38 = vector.load %arg8[%get3A_36, %get3A_37] : memref<127x128xf32, #tpu.memory_space<vmem>>, vector<127x128xf32>
    %dot_general3A_39 = arith.constant dense<0.000000e+00> : vector<2000x128xf32>
    %dot_general3A_40 = tpu.matmul %slice3A_35, %get3A_38, %dot_general3A_39 {dimension_numbers = #tpu.dot_dimension_numbers<[1], [0], [0], [1], [0, 0, 1, 1], [], []>, transpose_lhs_hint = false} : vector<2000x127xf32>, vector<127x128xf32>, vector<2000x128xf32> -> vector<2000x128xf32>
    %get3A_41 = arith.constant 0 : index
    %get3A_42 = arith.constant 0 : index
    %get3A_43 = vector.load %arg9[%get3A_41, %get3A_42] : memref<1x128xf32, #tpu.memory_space<vmem>>, vector<1x128xf32>
    %add3A_44 = vector.broadcast %get3A_43 : vector<1x128xf32> to vector<2000x128xf32>
    %add3A_45 = arith.addf %dot_general3A_40, %add3A_44 : vector<2000x128xf32>
    %max3A_46 = arith.constant 0.000000e+00 : f32
    %max3A_47 = vector.broadcast %max3A_46 : f32 to vector<2000x128xf32>
    %max3A_48 = arith.maximumf %add3A_45, %max3A_47 : vector<2000x128xf32>
    %get3A_49 = arith.constant 0 : index
    %get3A_50 = arith.constant 0 : index
    %get3A_51 = vector.load %arg10[%get3A_49, %get3A_50] : memref<128x128xf32, #tpu.memory_space<vmem>>, vector<128x128xf32>
    %dot_general3A_52 = arith.constant dense<0.000000e+00> : vector<2000x128xf32>
    %dot_general3A_53 = tpu.matmul %max3A_48, %get3A_51, %dot_general3A_52 {dimension_numbers = #tpu.dot_dimension_numbers<[1], [0], [0], [1], [0, 0, 1, 1], [], []>, transpose_lhs_hint = false} : vector<2000x128xf32>, vector<128x128xf32>, vector<2000x128xf32> -> vector<2000x128xf32>
    %get3A_54 = arith.constant 0 : index
    %get3A_55 = arith.constant 0 : index
    %get3A_56 = vector.load %arg11[%get3A_54, %get3A_55] : memref<1x128xf32, #tpu.memory_space<vmem>>, vector<1x128xf32>
    %add3A_57 = vector.broadcast %get3A_56 : vector<1x128xf32> to vector<2000x128xf32>
    %add3A_58 = arith.addf %dot_general3A_53, %add3A_57 : vector<2000x128xf32>
    %max3A_59 = arith.constant 0.000000e+00 : f32
    %max3A_60 = vector.broadcast %max3A_59 : f32 to vector<2000x128xf32>
    %max3A_61 = arith.maximumf %add3A_58, %max3A_60 : vector<2000x128xf32>
    %swap3A_62 = arith.constant 0 : index
    %swap3A_63 = arith.constant 0 : index
    %swap3A_64 = vector.load %arg13[%swap3A_62, %swap3A_63] : memref<2000x128xf32, #tpu.memory_space<vmem>>, vector<2000x128xf32>
    tpu.vector_store %arg13[%swap3A_62, %swap3A_63], %max3A_61 {strides = array<i32>} : memref<2000x128xf32, #tpu.memory_space<vmem>>, vector<2000x128xf32>,
    return
  }
  func.func @transform_0(%arg0: i32) -> (i32, i32) {
    %c0_i32 = arith.constant 0 : i32
    %c0_i32_0 = arith.constant 0 : i32
    return %arg0, %c0_i32 : i32, i32
  }
  func.func @transform_1(%arg0: i32) -> (i32, i32) {
    %c0_i32 = arith.constant 0 : i32
    %c0_i32_0 = arith.constant 0 : i32
    return %arg0, %c0_i32 : i32, i32
  }
  func.func @transform_2(%arg0: i32) -> (i32, i32) {
    %add3A = arith.constant 5 : i32
    %add3A_0 = arith.addi %arg0, %add3A : i32
    %c0_i32 = arith.constant 0 : i32
    %c0_i32_1 = arith.constant 0 : i32
    return %add3A_0, %c0_i32 : i32, i32
  }
  func.func @transform_3(%arg0: i32) -> (i32, i32) {
    %c0_i32 = arith.constant 0 : i32
    %c0_i32_0 = arith.constant 0 : i32
    %c0_i32_1 = arith.constant 0 : i32
    return %c0_i32, %c0_i32_0 : i32, i32
  }
  func.func @transform_4(%arg0: i32) -> (i32, i32) {
    %c0_i32 = arith.constant 0 : i32
    %c0_i32_0 = arith.constant 0 : i32
    %c0_i32_1 = arith.constant 0 : i32
    return %c0_i32, %c0_i32_0 : i32, i32
  }
  func.func @transform_5(%arg0: i32) -> (i32, i32) {
    %c0_i32 = arith.constant 0 : i32
    %c0_i32_0 = arith.constant 0 : i32
    %c0_i32_1 = arith.constant 0 : i32
    return %c0_i32, %c0_i32_0 : i32, i32
  }
  func.func @transform_6(%arg0: i32) -> (i32, i32) {
    %c0_i32 = arith.constant 0 : i32
    %c0_i32_0 = arith.constant 0 : i32
    %c0_i32_1 = arith.constant 0 : i32
    return %c0_i32, %c0_i32_0 : i32, i32
  }
  func.func @transform_7(%arg0: i32) -> (i32, i32) {
    %c0_i32 = arith.constant 0 : i32
    %c0_i32_0 = arith.constant 0 : i32
    %c0_i32_1 = arith.constant 0 : i32
    return %c0_i32, %c0_i32_0 : i32, i32
  }
  func.func @transform_8(%arg0: i32) -> (i32, i32) {
    %c0_i32 = arith.constant 0 : i32
    %c0_i32_0 = arith.constant 0 : i32
    %c0_i32_1 = arith.constant 0 : i32
    return %c0_i32, %c0_i32_0 : i32, i32
  }
  func.func @transform_9(%arg0: i32) -> (i32, i32) {
    %c0_i32 = arith.constant 0 : i32
    %c0_i32_0 = arith.constant 0 : i32
    %c0_i32_1 = arith.constant 0 : i32
    return %c0_i32, %c0_i32_0 : i32, i32
  }
  func.func @transform_10(%arg0: i32) -> (i32, i32) {
    %c0_i32 = arith.constant 0 : i32
    %c0_i32_0 = arith.constant 0 : i32
    %c0_i32_1 = arith.constant 0 : i32
    return %c0_i32, %c0_i32_0 : i32, i32
  }
  func.func @transform_11(%arg0: i32) -> (i32, i32) {
    %c0_i32 = arith.constant 0 : i32
    %c0_i32_0 = arith.constant 0 : i32
    return %arg0, %c0_i32 : i32, i32
  }
  func.func @transform_12(%arg0: i32) -> (i32, i32) {
    %c0_i32 = arith.constant 0 : i32
    %c0_i32_0 = arith.constant 0 : i32
    return %arg0, %c0_i32 : i32, i32
  }
}

module attributes {stable_mosaic.version = 14 : i64} {
  func.func @_l1_body(%arg0: i32, %arg1: memref<2000x128xf32, #tpu.memory_space<vmem>>, %arg2: memref<2000x128xf32, #tpu.memory_space<vmem>>, %arg3: memref<2000x128xf32, #tpu.memory_space<vmem>>, %arg4: memref<2000x128xf32, #tpu.memory_space<vmem>>, %arg5: memref<1x1x2000xi32, #tpu.memory_space<vmem>>, %arg6: memref<128x128xf32, #tpu.memory_space<vmem>>, %arg7: memref<1x128xf32, #tpu.memory_space<vmem>>, %arg8: memref<128x128xf32, #tpu.memory_space<vmem>>, %arg9: memref<1x128xf32, #tpu.memory_space<vmem>>, %arg10: memref<128x128xf32, #tpu.memory_space<vmem>>, %arg11: memref<1x128xf32, #tpu.memory_space<vmem>>, %arg12: memref<128x128xf32, #tpu.memory_space<vmem>>, %arg13: memref<1x128xf32, #tpu.memory_space<vmem>>, %arg14: memref<128x16xf32, #tpu.memory_space<vmem>>, %arg15: memref<1x16xf32, #tpu.memory_space<vmem>>, %arg16: memref<128x16xf32, #tpu.memory_space<vmem>>, %arg17: memref<1x16xf32, #tpu.memory_space<vmem>>, %arg18: memref<1xf32, #tpu.memory_space<smem>>, %arg19: memref<64x16xf32, #tpu.memory_space<vmem>>, %arg20: memref<64x128xf32, #tpu.memory_space<vmem>>, %arg21: memref<64x128xf32, #tpu.memory_space<vmem>>) attributes {dimension_semantics = [#tpu.dimension_semantics<arbitrary>], iteration_bounds = array<i64: 5>, scalar_prefetch = 0 : i64, scratch_operands = 2 : i64, tpu.core_type = #tpu.core_type<tc>, window_params = [{transform_indices = @transform_0, window_bounds = array<i64: 2000, 128>}, {transform_indices = @transform_1, window_bounds = array<i64: 2000, 128>}, {transform_indices = @transform_2, window_bounds = array<i64: 2000, 128>}, {transform_indices = @transform_3, window_bounds = array<i64: 2000, 128>}, {transform_indices = @transform_4, window_bounds = array<i64: 1, 1, 2000>}, {pipeline_mode = #tpu.pipeline_mode<synchronous>, transform_indices = @transform_5, window_bounds = array<i64: 128, 128>}, {pipeline_mode = #tpu.pipeline_mode<synchronous>, transform_indices = @transform_6, window_bounds = array<i64: 1, 128>}, {pipeline_mode = #tpu.pipeline_mode<synchronous>, transform_indices = @transform_7, window_bounds = array<i64: 128, 128>}, {pipeline_mode = #tpu.pipeline_mode<synchronous>, transform_indices = @transform_8, window_bounds = array<i64: 1, 128>}, {pipeline_mode = #tpu.pipeline_mode<synchronous>, transform_indices = @transform_9, window_bounds = array<i64: 128, 128>}, {pipeline_mode = #tpu.pipeline_mode<synchronous>, transform_indices = @transform_10, window_bounds = array<i64: 1, 128>}, {pipeline_mode = #tpu.pipeline_mode<synchronous>, transform_indices = @transform_11, window_bounds = array<i64: 128, 128>}, {pipeline_mode = #tpu.pipeline_mode<synchronous>, transform_indices = @transform_12, window_bounds = array<i64: 1, 128>}, {pipeline_mode = #tpu.pipeline_mode<synchronous>, transform_indices = @transform_13, window_bounds = array<i64: 128, 16>}, {pipeline_mode = #tpu.pipeline_mode<synchronous>, transform_indices = @transform_14, window_bounds = array<i64: 1, 16>}, {pipeline_mode = #tpu.pipeline_mode<synchronous>, transform_indices = @transform_15, window_bounds = array<i64: 128, 16>}, {pipeline_mode = #tpu.pipeline_mode<synchronous>, transform_indices = @transform_16, window_bounds = array<i64: 1, 16>}, {transform_indices = @transform_17, window_bounds = array<i64: 1>}, {pipeline_mode = #tpu.pipeline_mode<synchronous>, transform_indices = @transform_18, window_bounds = array<i64: 64, 16>}]} {
    %get3A = arith.constant 0 : index
    %get3A_0 = arith.constant 0 : index
    %get3A_1 = vector.load %arg1[%get3A, %get3A_0] : memref<2000x128xf32, #tpu.memory_space<vmem>>, vector<2000x128xf32>
    %get3A_2 = arith.constant 0 : index
    %get3A_3 = arith.constant 0 : index
    %get3A_4 = vector.load %arg2[%get3A_2, %get3A_3] : memref<2000x128xf32, #tpu.memory_space<vmem>>, vector<2000x128xf32>
    %add3A = arith.addf %get3A_1, %get3A_4 : vector<2000x128xf32>
    %get3A_5 = arith.constant 0 : index
    %get3A_6 = arith.constant 0 : index
    %get3A_7 = vector.load %arg6[%get3A_5, %get3A_6] : memref<128x128xf32, #tpu.memory_space<vmem>>, vector<128x128xf32>
    %dot_general3A = arith.constant dense<0.000000e+00> : vector<2000x128xf32>
    %dot_general3A_8 = tpu.matmul %add3A, %get3A_7, %dot_general3A {dimension_numbers = #tpu.dot_dimension_numbers<[1], [0], [0], [1], [0, 0, 1, 1], [], []>, transpose_lhs_hint = false} : vector<2000x128xf32>, vector<128x128xf32>, vector<2000x128xf32> -> vector<2000x128xf32>
    %get3A_9 = arith.constant 0 : index
    %get3A_10 = arith.constant 0 : index
    %get3A_11 = vector.load %arg7[%get3A_9, %get3A_10] : memref<1x128xf32, #tpu.memory_space<vmem>>, vector<1x128xf32>
    %add3A_12 = vector.broadcast %get3A_11 : vector<1x128xf32> to vector<2000x128xf32>
    %add3A_13 = arith.addf %dot_general3A_8, %add3A_12 : vector<2000x128xf32>
    %max3A = arith.constant 0.000000e+00 : f32
    %max3A_14 = vector.broadcast %max3A : f32 to vector<2000x128xf32>
    %max3A_15 = arith.maximumf %add3A_13, %max3A_14 : vector<2000x128xf32>
    %get3A_16 = arith.constant 0 : index
    %get3A_17 = arith.constant 0 : index
    %get3A_18 = vector.load %arg8[%get3A_16, %get3A_17] : memref<128x128xf32, #tpu.memory_space<vmem>>, vector<128x128xf32>
    %dot_general3A_19 = arith.constant dense<0.000000e+00> : vector<2000x128xf32>
    %dot_general3A_20 = tpu.matmul %max3A_15, %get3A_18, %dot_general3A_19 {dimension_numbers = #tpu.dot_dimension_numbers<[1], [0], [0], [1], [0, 0, 1, 1], [], []>, transpose_lhs_hint = false} : vector<2000x128xf32>, vector<128x128xf32>, vector<2000x128xf32> -> vector<2000x128xf32>
    %get3A_21 = arith.constant 0 : index
    %get3A_22 = arith.constant 0 : index
    %get3A_23 = vector.load %arg9[%get3A_21, %get3A_22] : memref<1x128xf32, #tpu.memory_space<vmem>>, vector<1x128xf32>
    %add3A_24 = vector.broadcast %get3A_23 : vector<1x128xf32> to vector<2000x128xf32>
    %add3A_25 = arith.addf %dot_general3A_20, %add3A_24 : vector<2000x128xf32>
    %max3A_26 = arith.constant 0.000000e+00 : f32
    %max3A_27 = vector.broadcast %max3A_26 : f32 to vector<2000x128xf32>
    %max3A_28 = arith.maximumf %add3A_25, %max3A_27 : vector<2000x128xf32>
    %get3A_29 = arith.constant 0 : index
    %get3A_30 = arith.constant 0 : index
    %get3A_31 = vector.load %arg3[%get3A_29, %get3A_30] : memref<2000x128xf32, #tpu.memory_space<vmem>>, vector<2000x128xf32>
    %get3A_32 = arith.constant 0 : index
    %get3A_33 = arith.constant 0 : index
    %get3A_34 = vector.load %arg4[%get3A_32, %get3A_33] : memref<2000x128xf32, #tpu.memory_space<vmem>>, vector<2000x128xf32>
    %add3A_35 = arith.addf %get3A_31, %get3A_34 : vector<2000x128xf32>
    %get3A_36 = arith.constant 0 : index
    %get3A_37 = arith.constant 0 : index
    %get3A_38 = vector.load %arg10[%get3A_36, %get3A_37] : memref<128x128xf32, #tpu.memory_space<vmem>>, vector<128x128xf32>
    %dot_general3A_39 = arith.constant dense<0.000000e+00> : vector<2000x128xf32>
    %dot_general3A_40 = tpu.matmul %add3A_35, %get3A_38, %dot_general3A_39 {dimension_numbers = #tpu.dot_dimension_numbers<[1], [0], [0], [1], [0, 0, 1, 1], [], []>, transpose_lhs_hint = false} : vector<2000x128xf32>, vector<128x128xf32>, vector<2000x128xf32> -> vector<2000x128xf32>
    %get3A_41 = arith.constant 0 : index
    %get3A_42 = arith.constant 0 : index
    %get3A_43 = vector.load %arg11[%get3A_41, %get3A_42] : memref<1x128xf32, #tpu.memory_space<vmem>>, vector<1x128xf32>
    %add3A_44 = vector.broadcast %get3A_43 : vector<1x128xf32> to vector<2000x128xf32>
    %add3A_45 = arith.addf %dot_general3A_40, %add3A_44 : vector<2000x128xf32>
    %max3A_46 = arith.constant 0.000000e+00 : f32
    %max3A_47 = vector.broadcast %max3A_46 : f32 to vector<2000x128xf32>
    %max3A_48 = arith.maximumf %add3A_45, %max3A_47 : vector<2000x128xf32>
    %get3A_49 = arith.constant 0 : index
    %get3A_50 = arith.constant 0 : index
    %get3A_51 = vector.load %arg12[%get3A_49, %get3A_50] : memref<128x128xf32, #tpu.memory_space<vmem>>, vector<128x128xf32>
    %dot_general3A_52 = arith.constant dense<0.000000e+00> : vector<2000x128xf32>
    %dot_general3A_53 = tpu.matmul %max3A_48, %get3A_51, %dot_general3A_52 {dimension_numbers = #tpu.dot_dimension_numbers<[1], [0], [0], [1], [0, 0, 1, 1], [], []>, transpose_lhs_hint = false} : vector<2000x128xf32>, vector<128x128xf32>, vector<2000x128xf32> -> vector<2000x128xf32>
    %get3A_54 = arith.constant 0 : index
    %get3A_55 = arith.constant 0 : index
    %get3A_56 = vector.load %arg13[%get3A_54, %get3A_55] : memref<1x128xf32, #tpu.memory_space<vmem>>, vector<1x128xf32>
    %add3A_57 = vector.broadcast %get3A_56 : vector<1x128xf32> to vector<2000x128xf32>
    %add3A_58 = arith.addf %dot_general3A_53, %add3A_57 : vector<2000x128xf32>
    %max3A_59 = arith.constant 0.000000e+00 : f32
    %max3A_60 = vector.broadcast %max3A_59 : f32 to vector<2000x128xf32>
    %max3A_61 = arith.maximumf %add3A_58, %max3A_60 : vector<2000x128xf32>
    %get3A_62 = arith.constant 0 : index
    %get3A_63 = arith.constant 0 : index
    %get3A_64 = arith.constant 0 : index
    %get3A_65 = vector.load %arg5[%get3A_62, %get3A_63, %get3A_64] : memref<1x1x2000xi32, #tpu.memory_space<vmem>>, vector<1x1x2000xi32>
    %get3A_66 = vector.shape_cast %get3A_65 : vector<1x1x2000xi32> to vector<1x2000xi32>
    %iota3A = tpu.iota {dimensions = array<i32: 0>} : vector<64x2000xi32>
    %broadcast_in_dim3A = vector.shape_cast %get3A_66 : vector<1x2000xi32> to vector<1x2000xi32>
    %broadcast_in_dim3A_67 = vector.broadcast %broadcast_in_dim3A : vector<1x2000xi32> to vector<64x2000xi32>
    %eq3A = arith.cmpi eq, %iota3A, %broadcast_in_dim3A_67 : vector<64x2000xi32>
    %convert_element_type3A = arith.extui %eq3A : vector<64x2000xi1> to vector<64x2000xi32>
    %convert_element_type3A_68 = arith.sitofp %convert_element_type3A : vector<64x2000xi32> to vector<64x2000xf32>
    %eq3A_69 = arith.constant 0 : i32
    %eq3A_70 = arith.cmpi eq, %arg0, %eq3A_69 : i32
    %convert_element_type3A_71 = arith.extui %eq3A_70 : i1 to i32
    %cond3A = arith.constant 0 : i32
    %cond3A_72 = arith.cmpi ne, %convert_element_type3A_71, %cond3A : i32
    scf.if %cond3A_72 {
      %broadcast_in_dim3A_95 = arith.constant 0.000000e+00 : f32
      %broadcast_in_dim3A_96 = vector.broadcast %broadcast_in_dim3A_95 : f32 to vector<64x128xf32>
      %swap3A_97 = arith.constant 0 : index
      %swap3A_98 = arith.constant 0 : index
      %swap3A_99 = vector.load %arg20[%swap3A_97, %swap3A_98] : memref<64x128xf32, #tpu.memory_space<vmem>>, vector<64x128xf32>
      tpu.vector_store %arg20[%swap3A_97, %swap3A_98], %broadcast_in_dim3A_96 {strides = array<i32>} : memref<64x128xf32, #tpu.memory_space<vmem>>, vector<64x128xf32>,
      %broadcast_in_dim3A_100 = arith.constant 0.000000e+00 : f32
      %broadcast_in_dim3A_101 = vector.broadcast %broadcast_in_dim3A_100 : f32 to vector<64x128xf32>
      %swap3A_102 = arith.constant 0 : index
      %swap3A_103 = arith.constant 0 : index
      %swap3A_104 = vector.load %arg21[%swap3A_102, %swap3A_103] : memref<64x128xf32, #tpu.memory_space<vmem>>, vector<64x128xf32>
      tpu.vector_store %arg21[%swap3A_102, %swap3A_103], %broadcast_in_dim3A_101 {strides = array<i32>} : memref<64x128xf32, #tpu.memory_space<vmem>>, vector<64x128xf32>,
    } else {
    }
    %get3A_73 = arith.constant 0 : index
    %get3A_74 = arith.constant 0 : index
    %get3A_75 = vector.load %arg20[%get3A_73, %get3A_74] : memref<64x128xf32, #tpu.memory_space<vmem>>, vector<64x128xf32>
    %dot_general3A_76 = arith.constant dense<0.000000e+00> : vector<64x128xf32>
    %dot_general3A_77 = tpu.matmul %convert_element_type3A_68, %max3A_28, %dot_general3A_76 {dimension_numbers = #tpu.dot_dimension_numbers<[1], [0], [0], [1], [0, 0, 1, 1], [], []>, transpose_lhs_hint = false} : vector<64x2000xf32>, vector<2000x128xf32>, vector<64x128xf32> -> vector<64x128xf32>
    %add3A_78 = arith.addf %get3A_75, %dot_general3A_77 : vector<64x128xf32>
    %swap3A = arith.constant 0 : index
    %swap3A_79 = arith.constant 0 : index
    %swap3A_80 = vector.load %arg20[%swap3A, %swap3A_79] : memref<64x128xf32, #tpu.memory_space<vmem>>, vector<64x128xf32>
    tpu.vector_store %arg20[%swap3A, %swap3A_79], %add3A_78 {strides = array<i32>} : memref<64x128xf32, #tpu.memory_space<vmem>>, vector<64x128xf32>,
    %get3A_81 = arith.constant 0 : index
    %get3A_82 = arith.constant 0 : index
    %get3A_83 = vector.load %arg21[%get3A_81, %get3A_82] : memref<64x128xf32, #tpu.memory_space<vmem>>, vector<64x128xf32>
    %dot_general3A_84 = arith.constant dense<0.000000e+00> : vector<64x128xf32>
    %dot_general3A_85 = tpu.matmul %convert_element_type3A_68, %max3A_61, %dot_general3A_84 {dimension_numbers = #tpu.dot_dimension_numbers<[1], [0], [0], [1], [0, 0, 1, 1], [], []>, transpose_lhs_hint = false} : vector<64x2000xf32>, vector<2000x128xf32>, vector<64x128xf32> -> vector<64x128xf32>
    %add3A_86 = arith.addf %get3A_83, %dot_general3A_85 : vector<64x128xf32>
    %swap3A_87 = arith.constant 0 : index
    %swap3A_88 = arith.constant 0 : index
    %swap3A_89 = vector.load %arg21[%swap3A_87, %swap3A_88] : memref<64x128xf32, #tpu.memory_space<vmem>>, vector<64x128xf32>
    tpu.vector_store %arg21[%swap3A_87, %swap3A_88], %add3A_86 {strides = array<i32>} : memref<64x128xf32, #tpu.memory_space<vmem>>, vector<64x128xf32>,
    %eq3A_90 = arith.constant 4 : i32
    %eq3A_91 = arith.cmpi eq, %arg0, %eq3A_90 : i32
    %convert_element_type3A_92 = arith.extui %eq3A_91 : i1 to i32
    %cond3A_93 = arith.constant 0 : i32
    %cond3A_94 = arith.cmpi ne, %convert_element_type3A_92, %cond3A_93 : i32
    scf.if %cond3A_94 {
      %get3A_95 = arith.constant 0 : index
      %get3A_96 = arith.constant 0 : index
      %get3A_97 = vector.load %arg20[%get3A_95, %get3A_96] : memref<64x128xf32, #tpu.memory_space<vmem>>, vector<64x128xf32>
      %get3A_98 = arith.constant 0 : index
      %get3A_99 = arith.constant 0 : index
      %get3A_100 = vector.load %arg14[%get3A_98, %get3A_99] : memref<128x16xf32, #tpu.memory_space<vmem>>, vector<128x16xf32>
      %dot_general3A_101 = arith.constant dense<0.000000e+00> : vector<64x16xf32>
      %dot_general3A_102 = tpu.matmul %get3A_97, %get3A_100, %dot_general3A_101 {dimension_numbers = #tpu.dot_dimension_numbers<[1], [0], [0], [1], [0, 0, 1, 1], [], []>, transpose_lhs_hint = false} : vector<64x128xf32>, vector<128x16xf32>, vector<64x16xf32> -> vector<64x16xf32>
      %get3A_103 = arith.constant 0 : index
      %get3A_104 = arith.constant 0 : index
      %get3A_105 = vector.load %arg15[%get3A_103, %get3A_104] : memref<1x16xf32, #tpu.memory_space<vmem>>, vector<1x16xf32>
      %add3A_106 = vector.broadcast %get3A_105 : vector<1x16xf32> to vector<64x16xf32>
      %add3A_107 = arith.addf %dot_general3A_102, %add3A_106 : vector<64x16xf32>
      %get3A_108 = arith.constant 0 : index
      %get3A_109 = arith.constant 0 : index
      %get3A_110 = vector.load %arg21[%get3A_108, %get3A_109] : memref<64x128xf32, #tpu.memory_space<vmem>>, vector<64x128xf32>
      %get3A_111 = arith.constant 0 : index
      %get3A_112 = arith.constant 0 : index
      %get3A_113 = vector.load %arg16[%get3A_111, %get3A_112] : memref<128x16xf32, #tpu.memory_space<vmem>>, vector<128x16xf32>
      %dot_general3A_114 = arith.constant dense<0.000000e+00> : vector<64x16xf32>
      %dot_general3A_115 = tpu.matmul %get3A_110, %get3A_113, %dot_general3A_114 {dimension_numbers = #tpu.dot_dimension_numbers<[1], [0], [0], [1], [0, 0, 1, 1], [], []>, transpose_lhs_hint = false} : vector<64x128xf32>, vector<128x16xf32>, vector<64x16xf32> -> vector<64x16xf32>
      %get3A_116 = arith.constant 0 : index
      %get3A_117 = arith.constant 0 : index
      %get3A_118 = vector.load %arg17[%get3A_116, %get3A_117] : memref<1x16xf32, #tpu.memory_space<vmem>>, vector<1x16xf32>
      %add3A_119 = vector.broadcast %get3A_118 : vector<1x16xf32> to vector<64x16xf32>
      %add3A_120 = arith.addf %dot_general3A_115, %add3A_119 : vector<64x16xf32>
      %get3A_121 = arith.constant 0 : index
      %get3A_122 = memref.load %arg18[%get3A_121] : memref<1xf32, #tpu.memory_space<smem>>
      %neg3A = arith.constant 0.000000e+00 : f32
      %neg3A_123 = arith.subf %neg3A, %get3A_122 : f32
      %exp3A = math.exp %neg3A_123 : f32
      %add3A_124 = arith.constant 1.000000e+00 : f32
      %add3A_125 = arith.addf %add3A_124, %exp3A : f32
      %div3A = arith.constant 1.000000e+00 : f32
      %div3A_126 = arith.divf %div3A, %add3A_125 : f32
      %reduce_max3A = arith.constant dense<0xFF800000> : vector<64xf32>
      %reduce_max3A_127 = vector.multi_reduction <maximumf>, %add3A_107, %reduce_max3A [1] : vector<64x16xf32> to vector<64xf32>
      %broadcast_in_dim3A_128 = vector.shape_cast %reduce_max3A_127 : vector<64xf32> to vector<64x1xf32>
      %sub3A = vector.broadcast %broadcast_in_dim3A_128 : vector<64x1xf32> to vector<64x16xf32>
      %sub3A_129 = arith.subf %add3A_107, %sub3A : vector<64x16xf32>
      %exp3A_130 = math.exp %sub3A_129 : vector<64x16xf32>
      %reduce_sum3A = arith.constant dense<0.000000e+00> : vector<64xf32>
      %reduce_sum3A_131 = vector.multi_reduction <add>, %exp3A_130, %reduce_sum3A [1] : vector<64x16xf32> to vector<64xf32>
      %broadcast_in_dim3A_132 = vector.shape_cast %reduce_sum3A_131 : vector<64xf32> to vector<64x1xf32>
      %log3A = math.log %broadcast_in_dim3A_132 : vector<64x1xf32>
      %add3A_133 = arith.addf %log3A, %broadcast_in_dim3A_128 : vector<64x1xf32>
      %sub3A_134 = vector.broadcast %add3A_133 : vector<64x1xf32> to vector<64x16xf32>
      %sub3A_135 = arith.subf %add3A_107, %sub3A_134 : vector<64x16xf32>
      %mul3A = vector.broadcast %div3A_126 : f32 to vector<64x16xf32>
      %mul3A_136 = arith.mulf %mul3A, %sub3A_135 : vector<64x16xf32>
      %sub3A_137 = arith.constant 1.000000e+00 : f32
      %sub3A_138 = arith.subf %sub3A_137, %div3A_126 : f32
      %reduce_max3A_139 = arith.constant dense<0xFF800000> : vector<64xf32>
      %reduce_max3A_140 = vector.multi_reduction <maximumf>, %add3A_120, %reduce_max3A_139 [1] : vector<64x16xf32> to vector<64xf32>
      %broadcast_in_dim3A_141 = vector.shape_cast %reduce_max3A_140 : vector<64xf32> to vector<64x1xf32>
      %sub3A_142 = vector.broadcast %broadcast_in_dim3A_141 : vector<64x1xf32> to vector<64x16xf32>
      %sub3A_143 = arith.subf %add3A_120, %sub3A_142 : vector<64x16xf32>
      %exp3A_144 = math.exp %sub3A_143 : vector<64x16xf32>
      %reduce_sum3A_145 = arith.constant dense<0.000000e+00> : vector<64xf32>
      %reduce_sum3A_146 = vector.multi_reduction <add>, %exp3A_144, %reduce_sum3A_145 [1] : vector<64x16xf32> to vector<64xf32>
      %broadcast_in_dim3A_147 = vector.shape_cast %reduce_sum3A_146 : vector<64xf32> to vector<64x1xf32>
      %log3A_148 = math.log %broadcast_in_dim3A_147 : vector<64x1xf32>
      %add3A_149 = arith.addf %log3A_148, %broadcast_in_dim3A_141 : vector<64x1xf32>
      %sub3A_150 = vector.broadcast %add3A_149 : vector<64x1xf32> to vector<64x16xf32>
      %sub3A_151 = arith.subf %add3A_120, %sub3A_150 : vector<64x16xf32>
      %mul3A_152 = vector.broadcast %sub3A_138 : f32 to vector<64x16xf32>
      %mul3A_153 = arith.mulf %mul3A_152, %sub3A_151 : vector<64x16xf32>
      %add3A_154 = arith.addf %mul3A_136, %mul3A_153 : vector<64x16xf32>
      %swap3A_155 = arith.constant 0 : index
      %swap3A_156 = arith.constant 0 : index
      %swap3A_157 = vector.load %arg19[%swap3A_155, %swap3A_156] : memref<64x16xf32, #tpu.memory_space<vmem>>, vector<64x16xf32>
      tpu.vector_store %arg19[%swap3A_155, %swap3A_156], %add3A_154 {strides = array<i32>} : memref<64x16xf32, #tpu.memory_space<vmem>>, vector<64x16xf32>,
    } else {
    }
    return
  }
  func.func @transform_0(%arg0: i32) -> (i32, i32) {
    %c0_i32 = arith.constant 0 : i32
    %c0_i32_0 = arith.constant 0 : i32
    return %arg0, %c0_i32 : i32, i32
  }
  func.func @transform_1(%arg0: i32) -> (i32, i32) {
    %c0_i32 = arith.constant 0 : i32
    %c0_i32_0 = arith.constant 0 : i32
    return %arg0, %c0_i32 : i32, i32
  }
  func.func @transform_2(%arg0: i32) -> (i32, i32) {
    %c0_i32 = arith.constant 0 : i32
    %c0_i32_0 = arith.constant 0 : i32
    return %arg0, %c0_i32 : i32, i32
  }
  func.func @transform_3(%arg0: i32) -> (i32, i32) {
    %add3A = arith.constant 5 : i32
    %add3A_0 = arith.addi %arg0, %add3A : i32
    %c0_i32 = arith.constant 0 : i32
    %c0_i32_1 = arith.constant 0 : i32
    return %add3A_0, %c0_i32 : i32, i32
  }
  func.func @transform_4(%arg0: i32) -> (i32, i32, i32) {
    %c0_i32 = arith.constant 0 : i32
    %c0_i32_0 = arith.constant 0 : i32
    %c0_i32_1 = arith.constant 0 : i32
    return %arg0, %c0_i32, %c0_i32_0 : i32, i32, i32
  }
  func.func @transform_5(%arg0: i32) -> (i32, i32) {
    %c0_i32 = arith.constant 0 : i32
    %c0_i32_0 = arith.constant 0 : i32
    %c0_i32_1 = arith.constant 0 : i32
    return %c0_i32, %c0_i32_0 : i32, i32
  }
  func.func @transform_6(%arg0: i32) -> (i32, i32) {
    %c0_i32 = arith.constant 0 : i32
    %c0_i32_0 = arith.constant 0 : i32
    %c0_i32_1 = arith.constant 0 : i32
    return %c0_i32, %c0_i32_0 : i32, i32
  }
  func.func @transform_7(%arg0: i32) -> (i32, i32) {
    %c0_i32 = arith.constant 0 : i32
    %c0_i32_0 = arith.constant 0 : i32
    %c0_i32_1 = arith.constant 0 : i32
    return %c0_i32, %c0_i32_0 : i32, i32
  }
  func.func @transform_8(%arg0: i32) -> (i32, i32) {
    %c0_i32 = arith.constant 0 : i32
    %c0_i32_0 = arith.constant 0 : i32
    %c0_i32_1 = arith.constant 0 : i32
    return %c0_i32, %c0_i32_0 : i32, i32
  }
  func.func @transform_9(%arg0: i32) -> (i32, i32) {
    %c0_i32 = arith.constant 0 : i32
    %c0_i32_0 = arith.constant 0 : i32
    %c0_i32_1 = arith.constant 0 : i32
    return %c0_i32, %c0_i32_0 : i32, i32
  }
  func.func @transform_10(%arg0: i32) -> (i32, i32) {
    %c0_i32 = arith.constant 0 : i32
    %c0_i32_0 = arith.constant 0 : i32
    %c0_i32_1 = arith.constant 0 : i32
    return %c0_i32, %c0_i32_0 : i32, i32
  }
  func.func @transform_11(%arg0: i32) -> (i32, i32) {
    %c0_i32 = arith.constant 0 : i32
    %c0_i32_0 = arith.constant 0 : i32
    %c0_i32_1 = arith.constant 0 : i32
    return %c0_i32, %c0_i32_0 : i32, i32
  }
  func.func @transform_12(%arg0: i32) -> (i32, i32) {
    %c0_i32 = arith.constant 0 : i32
    %c0_i32_0 = arith.constant 0 : i32
    %c0_i32_1 = arith.constant 0 : i32
    return %c0_i32, %c0_i32_0 : i32, i32
  }
  func.func @transform_13(%arg0: i32) -> (i32, i32) {
    %c0_i32 = arith.constant 0 : i32
    %c0_i32_0 = arith.constant 0 : i32
    %c0_i32_1 = arith.constant 0 : i32
    return %c0_i32, %c0_i32_0 : i32, i32
  }
  func.func @transform_14(%arg0: i32) -> (i32, i32) {
    %c0_i32 = arith.constant 0 : i32
    %c0_i32_0 = arith.constant 0 : i32
    %c0_i32_1 = arith.constant 0 : i32
    return %c0_i32, %c0_i32_0 : i32, i32
  }
  func.func @transform_15(%arg0: i32) -> (i32, i32) {
    %c0_i32 = arith.constant 0 : i32
    %c0_i32_0 = arith.constant 0 : i32
    %c0_i32_1 = arith.constant 0 : i32
    return %c0_i32, %c0_i32_0 : i32, i32
  }
  func.func @transform_16(%arg0: i32) -> (i32, i32) {
    %c0_i32 = arith.constant 0 : i32
    %c0_i32_0 = arith.constant 0 : i32
    %c0_i32_1 = arith.constant 0 : i32
    return %c0_i32, %c0_i32_0 : i32, i32
  }
  func.func @transform_17(%arg0: i32) -> i32 {
    %c0_i32 = arith.constant 0 : i32
    %c0_i32_0 = arith.constant 0 : i32
    return %c0_i32 : i32
  }
  func.func @transform_18(%arg0: i32) -> (i32, i32) {
    %c0_i32 = arith.constant 0 : i32
    %c0_i32_0 = arith.constant 0 : i32
    %c0_i32_1 = arith.constant 0 : i32
    return %c0_i32, %c0_i32_0 : i32, i32
  }
}

</mosaic_0001>

<sc_bundles>
// kernel: kernel.6.cloned.1.call-start
scs
__scs_entry_jumppad:
0x0: {  	(pc) =	sbr.rel $0x88, $3  }
0x1: {  	(tag) =	ssettag $0x0;
	lr =	simm.s32 $0x1  }
0x2: {  	[smem:$0x3F89] =	sst lr;
	_ =	strace $0xD0000000  }
0x3: {  	_ = 	snop  }
0x4: {  	_ = 	snop  }
0x5: {  	_ = 	snop  }
0x6: {  	_ = 	snop  }
0x7: {  	_ = 	snop  }
__scs_overlays_trampoline_lowered:
0x8: {  	[smem:$0x3F98] =	sst s0  }
0x9: {  	[smem:$0x3F99] =	sst s1  }
0xa: {  	[smem:$0x3F9A] =	sst s2  }
0xb: {  	[smem:$0x3F9B] =	sst s3  }
0xc: {  	[smem:$0x3F9C] =	sst s4  }
0xd: {  	[smem:$0x3F9D] =	sst s5  }
0xe: {  	[smem:$0x3F9E] =	sst s6  }
0xf: {  	[smem:$0x3F9F] =	sst s7  }
0x10: {  	[smem:$0x3FA0] =	sst s8  }
0x11: {  	[smem:$0x3FA1] =	sst s9;
	s0 =	simm.s32 @!p0 $0x0  }
0x12: {  	s1 =	sld [smem:$0x3F87];
	s0 =	simm.s32 @p0 $0x1  }
0x13: {  	[smem:$0x3FA2] =	sst s0;
	s0 =	simm.s32 @!p1 $0x0  }
0x14: {  	s2 =	sld [smem:$0x3F86];
	s0 =	simm.s32 @p1 $0x1  }
0x15: {  	[smem:$0x3FA3] =	sst s0;
	s0 =	simm.s32 @!p2 $0x0  }
0x16: {  	s3 =	sld [smem:$0x3FDB];
	s0 =	simm.s32 @p2 $0x1  }
0x17: {  	s4 =	simm.s32 $0x1BF5;
	[smem:$0x3FA5] =	sst s0  }
0x18: {  	s0 =	sld [smem:$0x3F88];
	_ =	swait.ge [sflag:s4], $0x0  }
0x19: {  	s7 =	sld [smem:$0x3F89]  }
0x1a: {  	s8 =	sadd.s32 $0xFFFFE003, lr  }
0x1b: {  	s9 =	sadd.s32 $0xFFFFFEF7, lr;
	s5 =	simm.s32 $0xFFFFFFFF;
	p2 =	slt.u32 s8, $0xFFFFF086  }
0x1c: {  	p1 =	slt.u32 s9, $0xF7A;
	s5 =	simm.s32 @!p2 $0x0  }
0x1d: {  	s5 =	simm.s32 @p1 $0x1;
	p0 =	seq.s32 s7, s2  }
0x1e: {  	s7 =	smul.u32 @!p0 $0xF7A, s2;
	p2 =	seq.s32 @!p0 s5, $0x0  }
0x1f: {  	s9 =	smul.u32 $0xF7A, s1;
	s8 =	simm.s32 @!p0 $0x1BF5;
	p2 =	por !p2, p0  }
0x20: {  	[sflag:s8] =	ssyncset.s32 @!p0 $0xFFFFF086;
	s6 =	sadd.s32 @!p0 s3, s7;
	s7 =	simm.s32 @!p0 $0x108  }
0x21: {  	s3 =	sadd.s32 s3, s9;
	s6 =	sadd.s32 @!p0 $0x88, s6;
	s7 =	simm.s32 @p2 $0x1082  }
0x22: {  	[simem:s7], [sflag:s8] =	dma.local @!p0 [hbm:s6], $0xF7A  }
0x23: {  	s9 =	sor.u32 $0xD0000000, s2;
	s6 =	simm.s32 $0x108;
	_ =	swait.ge @!p0 [sflag:s8], $0x0  }
0x24: {  	s3 =	sadd.s32 $0x88, s3;
	s6 =	simm.s32 @!p1 $0x1082;
	[sflag:s4] =	ssyncset.s32 $0xFFFFF086  }
0x25: {  	[simem:s6], [sflag:s4] =	dma.local [hbm:s3], $0xF7A  }
0x26: {  	[smem:$0x3F89] =	sst s1;
	(tag) =	ssettag s2;
	_ =	strace s9  }
0x27: {  	s1 =	sld [smem:$0x3F99]  }
0x28: {  	s2 =	sld [smem:$0x3F9A]  }
0x29: {  	s4 =	sld [smem:$0x3F9C]  }
0x2a: {  	p0 =	seq.s32 s5, $0x0;
	s5 =	sld [smem:$0x3F9D]  }
0x2b: {  	s6 =	sld [smem:$0x3F9E]  }
0x2c: {  	s7 =	sld [smem:$0x3F9F]  }
0x2d: {  	s3 =	simm.s32 $0x108;
	s8 =	sld [smem:$0x3FA0]  }
0x2e: {  	s3 =	simm.s32 @!p0 $0x1082;
	s9 =	sld [smem:$0x3FA1]  }
0x2f: {  	lr =	sadd.s32 s0, s3;
	s0 =	sld [smem:$0x3F98]  }
0x30: {  	s3 =	sld [smem:$0x3F9B]  }
0x31: {  	[smem:$0x3FA4] =	sst s10  }
0x32: {  	s10 =	sld [smem:$0x3FA2];
	_ =	sdelay $0x3  }
0x33: {  	p0 =	seq.s32 s10, $0x1;
	s10 =	sld [smem:$0x3FA4];
	_ =	sdelay $0x3  }
0x34: {  	[smem:$0x3FA4] =	sst s10  }
0x35: {  	s10 =	sld [smem:$0x3FA3];
	_ =	sdelay $0x3  }
0x36: {  	p1 =	seq.s32 s10, $0x1;
	s10 =	sld [smem:$0x3FA4];
	_ =	sdelay $0x3  }
0x37: {  	[smem:$0x3FA4] =	sst s10  }
0x38: {  	s10 =	sld [smem:$0x3FA5]  }
0x39: {  	_ = 	snop;
	(pc) =	sbr.ind lr, $3  }
0x3a: {  	_ = 	snop  }
0x3b: {  	_ = 	snop  }
0x3c: {  	p2 =	seq.s32 s10, $0x1;
	s10 =	sld [smem:$0x3FA4]  }
0x3d: {  	_ =	shalt  }
0x3e: {  	_ =	shalt  }
0x3f: {  	_ =	shalt  }
0x40: {  	_ =	shalt  }
0x41: {  	_ =	shalt  }
0x42: {  	_ =	shalt  }
0x43: {  	_ =	shalt  }
0x44: {  	_ =	shalt  }
0x45: {  	_ =	shalt  }
0x46: {  	_ =	shalt  }
0x47: {  	_ =	shalt  }
0x48: {  	_ =	shalt  }
0x49: {  	_ =	shalt  }
0x4a: {  	_ =	shalt  }
0x4b: {  	_ =	shalt  }
0x4c: {  	_ =	shalt  }
0x4d: {  	_ =	shalt  }
0x4e: {  	_ =	shalt  }
0x4f: {  	_ =	shalt  }
0x50: {  	_ =	shalt  }
0x51: {  	_ =	shalt  }
0x52: {  	_ =	shalt  }
0x53: {  	_ =	shalt  }
0x54: {  	_ =	shalt  }
0x55: {  	_ =	shalt  }
0x56: {  	_ =	shalt  }
0x57: {  	_ =	shalt  }
0x58: {  	_ =	shalt  }
0x59: {  	_ =	shalt  }
0x5a: {  	_ =	shalt  }
0x5b: {  	_ =	shalt  }
0x5c: {  	_ =	shalt  }
0x5d: {  	_ =	shalt  }
0x5e: {  	_ =	shalt  }
0x5f: {  	_ =	shalt  }
0x60: {  	_ =	shalt  }
0x61: {  	_ =	shalt  }
0x62: {  	_ =	shalt  }
0x63: {  	_ =	shalt  }
0x64: {  	_ =	shalt  }
0x65: {  	_ =	shalt  }
0x66: {  	_ =	shalt  }
0x67: {  	_ =	shalt  }
0x68: {  	_ =	shalt  }
0x69: {  	_ =	shalt  }
0x6a: {  	_ =	shalt  }
0x6b: {  	_ =	shalt  }
0x6c: {  	_ =	shalt  }
0x6d: {  	_ =	shalt  }
0x6e: {  	_ =	shalt  }
0x6f: {  	_ =	shalt  }
0x70: {  	_ =	shalt  }
0x71: {  	_ =	shalt  }
0x72: {  	_ =	shalt  }
0x73: {  	_ =	shalt  }
0x74: {  	_ =	shalt  }
0x75: {  	_ =	shalt  }
0x76: {  	_ =	shalt  }
0x77: {  	_ =	shalt  }
0x78: {  	_ =	shalt  }
0x79: {  	_ =	shalt  }
0x7a: {  	_ =	shalt  }
0x7b: {  	_ =	shalt  }
0x7c: {  	_ =	shalt  }
0x7d: {  	_ =	shalt  }
0x7e: {  	_ =	shalt  }
0x7f: {  	_ =	shalt  }
0x80: {  	_ =	shalt  }
0x81: {  	_ =	shalt  }
0x82: {  	_ =	shalt  }
0x83: {  	_ =	shalt  }
0x84: {  	_ =	shalt  }
0x85: {  	_ =	shalt  }
0x86: {  	_ =	shalt  }
0x87: {  	_ =	shalt  }
.Lfunc_end0:
.L_simem_size_0:
called_computation_lowered:
.L_overlay_start_0:
0x88: {  	s2 =	sld [smem:$0x3FD9]  }
0x89: {  	s3 =	sld [smem:$0x3FFE];
	_ =	sdelay $0x1  }
0x8a: {  	s1 =	srdreg.scid  }
0x8b: {  	s0 =	sand.u32 $0x1, s1  }
0x8c: {  	s17 =	sshll.u32 s0, $0xA;
	s2 =	sadd.s32 s3, s2  }
0x8d: {  	s2 =	sadd.s32 s2, s17  }
0x8e: {  	[smem:$0x3FB0] =	sst s2  }
0x8f: {  	_ = 	snop  }
0x90: {  	s2 =	sld [smem:$0x3FC9];
	(tm) =	ssettm $0x1  }
0x91: {  	s18 =	sld [smem:$0x3FFB];
	_ =	sdelay $0x3  }
0x92: {  	_ =	strace s18  }
0x93: {  	s3 =	sld [smem:$0x3FFC];
	_ =	sdelay $0x3  }
0x94: {  	_ =	strace s3  }
0x95: {  	s3 =	sld [smem:$0x3FFD];
	_ =	sdelay $0x3  }
0x96: {  	_ =	strace s3  }
0x97: {  	_ =	strace $0x8FFFFFFF  }
0x98: {  	s19 =	sld [smem:$0x3FDB];
	_ =	sdelay $0x1  }
0x99: {  	s4 =	simm.s32 $_scs_section_size  }
0x9a: {  	s5 =	simm.s32 $_size__tile_overlayer_lowered;
	s6 =	simm.s32 $_tile_overlayer_lowered  }
0x9b: {  	s22 =	simm.s32 $0x1BFF;
	s21 =	sshll.u32 s6, $0x1;
	s3 =	sadd.s32 s4, s19  }
0x9c: {  	s7 =	simm.s32 $0x0;
	s20 =	sshll.u32 s5, $0x1;
	s5 =	sadd.s32 s21, s3  }
0x9d: {  	[timem:s7], [sflag:s22] =	dma.local [hbm:s5], s20  }
0x9e: {  	_ =	swait.ge [sflag:s22], s20  }
0x9f: {  	s4 =	ssub.s32 $0x0, s20;
	[sflag:s22] =	ssyncset.done $0x0  }
0xa0: {  	[sflag:s22] =	ssyncadd.s32 s4;
	_ =	sdelay $0x1  }
0xa1: {  	s23 =	simm.s32 $0x1B8B  }
0xa2: {  	_ =	swait.ge [sflag:s23], $0x1  }
0xa3: {  	[sflag:s23] =	ssyncset.done $0x0  }
0xa4: {  	s25 =	simm.s32 $0x1B8E;
	s24 =	sld [smem:$0x3FFE];
	[sflag:s23] =	ssyncadd.s32 $0xFFFFFFFF  }
0xa5: {  	s26 =	simm.s32 $execute0_lowered;
	[smem:$0x3FD2] =	sst s25  }
0xa6: {  	s5 =	sshll.u32 s26, $0x1;
	_ =	strace $0x80000046;
	[dreg:$0x1] =	wrdreg $0xFFFFFFFF  }
0xa7: {  	s28 =	simm.s32 $_size_execute0_lowered;
	s3 =	sadd.s32 s3, s5;
	[dreg:$0x0] =	wrdreg $0x0  }
0xa8: {  	s5 =	sshll.u32 s28, $0x1;
	[dreg:$0x2] =	wrdreg s3  }
0xa9: {  	[dreg:$0x3] =	wrdreg s5  }
0xaa: {  	[dreg:$0x4] =	wrdreg $0xC0  }
0xab: {  	_ =	task [dreg:s7], $0x5FFFF  }
0xac: {  	[dreg:$0x1] =	wrdreg $0xFFFFFFFF  }
0xad: {  	[dreg:$0x0] =	wrdreg $0x60  }
0xae: {  	[dreg:$0x2] =	wrdreg s2  }
0xaf: {  	[dreg:$0x3] =	wrdreg s24  }
0xb0: {  	[dreg:$0x4] =	wrdreg $0x94000  }
0xb1: {  	[dreg:$0x5] =	wrdreg $0x9  }
0xb2: {  	_ =	task.clear_ibuf [dreg:s7], $0x6FFFF;
	_ =	strace $0x90000046  }
0xb3: {  	s29 =	simm.s32 $0x9;
	_ =	strace $0x80000048  }
0xb4: {  	_ =	swait.ge [sflag:s29], $0x1  }
0xb5: {  	[sflag:s29] =	ssyncadd.s32 $0xFFFFFFFF  }
0xb6: {  	_ =	strace $0x90000048  }
0xb7: {  	_ =	sfence  }
0xb8: {  	s30 =	sld [smem:$0x0];
	_ =	sdelay $0x2  }
0xb9: {  	s31 =	sshll.u32 s1, $0xD;
	s1 =	sshrl.u32 s1, $0x2  }
0xba: {  	s3 =	sand.u32 $0x4000, s31;
	s1 =	sadd.s32 s1, s30  }
0xbb: {  	s0 =	sor.u32 s3, s0;
	s1 =	sshll.u32 s1, $0x11  }
0xbc: {  	s0 =	sor.u32 s1, s0  }
0xbd: {  	s0 =	sadd.s32 $0x8F2B, s0  }
0xbe: {  	[sflag:s0] =	ssyncadd.remote.s32 $0x1  }
0xbf: {  	_ =	sfence.sel $0xFFFF  }
0xc0: {  	[dreg:$0x0] =	wrdreg $0xFFFFFFFF;
	(pc) =	sbr.abs _section_cstart, $3  }
0xc1: {  	[dreg:$0x1] =	wrdreg $0xFFFFFFFF  }
0xc2: {  	_ =	task.clear_ibuf [dreg:s7], $0x2FFFF;
	_ =	strace $0x9FFFFFFF  }
0xc3: {  	(tm) =	ssettm $0x7FFFFFFF  }
tec
execute0_lowered:
.L_overlay_start_1:
0x0: {  	(tag) =	ssettag $0x1  }
0x1: {  	s1 =	rddreg [dreg:$0x0]  }
0x2: {  	s0 =	rddreg [dreg:$0x1]  }
0x3: {  	s2 =	rddreg [dreg:$0x2]  }
0x4: {  	s3 =	srdreg.scid;
	s4 =	simm.s32 $0x0;
	s25 =	stileid.u32  }
0x5: {  	s14 =	simm.s32 $0x7;
	s16 =	simm.s32 $0x1800;
	s19 =	simm.s32 $0x4  }
0x6: {  	s20 =	simm.s32 $0x1;
	s21 =	simm.s32 $0x50;
	s23 =	simm.s32 $0x5  }
0x7: {  	s24 =	simm.s32 $0x6;
	s7 =	sand.u32 $0x1, s3;
	[smem:$0x7FF] =	sst s4  }
0x8: {  	s8 =	smul.u32 $0x50000, s25;
	s6 =	sadd.s32 $0x4600, s0;
	s0 =	sadd.s32 $0x28600, s0  }
0x9: {  	s30 =	smul.u32 $0x2800, s25;
	p0 =	seq.s32 s25, $0xF;
	s5 =	sshll.u32 s7, $0x4  }
0xa: {  	_ =	strace $0x80000047;
	s9 =	ssub.s32 $0x2, s7;
	s11 =	smul.u32 $0x27100, s7  }
0xb: {  	s26 =	smul.u32 $0x138800, s7;
	s5 =	sor.u32 s25, s5;
	s10 =	sshrl.u32 s9, $0x1  }
0xc: {  	s28 =	sshrl.u32 s8, $0x2;
	s25 =	simm.s32 $0x0;
	s5 =	smul.u32 $0x4800, s5  }
.Ltmp0:
0xd: {  	s12 =	ssub.s32 s9, s10;
	s13 =	sshrl.u32 s26, $0x3;
	(pc) =	sbr.rel .LBB2_1-.Ltmp0, $4  }
0xe: {  	s7 =	sadd.s32 s28, s2;
	s10 =	sadd.s32 s30, s11;
	s31 =	sadd.s32 s0, s13  }
0xf: {  	s10 =	sadd.s32 s0, s10;
	s0 =	sadd.s32 $0x12C000, s2;
	s29 =	sshrl.u32 s5, $0x3  }
0x10: {  	s12 =	smax.u32 s12, $0x1;
	s13 =	simm.s32 $0x9000;
	s8 =	sadd.s32 s6, s29  }
0x11: {  	v0 =	vimm.f32 $0.0e+00;
	s11 =	sadd.s32 $0x25800, s31;
	s22 =	sshrl.u32 @p0 s0, $0x3;
	s9 =	sadd.s32 $0x12000, s8  }
.LBB2_16:
0x12: {  	[bflag:$0x0] =	sbarrier.arrive $0xFFFF;
	s0 =	simm.s32 @p0 $0x1FC7  }
0x13: {  	[hbm:s11], [sflag:s0] =	dma.local @p0 [spmem:s22], $0x1900  }
0x14: {  	s0 =	simm.s32 @p0 $0x7  }
0x15: {  	s3 =	stileid.u32;
	s25 =	sadd.s32 $0x1, s25;
	_ =	swait.ge @p0 [sflag:s0], $0x1900  }
0x16: {  	s3 =	sshll.u32 @!p0 s3, $0x6;
	p1 =	sne.s32 s25, s12;
	[sflag:s0] =	ssyncset.done @p0 $0x0  }
0x17: {  	[sflag:s0] =	ssyncadd.s32 @p0 $0xFFFFE700;
	s0 =	sor.u32 @!p0 $0x1C07, s3;
	s3 =	sshrl.u32 @!p0 s7, $0x3  }
0x18: {  	[hbm:s10], [sflag:s0] =	dma.local @!p0 [spmem:s3], $0x2800  }
.Ltmp1:
0x19: {  	_ = 	snop;
	(pc) =	sbr.rel @!p1 .LBB2_17-.Ltmp1, $4  }
0x1a: {  	s0 =	simm.s32 @!p0 $0x7  }
0x1b: {  	_ =	swait.ge @!p0 [sflag:s0], $0x2800  }
0x1c: {  	[sflag:s0] =	ssyncset.done @!p0 $0x0  }
0x1d: {  	[sflag:s0] =	ssyncadd.s32 @!p0 $0xFFFFD800  }
.LBB2_1:
0x1e: {  	[tilespmem:$0x9000] =	vst v0  }
0x1f: {  	[tilespmem:$0x9010] =	vst v0  }
0x20: {  	[tilespmem:$0x9020] =	vst v0  }
0x21: {  	[tilespmem:$0x9030] =	vst v0  }
0x22: {  	[tilespmem:$0x9040] =	vst v0  }
0x23: {  	[tilespmem:$0x9050] =	vst v0  }
0x24: {  	[tilespmem:$0x9060] =	vst v0  }
0x25: {  	[tilespmem:$0x9070] =	vst v0  }
0x26: {  	[tilespmem:$0x9080] =	vst v0  }
0x27: {  	[tilespmem:$0x9090] =	vst v0  }
0x28: {  	[tilespmem:$0x90A0] =	vst v0  }
0x29: {  	[tilespmem:$0x90B0] =	vst v0  }
0x2a: {  	[tilespmem:$0x90C0] =	vst v0  }
0x2b: {  	[tilespmem:$0x90D0] =	vst v0  }
0x2c: {  	[tilespmem:$0x90E0] =	vst v0  }
0x2d: {  	[tilespmem:$0x90F0] =	vst v0  }
0x2e: {  	[tilespmem:$0x9100] =	vst v0  }
0x2f: {  	[tilespmem:$0x9110] =	vst v0  }
0x30: {  	[tilespmem:$0x9120] =	vst v0  }
0x31: {  	[tilespmem:$0x9130] =	vst v0  }
0x32: {  	[tilespmem:$0x9140] =	vst v0  }
0x33: {  	[tilespmem:$0x9150] =	vst v0  }
0x34: {  	[tilespmem:$0x9160] =	vst v0  }
0x35: {  	[tilespmem:$0x9170] =	vst v0  }
0x36: {  	[tilespmem:$0x9180] =	vst v0  }
0x37: {  	[tilespmem:$0x9190] =	vst v0  }
0x38: {  	[tilespmem:$0x91A0] =	vst v0  }
0x39: {  	[tilespmem:$0x91B0] =	vst v0  }
0x3a: {  	[tilespmem:$0x91C0] =	vst v0  }
0x3b: {  	[tilespmem:$0x91D0] =	vst v0  }
0x3c: {  	[tilespmem:$0x91E0] =	vst v0  }
0x3d: {  	[tilespmem:$0x91F0] =	vst v0  }
0x3e: {  	[tilespmem:$0x9200] =	vst v0  }
0x3f: {  	[tilespmem:$0x9210] =	vst v0  }
0x40: {  	[tilespmem:$0x9220] =	vst v0  }
0x41: {  	[tilespmem:$0x9230] =	vst v0  }
0x42: {  	[tilespmem:$0x9240] =	vst v0  }
0x43: {  	[tilespmem:$0x9250] =	vst v0  }
0x44: {  	[tilespmem:$0x9260] =	vst v0  }
0x45: {  	[tilespmem:$0x9270] =	vst v0  }
0x46: {  	[tilespmem:$0x9280] =	vst v0  }
0x47: {  	[tilespmem:$0x9290] =	vst v0  }
0x48: {  	[tilespmem:$0x92A0] =	vst v0  }
0x49: {  	[tilespmem:$0x92B0] =	vst v0  }
0x4a: {  	[tilespmem:$0x92C0] =	vst v0  }
0x4b: {  	[tilespmem:$0x92D0] =	vst v0  }
0x4c: {  	[tilespmem:$0x92E0] =	vst v0  }
0x4d: {  	[tilespmem:$0x92F0] =	vst v0  }
0x4e: {  	[tilespmem:$0x9300] =	vst v0  }
0x4f: {  	[tilespmem:$0x9310] =	vst v0  }
0x50: {  	[tilespmem:$0x9320] =	vst v0  }
0x51: {  	[tilespmem:$0x9330] =	vst v0  }
0x52: {  	[tilespmem:$0x9340] =	vst v0  }
0x53: {  	[tilespmem:$0x9350] =	vst v0  }
0x54: {  	[tilespmem:$0x9360] =	vst v0  }
0x55: {  	[tilespmem:$0x9370] =	vst v0  }
0x56: {  	[tilespmem:$0x9380] =	vst v0  }
0x57: {  	[tilespmem:$0x9390] =	vst v0  }
0x58: {  	[tilespmem:$0x93A0] =	vst v0  }
0x59: {  	[tilespmem:$0x93B0] =	vst v0  }
0x5a: {  	[tilespmem:$0x93C0] =	vst v0  }
0x5b: {  	[tilespmem:$0x93D0] =	vst v0  }
0x5c: {  	[tilespmem:$0x93E0] =	vst v0  }
0x5d: {  	[tilespmem:$0x93F0] =	vst v0;
	s0 =	simm.s32 $0x1000;
	s15 =	sadd.s32 $0x0, s7  }
.LBB2_2:
0x5e: {  	[spmem:s15] =	stream.linear.scatter [tilespmem:s13], [sflag:$0x4], $0x400, $0x38;
	[tilespmem:$0x1D400] =	vst v63  }
0x5f: {  	s15 =	smov.u32 s0;
	p1 =	sne.s32 s0, $0x4F000  }
.Ltmp2:
0x60: {  	s0 =	sadd.s32 $0x1000, s0;
	(pc) =	sbr.rel @p1 .LBB2_2-.Ltmp2, $3  }
0x61: {  	_ =	sdelay $0x1  }
0x62: {  	s15 =	sshra.s32 s15, $0x2  }
0x63: {  	s15 =	sadd.s32 s15, s7  }
0x64: {  	[spmem:s15] =	stream.linear.scatter [tilespmem:s13], [sflag:$0x4], $0x400, $0x38;
	[tilespmem:$0x1D400] =	vst v63  }
0x65: {  	_ = 	snop  }
0x66: {  	[tilespmem:s4], [sflag:$0x7] =	stream.linear.gather [hbm4b:s8+s4], $0xC00, $0x38;
	[tilespmem:$0x1D400] =	vst v63  }
0x67: {  	_ =	swait.ge [sflag:s14], $0xC00  }
0x68: {  	[sflag:s14] =	ssyncset.done $0x0  }
0x69: {  	s0 =	simm.s32 $0xC00;
	[sflag:s14] =	ssyncadd.s32 $0xFFFFF400  }
0x6a: {  	[tilespmem:s0], [sflag:$0x7] =	stream.linear.gather [hbm4b:s9+s4], $0xC00, $0x38;
	[tilespmem:$0x1D400] =	vst v63  }
0x6b: {  	_ =	swait.ge [sflag:s14], $0xC00  }
0x6c: {  	[sflag:s14] =	ssyncset.done $0x0  }
0x6d: {  	s30 =	simm.s32 $0x50;
	[sflag:s14] =	ssyncadd.s32 $0xFFFFF400  }
0x6e: {  	[tilespmem:s16], [sflag:$0x1] =	stream.indirect.gather [hbm4b:s1+s30], $0x80, s4, s30, $0xb8;
	[tilespmem:$0x1D400] =	vst v63  }
0x6f: {  	s3 =	simm.s32 $0x80;
	s31 =	simm.s32 $0x4000  }
0x70: {  	[tilespmem:s31], [sflag:$0x2] =	stream.indirect.gather [hbm4b:s1+s30], $0x80, s3, s30, $0xb8;
	[tilespmem:$0x1D400] =	vst v63  }
0x71: {  	_ =	swait.ge [sflag:s19], $0x400  }
0x72: {  	s0 =	simm.s32 $0x4F;
	[sflag:s19] =	ssyncset.done $0x0  }
.LBB2_4:
0x73: {  	p1 =	sne.s32 s0, $0x1;
	s0 =	sadd.s32 $0xFFFFFFFF, s0;
	[sflag:s19] =	ssyncadd.s32 $0xFFFFFC00  }
.Ltmp3:
0x74: {  	(pc) =	sbr.rel @p1 .LBB2_4-.Ltmp3, $3  }
0x75: {  	_ =	sdelay $0x1  }
0x76: {  	_ =	swait.ge [sflag:s19], $0x400  }
0x77: {  	[sflag:s19] =	ssyncset.done $0x0  }
0x78: {  	[sflag:s19] =	ssyncadd.s32 $0xFFFFFC00  }
0x79: {  	s26 =	simm.s32 $0x0;
	s28 =	simm.s32 $0x0;
	[bflag:$0x0] =	sbarrier.arrive $0xFFFF  }
.LBB2_6:
0x7a: {  	p1 =	seq.s32 s28, $0x0  }
0x7b: {  	s0 =	smul.u32 @!p1 $0xC00, s28;
	_ =	sdelay $0x1  }
0x7c: {  	s0 =	sadd.s32 @!p1 s5, s0  }
0x7d: {  	s0 =	sshrl.u32 @!p1 s0, $0x3  }
0x7e: {  	s15 =	simm.s32 @!p1 $0x0;
	s17 =	simm.s32 @!p1 $0x7;
	s0 =	sadd.s32 @!p1 s6, s0  }
0x7f: {  	[tilespmem:s15], [sflag:$0x7] =	stream.linear.gather @!p1 [hbm4b:s0+s15], $0xC00, $0x38;
	[tilespmem:$0x1D400] =	vst v63  }
0x80: {  	_ =	swait.ge @!p1 [sflag:s17], $0xC00  }
0x81: {  	[sflag:s17] =	ssyncset.done @!p1 $0x0  }
0x82: {  	s29 =	simm.s32 @!p1 $0xC00;
	s0 =	sadd.s32 @!p1 $0x12000, s0;
	[sflag:s17] =	ssyncadd.s32 @!p1 $0xFFFFF400  }
0x83: {  	[tilespmem:s29], [sflag:$0x7] =	stream.linear.gather @!p1 [hbm4b:s0+s15], $0xC00, $0x38;
	[tilespmem:$0x1D400] =	vst v63  }
0x84: {  	_ =	swait.ge @!p1 [sflag:s17], $0xC00  }
0x85: {  	s0 =	simm.s32 @!p1 $0x50;
	[sflag:s17] =	ssyncset.done @!p1 $0x0  }
.Ltmp4:
0x86: {  	[sflag:s17] =	ssyncadd.s32 @!p1 $0xFFFFF400;
	s17 =	simm.s32 @!p1 $0x1800;
	(pc) =	sbr.rel .LBB2_7-.Ltmp4, $4  }
0x87: {  	[tilespmem:s17], [sflag:$0x1] =	stream.indirect.gather @!p1 [hbm4b:s1+s0], $0x80, s15, s0, $0xb8;
	[tilespmem:$0x1D400] =	vst v63  }
0x88: {  	s30 =	simm.s32 $0xFFFFFFFF;
	s15 =	simm.s32 @!p1 $0x80;
	s17 =	simm.s32 @!p1 $0x4000  }
0x89: {  	[tilespmem:s17], [sflag:$0x2] =	stream.indirect.gather @!p1 [hbm4b:s1+s0], $0x80, s15, s0, $0xb8;
	[tilespmem:$0x1D400] =	vst v63  }
0x8a: {  	s31 =	simm.s32 $0xC00;
	s29 =	smul.u32 $0x18, s28;
	s0 =	simm.s32 $0x200  }
.LBB2_8:
0x8b: {  	p2 =	sne.s32 s30, $0x14  }
.LBB2_12:
0x8c: {  	s3 =	sadd.s32 $0x4, s15  }
0x8d: {  	p3 =	sgt.u32 s3, $0x7C  }
0x8e: {  	p3 =	por !p2, p3  }
0x8f: {  	s3 =	sadd.s32 @!p3 $0xFFFFFF80, s0;
	s17 =	simm.s32 @!p3 $0x50;
	s18 =	simm.s32 @!p3 $0x1800  }
0x90: {  	[tilespmem:s18], [sflag:$0x1] =	stream.indirect.gather @!p3 [hbm4b:s1+s17], $0x80, s3, s17, $0xb8;
	[tilespmem:$0x1D400] =	vst v63  }
0x91: {  	s17 =	sadd.s32 $0x2, s30  }
.LBB2_13:
0x92: {  	s3 =	sadd.s32 s29, s17  }
0x93: {  	p3 =	sgt.u32 s3, $0x7C  }
0x94: {  	s3 =	simm.s32 @!p3 $0x2  }
0x95: {  	_ =	swait.ge @!p3 [sflag:s3], $0x2800  }
0x96: {  	s17 =	sshll.u32 @!p3 s17, $0x7;
	[sflag:s3] =	ssyncset.done @!p3 $0x0  }
0x97: {  	[sflag:s3] =	ssyncadd.s32 @!p3 $0xFFFFD800;
	s3 =	sand.u32 @!p3 $0x3FFFFF80, s17  }
0x98: {  	s18 =	simm.s32 @!p3 $0x4000;
	s17 =	simm.s32 @!p3 $0x50;
	s3 =	sadd.s32 @!p3 $0xC00, s3  }
0x99: {  	[spmem:s2] =	stream.indirect.scatter.add.f32 @!p3 [tilespmem:s18], [sflag:$0x5], $0x80, s3, s17, $0xb8;
	[tilespmem:$0x1D400] =	vst v63  }
0x9a: {  	s18 =	sadd.s32 $0x5, s15  }
0x9b: {  	p2 =	por !p2, !p2;
	p6 =	sgt.u32 s18, $0x7F  }
0x9c: {  	p3 =	por p6, p2  }
0x9d: {  	s15 =	simm.s32 @!p3 $0x5  }
0x9e: {  	p4 =	sgt.u32 s18, $0x7C;
	_ =	swait.ge @!p3 [sflag:s15], $0x2800  }
0x9f: {  	p2 =	por p4, p2;
	[sflag:s15] =	ssyncset.done @!p3 $0x0  }
0xa0: {  	s3 =	simm.s32 @!p2 $0x50;
	[sflag:s15] =	ssyncadd.s32 @!p3 $0xFFFFD800;
	s15 =	simm.s32 @!p2 $0x4000  }
0xa1: {  	[tilespmem:s15], [sflag:$0x2] =	stream.indirect.gather @!p2 [hbm4b:s1+s3], $0x80, s0, s3, $0xb8;
	[tilespmem:$0x1D400] =	vst v63  }
0xa2: {  	s3 =	simm.s32 @!p1 $0x3  }
0xa3: {  	_ =	swait.ge @!p1 [sflag:s3], $0x2800  }
0xa4: {  	s30 =	sadd.s32 $0x3, s30;
	s17 =	simm.s32 @!p1 $0x6800;
	[sflag:s3] =	ssyncset.done @!p1 $0x0  }
0xa5: {  	s15 =	simm.s32 @!p1 $0x50;
	[sflag:s3] =	ssyncadd.s32 @!p1 $0xFFFFD800;
	s3 =	sadd.s32 @!p1 $0x100, s31  }
0xa6: {  	[spmem:s2] =	stream.indirect.scatter.add.f32 @!p1 [tilespmem:s17], [sflag:$0x6], $0x80, s3, s15, $0xb8;
	[tilespmem:$0x1D400] =	vst v63  }
0xa7: {  	p1 =	sne.s32 s30, $0x17  }
.Ltmp5:
0xa8: {  	_ = 	snop;
	(pc) =	sbr.rel @!p1 .LBB2_14-.Ltmp5, $2  }
0xa9: {  	_ =	sdelay $0x2  }
0xaa: {  	s0 =	sadd.s32 $0x180, s0;
	s31 =	sadd.s32 $0x180, s31  }
.LBB2_7:
0xab: {  	s15 =	sadd.s32 s30, s26  }
0xac: {  	p1 =	sgt.u32 s30, $0x14;
	s17 =	sadd.s32 $0x3, s15  }
0xad: {  	p2 =	sgt.u32 @!p1 s17, $0x7F  }
0xae: {  	p1 =	por p2, p1  }
0xaf: {  	s18 =	simm.s32 @!p1 $0x6  }
0xb0: {  	_ =	swait.ge @!p1 [sflag:s18], $0x2800  }
0xb1: {  	[sflag:s18] =	ssyncset.done @!p1 $0x0  }
0xb2: {  	[sflag:s18] =	ssyncadd.s32 @!p1 $0xFFFFD800;
	p1 =	sgt.u32 s17, $0x7C  }
0xb3: {  	s17 =	sadd.s32 @!p1 $0xFFFFFF00, s0;
	s18 =	simm.s32 @!p1 $0x50;
	s3 =	simm.s32 @!p1 $0x6800  }
0xb4: {  	[tilespmem:s3], [sflag:$0x3] =	stream.indirect.gather @!p1 [hbm4b:s1+s18], $0x80, s17, s18, $0xb8;
	[tilespmem:$0x1D400] =	vst v63  }
0xb5: {  	s18 =	sadd.s32 $0x1, s15  }
0xb6: {  	p2 =	slt.u32 s18, $0x7D  }
.Ltmp6:
0xb7: {  	_ = 	snop;
	(pc) =	sbr.rel @!p2 .LBB2_8-.Ltmp6, $1  }
0xb8: {  	_ =	sdelay $0x3  }
0xb9: {  	p2 =	seq.s32 s30, $0x14  }
.Ltmp7:
0xba: {  	_ = 	snop;
	(pc) =	sbr.rel @!p2 .LBB2_11-.Ltmp7, $4  }
0xbb: {  	_ =	swait.ge [sflag:s20], $0x2800  }
0xbc: {  	[sflag:s20] =	ssyncset.done $0x0  }
0xbd: {  	[sflag:s20] =	ssyncadd.s32 $0xFFFFD800  }
0xbe: {  	[spmem:s2] =	stream.indirect.scatter.add.f32 [tilespmem:s16], [sflag:$0x4], $0x80, s31, s21, $0xb8;
	[tilespmem:$0x1D400] =	vst v63  }
.Ltmp8:
0xbf: {  	(pc) =	sbr.rel .LBB2_13-.Ltmp8, $2  }
0xc0: {  	_ =	sdelay $0x2  }
0xc1: {  	p2 =	por $0x0, $0x0;
	s17 =	simm.s32 $0x16  }
.LBB2_11:
.Ltmp9:
0xc2: {  	(pc) =	sbr.rel .LBB2_12-.Ltmp9, $4  }
0xc3: {  	_ = 	snop  }
0xc4: {  	_ =	swait.ge [sflag:s19], $0x2800  }
0xc5: {  	[sflag:s19] =	ssyncset.done $0x0  }
0xc6: {  	p2 =	por $0x1, $0x1;
	[sflag:s19] =	ssyncadd.s32 $0xFFFFD800  }
.LBB2_14:
0xc7: {  	p1 =	seq.s32 s28, $0x5  }
.Ltmp10:
0xc8: {  	_ = 	snop;
	(pc) =	sbr.rel @p1 .LBB2_16-.Ltmp10, $1  }
0xc9: {  	_ =	sdelay $0x3  }
0xca: {  	_ =	swait.ge [sflag:s19], $0x2800  }
0xcb: {  	[sflag:s19] =	ssyncset.done $0x0  }
0xcc: {  	[sflag:s19] =	ssyncadd.s32 $0xFFFFD800  }
0xcd: {  	_ =	swait.ge [sflag:s23], $0x2800  }
.Ltmp11:
0xce: {  	[sflag:s23] =	ssyncset.done $0x0;
	(pc) =	sbr.rel .LBB2_6-.Ltmp11, $4  }
0xcf: {  	[sflag:s23] =	ssyncadd.s32 $0xFFFFD800  }
0xd0: {  	_ =	swait.ge [sflag:s24], $0x2800  }
0xd1: {  	[sflag:s24] =	ssyncset.done $0x0  }
0xd2: {  	s28 =	sadd.s32 $0x1, s28;
	s26 =	sadd.s32 $0x18, s26;
	[sflag:s24] =	ssyncadd.s32 $0xFFFFD800  }
.LBB2_17:
0xd3: {  	_ =	sfence.sel $0x180000  }
0xd4: {  	[bflag:$0x0] =	sbarrier.arrive $0xFFFF  }
0xd5: {  	_ =	strace $0x90000047  }
0xd6: {  	s0 =	stileid.u32;
	[bflag:$0x2] =	sbarrier.arrive $0xFFFF  }
0xd7: {  	p0 =	sne.s32 s0, $0x0;
	s0 =	rddreg [dreg:$0x3]  }
0xd8: {  	s0 =	sadd.s32 @!p0 $0x100000, s0  }
0xd9: {  	[sflag:s0] =	ssyncadd.tile.s32 @!p0 $0x1;
	_ =	shalt  }
.Lfunc_end2:
_tile_overlayer_lowered:
.L_overlay_start_2:
0xda: {  	(tag) =	ssettag $0x2  }
0xdb: {  	s0 =	rddreg [dreg:$0x0];
	s2 =	stileid.u32  }
0xdc: {  	s1 =	rddreg [dreg:$0x1];
	p0 =	sne.s32 s2, $0x0  }
0xdd: {  	s3 =	rddreg [dreg:$0x2];
	[bflag:$0x3] =	sbarrier.arrive $0xFFFF;
	s2 =	simm.s32 @!p0 $0x1C07  }
0xde: {  	[timem:s3], [sflag:s2] =	dma.local @!p0 [hbm:s0], s1  }
0xdf: {  	s0 =	simm.s32 @!p0 $0x7  }
0xe0: {  	_ =	swait.ge @!p0 [sflag:s0], s1  }
0xe1: {  	s1 =	ssub.s32 @!p0 $0x0, s1;
	[sflag:s0] =	ssyncset.done @!p0 $0x0  }
0xe2: {  	[sflag:s0] =	ssyncadd.s32 @!p0 s1  }
0xe3: {  	[bflag:$0x3] =	sbarrier.arrive $0xFFFF  }
0xe4: {  	_ =	shalt  }

// kernel: kernel.9.cloned.1.call-start
scs
__scs_entry_jumppad:
0x0: {  	(pc) =	sbr.rel $0x88, $3  }
0x1: {  	(tag) =	ssettag $0x0;
	lr =	simm.s32 $0x1  }
0x2: {  	[smem:$0x3F89] =	sst lr;
	_ =	strace $0xD0000000  }
0x3: {  	_ = 	snop  }
0x4: {  	_ = 	snop  }
0x5: {  	_ = 	snop  }
0x6: {  	_ = 	snop  }
0x7: {  	_ = 	snop  }
__scs_overlays_trampoline_lowered:
0x8: {  	[smem:$0x3F98] =	sst s0  }
0x9: {  	[smem:$0x3F99] =	sst s1  }
0xa: {  	[smem:$0x3F9A] =	sst s2  }
0xb: {  	[smem:$0x3F9B] =	sst s3  }
0xc: {  	[smem:$0x3F9C] =	sst s4  }
0xd: {  	[smem:$0x3F9D] =	sst s5  }
0xe: {  	[smem:$0x3F9E] =	sst s6  }
0xf: {  	[smem:$0x3F9F] =	sst s7  }
0x10: {  	[smem:$0x3FA0] =	sst s8  }
0x11: {  	[smem:$0x3FA1] =	sst s9;
	s0 =	simm.s32 @!p0 $0x0  }
0x12: {  	s1 =	sld [smem:$0x3F87];
	s0 =	simm.s32 @p0 $0x1  }
0x13: {  	[smem:$0x3FA2] =	sst s0;
	s0 =	simm.s32 @!p1 $0x0  }
0x14: {  	s2 =	sld [smem:$0x3F86];
	s0 =	simm.s32 @p1 $0x1  }
0x15: {  	[smem:$0x3FA3] =	sst s0;
	s0 =	simm.s32 @!p2 $0x0  }
0x16: {  	s3 =	sld [smem:$0x3FDB];
	s0 =	simm.s32 @p2 $0x1  }
0x17: {  	s4 =	simm.s32 $0x1BF5;
	[smem:$0x3FA5] =	sst s0  }
0x18: {  	s0 =	sld [smem:$0x3F88];
	_ =	swait.ge [sflag:s4], $0x0  }
0x19: {  	s7 =	sld [smem:$0x3F89]  }
0x1a: {  	s8 =	sadd.s32 $0xFFFFE003, lr  }
0x1b: {  	s9 =	sadd.s32 $0xFFFFFEF7, lr;
	s5 =	simm.s32 $0xFFFFFFFF;
	p2 =	slt.u32 s8, $0xFFFFF086  }
0x1c: {  	p1 =	slt.u32 s9, $0xF7A;
	s5 =	simm.s32 @!p2 $0x0  }
0x1d: {  	s5 =	simm.s32 @p1 $0x1;
	p0 =	seq.s32 s7, s2  }
0x1e: {  	s7 =	smul.u32 @!p0 $0xF7A, s2;
	p2 =	seq.s32 @!p0 s5, $0x0  }
0x1f: {  	s9 =	smul.u32 $0xF7A, s1;
	s8 =	simm.s32 @!p0 $0x1BF5;
	p2 =	por !p2, p0  }
0x20: {  	[sflag:s8] =	ssyncset.s32 @!p0 $0xFFFFF086;
	s6 =	sadd.s32 @!p0 s3, s7;
	s7 =	simm.s32 @!p0 $0x108  }
0x21: {  	s3 =	sadd.s32 s3, s9;
	s6 =	sadd.s32 @!p0 $0x88, s6;
	s7 =	simm.s32 @p2 $0x1082  }
0x22: {  	[simem:s7], [sflag:s8] =	dma.local @!p0 [hbm:s6], $0xF7A  }
0x23: {  	s9 =	sor.u32 $0xD0000000, s2;
	s6 =	simm.s32 $0x108;
	_ =	swait.ge @!p0 [sflag:s8], $0x0  }
0x24: {  	s3 =	sadd.s32 $0x88, s3;
	s6 =	simm.s32 @!p1 $0x1082;
	[sflag:s4] =	ssyncset.s32 $0xFFFFF086  }
0x25: {  	[simem:s6], [sflag:s4] =	dma.local [hbm:s3], $0xF7A  }
0x26: {  	[smem:$0x3F89] =	sst s1;
	(tag) =	ssettag s2;
	_ =	strace s9  }
0x27: {  	s1 =	sld [smem:$0x3F99]  }
0x28: {  	s2 =	sld [smem:$0x3F9A]  }
0x29: {  	s4 =	sld [smem:$0x3F9C]  }
0x2a: {  	p0 =	seq.s32 s5, $0x0;
	s5 =	sld [smem:$0x3F9D]  }
0x2b: {  	s6 =	sld [smem:$0x3F9E]  }
0x2c: {  	s7 =	sld [smem:$0x3F9F]  }
0x2d: {  	s3 =	simm.s32 $0x108;
	s8 =	sld [smem:$0x3FA0]  }
0x2e: {  	s3 =	simm.s32 @!p0 $0x1082;
	s9 =	sld [smem:$0x3FA1]  }
0x2f: {  	lr =	sadd.s32 s0, s3;
	s0 =	sld [smem:$0x3F98]  }
0x30: {  	s3 =	sld [smem:$0x3F9B]  }
0x31: {  	[smem:$0x3FA4] =	sst s10  }
0x32: {  	s10 =	sld [smem:$0x3FA2];
	_ =	sdelay $0x3  }
0x33: {  	p0 =	seq.s32 s10, $0x1;
	s10 =	sld [smem:$0x3FA4];
	_ =	sdelay $0x3  }
0x34: {  	[smem:$0x3FA4] =	sst s10  }
0x35: {  	s10 =	sld [smem:$0x3FA3];
	_ =	sdelay $0x3  }
0x36: {  	p1 =	seq.s32 s10, $0x1;
	s10 =	sld [smem:$0x3FA4];
	_ =	sdelay $0x3  }
0x37: {  	[smem:$0x3FA4] =	sst s10  }
0x38: {  	s10 =	sld [smem:$0x3FA5]  }
0x39: {  	_ = 	snop;
	(pc) =	sbr.ind lr, $3  }
0x3a: {  	_ = 	snop  }
0x3b: {  	_ = 	snop  }
0x3c: {  	p2 =	seq.s32 s10, $0x1;
	s10 =	sld [smem:$0x3FA4]  }
0x3d: {  	_ =	shalt  }
0x3e: {  	_ =	shalt  }
0x3f: {  	_ =	shalt  }
0x40: {  	_ =	shalt  }
0x41: {  	_ =	shalt  }
0x42: {  	_ =	shalt  }
0x43: {  	_ =	shalt  }
0x44: {  	_ =	shalt  }
0x45: {  	_ =	shalt  }
0x46: {  	_ =	shalt  }
0x47: {  	_ =	shalt  }
0x48: {  	_ =	shalt  }
0x49: {  	_ =	shalt  }
0x4a: {  	_ =	shalt  }
0x4b: {  	_ =	shalt  }
0x4c: {  	_ =	shalt  }
0x4d: {  	_ =	shalt  }
0x4e: {  	_ =	shalt  }
0x4f: {  	_ =	shalt  }
0x50: {  	_ =	shalt  }
0x51: {  	_ =	shalt  }
0x52: {  	_ =	shalt  }
0x53: {  	_ =	shalt  }
0x54: {  	_ =	shalt  }
0x55: {  	_ =	shalt  }
0x56: {  	_ =	shalt  }
0x57: {  	_ =	shalt  }
0x58: {  	_ =	shalt  }
0x59: {  	_ =	shalt  }
0x5a: {  	_ =	shalt  }
0x5b: {  	_ =	shalt  }
0x5c: {  	_ =	shalt  }
0x5d: {  	_ =	shalt  }
0x5e: {  	_ =	shalt  }
0x5f: {  	_ =	shalt  }
0x60: {  	_ =	shalt  }
0x61: {  	_ =	shalt  }
0x62: {  	_ =	shalt  }
0x63: {  	_ =	shalt  }
0x64: {  	_ =	shalt  }
0x65: {  	_ =	shalt  }
0x66: {  	_ =	shalt  }
0x67: {  	_ =	shalt  }
0x68: {  	_ =	shalt  }
0x69: {  	_ =	shalt  }
0x6a: {  	_ =	shalt  }
0x6b: {  	_ =	shalt  }
0x6c: {  	_ =	shalt  }
0x6d: {  	_ =	shalt  }
0x6e: {  	_ =	shalt  }
0x6f: {  	_ =	shalt  }
0x70: {  	_ =	shalt  }
0x71: {  	_ =	shalt  }
0x72: {  	_ =	shalt  }
0x73: {  	_ =	shalt  }
0x74: {  	_ =	shalt  }
0x75: {  	_ =	shalt  }
0x76: {  	_ =	shalt  }
0x77: {  	_ =	shalt  }
0x78: {  	_ =	shalt  }
0x79: {  	_ =	shalt  }
0x7a: {  	_ =	shalt  }
0x7b: {  	_ =	shalt  }
0x7c: {  	_ =	shalt  }
0x7d: {  	_ =	shalt  }
0x7e: {  	_ =	shalt  }
0x7f: {  	_ =	shalt  }
0x80: {  	_ =	shalt  }
0x81: {  	_ =	shalt  }
0x82: {  	_ =	shalt  }
0x83: {  	_ =	shalt  }
0x84: {  	_ =	shalt  }
0x85: {  	_ =	shalt  }
0x86: {  	_ =	shalt  }
0x87: {  	_ =	shalt  }
.Lfunc_end0:
.L_simem_size_0:
called_computation.1_lowered:
.L_overlay_start_0:
0x88: {  	s2 =	sld [smem:$0x3FD9]  }
0x89: {  	s3 =	sld [smem:$0x3FFE];
	_ =	sdelay $0x1  }
0x8a: {  	s1 =	srdreg.scid  }
0x8b: {  	s0 =	sand.u32 $0x1, s1  }
0x8c: {  	s16 =	sshll.u32 s0, $0xA;
	s2 =	sadd.s32 s3, s2  }
0x8d: {  	s2 =	sadd.s32 s2, s16  }
0x8e: {  	[smem:$0x3FB0] =	sst s2  }
0x8f: {  	_ = 	snop  }
0x90: {  	(tm) =	ssettm $0x1  }
0x91: {  	s17 =	sld [smem:$0x3FFB];
	_ =	sdelay $0x3  }
0x92: {  	_ =	strace s17  }
0x93: {  	s2 =	sld [smem:$0x3FFC];
	_ =	sdelay $0x3  }
0x94: {  	_ =	strace s2  }
0x95: {  	s2 =	sld [smem:$0x3FFD];
	_ =	sdelay $0x3  }
0x96: {  	_ =	strace s2  }
0x97: {  	_ =	strace $0x8FFFFFFF  }
0x98: {  	s18 =	sld [smem:$0x3FDB];
	_ =	sdelay $0x1  }
0x99: {  	s19 =	simm.s32 $_scs_section_size  }
0x9a: {  	s4 =	simm.s32 $_size__tile_overlayer_lowered;
	s5 =	simm.s32 $_tile_overlayer_lowered  }
0x9b: {  	s22 =	simm.s32 $0x1BFF;
	s21 =	sshll.u32 s5, $0x1;
	s2 =	sadd.s32 s19, s18  }
0x9c: {  	s6 =	simm.s32 $0x0;
	s20 =	sshll.u32 s4, $0x1;
	s4 =	sadd.s32 s21, s2  }
0x9d: {  	[timem:s6], [sflag:s22] =	dma.local [hbm:s4], s20  }
0x9e: {  	_ =	swait.ge [sflag:s22], s20  }
0x9f: {  	s3 =	ssub.s32 $0x0, s20;
	[sflag:s22] =	ssyncset.done $0x0  }
0xa0: {  	[sflag:s22] =	ssyncadd.s32 s3;
	_ =	sdelay $0x1  }
0xa1: {  	s23 =	simm.s32 $0x1B8B  }
0xa2: {  	_ =	swait.ge [sflag:s23], $0x1  }
0xa3: {  	[sflag:s23] =	ssyncset.done $0x0  }
0xa4: {  	s25 =	simm.s32 $0x1B8E;
	s24 =	sld [smem:$0x3FFE];
	[sflag:s23] =	ssyncadd.s32 $0xFFFFFFFF  }
0xa5: {  	s26 =	simm.s32 $execute0_lowered;
	[smem:$0x3FD2] =	sst s25  }
0xa6: {  	s4 =	sshll.u32 s26, $0x1;
	_ =	strace $0x80000049;
	[dreg:$0x1] =	wrdreg $0xFFFFFFFF  }
0xa7: {  	s28 =	simm.s32 $_size_execute0_lowered;
	s2 =	sadd.s32 s2, s4;
	[dreg:$0x0] =	wrdreg $0x0  }
0xa8: {  	s4 =	sshll.u32 s28, $0x1;
	[dreg:$0x2] =	wrdreg s2  }
0xa9: {  	[dreg:$0x3] =	wrdreg s4  }
0xaa: {  	[dreg:$0x4] =	wrdreg $0xC0  }
0xab: {  	_ =	task [dreg:s6], $0x5FFFF  }
0xac: {  	[dreg:$0x1] =	wrdreg $0xFFFFFFFF  }
0xad: {  	[dreg:$0x0] =	wrdreg $0x60  }
0xae: {  	[dreg:$0x2] =	wrdreg s24  }
0xaf: {  	[dreg:$0x3] =	wrdreg $0x94000  }
0xb0: {  	[dreg:$0x4] =	wrdreg $0x9  }
0xb1: {  	_ =	task.clear_ibuf [dreg:s6], $0x5FFFF;
	_ =	strace $0x90000049  }
0xb2: {  	s29 =	simm.s32 $0x9;
	_ =	strace $0x8000004B  }
0xb3: {  	_ =	swait.ge [sflag:s29], $0x1  }
0xb4: {  	[sflag:s29] =	ssyncadd.s32 $0xFFFFFFFF  }
0xb5: {  	_ =	strace $0x9000004B  }
0xb6: {  	_ =	sfence  }
0xb7: {  	s30 =	sld [smem:$0x0];
	_ =	sdelay $0x2  }
0xb8: {  	s31 =	sshll.u32 s1, $0xD;
	s1 =	sshrl.u32 s1, $0x2  }
0xb9: {  	s3 =	sand.u32 $0x4000, s31;
	s1 =	sadd.s32 s1, s30  }
0xba: {  	s0 =	sor.u32 s3, s0;
	s1 =	sshll.u32 s1, $0x11  }
0xbb: {  	s0 =	sor.u32 s1, s0  }
0xbc: {  	s0 =	sadd.s32 $0x8F2B, s0  }
0xbd: {  	[sflag:s0] =	ssyncadd.remote.s32 $0x1  }
0xbe: {  	_ =	sfence.sel $0xFFFF  }
0xbf: {  	[dreg:$0x0] =	wrdreg $0xFFFFFFFF;
	(pc) =	sbr.abs _section_cstart, $3  }
0xc0: {  	[dreg:$0x1] =	wrdreg $0xFFFFFFFF  }
0xc1: {  	_ =	task.clear_ibuf [dreg:s6], $0x2FFFF;
	_ =	strace $0x9FFFFFFF  }
0xc2: {  	(tm) =	ssettm $0x7FFFFFFF  }
0xc3: {  	_ =	shalt  }
tec
execute0_lowered:
.L_overlay_start_1:
0x0: {  	(tag) =	ssettag $0x1  }
0x1: {  	s0 =	rddreg [dreg:$0x0]  }
0x2: {  	s1 =	rddreg [dreg:$0x1]  }
0x3: {  	s2 =	simm.s32 $0x0;
	s3 =	srdreg.scid;
	s15 =	stileid.u32  }
0x4: {  	s16 =	simm.s32 $0x9000;
	s17 =	simm.s32 $0x7;
	s19 =	simm.s32 $0x1800  }
0x5: {  	s20 =	simm.s32 $0x80;
	s21 =	simm.s32 $0x4000;
	s22 =	simm.s32 $0x4  }
0x6: {  	s23 =	simm.s32 $0x1;
	s28 =	simm.s32 $0x6;
	s29 =	simm.s32 $0x0  }
0x7: {  	[smem:$0x7FF] =	sst s2;
	s4 =	sadd.s32 $0x28600, s0;
	s8 =	smul.u32 $0x50000, s15  }
0x8: {  	s5 =	sadd.s32 $0x4F800, s0;
	s3 =	sand.u32 $0x1, s3;
	s7 =	smul.u32 $0x9000, s15  }
0x9: {  	s6 =	sadd.s32 $0x4600, s0;
	s0 =	sadd.s32 $0x76A00, s0;
	s13 =	smul.u32 $0x2800, s15  }
0xa: {  	p1 =	seq.s32 s15, $0xF;
	_ =	strace $0x8000004A;
	s12 =	smul.u32 $0x27100, s3  }
0xb: {  	s9 =	ssub.s32 $0x2, s3;
	s14 =	smul.u32 $0x138800, s3;
	p0 =	seq.s32 s3, $0x0  }
0xc: {  	s10 =	sshrl.u32 s9, $0x1;
	s24 =	sshrl.u32 s7, $0x3;
	s11 =	sshrl.u32 s8, $0x2  }
0xd: {  	s10 =	ssub.s32 s9, s10;
	s25 =	sadd.s32 s6, s24;
	s9 =	sadd.s32 s11, s1  }
0xe: {  	s11 =	sadd.s32 $0x4800, s7;
	s12 =	sadd.s32 s13, s12;
	s26 =	sshrl.u32 s14, $0x3  }
0xf: {  	s13 =	smov.u32 s5;
	s24 =	simm.s32 $0x50;
	[dreg:$0x3] =	wrdreg s25  }
.Ltmp0:
0x10: {  	s8 =	sadd.s32 $0x12000, s25;
	s30 =	sadd.s32 s0, s12;
	(pc) =	sbr.rel .LBB2_1-.Ltmp0, $4  }
0x11: {  	s12 =	sadd.s32 $0x12C000, s1;
	s0 =	sadd.s32 s0, s26;
	[dreg:$0x4] =	wrdreg s8  }
0x12: {  	s31 =	smax.u32 s10, $0x1;
	s13 =	smov.u32 @p0 s4;
	[dreg:$0x5] =	wrdreg s30  }
0x13: {  	p0 =	sne.s32 s3, $0x0;
	s0 =	sadd.s32 $0x25800, s0;
	[dreg:$0x7] =	wrdreg s31  }
0x14: {  	v0 =	vimm.f32 $0.0e+00;
	s26 =	simm.s32 $0x5;
	s25 =	sshrl.u32 @p1 s12, $0x3;
	[dreg:$0x6] =	wrdreg s0  }
.LBB2_47:
0x15: {  	[bflag:$0x0] =	sbarrier.arrive $0xFFFF  }
0x16: {  	s0 =	simm.s32 @p1 $0x1FC7;
	s3 =	rddreg [dreg:$0x6]  }
0x17: {  	[hbm:s3], [sflag:s0] =	dma.local @p1 [spmem:s25], $0x1900  }
0x18: {  	s0 =	simm.s32 @p1 $0x7  }
0x19: {  	s3 =	stileid.u32;
	_ =	swait.ge @p1 [sflag:s0], $0x1900  }
0x1a: {  	s3 =	sshll.u32 @!p1 s3, $0x6;
	[sflag:s0] =	ssyncset.done @p1 $0x0;
	s8 =	rddreg [dreg:$0x5]  }
0x1b: {  	[sflag:s0] =	ssyncadd.s32 @p1 $0xFFFFE700;
	s0 =	sor.u32 @!p1 $0x1C07, s3;
	s3 =	sshrl.u32 @!p1 s9, $0x3  }
0x1c: {  	[hbm:s8], [sflag:s0] =	dma.local @!p1 [spmem:s3], $0x2800  }
0x1d: {  	s0 =	simm.s32 @!p1 $0x7  }
0x1e: {  	_ =	swait.ge @!p1 [sflag:s0], $0x2800  }
0x1f: {  	s29 =	sadd.s32 $0x1, s29;
	s31 =	rddreg [dreg:$0x7]  }
0x20: {  	p2 =	sne.s32 s29, s31  }
.Ltmp1:
0x21: {  	_ = 	snop;
	(pc) =	sbr.rel @!p2 .LBB2_48-.Ltmp1, $3  }
0x22: {  	_ =	sdelay $0x1  }
0x23: {  	[sflag:s0] =	ssyncset.done @!p1 $0x0  }
0x24: {  	[sflag:s0] =	ssyncadd.s32 @!p1 $0xFFFFD800  }
.LBB2_1:
0x25: {  	[tilespmem:$0x9000] =	vst v0  }
0x26: {  	[tilespmem:$0x9010] =	vst v0  }
0x27: {  	[tilespmem:$0x9020] =	vst v0  }
0x28: {  	[tilespmem:$0x9030] =	vst v0  }
0x29: {  	[tilespmem:$0x9040] =	vst v0  }
0x2a: {  	[tilespmem:$0x9050] =	vst v0  }
0x2b: {  	[tilespmem:$0x9060] =	vst v0  }
0x2c: {  	[tilespmem:$0x9070] =	vst v0  }
0x2d: {  	[tilespmem:$0x9080] =	vst v0  }
0x2e: {  	[tilespmem:$0x9090] =	vst v0  }
0x2f: {  	[tilespmem:$0x90A0] =	vst v0  }
0x30: {  	[tilespmem:$0x90B0] =	vst v0  }
0x31: {  	[tilespmem:$0x90C0] =	vst v0  }
0x32: {  	[tilespmem:$0x90D0] =	vst v0  }
0x33: {  	[tilespmem:$0x90E0] =	vst v0  }
0x34: {  	[tilespmem:$0x90F0] =	vst v0  }
0x35: {  	[tilespmem:$0x9100] =	vst v0  }
0x36: {  	[tilespmem:$0x9110] =	vst v0  }
0x37: {  	[tilespmem:$0x9120] =	vst v0  }
0x38: {  	[tilespmem:$0x9130] =	vst v0  }
0x39: {  	[tilespmem:$0x9140] =	vst v0  }
0x3a: {  	[tilespmem:$0x9150] =	vst v0  }
0x3b: {  	[tilespmem:$0x9160] =	vst v0  }
0x3c: {  	[tilespmem:$0x9170] =	vst v0  }
0x3d: {  	[tilespmem:$0x9180] =	vst v0  }
0x3e: {  	[tilespmem:$0x9190] =	vst v0  }
0x3f: {  	[tilespmem:$0x91A0] =	vst v0  }
0x40: {  	[tilespmem:$0x91B0] =	vst v0  }
0x41: {  	[tilespmem:$0x91C0] =	vst v0  }
0x42: {  	[tilespmem:$0x91D0] =	vst v0  }
0x43: {  	[tilespmem:$0x91E0] =	vst v0  }
0x44: {  	[tilespmem:$0x91F0] =	vst v0  }
0x45: {  	[tilespmem:$0x9200] =	vst v0  }
0x46: {  	[tilespmem:$0x9210] =	vst v0  }
0x47: {  	[tilespmem:$0x9220] =	vst v0  }
0x48: {  	[tilespmem:$0x9230] =	vst v0  }
0x49: {  	[tilespmem:$0x9240] =	vst v0  }
0x4a: {  	[tilespmem:$0x9250] =	vst v0  }
0x4b: {  	[tilespmem:$0x9260] =	vst v0  }
0x4c: {  	[tilespmem:$0x9270] =	vst v0  }
0x4d: {  	[tilespmem:$0x9280] =	vst v0  }
0x4e: {  	[tilespmem:$0x9290] =	vst v0  }
0x4f: {  	[tilespmem:$0x92A0] =	vst v0  }
0x50: {  	[tilespmem:$0x92B0] =	vst v0  }
0x51: {  	[tilespmem:$0x92C0] =	vst v0  }
0x52: {  	[tilespmem:$0x92D0] =	vst v0  }
0x53: {  	[tilespmem:$0x92E0] =	vst v0  }
0x54: {  	[tilespmem:$0x92F0] =	vst v0  }
0x55: {  	[tilespmem:$0x9300] =	vst v0  }
0x56: {  	[tilespmem:$0x9310] =	vst v0  }
0x57: {  	[tilespmem:$0x9320] =	vst v0  }
0x58: {  	[tilespmem:$0x9330] =	vst v0  }
0x59: {  	[tilespmem:$0x9340] =	vst v0  }
0x5a: {  	[tilespmem:$0x9350] =	vst v0  }
0x5b: {  	[tilespmem:$0x9360] =	vst v0  }
0x5c: {  	[tilespmem:$0x9370] =	vst v0  }
0x5d: {  	[tilespmem:$0x9380] =	vst v0  }
0x5e: {  	[tilespmem:$0x9390] =	vst v0  }
0x5f: {  	[tilespmem:$0x93A0] =	vst v0  }
0x60: {  	[tilespmem:$0x93B0] =	vst v0  }
0x61: {  	[tilespmem:$0x93C0] =	vst v0  }
0x62: {  	[tilespmem:$0x93D0] =	vst v0  }
0x63: {  	[tilespmem:$0x93E0] =	vst v0  }
0x64: {  	[tilespmem:$0x93F0] =	vst v0;
	s0 =	simm.s32 $0x1000;
	s3 =	sadd.s32 $0x0, s9  }
.LBB2_2:
0x65: {  	[spmem:s3] =	stream.linear.scatter [tilespmem:s16], [sflag:$0x4], $0x400, $0x38;
	[tilespmem:$0x1D400] =	vst v63  }
0x66: {  	s3 =	smov.u32 s0;
	p2 =	sne.s32 s0, $0x4F000  }
.Ltmp2:
0x67: {  	s0 =	sadd.s32 $0x1000, s0;
	(pc) =	sbr.rel @p2 .LBB2_2-.Ltmp2, $3  }
0x68: {  	_ =	sdelay $0x1  }
0x69: {  	s3 =	sshra.s32 s3, $0x2  }
0x6a: {  	s3 =	sadd.s32 s3, s9  }
0x6b: {  	[spmem:s3] =	stream.linear.scatter [tilespmem:s16], [sflag:$0x4], $0x400, $0x38;
	[tilespmem:$0x1D400] =	vst v63  }
0x6c: {  	s0 =	rddreg [dreg:$0x3]  }
0x6d: {  	[tilespmem:s2], [sflag:$0x7] =	stream.linear.gather [hbm4b:s0+s2], $0xC00, $0x38;
	[tilespmem:$0x1D400] =	vst v63  }
0x6e: {  	_ =	swait.ge [sflag:s17], $0xC00  }
0x6f: {  	[sflag:s17] =	ssyncset.done $0x0  }
0x70: {  	s30 =	simm.s32 $0xC00;
	s18 =	rddreg [dreg:$0x4];
	[sflag:s17] =	ssyncadd.s32 $0xFFFFF400  }
0x71: {  	[tilespmem:s30], [sflag:$0x7] =	stream.linear.gather [hbm4b:s18+s2], $0xC00, $0x38;
	[tilespmem:$0x1D400] =	vst v63  }
0x72: {  	_ =	swait.ge [sflag:s17], $0xC00  }
0x73: {  	[sflag:s17] =	ssyncset.done $0x0  }
0x74: {  	s31 =	simm.s32 $0x50;
	[sflag:s17] =	ssyncadd.s32 $0xFFFFF400  }
0x75: {  	[tilespmem:s19], [sflag:$0x1] =	stream.indirect.gather [hbm4b:s13+s31], $0x80, s2, s31, $0xb8;
	[tilespmem:$0x1D400] =	vst v63  }
0x76: {  	_ = 	snop  }
0x77: {  	[tilespmem:s21], [sflag:$0x2] =	stream.indirect.gather [hbm4b:s13+s31], $0x80, s20, s31, $0xb8;
	[tilespmem:$0x1D400] =	vst v63  }
0x78: {  	_ =	swait.ge [sflag:s22], $0x400  }
0x79: {  	s0 =	simm.s32 $0x4F;
	[sflag:s22] =	ssyncset.done $0x0  }
.LBB2_4:
0x7a: {  	p2 =	sne.s32 s0, $0x1;
	s0 =	sadd.s32 $0xFFFFFFFF, s0;
	[sflag:s22] =	ssyncadd.s32 $0xFFFFFC00  }
.Ltmp3:
0x7b: {  	(pc) =	sbr.rel @p2 .LBB2_4-.Ltmp3, $3  }
0x7c: {  	_ =	sdelay $0x1  }
0x7d: {  	_ =	swait.ge [sflag:s22], $0x400  }
0x7e: {  	[sflag:s22] =	ssyncset.done $0x0  }
.Ltmp4:
0x7f: {  	(pc) =	sbr.rel @p0 .LBB2_27-.Ltmp4, $4  }
0x80: {  	_ = 	snop  }
0x81: {  	[sflag:s22] =	ssyncadd.s32 $0xFFFFFC00  }
0x82: {  	[bflag:$0x0] =	sbarrier.arrive $0xFFFF  }
0x83: {  	s30 =	simm.s32 $0x0;
	s31 =	simm.s32 $0x0;
	s0 =	simm.s32 $0x0  }
.LBB2_6:
0x84: {  	p2 =	seq.s32 s31, $0x0  }
0x85: {  	s0 =	smul.u32 @!p2 $0xC00, s31;
	_ =	sdelay $0x1  }
0x86: {  	s0 =	sadd.s32 @!p2 s7, s0  }
0x87: {  	s0 =	sshrl.u32 @!p2 s0, $0x3  }
0x88: {  	s3 =	simm.s32 @!p2 $0x0;
	s10 =	simm.s32 @!p2 $0x7;
	s0 =	sadd.s32 @!p2 s6, s0  }
0x89: {  	[tilespmem:s3], [sflag:$0x7] =	stream.linear.gather @!p2 [hbm4b:s0+s3], $0xC00, $0x38;
	[tilespmem:$0x1D400] =	vst v63  }
0x8a: {  	_ =	swait.ge @!p2 [sflag:s10], $0xC00  }
0x8b: {  	[sflag:s10] =	ssyncset.done @!p2 $0x0  }
0x8c: {  	s12 =	simm.s32 @!p2 $0xC00;
	s0 =	sadd.s32 @!p2 $0x12000, s0;
	[sflag:s10] =	ssyncadd.s32 @!p2 $0xFFFFF400  }
0x8d: {  	[tilespmem:s12], [sflag:$0x7] =	stream.linear.gather @!p2 [hbm4b:s0+s3], $0xC00, $0x38;
	[tilespmem:$0x1D400] =	vst v63  }
0x8e: {  	_ =	swait.ge @!p2 [sflag:s10], $0xC00  }
0x8f: {  	s0 =	simm.s32 @!p2 $0x50;
	[sflag:s10] =	ssyncset.done @!p2 $0x0  }
.Ltmp5:
0x90: {  	[sflag:s10] =	ssyncadd.s32 @!p2 $0xFFFFF400;
	s10 =	simm.s32 @!p2 $0x1800;
	(pc) =	sbr.rel .LBB2_7-.Ltmp5, $4  }
0x91: {  	[tilespmem:s10], [sflag:$0x1] =	stream.indirect.gather @!p2 [hbm4b:s4+s0], $0x80, s3, s0, $0xb8;
	[tilespmem:$0x1D400] =	vst v63  }
0x92: {  	s18 =	simm.s32 $0xFFFFFFFF;
	s3 =	simm.s32 @!p2 $0x80;
	s10 =	simm.s32 @!p2 $0x4000  }
0x93: {  	[tilespmem:s10], [sflag:$0x2] =	stream.indirect.gather @!p2 [hbm4b:s4+s0], $0x80, s3, s0, $0xb8;
	[tilespmem:$0x1D400] =	vst v63  }
0x94: {  	s0 =	smul.u32 $0x18, s31;
	s3 =	simm.s32 $0xC00;
	s10 =	simm.s32 $0x200  }
.LBB2_8:
0x95: {  	p3 =	sne.s32 s18, $0x14  }
.LBB2_12:
0x96: {  	s8 =	sadd.s32 $0x4, s12  }
0x97: {  	p4 =	sgt.u32 s8, $0x7C  }
0x98: {  	p4 =	por !p3, p4  }
0x99: {  	s8 =	sadd.s32 @!p4 $0xFFFFFF80, s10;
	s14 =	simm.s32 @!p4 $0x50;
	s15 =	simm.s32 @!p4 $0x1800  }
0x9a: {  	[tilespmem:s15], [sflag:$0x1] =	stream.indirect.gather @!p4 [hbm4b:s4+s14], $0x80, s8, s14, $0xb8;
	[tilespmem:$0x1D400] =	vst v63  }
0x9b: {  	s14 =	sadd.s32 $0x2, s18  }
.LBB2_13:
0x9c: {  	s8 =	sadd.s32 s0, s14  }
0x9d: {  	p4 =	sgt.u32 s8, $0x7C  }
0x9e: {  	s8 =	simm.s32 @!p4 $0x2  }
0x9f: {  	_ =	swait.ge @!p4 [sflag:s8], $0x2800  }
0xa0: {  	s14 =	sshll.u32 @!p4 s14, $0x7;
	[sflag:s8] =	ssyncset.done @!p4 $0x0  }
0xa1: {  	[sflag:s8] =	ssyncadd.s32 @!p4 $0xFFFFD800;
	s8 =	sand.u32 @!p4 $0x3FFFFF80, s14  }
0xa2: {  	s15 =	simm.s32 @!p4 $0x4000;
	s14 =	simm.s32 @!p4 $0x50;
	s8 =	sadd.s32 @!p4 $0xC00, s8  }
0xa3: {  	[spmem:s1] =	stream.indirect.scatter.add.f32 @!p4 [tilespmem:s15], [sflag:$0x5], $0x80, s8, s14, $0xb8;
	[tilespmem:$0x1D400] =	vst v63  }
0xa4: {  	s15 =	sadd.s32 $0x5, s12  }
0xa5: {  	p3 =	por !p3, !p3;
	p6 =	sgt.u32 s15, $0x7F  }
0xa6: {  	p4 =	por p6, p3  }
0xa7: {  	s12 =	simm.s32 @!p4 $0x5  }
0xa8: {  	p5 =	sgt.u32 s15, $0x7C;
	_ =	swait.ge @!p4 [sflag:s12], $0x2800  }
0xa9: {  	p3 =	por p5, p3;
	[sflag:s12] =	ssyncset.done @!p4 $0x0  }
0xaa: {  	s8 =	simm.s32 @!p3 $0x50;
	[sflag:s12] =	ssyncadd.s32 @!p4 $0xFFFFD800;
	s12 =	simm.s32 @!p3 $0x4000  }
0xab: {  	[tilespmem:s12], [sflag:$0x2] =	stream.indirect.gather @!p3 [hbm4b:s4+s8], $0x80, s10, s8, $0xb8;
	[tilespmem:$0x1D400] =	vst v63  }
0xac: {  	s8 =	simm.s32 @!p2 $0x3  }
0xad: {  	_ =	swait.ge @!p2 [sflag:s8], $0x2800  }
0xae: {  	s18 =	sadd.s32 $0x3, s18;
	s14 =	simm.s32 @!p2 $0x6800;
	[sflag:s8] =	ssyncset.done @!p2 $0x0  }
0xaf: {  	s12 =	simm.s32 @!p2 $0x50;
	[sflag:s8] =	ssyncadd.s32 @!p2 $0xFFFFD800;
	s8 =	sadd.s32 @!p2 $0x100, s3  }
0xb0: {  	[spmem:s1] =	stream.indirect.scatter.add.f32 @!p2 [tilespmem:s14], [sflag:$0x6], $0x80, s8, s12, $0xb8;
	[tilespmem:$0x1D400] =	vst v63  }
0xb1: {  	p2 =	sne.s32 s18, $0x17  }
.Ltmp6:
0xb2: {  	_ = 	snop;
	(pc) =	sbr.rel @!p2 .LBB2_14-.Ltmp6, $2  }
0xb3: {  	_ =	sdelay $0x2  }
0xb4: {  	s10 =	sadd.s32 $0x180, s10;
	s3 =	sadd.s32 $0x180, s3  }
.LBB2_7:
0xb5: {  	s12 =	sadd.s32 s18, s30  }
0xb6: {  	p2 =	sgt.u32 s18, $0x14;
	s14 =	sadd.s32 $0x3, s12  }
0xb7: {  	p3 =	sgt.u32 @!p2 s14, $0x7F  }
0xb8: {  	p2 =	por p3, p2  }
0xb9: {  	s15 =	simm.s32 @!p2 $0x6  }
0xba: {  	_ =	swait.ge @!p2 [sflag:s15], $0x2800  }
0xbb: {  	[sflag:s15] =	ssyncset.done @!p2 $0x0  }
0xbc: {  	[sflag:s15] =	ssyncadd.s32 @!p2 $0xFFFFD800;
	p2 =	sgt.u32 s14, $0x7C  }
0xbd: {  	s14 =	sadd.s32 @!p2 $0xFFFFFF00, s10;
	s15 =	simm.s32 @!p2 $0x50;
	s8 =	simm.s32 @!p2 $0x6800  }
0xbe: {  	[tilespmem:s8], [sflag:$0x3] =	stream.indirect.gather @!p2 [hbm4b:s4+s15], $0x80, s14, s15, $0xb8;
	[tilespmem:$0x1D400] =	vst v63  }
0xbf: {  	s15 =	sadd.s32 $0x1, s12  }
0xc0: {  	p3 =	slt.u32 s15, $0x7D  }
.Ltmp7:
0xc1: {  	_ = 	snop;
	(pc) =	sbr.rel @!p3 .LBB2_8-.Ltmp7, $1  }
0xc2: {  	_ =	sdelay $0x3  }
0xc3: {  	p3 =	seq.s32 s18, $0x14  }
.Ltmp8:
0xc4: {  	_ = 	snop;
	(pc) =	sbr.rel @!p3 .LBB2_11-.Ltmp8, $4  }
0xc5: {  	_ =	swait.ge [sflag:s23], $0x2800  }
0xc6: {  	[sflag:s23] =	ssyncset.done $0x0  }
0xc7: {  	[sflag:s23] =	ssyncadd.s32 $0xFFFFD800  }
0xc8: {  	[spmem:s1] =	stream.indirect.scatter.add.f32 [tilespmem:s19], [sflag:$0x4], $0x80, s3, s24, $0xb8;
	[tilespmem:$0x1D400] =	vst v63  }
.Ltmp9:
0xc9: {  	(pc) =	sbr.rel .LBB2_13-.Ltmp9, $2  }
0xca: {  	_ =	sdelay $0x2  }
0xcb: {  	p3 =	por $0x0, $0x0;
	s14 =	simm.s32 $0x16  }
.LBB2_11:
.Ltmp10:
0xcc: {  	(pc) =	sbr.rel .LBB2_12-.Ltmp10, $4  }
0xcd: {  	_ = 	snop  }
0xce: {  	_ =	swait.ge [sflag:s22], $0x2800  }
0xcf: {  	[sflag:s22] =	ssyncset.done $0x0  }
0xd0: {  	p3 =	por $0x1, $0x1;
	[sflag:s22] =	ssyncadd.s32 $0xFFFFD800  }
.LBB2_14:
0xd1: {  	p2 =	seq.s32 s31, $0x5  }
.Ltmp11:
0xd2: {  	_ = 	snop;
	(pc) =	sbr.rel @p2 .LBB2_15-.Ltmp11, $1  }
0xd3: {  	_ =	sdelay $0x3  }
0xd4: {  	_ =	swait.ge [sflag:s22], $0x2800  }
0xd5: {  	[sflag:s22] =	ssyncset.done $0x0  }
0xd6: {  	[sflag:s22] =	ssyncadd.s32 $0xFFFFD800  }
0xd7: {  	_ =	swait.ge [sflag:s26], $0x2800  }
.Ltmp12:
0xd8: {  	[sflag:s26] =	ssyncset.done $0x0;
	(pc) =	sbr.rel .LBB2_6-.Ltmp12, $4  }
0xd9: {  	[sflag:s26] =	ssyncadd.s32 $0xFFFFD800  }
0xda: {  	_ =	swait.ge [sflag:s28], $0x2800  }
0xdb: {  	[sflag:s28] =	ssyncset.done $0x0  }
0xdc: {  	s31 =	sadd.s32 $0x1, s31;
	s30 =	sadd.s32 $0x18, s30;
	[sflag:s28] =	ssyncadd.s32 $0xFFFFD800  }
.LBB2_27:
0xdd: {  	p2 =	seq.s32 s0, $0x0  }
0xde: {  	s3 =	smul.u32 @!p2 $0xC00, s0;
	_ =	sdelay $0x1  }
0xdf: {  	s3 =	sadd.s32 @!p2 s7, s3  }
0xe0: {  	s3 =	sshrl.u32 @!p2 s3, $0x3  }
0xe1: {  	s8 =	simm.s32 @!p2 $0x0;
	s10 =	simm.s32 @!p2 $0x7;
	s3 =	sadd.s32 @!p2 s6, s3  }
0xe2: {  	[tilespmem:s8], [sflag:$0x7] =	stream.linear.gather @!p2 [hbm4b:s3+s8], $0xC00, $0x38;
	[tilespmem:$0x1D400] =	vst v63  }
0xe3: {  	_ =	swait.ge @!p2 [sflag:s10], $0xC00  }
0xe4: {  	[sflag:s10] =	ssyncset.done @!p2 $0x0  }
0xe5: {  	s12 =	simm.s32 @!p2 $0xC00;
	s3 =	sadd.s32 @!p2 $0x12000, s3;
	[sflag:s10] =	ssyncadd.s32 @!p2 $0xFFFFF400  }
0xe6: {  	[tilespmem:s12], [sflag:$0x7] =	stream.linear.gather @!p2 [hbm4b:s3+s8], $0xC00, $0x38;
	[tilespmem:$0x1D400] =	vst v63  }
0xe7: {  	_ =	swait.ge @!p2 [sflag:s10], $0xC00  }
0xe8: {  	s3 =	simm.s32 @!p2 $0x50;
	[sflag:s10] =	ssyncset.done @!p2 $0x0  }
.Ltmp13:
0xe9: {  	[sflag:s10] =	ssyncadd.s32 @!p2 $0xFFFFF400;
	s10 =	simm.s32 @!p2 $0x1800;
	(pc) =	sbr.rel .LBB2_28-.Ltmp13, $4  }
0xea: {  	[tilespmem:s10], [sflag:$0x1] =	stream.indirect.gather @!p2 [hbm4b:s5+s3], $0x80, s8, s3, $0xb8;
	[tilespmem:$0x1D400] =	vst v63  }
0xeb: {  	s31 =	smul.u32 $0x18, s0;
	s8 =	simm.s32 @!p2 $0x80;
	s10 =	simm.s32 @!p2 $0x4000  }
0xec: {  	[tilespmem:s10], [sflag:$0x2] =	stream.indirect.gather @!p2 [hbm4b:s5+s3], $0x80, s8, s3, $0xb8;
	[tilespmem:$0x1D400] =	vst v63  }
0xed: {  	s18 =	simm.s32 $0xFFFFFFFF;
	s3 =	simm.s32 $0xC00;
	s10 =	simm.s32 $0x200  }
.LBB2_29:
0xee: {  	p3 =	sne.s32 s18, $0x14  }
.LBB2_33:
0xef: {  	s8 =	sadd.s32 $0x4, s12  }
0xf0: {  	p4 =	sgt.u32 s8, $0x7C  }
0xf1: {  	p4 =	por !p3, p4  }
0xf2: {  	s8 =	sadd.s32 @!p4 $0xFFFFFF80, s10;
	s14 =	simm.s32 @!p4 $0x50;
	s15 =	simm.s32 @!p4 $0x1800  }
0xf3: {  	[tilespmem:s15], [sflag:$0x1] =	stream.indirect.gather @!p4 [hbm4b:s5+s14], $0x80, s8, s14, $0xb8;
	[tilespmem:$0x1D400] =	vst v63  }
0xf4: {  	s14 =	sadd.s32 $0x2, s18  }
.LBB2_34:
0xf5: {  	s8 =	sadd.s32 s31, s14  }
0xf6: {  	p4 =	sgt.u32 s8, $0x7C  }
0xf7: {  	s8 =	simm.s32 @!p4 $0x2  }
0xf8: {  	_ =	swait.ge @!p4 [sflag:s8], $0x2800  }
0xf9: {  	s14 =	sshll.u32 @!p4 s14, $0x7;
	[sflag:s8] =	ssyncset.done @!p4 $0x0  }
0xfa: {  	[sflag:s8] =	ssyncadd.s32 @!p4 $0xFFFFD800;
	s8 =	sand.u32 @!p4 $0x3FFFFF80, s14  }
0xfb: {  	s15 =	simm.s32 @!p4 $0x4000;
	s14 =	simm.s32 @!p4 $0x50;
	s8 =	sadd.s32 @!p4 $0xC00, s8  }
0xfc: {  	[spmem:s1] =	stream.indirect.scatter.add.f32 @!p4 [tilespmem:s15], [sflag:$0x5], $0x80, s8, s14, $0xb8;
	[tilespmem:$0x1D400] =	vst v63  }
0xfd: {  	s15 =	sadd.s32 $0x5, s12  }
0xfe: {  	p3 =	por !p3, !p3;
	p6 =	sgt.u32 s15, $0x7F  }
0xff: {  	p4 =	por p6, p3  }
0x100: {  	s12 =	simm.s32 @!p4 $0x5  }
0x101: {  	p5 =	sgt.u32 s15, $0x7C;
	_ =	swait.ge @!p4 [sflag:s12], $0x2800  }
0x102: {  	p3 =	por p5, p3;
	[sflag:s12] =	ssyncset.done @!p4 $0x0  }
0x103: {  	s8 =	simm.s32 @!p3 $0x50;
	[sflag:s12] =	ssyncadd.s32 @!p4 $0xFFFFD800;
	s12 =	simm.s32 @!p3 $0x4000  }
0x104: {  	[tilespmem:s12], [sflag:$0x2] =	stream.indirect.gather @!p3 [hbm4b:s5+s8], $0x80, s10, s8, $0xb8;
	[tilespmem:$0x1D400] =	vst v63  }
0x105: {  	s8 =	simm.s32 @!p2 $0x3  }
0x106: {  	_ =	swait.ge @!p2 [sflag:s8], $0x2800  }
0x107: {  	s18 =	sadd.s32 $0x3, s18;
	s14 =	simm.s32 @!p2 $0x6800;
	[sflag:s8] =	ssyncset.done @!p2 $0x0  }
0x108: {  	s12 =	simm.s32 @!p2 $0x50;
	[sflag:s8] =	ssyncadd.s32 @!p2 $0xFFFFD800;
	s8 =	sadd.s32 @!p2 $0x100, s3  }
0x109: {  	[spmem:s1] =	stream.indirect.scatter.add.f32 @!p2 [tilespmem:s14], [sflag:$0x6], $0x80, s8, s12, $0xb8;
	[tilespmem:$0x1D400] =	vst v63  }
0x10a: {  	p2 =	sne.s32 s18, $0x17  }
.Ltmp14:
0x10b: {  	_ = 	snop;
	(pc) =	sbr.rel @!p2 .LBB2_35-.Ltmp14, $2  }
0x10c: {  	_ =	sdelay $0x2  }
0x10d: {  	s10 =	sadd.s32 $0x180, s10;
	s3 =	sadd.s32 $0x180, s3  }
.LBB2_28:
0x10e: {  	s12 =	sadd.s32 s18, s30  }
0x10f: {  	p2 =	sgt.u32 s18, $0x14;
	s8 =	sadd.s32 $0x3, s12  }
0x110: {  	p3 =	sgt.u32 @!p2 s8, $0x7F  }
0x111: {  	p2 =	por p3, p2  }
0x112: {  	s14 =	simm.s32 @!p2 $0x6  }
0x113: {  	_ =	swait.ge @!p2 [sflag:s14], $0x2800  }
0x114: {  	[sflag:s14] =	ssyncset.done @!p2 $0x0  }
0x115: {  	[sflag:s14] =	ssyncadd.s32 @!p2 $0xFFFFD800;
	p2 =	sgt.u32 s8, $0x7C  }
0x116: {  	s8 =	sadd.s32 @!p2 $0xFFFFFF00, s10;
	s14 =	simm.s32 @!p2 $0x50;
	s15 =	simm.s32 @!p2 $0x6800  }
0x117: {  	[tilespmem:s15], [sflag:$0x3] =	stream.indirect.gather @!p2 [hbm4b:s5+s14], $0x80, s8, s14, $0xb8;
	[tilespmem:$0x1D400] =	vst v63  }
0x118: {  	s15 =	sadd.s32 $0x1, s12  }
0x119: {  	p3 =	slt.u32 s15, $0x7D  }
.Ltmp15:
0x11a: {  	_ = 	snop;
	(pc) =	sbr.rel @!p3 .LBB2_29-.Ltmp15, $1  }
0x11b: {  	_ =	sdelay $0x3  }
0x11c: {  	p3 =	seq.s32 s18, $0x14  }
.Ltmp16:
0x11d: {  	_ = 	snop;
	(pc) =	sbr.rel @!p3 .LBB2_32-.Ltmp16, $4  }
0x11e: {  	_ =	swait.ge [sflag:s23], $0x2800  }
0x11f: {  	[sflag:s23] =	ssyncset.done $0x0  }
0x120: {  	[sflag:s23] =	ssyncadd.s32 $0xFFFFD800  }
0x121: {  	[spmem:s1] =	stream.indirect.scatter.add.f32 [tilespmem:s19], [sflag:$0x4], $0x80, s3, s24, $0xb8;
	[tilespmem:$0x1D400] =	vst v63  }
.Ltmp17:
0x122: {  	(pc) =	sbr.rel .LBB2_34-.Ltmp17, $2  }
0x123: {  	_ =	sdelay $0x2  }
0x124: {  	p3 =	por $0x0, $0x0;
	s14 =	simm.s32 $0x16  }
.LBB2_32:
.Ltmp18:
0x125: {  	(pc) =	sbr.rel .LBB2_33-.Ltmp18, $4  }
0x126: {  	_ = 	snop  }
0x127: {  	_ =	swait.ge [sflag:s22], $0x2800  }
0x128: {  	[sflag:s22] =	ssyncset.done $0x0  }
0x129: {  	p3 =	por $0x1, $0x1;
	[sflag:s22] =	ssyncadd.s32 $0xFFFFD800  }
.LBB2_35:
0x12a: {  	p2 =	seq.s32 s0, $0x5  }
.Ltmp19:
0x12b: {  	_ = 	snop;
	(pc) =	sbr.rel @p2 .LBB2_36-.Ltmp19, $1  }
0x12c: {  	_ =	sdelay $0x3  }
0x12d: {  	_ =	swait.ge [sflag:s22], $0x2800  }
0x12e: {  	[sflag:s22] =	ssyncset.done $0x0  }
0x12f: {  	[sflag:s22] =	ssyncadd.s32 $0xFFFFD800  }
0x130: {  	_ =	swait.ge [sflag:s26], $0x2800  }
.Ltmp20:
0x131: {  	[sflag:s26] =	ssyncset.done $0x0;
	(pc) =	sbr.rel .LBB2_27-.Ltmp20, $4  }
0x132: {  	[sflag:s26] =	ssyncadd.s32 $0xFFFFD800  }
0x133: {  	_ =	swait.ge [sflag:s28], $0x2800  }
0x134: {  	[sflag:s28] =	ssyncset.done $0x0  }
0x135: {  	s0 =	sadd.s32 $0x1, s0;
	s30 =	sadd.s32 $0x18, s30;
	[sflag:s28] =	ssyncadd.s32 $0xFFFFD800  }
.LBB2_15:
0x136: {  	s0 =	simm.s32 $0x0;
	s30 =	simm.s32 $0x0  }
.LBB2_16:
0x137: {  	s3 =	smul.u32 $0xC00, s30;
	_ =	sdelay $0x1  }
0x138: {  	s3 =	sadd.s32 s3, s11  }
0x139: {  	s3 =	sshrl.u32 s3, $0x3  }
0x13a: {  	s3 =	sadd.s32 s6, s3  }
0x13b: {  	[tilespmem:s2], [sflag:$0x7] =	stream.linear.gather [hbm4b:s3+s2], $0xC00, $0x38;
	[tilespmem:$0x1D400] =	vst v63  }
0x13c: {  	_ =	swait.ge [sflag:s17], $0xC00  }
0x13d: {  	[sflag:s17] =	ssyncset.done $0x0  }
0x13e: {  	s31 =	simm.s32 $0xC00;
	s3 =	sadd.s32 $0x12000, s3;
	[sflag:s17] =	ssyncadd.s32 $0xFFFFF400  }
0x13f: {  	[tilespmem:s31], [sflag:$0x7] =	stream.linear.gather [hbm4b:s3+s2], $0xC00, $0x38;
	[tilespmem:$0x1D400] =	vst v63  }
0x140: {  	_ =	swait.ge [sflag:s17], $0xC00  }
.Ltmp21:
0x141: {  	[sflag:s17] =	ssyncset.done $0x0;
	(pc) =	sbr.rel .LBB2_17-.Ltmp21, $4  }
0x142: {  	[sflag:s17] =	ssyncadd.s32 $0xFFFFF400  }
0x143: {  	[tilespmem:s19], [sflag:$0x1] =	stream.indirect.gather [hbm4b:s4+s24], $0x80, s2, s24, $0xb8;
	[tilespmem:$0x1D400] =	vst v63  }
0x144: {  	s18 =	smul.u32 $0x18, s30;
	s10 =	simm.s32 $0x200;
	s3 =	simm.s32 $0xFFFFFFFF  }
0x145: {  	[tilespmem:s21], [sflag:$0x2] =	stream.indirect.gather [hbm4b:s4+s24], $0x80, s20, s24, $0xb8;
	[tilespmem:$0x1D400] =	vst v63  }
.LBB2_18:
0x146: {  	p3 =	sne.s32 s3, $0x14  }
.LBB2_22:
0x147: {  	s8 =	sadd.s32 $0x4, s12  }
0x148: {  	p4 =	sgt.u32 s8, $0x7C  }
0x149: {  	p4 =	por !p3, p4  }
0x14a: {  	s8 =	sadd.s32 @!p4 $0xFFFFFF80, s10;
	s14 =	simm.s32 @!p4 $0x50;
	s15 =	simm.s32 @!p4 $0x1800  }
0x14b: {  	[tilespmem:s15], [sflag:$0x1] =	stream.indirect.gather @!p4 [hbm4b:s4+s14], $0x80, s8, s14, $0xb8;
	[tilespmem:$0x1D400] =	vst v63  }
0x14c: {  	s14 =	sadd.s32 $0x2, s3  }
.LBB2_23:
0x14d: {  	s8 =	sadd.s32 s18, s14  }
0x14e: {  	p4 =	sgt.u32 s8, $0x7C  }
0x14f: {  	s8 =	simm.s32 @!p4 $0x2  }
0x150: {  	_ =	swait.ge @!p4 [sflag:s8], $0x2800  }
0x151: {  	s14 =	sshll.u32 @!p4 s14, $0x7;
	[sflag:s8] =	ssyncset.done @!p4 $0x0  }
0x152: {  	[sflag:s8] =	ssyncadd.s32 @!p4 $0xFFFFD800;
	s8 =	sand.u32 @!p4 $0x3FFFFF80, s14  }
0x153: {  	s15 =	simm.s32 @!p4 $0x4000;
	s14 =	simm.s32 @!p4 $0x50;
	s8 =	sadd.s32 @!p4 $0xC00, s8  }
0x154: {  	[spmem:s1] =	stream.indirect.scatter.add.f32 @!p4 [tilespmem:s15], [sflag:$0x5], $0x80, s8, s14, $0xb8;
	[tilespmem:$0x1D400] =	vst v63  }
0x155: {  	s15 =	sadd.s32 $0x5, s12  }
0x156: {  	p3 =	por !p3, !p3;
	p6 =	sgt.u32 s15, $0x7F  }
0x157: {  	p4 =	por p6, p3  }
0x158: {  	s12 =	simm.s32 @!p4 $0x5  }
0x159: {  	p5 =	sgt.u32 s15, $0x7C;
	_ =	swait.ge @!p4 [sflag:s12], $0x2800  }
0x15a: {  	p3 =	por p5, p3;
	[sflag:s12] =	ssyncset.done @!p4 $0x0  }
0x15b: {  	s8 =	simm.s32 @!p3 $0x50;
	[sflag:s12] =	ssyncadd.s32 @!p4 $0xFFFFD800;
	s12 =	simm.s32 @!p3 $0x4000  }
0x15c: {  	[tilespmem:s12], [sflag:$0x2] =	stream.indirect.gather @!p3 [hbm4b:s4+s8], $0x80, s10, s8, $0xb8;
	[tilespmem:$0x1D400] =	vst v63  }
0x15d: {  	s8 =	simm.s32 @!p2 $0x3  }
0x15e: {  	_ =	swait.ge @!p2 [sflag:s8], $0x2800  }
0x15f: {  	s3 =	sadd.s32 $0x3, s3;
	s14 =	simm.s32 @!p2 $0x6800;
	[sflag:s8] =	ssyncset.done @!p2 $0x0  }
0x160: {  	s12 =	simm.s32 @!p2 $0x50;
	[sflag:s8] =	ssyncadd.s32 @!p2 $0xFFFFD800;
	s8 =	sadd.s32 @!p2 $0x100, s31  }
0x161: {  	[spmem:s1] =	stream.indirect.scatter.add.f32 @!p2 [tilespmem:s14], [sflag:$0x6], $0x80, s8, s12, $0xb8;
	[tilespmem:$0x1D400] =	vst v63  }
0x162: {  	p2 =	sne.s32 s3, $0x17  }
.Ltmp22:
0x163: {  	_ = 	snop;
	(pc) =	sbr.rel @!p2 .LBB2_24-.Ltmp22, $2  }
0x164: {  	_ =	sdelay $0x2  }
0x165: {  	s10 =	sadd.s32 $0x180, s10;
	s31 =	sadd.s32 $0x180, s31  }
.LBB2_17:
0x166: {  	s12 =	sadd.s32 s3, s0  }
0x167: {  	p2 =	sgt.u32 s3, $0x14;
	s8 =	sadd.s32 $0x3, s12  }
0x168: {  	p3 =	sgt.u32 @!p2 s8, $0x7F  }
0x169: {  	p2 =	por p3, p2  }
0x16a: {  	s14 =	simm.s32 @!p2 $0x6  }
0x16b: {  	_ =	swait.ge @!p2 [sflag:s14], $0x2800  }
0x16c: {  	[sflag:s14] =	ssyncset.done @!p2 $0x0  }
0x16d: {  	[sflag:s14] =	ssyncadd.s32 @!p2 $0xFFFFD800;
	p2 =	sgt.u32 s8, $0x7C  }
0x16e: {  	s8 =	sadd.s32 @!p2 $0xFFFFFF00, s10;
	s14 =	simm.s32 @!p2 $0x50;
	s15 =	simm.s32 @!p2 $0x6800  }
0x16f: {  	[tilespmem:s15], [sflag:$0x3] =	stream.indirect.gather @!p2 [hbm4b:s4+s14], $0x80, s8, s14, $0xb8;
	[tilespmem:$0x1D400] =	vst v63  }
0x170: {  	s15 =	sadd.s32 $0x1, s12  }
0x171: {  	p3 =	slt.u32 s15, $0x7D  }
.Ltmp23:
0x172: {  	_ = 	snop;
	(pc) =	sbr.rel @!p3 .LBB2_18-.Ltmp23, $1  }
0x173: {  	_ =	sdelay $0x3  }
0x174: {  	p3 =	seq.s32 s3, $0x14  }
.Ltmp24:
0x175: {  	_ = 	snop;
	(pc) =	sbr.rel @!p3 .LBB2_21-.Ltmp24, $4  }
0x176: {  	_ =	swait.ge [sflag:s23], $0x2800  }
0x177: {  	[sflag:s23] =	ssyncset.done $0x0  }
0x178: {  	[sflag:s23] =	ssyncadd.s32 $0xFFFFD800  }
0x179: {  	[spmem:s1] =	stream.indirect.scatter.add.f32 [tilespmem:s19], [sflag:$0x4], $0x80, s31, s24, $0xb8;
	[tilespmem:$0x1D400] =	vst v63  }
.Ltmp25:
0x17a: {  	(pc) =	sbr.rel .LBB2_23-.Ltmp25, $2  }
0x17b: {  	_ =	sdelay $0x2  }
0x17c: {  	p3 =	por $0x0, $0x0;
	s14 =	simm.s32 $0x16  }
.LBB2_21:
.Ltmp26:
0x17d: {  	(pc) =	sbr.rel .LBB2_22-.Ltmp26, $4  }
0x17e: {  	_ = 	snop  }
0x17f: {  	_ =	swait.ge [sflag:s22], $0x2800  }
0x180: {  	[sflag:s22] =	ssyncset.done $0x0  }
0x181: {  	p3 =	por $0x1, $0x1;
	[sflag:s22] =	ssyncadd.s32 $0xFFFFD800  }
.LBB2_24:
0x182: {  	p2 =	seq.s32 s30, $0x5  }
.Ltmp27:
0x183: {  	_ = 	snop;
	(pc) =	sbr.rel @p2 .LBB2_47-.Ltmp27, $1  }
0x184: {  	_ =	sdelay $0x3  }
0x185: {  	_ =	swait.ge [sflag:s22], $0x2800  }
0x186: {  	[sflag:s22] =	ssyncset.done $0x0  }
0x187: {  	[sflag:s22] =	ssyncadd.s32 $0xFFFFD800  }
0x188: {  	_ =	swait.ge [sflag:s26], $0x2800  }
.Ltmp28:
0x189: {  	[sflag:s26] =	ssyncset.done $0x0;
	(pc) =	sbr.rel .LBB2_16-.Ltmp28, $4  }
0x18a: {  	[sflag:s26] =	ssyncadd.s32 $0xFFFFD800  }
0x18b: {  	_ =	swait.ge [sflag:s28], $0x2800  }
0x18c: {  	[sflag:s28] =	ssyncset.done $0x0  }
0x18d: {  	s30 =	sadd.s32 $0x1, s30;
	s0 =	sadd.s32 $0x18, s0;
	[sflag:s28] =	ssyncadd.s32 $0xFFFFD800  }
.LBB2_36:
0x18e: {  	s0 =	simm.s32 $0x0;
	s30 =	simm.s32 $0x0  }
.LBB2_37:
0x18f: {  	s3 =	smul.u32 $0xC00, s30;
	_ =	sdelay $0x1  }
0x190: {  	s3 =	sadd.s32 s3, s11  }
0x191: {  	s3 =	sshrl.u32 s3, $0x3  }
0x192: {  	s3 =	sadd.s32 s6, s3  }
0x193: {  	[tilespmem:s2], [sflag:$0x7] =	stream.linear.gather [hbm4b:s3+s2], $0xC00, $0x38;
	[tilespmem:$0x1D400] =	vst v63  }
0x194: {  	_ =	swait.ge [sflag:s17], $0xC00  }
0x195: {  	[sflag:s17] =	ssyncset.done $0x0  }
0x196: {  	s31 =	simm.s32 $0xC00;
	s3 =	sadd.s32 $0x12000, s3;
	[sflag:s17] =	ssyncadd.s32 $0xFFFFF400  }
0x197: {  	[tilespmem:s31], [sflag:$0x7] =	stream.linear.gather [hbm4b:s3+s2], $0xC00, $0x38;
	[tilespmem:$0x1D400] =	vst v63  }
0x198: {  	_ =	swait.ge [sflag:s17], $0xC00  }
.Ltmp29:
0x199: {  	[sflag:s17] =	ssyncset.done $0x0;
	(pc) =	sbr.rel .LBB2_38-.Ltmp29, $4  }
0x19a: {  	[sflag:s17] =	ssyncadd.s32 $0xFFFFF400  }
0x19b: {  	[tilespmem:s19], [sflag:$0x1] =	stream.indirect.gather [hbm4b:s5+s24], $0x80, s2, s24, $0xb8;
	[tilespmem:$0x1D400] =	vst v63  }
0x19c: {  	s18 =	smul.u32 $0x18, s30;
	s10 =	simm.s32 $0x200;
	s3 =	simm.s32 $0xFFFFFFFF  }
0x19d: {  	[tilespmem:s21], [sflag:$0x2] =	stream.indirect.gather [hbm4b:s5+s24], $0x80, s20, s24, $0xb8;
	[tilespmem:$0x1D400] =	vst v63  }
.LBB2_39:
0x19e: {  	p3 =	sne.s32 s3, $0x14  }
.LBB2_43:
0x19f: {  	s8 =	sadd.s32 $0x4, s12  }
0x1a0: {  	p4 =	sgt.u32 s8, $0x7C  }
0x1a1: {  	p4 =	por !p3, p4  }
0x1a2: {  	s8 =	sadd.s32 @!p4 $0xFFFFFF80, s10;
	s14 =	simm.s32 @!p4 $0x50;
	s15 =	simm.s32 @!p4 $0x1800  }
0x1a3: {  	[tilespmem:s15], [sflag:$0x1] =	stream.indirect.gather @!p4 [hbm4b:s5+s14], $0x80, s8, s14, $0xb8;
	[tilespmem:$0x1D400] =	vst v63  }
0x1a4: {  	s14 =	sadd.s32 $0x2, s3  }
.LBB2_44:
0x1a5: {  	s8 =	sadd.s32 s18, s14  }
0x1a6: {  	p4 =	sgt.u32 s8, $0x7C  }
0x1a7: {  	s8 =	simm.s32 @!p4 $0x2  }
0x1a8: {  	_ =	swait.ge @!p4 [sflag:s8], $0x2800  }
0x1a9: {  	s14 =	sshll.u32 @!p4 s14, $0x7;
	[sflag:s8] =	ssyncset.done @!p4 $0x0  }
0x1aa: {  	[sflag:s8] =	ssyncadd.s32 @!p4 $0xFFFFD800;
	s8 =	sand.u32 @!p4 $0x3FFFFF80, s14  }
0x1ab: {  	s15 =	simm.s32 @!p4 $0x4000;
	s14 =	simm.s32 @!p4 $0x50;
	s8 =	sadd.s32 @!p4 $0xC00, s8  }
0x1ac: {  	[spmem:s1] =	stream.indirect.scatter.add.f32 @!p4 [tilespmem:s15], [sflag:$0x5], $0x80, s8, s14, $0xb8;
	[tilespmem:$0x1D400] =	vst v63  }
0x1ad: {  	s15 =	sadd.s32 $0x5, s12  }
0x1ae: {  	p3 =	por !p3, !p3;
	p6 =	sgt.u32 s15, $0x7F  }
0x1af: {  	p4 =	por p6, p3  }
0x1b0: {  	s12 =	simm.s32 @!p4 $0x5  }
0x1b1: {  	p5 =	sgt.u32 s15, $0x7C;
	_ =	swait.ge @!p4 [sflag:s12], $0x2800  }
0x1b2: {  	p3 =	por p5, p3;
	[sflag:s12] =	ssyncset.done @!p4 $0x0  }
0x1b3: {  	s8 =	simm.s32 @!p3 $0x50;
	[sflag:s12] =	ssyncadd.s32 @!p4 $0xFFFFD800;
	s12 =	simm.s32 @!p3 $0x4000  }
0x1b4: {  	[tilespmem:s12], [sflag:$0x2] =	stream.indirect.gather @!p3 [hbm4b:s5+s8], $0x80, s10, s8, $0xb8;
	[tilespmem:$0x1D400] =	vst v63  }
0x1b5: {  	s8 =	simm.s32 @!p2 $0x3  }
0x1b6: {  	_ =	swait.ge @!p2 [sflag:s8], $0x2800  }
0x1b7: {  	s3 =	sadd.s32 $0x3, s3;
	s14 =	simm.s32 @!p2 $0x6800;
	[sflag:s8] =	ssyncset.done @!p2 $0x0  }
0x1b8: {  	s12 =	simm.s32 @!p2 $0x50;
	[sflag:s8] =	ssyncadd.s32 @!p2 $0xFFFFD800;
	s8 =	sadd.s32 @!p2 $0x100, s31  }
0x1b9: {  	[spmem:s1] =	stream.indirect.scatter.add.f32 @!p2 [tilespmem:s14], [sflag:$0x6], $0x80, s8, s12, $0xb8;
	[tilespmem:$0x1D400] =	vst v63  }
0x1ba: {  	p2 =	sne.s32 s3, $0x17  }
.Ltmp30:
0x1bb: {  	_ = 	snop;
	(pc) =	sbr.rel @!p2 .LBB2_45-.Ltmp30, $2  }
0x1bc: {  	_ =	sdelay $0x2  }
0x1bd: {  	s10 =	sadd.s32 $0x180, s10;
	s31 =	sadd.s32 $0x180, s31  }
.LBB2_38:
0x1be: {  	s12 =	sadd.s32 s3, s0  }
0x1bf: {  	p2 =	sgt.u32 s3, $0x14;
	s8 =	sadd.s32 $0x3, s12  }
0x1c0: {  	p3 =	sgt.u32 @!p2 s8, $0x7F  }
0x1c1: {  	p2 =	por p3, p2  }
0x1c2: {  	s14 =	simm.s32 @!p2 $0x6  }
0x1c3: {  	_ =	swait.ge @!p2 [sflag:s14], $0x2800  }
0x1c4: {  	[sflag:s14] =	ssyncset.done @!p2 $0x0  }
0x1c5: {  	[sflag:s14] =	ssyncadd.s32 @!p2 $0xFFFFD800;
	p2 =	sgt.u32 s8, $0x7C  }
0x1c6: {  	s8 =	sadd.s32 @!p2 $0xFFFFFF00, s10;
	s14 =	simm.s32 @!p2 $0x50;
	s15 =	simm.s32 @!p2 $0x6800  }
0x1c7: {  	[tilespmem:s15], [sflag:$0x3] =	stream.indirect.gather @!p2 [hbm4b:s5+s14], $0x80, s8, s14, $0xb8;
	[tilespmem:$0x1D400] =	vst v63  }
0x1c8: {  	s15 =	sadd.s32 $0x1, s12  }
0x1c9: {  	p3 =	slt.u32 s15, $0x7D  }
.Ltmp31:
0x1ca: {  	_ = 	snop;
	(pc) =	sbr.rel @!p3 .LBB2_39-.Ltmp31, $1  }
0x1cb: {  	_ =	sdelay $0x3  }
0x1cc: {  	p3 =	seq.s32 s3, $0x14  }
.Ltmp32:
0x1cd: {  	_ = 	snop;
	(pc) =	sbr.rel @!p3 .LBB2_42-.Ltmp32, $4  }
0x1ce: {  	_ =	swait.ge [sflag:s23], $0x2800  }
0x1cf: {  	[sflag:s23] =	ssyncset.done $0x0  }
0x1d0: {  	[sflag:s23] =	ssyncadd.s32 $0xFFFFD800  }
0x1d1: {  	[spmem:s1] =	stream.indirect.scatter.add.f32 [tilespmem:s19], [sflag:$0x4], $0x80, s31, s24, $0xb8;
	[tilespmem:$0x1D400] =	vst v63  }
.Ltmp33:
0x1d2: {  	(pc) =	sbr.rel .LBB2_44-.Ltmp33, $2  }
0x1d3: {  	_ =	sdelay $0x2  }
0x1d4: {  	p3 =	por $0x0, $0x0;
	s14 =	simm.s32 $0x16  }
.LBB2_42:
.Ltmp34:
0x1d5: {  	(pc) =	sbr.rel .LBB2_43-.Ltmp34, $4  }
0x1d6: {  	_ = 	snop  }
0x1d7: {  	_ =	swait.ge [sflag:s22], $0x2800  }
0x1d8: {  	[sflag:s22] =	ssyncset.done $0x0  }
0x1d9: {  	p3 =	por $0x1, $0x1;
	[sflag:s22] =	ssyncadd.s32 $0xFFFFD800  }
.LBB2_45:
0x1da: {  	p2 =	seq.s32 s30, $0x5  }
.Ltmp35:
0x1db: {  	_ = 	snop;
	(pc) =	sbr.rel @p2 .LBB2_47-.Ltmp35, $1  }
0x1dc: {  	_ =	sdelay $0x3  }
0x1dd: {  	_ =	swait.ge [sflag:s22], $0x2800  }
0x1de: {  	[sflag:s22] =	ssyncset.done $0x0  }
0x1df: {  	[sflag:s22] =	ssyncadd.s32 $0xFFFFD800  }
0x1e0: {  	_ =	swait.ge [sflag:s26], $0x2800  }
.Ltmp36:
0x1e1: {  	[sflag:s26] =	ssyncset.done $0x0;
	(pc) =	sbr.rel .LBB2_37-.Ltmp36, $4  }
0x1e2: {  	[sflag:s26] =	ssyncadd.s32 $0xFFFFD800  }
0x1e3: {  	_ =	swait.ge [sflag:s28], $0x2800  }
0x1e4: {  	[sflag:s28] =	ssyncset.done $0x0  }
0x1e5: {  	s30 =	sadd.s32 $0x1, s30;
	s0 =	sadd.s32 $0x18, s0;
	[sflag:s28] =	ssyncadd.s32 $0xFFFFD800  }
.LBB2_48:
0x1e6: {  	_ =	sfence.sel $0x180000  }
0x1e7: {  	[bflag:$0x0] =	sbarrier.arrive $0xFFFF  }
0x1e8: {  	_ =	strace $0x9000004A  }
0x1e9: {  	s0 =	stileid.u32;
	[bflag:$0x2] =	sbarrier.arrive $0xFFFF  }
0x1ea: {  	p0 =	sne.s32 s0, $0x0;
	s0 =	rddreg [dreg:$0x2]  }
0x1eb: {  	s0 =	sadd.s32 @!p0 $0x100000, s0  }
0x1ec: {  	[sflag:s0] =	ssyncadd.tile.s32 @!p0 $0x1;
	_ =	shalt  }
.Lfunc_end2:
_tile_overlayer_lowered:
.L_overlay_start_2:
0x1ed: {  	(tag) =	ssettag $0x2  }
0x1ee: {  	s0 =	rddreg [dreg:$0x0];
	s2 =	stileid.u32  }
0x1ef: {  	s1 =	rddreg [dreg:$0x1];
	p0 =	sne.s32 s2, $0x0  }
0x1f0: {  	s3 =	rddreg [dreg:$0x2];
	[bflag:$0x3] =	sbarrier.arrive $0xFFFF;
	s2 =	simm.s32 @!p0 $0x1C07  }
0x1f1: {  	[timem:s3], [sflag:s2] =	dma.local @!p0 [hbm:s0], s1  }
0x1f2: {  	s0 =	simm.s32 @!p0 $0x7  }
0x1f3: {  	_ =	swait.ge @!p0 [sflag:s0], s1  }
0x1f4: {  	s1 =	ssub.s32 @!p0 $0x0, s1;
	[sflag:s0] =	ssyncset.done @!p0 $0x0  }
0x1f5: {  	[sflag:s0] =	ssyncadd.s32 @!p0 s1  }
0x1f6: {  	[bflag:$0x3] =	sbarrier.arrive $0xFFFF  }
0x1f7: {  	_ =	shalt  }

</sc_bundles>
